<compile_context>
chip_gen: v7x
topology: tpu7x:2x2x1
jax: 0.10.2.dev20260603
libtpu: 0.0.44.dev20260713+nightly
codegen_flags: <defaults>
</compile_context>

<pallas_src>
import functools

import jax
import jax.numpy as jnp
import numpy as np
from jax import lax
from jax.experimental import pallas as pl
from jax.experimental.pallas import tpu as pltpu
from jax.experimental.pallas import tpu_sc as plsc

N = 10000
E = 320000
D = 128
D2 = D // 2
NEG_SLOPE = 0.01

NC = 2
NS = 16
L = 16
NW = NC * NS
K = 80
EPT = E // NS
NCHUNK = -(-EPT // K)
EPTP = NCHUNK * K
NP = 10240
RPT = NP // NS
ZB = 128


def _sc_mesh():
    return plsc.VectorSubcoreMesh(
        core_axis_name="c", subcore_axis_name="s", num_cores=NC, num_subcores=NS
    )


EPW = E // NW


@functools.cache
def _get_sc_bincount():
    @functools.partial(
        pl.kernel,
        out_type=(
            jax.ShapeDtypeStruct((NW, NP), jnp.float32),
            jax.ShapeDtypeStruct((NW, NP), jnp.float32),
        ),
        mesh=_sc_mesh(),
        compiler_params=pltpu.CompilerParams(needs_layout_passes=False),
        scratch_types=[
            pltpu.VMEM((EPW,), jnp.int32),
            pltpu.VMEM((EPW,), jnp.int32),
            pltpu.VMEM((NP,), jnp.float32),
            pltpu.VMEM((NP,), jnp.float32),
        ],
    )
    def _sc_bincount(src_h, dst_h, osrc_h, odst_h, sall, dall, csrc, cdst):
        c = lax.axis_index("c")
        s = lax.axis_index("s")
        wid = c * NS + s

        ebase = wid * EPW
        pltpu.sync_copy(src_h.at[pl.ds(ebase, EPW)], sall)
        pltpu.sync_copy(dst_h.at[pl.ds(ebase, EPW)], dall)

        def zero(i, _):
            z = jnp.zeros((L,), jnp.float32)
            csrc[pl.ds(i * L, L)] = z
            cdst[pl.ds(i * L, L)] = z
            return 0

        lax.fori_loop(0, NP // L, zero, 0)

        def grp(g, _):
            sv = sall[pl.ds(g * L, L)]
            cnt, last = plsc.scan_count(sv)
            plsc.addupdate_scatter(csrc, [sv], cnt.astype(jnp.float32), mask=last)
            dv = dall[pl.ds(g * L, L)]
            cnt2, last2 = plsc.scan_count(dv)
            plsc.addupdate_scatter(cdst, [dv], cnt2.astype(jnp.float32), mask=last2)
            return 0

        lax.fori_loop(0, EPW // L, grp, 0)

        pltpu.sync_copy(csrc, osrc_h.at[wid])
        pltpu.sync_copy(cdst, odst_h.at[wid])

    return _sc_bincount


@functools.cache
def _get_sc_scatter():
    @functools.partial(
        pl.kernel,
        out_type=jax.ShapeDtypeStruct((NC, NP, D2), jnp.float32),
        mesh=_sc_mesh(),
        compiler_params=pltpu.CompilerParams(
            needs_layout_passes=False, use_tc_tiling_on_sc=False
        ),
        scratch_types=[
            pltpu.VMEM((NCHUNK, K), jnp.int32),
            pltpu.VMEM((NCHUNK, K), jnp.int32),
            pltpu.VMEM((EPTP,), jnp.float32),
            pltpu.VMEM((2, K, D2), jnp.bfloat16),
            pltpu.VMEM((K, D2), jnp.float32),
            pltpu.VMEM((ZB, D2), jnp.float32),
            pltpu.VMEM_SHARED((NP, D2), jnp.float32),
            pltpu.SemaphoreType.DMA((2,)),
        ],
    )
    def _sc_scatter(src_h, dst_h, ew_h, u_h, out_h,
                    sidx, didx, ewv, rows, rows_f, zer, agg, sem):
        c = lax.axis_index("c")
        s = lax.axis_index("s")

        pltpu.sync_copy(src_h.at[s], sidx)
        pltpu.sync_copy(dst_h.at[s], didx)
        pltpu.sync_copy(ew_h.at[s], ewv)

        def fill_zer(i, _):
            for f in range(D2 // L):
                zer[i, pl.ds(f * L, L)] = jnp.zeros((L,), jnp.float32)
            return 0

        lax.fori_loop(0, ZB, fill_zer, 0)

        r0 = s * RPT
        for j in range(RPT // ZB):
            pltpu.sync_copy(zer, agg.at[pl.ds(r0 + j * ZB, ZB)])
        plsc.subcore_barrier()

        uc = u_h.at[c]

        def start_gather(i):
            b = lax.rem(i, 2)
            pltpu.async_copy(uc.at[sidx.at[i]], rows.at[b], sem.at[b])

        def wait_gather(i):
            b = lax.rem(i, 2)
            pltpu.make_async_copy(uc.at[sidx.at[i]], rows.at[b], sem.at[b]).wait()

        start_gather(0)

        def chunk(i, _):
            b = lax.rem(i, 2)
            wait_gather(i)

            @pl.when(i < NCHUNK - 1)
            def _():
                start_gather(i + 1)

            def scale(g, _):
                cvec = ewv[pl.ds(i * K + g * L, L)]
                for r in range(L):
                    ce = jnp.full((L,), cvec[r], jnp.float32)
                    e = g * L + r
                    for f in range(D2 // 32):
                        vb = rows[b, e, pl.ds(f * 32, 32)]
                        vi = plsc.bitcast(vb, jnp.int32)
                        lo = plsc.bitcast(vi << 16, jnp.float32)
                        hi = plsc.bitcast(vi & jnp.int32(-65536), jnp.float32)
                        rows_f[e, pl.ds(f * 32, L)] = lo * ce
                        rows_f[e, pl.ds(f * 32 + L, L)] = hi * ce
                return 0

            lax.fori_loop(0, K // L, scale, 0)
            pltpu.sync_copy(rows_f, agg.at[didx.at[i]], add=True)
            return 0

        lax.fori_loop(0, NCHUNK, chunk, 0)
        plsc.subcore_barrier()

        for j in range(RPT // ZB):
            sl = pl.ds(r0 + j * ZB, ZB)
            pltpu.sync_copy(agg.at[sl], out_h.at[c, sl])

    return _sc_scatter


BM = 1000


def _split(y, o_ref):
    yb = y.astype(jnp.bfloat16)
    o_ref[0] = yb[:, :D2]
    o_ref[1] = yb[:, D2:]


def _mm1_body(x_ref, ns_ref, w_ref, o_ref):
    y = jnp.dot(x_ref[:] * ns_ref[:], w_ref[:], preferred_element_type=jnp.float32)
    _split(y, o_ref)


def _mm2_body(p_ref, ns_ref, nd_ref, w_ref, o_ref):
    h = jnp.concatenate([p_ref[0], p_ref[1]], axis=1) * nd_ref[:]
    h = jnp.where(h > 0, h, NEG_SLOPE * h)
    y = jnp.dot(h * ns_ref[:], w_ref[:], preferred_element_type=jnp.float32)
    _split(y, o_ref)


def _fin_body(p_ref, nd_ref, o_ref):
    h = jnp.concatenate([p_ref[0], p_ref[1]], axis=1) * nd_ref[:]
    h = jnp.where(h > 0, h, NEG_SLOPE * h)
    part = jnp.sum(h, axis=0, keepdims=True) * (1.0 / N)

    @pl.when(pl.program_id(0) == 0)
    def _():
        o_ref[:] = jnp.zeros_like(o_ref)

    o_ref[:] = o_ref[:] + part


_col_spec = pl.BlockSpec((BM, 1), lambda i: (i, 0))
_p_spec = pl.BlockSpec((NC, BM, D2), lambda i: (0, i, 0))
_u_spec = pl.BlockSpec((NC, BM, D2), lambda i: (0, i, 0))
_w_spec = pl.BlockSpec((D, D), lambda i: (0, 0))

_mm1 = pl.pallas_call(
    _mm1_body,
    grid=(N // BM,),
    in_specs=[pl.BlockSpec((BM, D), lambda i: (i, 0)), _col_spec, _w_spec],
    out_specs=_u_spec,
    out_shape=jax.ShapeDtypeStruct((NC, N, D2), jnp.bfloat16),
)

_mm2 = pl.pallas_call(
    _mm2_body,
    grid=(N // BM,),
    in_specs=[_p_spec, _col_spec, _col_spec, _w_spec],
    out_specs=_u_spec,
    out_shape=jax.ShapeDtypeStruct((NC, N, D2), jnp.bfloat16),
)

_fin = pl.pallas_call(
    _fin_body,
    grid=(N // BM,),
    in_specs=[_p_spec, _col_spec],
    out_specs=pl.BlockSpec((1, D), lambda i: (0, 0)),
    out_shape=jax.ShapeDtypeStruct((1, D), jnp.float32),
)


_J16 = np.arange(16)
_GINV32 = np.empty(32, np.int32)
_GINV32[2 * _J16] = _J16
_GINV32[2 * _J16 + 1] = 16 + _J16
_GINV64 = np.concatenate([_GINV32, 32 + _GINV32])
_RHO = np.concatenate([_GINV64, 64 + _GINV64])


def kernel(updated_feats, edge_index, edge_weight, W1, W2):
    src = edge_index[0]
    dst = edge_index[1]
    pad = ((0, 0), (0, EPTP - EPT))
    src3 = jnp.pad(src.reshape(NS, EPT), pad).reshape(NS, NCHUNK, K)
    dst3 = jnp.pad(dst.reshape(NS, EPT), pad).reshape(NS, NCHUNK, K)
    ew2 = jnp.pad(edge_weight.reshape(NS, EPT), pad)
    W1p = W1[:, _RHO]
    W2p = W2[:, _RHO]
    tsrc, tdst = _get_sc_bincount()(src, dst)
    ns = lax.rsqrt(jnp.maximum(jnp.sum(tsrc, axis=0)[:N], 1.0))[:, None]
    nd = lax.rsqrt(jnp.maximum(jnp.sum(tdst, axis=0)[:N], 1.0))[:, None]
    u1 = _mm1(updated_feats, ns, W1p)
    p1 = _get_sc_scatter()(src3, dst3, ew2, u1)
    u2 = _mm2(p1, ns, nd, W2p)
    p2 = _get_sc_scatter()(src3, dst3, ew2, u2)
    return _fin(p2, nd)

# --- scband reference (transcript-rebuilt; emitter-appended) ---
"""Pipeline reference for scband-patch-conv2-layer-8117488190080 (READ-ONLY COPY).

The authoritative reference and input builder live on the scoring server;
editing this copy changes nothing except your own understanding.
"""

import jax, jax.numpy as jnp
import numpy as np

N = 10000
E = 320000
D_IN = 128
D_HID = 128
D_OUT = 128
NEG_SLOPE = 0.01


def _kaiming_uniform(key, fan_in, shape, a=NEG_SLOPE):
    gain = np.sqrt(2.0 / (1.0 + a * a))
    bound = gain * np.sqrt(3.0 / fan_in)
    return jax.random.uniform(key, shape, minval=-bound, maxval=bound, dtype=jnp.float32)


def setup_inputs(seed: int = 0) -> dict:
    key = jax.random.key(seed)
    k1, k2, k3, k4, k5 = jax.random.split(key, 5)
    updated_feats = jax.random.normal(k1, (N, D_IN), dtype=jnp.float32)
    edge_index = jax.random.randint(k2, (2, E), 0, N, dtype=jnp.int32)
    edge_weight = jax.random.uniform(k3, (E,), dtype=jnp.float32)
    # DGL GraphConv weight shape: (in_feats, out_feats); kaiming fan_in = size(1) = out_feats
    W1 = _kaiming_uniform(k4, D_HID, (D_IN, D_HID))
    W2 = _kaiming_uniform(k5, D_OUT, (D_HID, D_OUT))
    return {"updated_feats": updated_feats, "edge_index": edge_index, "edge_weight": edge_weight, "W1": W1, "W2": W2}


def _graph_conv(x, W, src, dst, edge_weight, norm_src, norm_dst):
    # DGL GraphConv, norm='both', bias=False, with edge_weight:
    # h = D_in^{-1/2} * A_w * (D_out^{-1/2} * x) * W
    feat = x * norm_src[:, None]
    msgs = feat[src] * edge_weight[:, None]
    agg = jnp.zeros((x.shape[0], x.shape[1]), dtype=x.dtype).at[dst].add(msgs)
    rst = agg * norm_dst[:, None]
    return rst @ W


def reference(updated_feats, edge_index, edge_weight, W1, W2):
    src = edge_index[0]
    dst = edge_index[1]
    deg_out = jnp.clip(jnp.bincount(src, length=N), 1, None).astype(jnp.float32)
    deg_in = jnp.clip(jnp.bincount(dst, length=N), 1, None).astype(jnp.float32)
    norm_src = jax.lax.rsqrt(deg_out)
    norm_dst = jax.lax.rsqrt(deg_in)

    h = _graph_conv(updated_feats, W1, src, dst, edge_weight, norm_src, norm_dst)
    h = jnp.where(h > 0, h, NEG_SLOPE * h)
    h = _graph_conv(h, W2, src, dst, edge_weight, norm_src, norm_dst)
    h = jnp.where(h > 0, h, NEG_SLOPE * h)
    # dgl.mean_nodes over a single graph -> [1, readout_dim]
    return jnp.mean(h, axis=0, keepdims=True)

if __name__ == "__main__":
    import jax
    _d = setup_inputs()
    print(jax.jit(kernel)(*tuple(_d.values())))

</pallas_src>

<mosaic_0001>
#map = affine_map<(d0, d1) -> (0, 0, 0)>
#map1 = affine_map<(d0, d1) -> (0, 0)>
module attributes {stable_mosaic.version = 14 : i64} {
  func.func @_sc_scatter(%arg0: i32, %arg1: i32, %arg2: memref<16x250x80xi32, #tpu.memory_space<hbm>>, %arg3: memref<16x250x80xi32, #tpu.memory_space<hbm>>, %arg4: memref<16x20000xf32, #tpu.memory_space<hbm>>, %arg5: memref<2x10000x64xbf16, #tpu.memory_space<hbm>>, %arg6: memref<2x10240x64xf32, #tpu.memory_space<hbm>>, %arg7: memref<250x80xi32, #tpu.memory_space<vmem>>, %arg8: memref<250x80xi32, #tpu.memory_space<vmem>>, %arg9: memref<20000xf32, #tpu.memory_space<vmem>>, %arg10: memref<2x80x64xbf16, #tpu.memory_space<vmem>>, %arg11: memref<80x64xf32, #tpu.memory_space<vmem>>, %arg12: memref<128x64xf32, #tpu.memory_space<vmem>>, %arg13: memref<10240x64xf32, #tpu.memory_space<vmem_shared>>, %arg14: memref<2x!tpu.dma_semaphore, #tpu.memory_space<semaphore_mem>>) attributes {dimension_semantics = [#tpu.dimension_semantics<core_parallel>, #tpu.dimension_semantics<subcore_parallel>], iteration_bounds = array<i64: 2, 16>, scalar_prefetch = 0 : i64, scratch_operands = 8 : i64, tpu.core_type = #tpu.core_type<sc_vector_subcore>, window_params = [{transform_indices = #map}, {transform_indices = #map}, {transform_indices = #map1}, {transform_indices = #map}, {transform_indices = #map}]} {
    "tpu.region"() ({
      %run_scoped3A = tpu.sem_alloc : memref<!tpu.dma_semaphore, #tpu.memory_space<semaphore_mem>>
      %dma_start3A_52 = arith.constant 0 : i32
      %dma_start3A_53 = arith.constant 0 : i32
      %dma_start3A_54 = tpu.memref_slice %arg2[%arg1, %dma_start3A_52, %dma_start3A_53] : memref<16x250x80xi32, #tpu.memory_space<hbm>> -> memref<1x250x80xi32, #tpu.memory_space<hbm>>
      %dma_start3A_55 = tpu.memref_squeeze %dma_start3A_54 : memref<1x250x80xi32, #tpu.memory_space<hbm>> -> memref<250x80xi32, #tpu.memory_space<hbm>>
      %dma_start3A_56 = arith.constant 0 : i32
      %dma_start3A_57 = arith.constant 0 : i32
      %dma_start3A_58 = tpu.memref_slice %arg2[%arg1, %dma_start3A_56, %dma_start3A_57] : memref<16x250x80xi32, #tpu.memory_space<hbm>> -> memref<1x250x80xi32, #tpu.memory_space<hbm>>
      %dma_start3A_59 = tpu.memref_squeeze %dma_start3A_58 : memref<1x250x80xi32, #tpu.memory_space<hbm>> -> memref<250x80xi32, #tpu.memory_space<hbm>>
      tpu.enqueue_dma source(%dma_start3A_59 : memref<250x80xi32, #tpu.memory_space<hbm>>) target(%arg7 : memref<250x80xi32, #tpu.memory_space<vmem>>) target_semaphore(%run_scoped3A : memref<!tpu.dma_semaphore, #tpu.memory_space<semaphore_mem>>)
      %dma_wait3A = arith.constant 0 : i32
      %dma_wait3A_60 = arith.constant 0 : i32
      %dma_wait3A_61 = tpu.memref_slice %arg2[%arg1, %dma_wait3A, %dma_wait3A_60] : memref<16x250x80xi32, #tpu.memory_space<hbm>> -> memref<1x250x80xi32, #tpu.memory_space<hbm>>
      %dma_wait3A_62 = tpu.memref_squeeze %dma_wait3A_61 : memref<1x250x80xi32, #tpu.memory_space<hbm>> -> memref<250x80xi32, #tpu.memory_space<hbm>>
      %dma_wait3A_63 = arith.constant 0 : i32
      %dma_wait3A_64 = arith.constant 0 : i32
      %dma_wait3A_65 = tpu.memref_slice %arg2[%arg1, %dma_wait3A_63, %dma_wait3A_64] : memref<16x250x80xi32, #tpu.memory_space<hbm>> -> memref<1x250x80xi32, #tpu.memory_space<hbm>>
      %dma_wait3A_66 = tpu.memref_squeeze %dma_wait3A_65 : memref<1x250x80xi32, #tpu.memory_space<hbm>> -> memref<250x80xi32, #tpu.memory_space<hbm>>
      tpu.wait_dma2 semaphore(%run_scoped3A : memref<!tpu.dma_semaphore, #tpu.memory_space<semaphore_mem>>) src(%dma_wait3A_66 : memref<250x80xi32, #tpu.memory_space<hbm>>) dst(%arg7 : memref<250x80xi32, #tpu.memory_space<vmem>>)
      tpu.yield
    }) : () -> ()
    "tpu.region"() ({
      %run_scoped3A = tpu.sem_alloc : memref<!tpu.dma_semaphore, #tpu.memory_space<semaphore_mem>>
      %dma_start3A_52 = arith.constant 0 : i32
      %dma_start3A_53 = arith.constant 0 : i32
      %dma_start3A_54 = tpu.memref_slice %arg3[%arg1, %dma_start3A_52, %dma_start3A_53] : memref<16x250x80xi32, #tpu.memory_space<hbm>> -> memref<1x250x80xi32, #tpu.memory_space<hbm>>
      %dma_start3A_55 = tpu.memref_squeeze %dma_start3A_54 : memref<1x250x80xi32, #tpu.memory_space<hbm>> -> memref<250x80xi32, #tpu.memory_space<hbm>>
      %dma_start3A_56 = arith.constant 0 : i32
      %dma_start3A_57 = arith.constant 0 : i32
      %dma_start3A_58 = tpu.memref_slice %arg3[%arg1, %dma_start3A_56, %dma_start3A_57] : memref<16x250x80xi32, #tpu.memory_space<hbm>> -> memref<1x250x80xi32, #tpu.memory_space<hbm>>
      %dma_start3A_59 = tpu.memref_squeeze %dma_start3A_58 : memref<1x250x80xi32, #tpu.memory_space<hbm>> -> memref<250x80xi32, #tpu.memory_space<hbm>>
      tpu.enqueue_dma source(%dma_start3A_59 : memref<250x80xi32, #tpu.memory_space<hbm>>) target(%arg8 : memref<250x80xi32, #tpu.memory_space<vmem>>) target_semaphore(%run_scoped3A : memref<!tpu.dma_semaphore, #tpu.memory_space<semaphore_mem>>)
      %dma_wait3A = arith.constant 0 : i32
      %dma_wait3A_60 = arith.constant 0 : i32
      %dma_wait3A_61 = tpu.memref_slice %arg3[%arg1, %dma_wait3A, %dma_wait3A_60] : memref<16x250x80xi32, #tpu.memory_space<hbm>> -> memref<1x250x80xi32, #tpu.memory_space<hbm>>
      %dma_wait3A_62 = tpu.memref_squeeze %dma_wait3A_61 : memref<1x250x80xi32, #tpu.memory_space<hbm>> -> memref<250x80xi32, #tpu.memory_space<hbm>>
      %dma_wait3A_63 = arith.constant 0 : i32
      %dma_wait3A_64 = arith.constant 0 : i32
      %dma_wait3A_65 = tpu.memref_slice %arg3[%arg1, %dma_wait3A_63, %dma_wait3A_64] : memref<16x250x80xi32, #tpu.memory_space<hbm>> -> memref<1x250x80xi32, #tpu.memory_space<hbm>>
      %dma_wait3A_66 = tpu.memref_squeeze %dma_wait3A_65 : memref<1x250x80xi32, #tpu.memory_space<hbm>> -> memref<250x80xi32, #tpu.memory_space<hbm>>
      tpu.wait_dma2 semaphore(%run_scoped3A : memref<!tpu.dma_semaphore, #tpu.memory_space<semaphore_mem>>) src(%dma_wait3A_66 : memref<250x80xi32, #tpu.memory_space<hbm>>) dst(%arg8 : memref<250x80xi32, #tpu.memory_space<vmem>>)
      tpu.yield
    }) : () -> ()
    "tpu.region"() ({
      %run_scoped3A = tpu.sem_alloc : memref<!tpu.dma_semaphore, #tpu.memory_space<semaphore_mem>>
      %dma_start3A_52 = arith.constant 0 : i32
      %dma_start3A_53 = tpu.memref_slice %arg4[%arg1, %dma_start3A_52] : memref<16x20000xf32, #tpu.memory_space<hbm>> -> memref<1x20000xf32, #tpu.memory_space<hbm>>
      %dma_start3A_54 = tpu.memref_squeeze %dma_start3A_53 : memref<1x20000xf32, #tpu.memory_space<hbm>> -> memref<20000xf32, #tpu.memory_space<hbm>>
      %dma_start3A_55 = arith.constant 0 : i32
      %dma_start3A_56 = tpu.memref_slice %arg4[%arg1, %dma_start3A_55] : memref<16x20000xf32, #tpu.memory_space<hbm>> -> memref<1x20000xf32, #tpu.memory_space<hbm>>
      %dma_start3A_57 = tpu.memref_squeeze %dma_start3A_56 : memref<1x20000xf32, #tpu.memory_space<hbm>> -> memref<20000xf32, #tpu.memory_space<hbm>>
      tpu.enqueue_dma source(%dma_start3A_57 : memref<20000xf32, #tpu.memory_space<hbm>>) target(%arg9 : memref<20000xf32, #tpu.memory_space<vmem>>) target_semaphore(%run_scoped3A : memref<!tpu.dma_semaphore, #tpu.memory_space<semaphore_mem>>)
      %dma_wait3A = arith.constant 0 : i32
      %dma_wait3A_58 = tpu.memref_slice %arg4[%arg1, %dma_wait3A] : memref<16x20000xf32, #tpu.memory_space<hbm>> -> memref<1x20000xf32, #tpu.memory_space<hbm>>
      %dma_wait3A_59 = tpu.memref_squeeze %dma_wait3A_58 : memref<1x20000xf32, #tpu.memory_space<hbm>> -> memref<20000xf32, #tpu.memory_space<hbm>>
      %dma_wait3A_60 = arith.constant 0 : i32
      %dma_wait3A_61 = tpu.memref_slice %arg4[%arg1, %dma_wait3A_60] : memref<16x20000xf32, #tpu.memory_space<hbm>> -> memref<1x20000xf32, #tpu.memory_space<hbm>>
      %dma_wait3A_62 = tpu.memref_squeeze %dma_wait3A_61 : memref<1x20000xf32, #tpu.memory_space<hbm>> -> memref<20000xf32, #tpu.memory_space<hbm>>
      tpu.wait_dma2 semaphore(%run_scoped3A : memref<!tpu.dma_semaphore, #tpu.memory_space<semaphore_mem>>) src(%dma_wait3A_62 : memref<20000xf32, #tpu.memory_space<hbm>>) dst(%arg9 : memref<20000xf32, #tpu.memory_space<vmem>>)
      tpu.yield
    }) : () -> ()
    %scan3A = arith.constant 0 : i32
    %scan3A_0 = arith.constant 0 : i32
    %scan3A_1 = arith.constant 128 : i32
    %scan3A_2 = arith.addi %scan3A_0, %scan3A_1 : i32
    %scan3A_3 = arith.constant 1 : i32
    %scan3A_4 = scf.for %scan3A_52 = %scan3A_0 to %scan3A_2 step %scan3A_3 iter_args(%scan3A_53 = %scan3A) -> (i32)  : i32 {
      %broadcast_in_dim3A = arith.constant 0.000000e+00 : f32
      %broadcast_in_dim3A_54 = vector.broadcast %broadcast_in_dim3A : f32 to vector<16xf32>
      %swap3A = arith.index_cast %scan3A_52 : i32 to index
      %swap3A_55 = arith.constant 0 : index
      %swap3A_56 = tpu.vector_load %arg12[%swap3A, %swap3A_55] {strides = array<i32>} : memref<128x64xf32, #tpu.memory_space<vmem>>, vector<16xf32>,
      tpu.vector_store %arg12[%swap3A, %swap3A_55], %broadcast_in_dim3A_54 {strides = array<i32>} : memref<128x64xf32, #tpu.memory_space<vmem>>, vector<16xf32>,
      %broadcast_in_dim3A_57 = arith.constant 0.000000e+00 : f32
      %broadcast_in_dim3A_58 = vector.broadcast %broadcast_in_dim3A_57 : f32 to vector<16xf32>
      %swap3A_59 = arith.index_cast %scan3A_52 : i32 to index
      %swap3A_60 = arith.constant 16 : index
      %swap3A_61 = tpu.vector_load %arg12[%swap3A_59, %swap3A_60] {strides = array<i32>} : memref<128x64xf32, #tpu.memory_space<vmem>>, vector<16xf32>,
      tpu.vector_store %arg12[%swap3A_59, %swap3A_60], %broadcast_in_dim3A_58 {strides = array<i32>} : memref<128x64xf32, #tpu.memory_space<vmem>>, vector<16xf32>,
      %broadcast_in_dim3A_62 = arith.constant 0.000000e+00 : f32
      %broadcast_in_dim3A_63 = vector.broadcast %broadcast_in_dim3A_62 : f32 to vector<16xf32>
      %swap3A_64 = arith.index_cast %scan3A_52 : i32 to index
      %swap3A_65 = arith.constant 32 : index
      %swap3A_66 = tpu.vector_load %arg12[%swap3A_64, %swap3A_65] {strides = array<i32>} : memref<128x64xf32, #tpu.memory_space<vmem>>, vector<16xf32>,
      tpu.vector_store %arg12[%swap3A_64, %swap3A_65], %broadcast_in_dim3A_63 {strides = array<i32>} : memref<128x64xf32, #tpu.memory_space<vmem>>, vector<16xf32>,
      %broadcast_in_dim3A_67 = arith.constant 0.000000e+00 : f32
      %broadcast_in_dim3A_68 = vector.broadcast %broadcast_in_dim3A_67 : f32 to vector<16xf32>
      %swap3A_69 = arith.index_cast %scan3A_52 : i32 to index
      %swap3A_70 = arith.constant 48 : index
      %swap3A_71 = tpu.vector_load %arg12[%swap3A_69, %swap3A_70] {strides = array<i32>} : memref<128x64xf32, #tpu.memory_space<vmem>>, vector<16xf32>,
      tpu.vector_store %arg12[%swap3A_69, %swap3A_70], %broadcast_in_dim3A_68 {strides = array<i32>} : memref<128x64xf32, #tpu.memory_space<vmem>>, vector<16xf32>,
      %scan3A_72 = arith.constant 0 : i32
      scf.yield %scan3A_72 : i32
    }
    %scan3A_5 = arith.constant 128 : i32
    %mul3A = arith.constant 640 : i32
    %mul3A_6 = arith.muli %arg1, %mul3A : i32
    %add3A = arith.constant 0 : i32
    %add3A_7 = arith.addi %mul3A_6, %add3A : i32
    "tpu.region"() ({
      %run_scoped3A = tpu.sem_alloc : memref<!tpu.dma_semaphore, #tpu.memory_space<semaphore_mem>>
      %dma_start3A_52 = arith.constant 0 : i32
      %dma_start3A_53 = tpu.memref_slice %arg13[%add3A_7, %dma_start3A_52] : memref<10240x64xf32, #tpu.memory_space<vmem_shared>> -> memref<128x64xf32, #tpu.memory_space<vmem_shared>>
      %dma_start3A_54 = arith.constant 0 : i32
      %dma_start3A_55 = tpu.memref_slice %arg13[%add3A_7, %dma_start3A_54] : memref<10240x64xf32, #tpu.memory_space<vmem_shared>> -> memref<128x64xf32, #tpu.memory_space<vmem_shared>>
      tpu.enqueue_dma source(%arg12 : memref<128x64xf32, #tpu.memory_space<vmem>>) target(%dma_start3A_55 : memref<128x64xf32, #tpu.memory_space<vmem_shared>>) target_semaphore(%run_scoped3A : memref<!tpu.dma_semaphore, #tpu.memory_space<semaphore_mem>>)
      %dma_wait3A = arith.constant 0 : i32
      %dma_wait3A_56 = tpu.memref_slice %arg13[%add3A_7, %dma_wait3A] : memref<10240x64xf32, #tpu.memory_space<vmem_shared>> -> memref<128x64xf32, #tpu.memory_space<vmem_shared>>
      %dma_wait3A_57 = arith.constant 0 : i32
      %dma_wait3A_58 = tpu.memref_slice %arg13[%add3A_7, %dma_wait3A_57] : memref<10240x64xf32, #tpu.memory_space<vmem_shared>> -> memref<128x64xf32, #tpu.memory_space<vmem_shared>>
      tpu.wait_dma2 semaphore(%run_scoped3A : memref<!tpu.dma_semaphore, #tpu.memory_space<semaphore_mem>>) src(%arg12 : memref<128x64xf32, #tpu.memory_space<vmem>>) dst(%dma_wait3A_58 : memref<128x64xf32, #tpu.memory_space<vmem_shared>>)
      tpu.yield
    }) : () -> ()
    %add3A_8 = arith.constant 128 : i32
    %add3A_9 = arith.addi %mul3A_6, %add3A_8 : i32
    "tpu.region"() ({
      %run_scoped3A = tpu.sem_alloc : memref<!tpu.dma_semaphore, #tpu.memory_space<semaphore_mem>>
      %dma_start3A_52 = arith.constant 0 : i32
      %dma_start3A_53 = tpu.memref_slice %arg13[%add3A_9, %dma_start3A_52] : memref<10240x64xf32, #tpu.memory_space<vmem_shared>> -> memref<128x64xf32, #tpu.memory_space<vmem_shared>>
      %dma_start3A_54 = arith.constant 0 : i32
      %dma_start3A_55 = tpu.memref_slice %arg13[%add3A_9, %dma_start3A_54] : memref<10240x64xf32, #tpu.memory_space<vmem_shared>> -> memref<128x64xf32, #tpu.memory_space<vmem_shared>>
      tpu.enqueue_dma source(%arg12 : memref<128x64xf32, #tpu.memory_space<vmem>>) target(%dma_start3A_55 : memref<128x64xf32, #tpu.memory_space<vmem_shared>>) target_semaphore(%run_scoped3A : memref<!tpu.dma_semaphore, #tpu.memory_space<semaphore_mem>>)
      %dma_wait3A = arith.constant 0 : i32
      %dma_wait3A_56 = tpu.memref_slice %arg13[%add3A_9, %dma_wait3A] : memref<10240x64xf32, #tpu.memory_space<vmem_shared>> -> memref<128x64xf32, #tpu.memory_space<vmem_shared>>
      %dma_wait3A_57 = arith.constant 0 : i32
      %dma_wait3A_58 = tpu.memref_slice %arg13[%add3A_9, %dma_wait3A_57] : memref<10240x64xf32, #tpu.memory_space<vmem_shared>> -> memref<128x64xf32, #tpu.memory_space<vmem_shared>>
      tpu.wait_dma2 semaphore(%run_scoped3A : memref<!tpu.dma_semaphore, #tpu.memory_space<semaphore_mem>>) src(%arg12 : memref<128x64xf32, #tpu.memory_space<vmem>>) dst(%dma_wait3A_58 : memref<128x64xf32, #tpu.memory_space<vmem_shared>>)
      tpu.yield
    }) : () -> ()
    %add3A_10 = arith.constant 256 : i32
    %add3A_11 = arith.addi %mul3A_6, %add3A_10 : i32
    "tpu.region"() ({
      %run_scoped3A = tpu.sem_alloc : memref<!tpu.dma_semaphore, #tpu.memory_space<semaphore_mem>>
      %dma_start3A_52 = arith.constant 0 : i32
      %dma_start3A_53 = tpu.memref_slice %arg13[%add3A_11, %dma_start3A_52] : memref<10240x64xf32, #tpu.memory_space<vmem_shared>> -> memref<128x64xf32, #tpu.memory_space<vmem_shared>>
      %dma_start3A_54 = arith.constant 0 : i32
      %dma_start3A_55 = tpu.memref_slice %arg13[%add3A_11, %dma_start3A_54] : memref<10240x64xf32, #tpu.memory_space<vmem_shared>> -> memref<128x64xf32, #tpu.memory_space<vmem_shared>>
      tpu.enqueue_dma source(%arg12 : memref<128x64xf32, #tpu.memory_space<vmem>>) target(%dma_start3A_55 : memref<128x64xf32, #tpu.memory_space<vmem_shared>>) target_semaphore(%run_scoped3A : memref<!tpu.dma_semaphore, #tpu.memory_space<semaphore_mem>>)
      %dma_wait3A = arith.constant 0 : i32
      %dma_wait3A_56 = tpu.memref_slice %arg13[%add3A_11, %dma_wait3A] : memref<10240x64xf32, #tpu.memory_space<vmem_shared>> -> memref<128x64xf32, #tpu.memory_space<vmem_shared>>
      %dma_wait3A_57 = arith.constant 0 : i32
      %dma_wait3A_58 = tpu.memref_slice %arg13[%add3A_11, %dma_wait3A_57] : memref<10240x64xf32, #tpu.memory_space<vmem_shared>> -> memref<128x64xf32, #tpu.memory_space<vmem_shared>>
      tpu.wait_dma2 semaphore(%run_scoped3A : memref<!tpu.dma_semaphore, #tpu.memory_space<semaphore_mem>>) src(%arg12 : memref<128x64xf32, #tpu.memory_space<vmem>>) dst(%dma_wait3A_58 : memref<128x64xf32, #tpu.memory_space<vmem_shared>>)
      tpu.yield
    }) : () -> ()
    %add3A_12 = arith.constant 384 : i32
    %add3A_13 = arith.addi %mul3A_6, %add3A_12 : i32
    "tpu.region"() ({
      %run_scoped3A = tpu.sem_alloc : memref<!tpu.dma_semaphore, #tpu.memory_space<semaphore_mem>>
      %dma_start3A_52 = arith.constant 0 : i32
      %dma_start3A_53 = tpu.memref_slice %arg13[%add3A_13, %dma_start3A_52] : memref<10240x64xf32, #tpu.memory_space<vmem_shared>> -> memref<128x64xf32, #tpu.memory_space<vmem_shared>>
      %dma_start3A_54 = arith.constant 0 : i32
      %dma_start3A_55 = tpu.memref_slice %arg13[%add3A_13, %dma_start3A_54] : memref<10240x64xf32, #tpu.memory_space<vmem_shared>> -> memref<128x64xf32, #tpu.memory_space<vmem_shared>>
      tpu.enqueue_dma source(%arg12 : memref<128x64xf32, #tpu.memory_space<vmem>>) target(%dma_start3A_55 : memref<128x64xf32, #tpu.memory_space<vmem_shared>>) target_semaphore(%run_scoped3A : memref<!tpu.dma_semaphore, #tpu.memory_space<semaphore_mem>>)
      %dma_wait3A = arith.constant 0 : i32
      %dma_wait3A_56 = tpu.memref_slice %arg13[%add3A_13, %dma_wait3A] : memref<10240x64xf32, #tpu.memory_space<vmem_shared>> -> memref<128x64xf32, #tpu.memory_space<vmem_shared>>
      %dma_wait3A_57 = arith.constant 0 : i32
      %dma_wait3A_58 = tpu.memref_slice %arg13[%add3A_13, %dma_wait3A_57] : memref<10240x64xf32, #tpu.memory_space<vmem_shared>> -> memref<128x64xf32, #tpu.memory_space<vmem_shared>>
      tpu.wait_dma2 semaphore(%run_scoped3A : memref<!tpu.dma_semaphore, #tpu.memory_space<semaphore_mem>>) src(%arg12 : memref<128x64xf32, #tpu.memory_space<vmem>>) dst(%dma_wait3A_58 : memref<128x64xf32, #tpu.memory_space<vmem_shared>>)
      tpu.yield
    }) : () -> ()
    %add3A_14 = arith.constant 512 : i32
    %add3A_15 = arith.addi %mul3A_6, %add3A_14 : i32
    "tpu.region"() ({
      %run_scoped3A = tpu.sem_alloc : memref<!tpu.dma_semaphore, #tpu.memory_space<semaphore_mem>>
      %dma_start3A_52 = arith.constant 0 : i32
      %dma_start3A_53 = tpu.memref_slice %arg13[%add3A_15, %dma_start3A_52] : memref<10240x64xf32, #tpu.memory_space<vmem_shared>> -> memref<128x64xf32, #tpu.memory_space<vmem_shared>>
      %dma_start3A_54 = arith.constant 0 : i32
      %dma_start3A_55 = tpu.memref_slice %arg13[%add3A_15, %dma_start3A_54] : memref<10240x64xf32, #tpu.memory_space<vmem_shared>> -> memref<128x64xf32, #tpu.memory_space<vmem_shared>>
      tpu.enqueue_dma source(%arg12 : memref<128x64xf32, #tpu.memory_space<vmem>>) target(%dma_start3A_55 : memref<128x64xf32, #tpu.memory_space<vmem_shared>>) target_semaphore(%run_scoped3A : memref<!tpu.dma_semaphore, #tpu.memory_space<semaphore_mem>>)
      %dma_wait3A = arith.constant 0 : i32
      %dma_wait3A_56 = tpu.memref_slice %arg13[%add3A_15, %dma_wait3A] : memref<10240x64xf32, #tpu.memory_space<vmem_shared>> -> memref<128x64xf32, #tpu.memory_space<vmem_shared>>
      %dma_wait3A_57 = arith.constant 0 : i32
      %dma_wait3A_58 = tpu.memref_slice %arg13[%add3A_15, %dma_wait3A_57] : memref<10240x64xf32, #tpu.memory_space<vmem_shared>> -> memref<128x64xf32, #tpu.memory_space<vmem_shared>>
      tpu.wait_dma2 semaphore(%run_scoped3A : memref<!tpu.dma_semaphore, #tpu.memory_space<semaphore_mem>>) src(%arg12 : memref<128x64xf32, #tpu.memory_space<vmem>>) dst(%dma_wait3A_58 : memref<128x64xf32, #tpu.memory_space<vmem_shared>>)
      tpu.yield
    }) : () -> ()
    %barrier3A = arith.constant 0 : index
    tpu.barrier barrier_id(%barrier3A)
    %rem3A = arith.constant 0 : i32
    %rem3A_16 = arith.constant 2 : i32
    %rem3A_17 = arith.remsi %rem3A, %rem3A_16 : i32
    %dma_start3A = arith.constant 0 : i32
    %dma_start3A_18 = arith.constant 0 : i32
    %dma_start3A_19 = arith.constant 0 : i32
    %dma_start3A_20 = tpu.memref_slice %arg10[%rem3A_17, %dma_start3A_18, %dma_start3A_19] : memref<2x80x64xbf16, #tpu.memory_space<vmem>> -> memref<1x80x64xbf16, #tpu.memory_space<vmem>>
    %dma_start3A_21 = tpu.memref_squeeze %dma_start3A_20 : memref<1x80x64xbf16, #tpu.memory_space<vmem>> -> memref<80x64xbf16, #tpu.memory_space<vmem>>
    %dma_start3A_22 = arith.constant 0 : i32
    %dma_start3A_23 = tpu.memref_slice %arg7[%dma_start3A, %dma_start3A_22] : memref<250x80xi32, #tpu.memory_space<vmem>> -> memref<1x80xi32, #tpu.memory_space<vmem>>
    %dma_start3A_24 = tpu.memref_squeeze %dma_start3A_23 : memref<1x80xi32, #tpu.memory_space<vmem>> -> memref<80xi32, #tpu.memory_space<vmem>>
    %dma_start3A_25 = arith.constant 0 : i32
    %dma_start3A_26 = arith.constant 0 : i32
    %dma_start3A_27 = tpu.memref_slice %arg5[%arg0, %dma_start3A_25, %dma_start3A_26] : memref<2x10000x64xbf16, #tpu.memory_space<hbm>> -> memref<1x10000x64xbf16, #tpu.memory_space<hbm>>
    %dma_start3A_28 = tpu.memref_squeeze %dma_start3A_27 : memref<1x10000x64xbf16, #tpu.memory_space<hbm>> -> memref<10000x64xbf16, #tpu.memory_space<hbm>>
    %dma_start3A_29 = arith.constant 0 : i32
    %dma_start3A_30 = arith.constant 0 : i32
    %dma_start3A_31 = tpu.memref_slice %dma_start3A_28[%dma_start3A_29, %dma_start3A_30] : memref<10000x64xbf16, #tpu.memory_space<hbm>> -> memref<10000x64xbf16, #tpu.memory_space<hbm>>
    %dma_start3A_32 = tpu.memref_slice %arg14[%rem3A_17] : memref<2x!tpu.dma_semaphore, #tpu.memory_space<semaphore_mem>> -> memref<1x!tpu.dma_semaphore, #tpu.memory_space<semaphore_mem>>
    %dma_start3A_33 = tpu.memref_squeeze %dma_start3A_32 : memref<1x!tpu.dma_semaphore, #tpu.memory_space<semaphore_mem>> -> memref<!tpu.dma_semaphore, #tpu.memory_space<semaphore_mem>>
    tpu.enqueue_indirect_dma source(%dma_start3A_31 : memref<10000x64xbf16, #tpu.memory_space<hbm>>) target(%dma_start3A_21 : memref<80x64xbf16, #tpu.memory_space<vmem>>) offsets(%dma_start3A_24 : memref<80xi32, #tpu.memory_space<vmem>>) semaphore(%dma_start3A_33 : memref<!tpu.dma_semaphore, #tpu.memory_space<semaphore_mem>>)
    %scan3A_34 = arith.constant 0 : i32
    %scan3A_35 = arith.constant 0 : i32
    %scan3A_36 = arith.constant 250 : i32
    %scan3A_37 = arith.addi %scan3A_35, %scan3A_36 : i32
    %scan3A_38 = arith.constant 1 : i32
    %scan3A_39 = scf.for %scan3A_52 = %scan3A_35 to %scan3A_37 step %scan3A_38 iter_args(%scan3A_53 = %scan3A_34) -> (i32)  : i32 {
      %rem3A_54 = arith.constant 2 : i32
      %rem3A_55 = arith.remsi %scan3A_52, %rem3A_54 : i32
      %rem3A_56 = arith.constant 2 : i32
      %rem3A_57 = arith.remsi %scan3A_52, %rem3A_56 : i32
      %dma_wait3A = arith.constant 0 : i32
      %dma_wait3A_58 = arith.constant 0 : i32
      %dma_wait3A_59 = tpu.memref_slice %arg10[%rem3A_57, %dma_wait3A, %dma_wait3A_58] : memref<2x80x64xbf16, #tpu.memory_space<vmem>> -> memref<1x80x64xbf16, #tpu.memory_space<vmem>>
      %dma_wait3A_60 = tpu.memref_squeeze %dma_wait3A_59 : memref<1x80x64xbf16, #tpu.memory_space<vmem>> -> memref<80x64xbf16, #tpu.memory_space<vmem>>
      %dma_wait3A_61 = arith.constant 0 : i32
      %dma_wait3A_62 = tpu.memref_slice %arg7[%scan3A_52, %dma_wait3A_61] : memref<250x80xi32, #tpu.memory_space<vmem>> -> memref<1x80xi32, #tpu.memory_space<vmem>>
      %dma_wait3A_63 = tpu.memref_squeeze %dma_wait3A_62 : memref<1x80xi32, #tpu.memory_space<vmem>> -> memref<80xi32, #tpu.memory_space<vmem>>
      %dma_wait3A_64 = arith.constant 0 : i32
      %dma_wait3A_65 = arith.constant 0 : i32
      %dma_wait3A_66 = tpu.memref_slice %arg5[%arg0, %dma_wait3A_64, %dma_wait3A_65] : memref<2x10000x64xbf16, #tpu.memory_space<hbm>> -> memref<1x10000x64xbf16, #tpu.memory_space<hbm>>
      %dma_wait3A_67 = tpu.memref_squeeze %dma_wait3A_66 : memref<1x10000x64xbf16, #tpu.memory_space<hbm>> -> memref<10000x64xbf16, #tpu.memory_space<hbm>>
      %dma_wait3A_68 = arith.constant 0 : i32
      %dma_wait3A_69 = arith.constant 0 : i32
      %dma_wait3A_70 = tpu.memref_slice %dma_wait3A_67[%dma_wait3A_68, %dma_wait3A_69] : memref<10000x64xbf16, #tpu.memory_space<hbm>> -> memref<10000x64xbf16, #tpu.memory_space<hbm>>
      %dma_wait3A_71 = tpu.memref_slice %arg14[%rem3A_57] : memref<2x!tpu.dma_semaphore, #tpu.memory_space<semaphore_mem>> -> memref<1x!tpu.dma_semaphore, #tpu.memory_space<semaphore_mem>>
      %dma_wait3A_72 = tpu.memref_squeeze %dma_wait3A_71 : memref<1x!tpu.dma_semaphore, #tpu.memory_space<semaphore_mem>> -> memref<!tpu.dma_semaphore, #tpu.memory_space<semaphore_mem>>
      tpu.wait_indirect_dma semaphore(%dma_wait3A_72 : memref<!tpu.dma_semaphore, #tpu.memory_space<semaphore_mem>>) src(%dma_wait3A_70 : memref<10000x64xbf16, #tpu.memory_space<hbm>>) dst(%dma_wait3A_60 : memref<80x64xbf16, #tpu.memory_space<vmem>>)
      %lt3A = arith.constant 249 : i32
      %lt3A_73 = arith.cmpi slt, %scan3A_52, %lt3A : i32
      %convert_element_type3A = arith.extui %lt3A_73 : i1 to i32
      %cond3A = arith.constant 0 : i32
      %cond3A_74 = arith.cmpi ne, %convert_element_type3A, %cond3A : i32
      scf.if %cond3A_74 {
        %add3A_83 = arith.constant 1 : i32
        %add3A_84 = arith.addi %scan3A_52, %add3A_83 : i32
        %rem3A_85 = arith.constant 2 : i32
        %rem3A_86 = arith.remsi %add3A_84, %rem3A_85 : i32
        %dma_start3A_87 = arith.constant 0 : i32
        %dma_start3A_88 = arith.constant 0 : i32
        %dma_start3A_89 = tpu.memref_slice %arg10[%rem3A_86, %dma_start3A_87, %dma_start3A_88] : memref<2x80x64xbf16, #tpu.memory_space<vmem>> -> memref<1x80x64xbf16, #tpu.memory_space<vmem>>
        %dma_start3A_90 = tpu.memref_squeeze %dma_start3A_89 : memref<1x80x64xbf16, #tpu.memory_space<vmem>> -> memref<80x64xbf16, #tpu.memory_space<vmem>>
        %dma_start3A_91 = arith.constant 0 : i32
        %dma_start3A_92 = tpu.memref_slice %arg7[%add3A_84, %dma_start3A_91] : memref<250x80xi32, #tpu.memory_space<vmem>> -> memref<1x80xi32, #tpu.memory_space<vmem>>
        %dma_start3A_93 = tpu.memref_squeeze %dma_start3A_92 : memref<1x80xi32, #tpu.memory_space<vmem>> -> memref<80xi32, #tpu.memory_space<vmem>>
        %dma_start3A_94 = arith.constant 0 : i32
        %dma_start3A_95 = arith.constant 0 : i32
        %dma_start3A_96 = tpu.memref_slice %arg5[%arg0, %dma_start3A_94, %dma_start3A_95] : memref<2x10000x64xbf16, #tpu.memory_space<hbm>> -> memref<1x10000x64xbf16, #tpu.memory_space<hbm>>
        %dma_start3A_97 = tpu.memref_squeeze %dma_start3A_96 : memref<1x10000x64xbf16, #tpu.memory_space<hbm>> -> memref<10000x64xbf16, #tpu.memory_space<hbm>>
        %dma_start3A_98 = arith.constant 0 : i32
        %dma_start3A_99 = arith.constant 0 : i32
        %dma_start3A_100 = tpu.memref_slice %dma_start3A_97[%dma_start3A_98, %dma_start3A_99] : memref<10000x64xbf16, #tpu.memory_space<hbm>> -> memref<10000x64xbf16, #tpu.memory_space<hbm>>
        %dma_start3A_101 = tpu.memref_slice %arg14[%rem3A_86] : memref<2x!tpu.dma_semaphore, #tpu.memory_space<semaphore_mem>> -> memref<1x!tpu.dma_semaphore, #tpu.memory_space<semaphore_mem>>
        %dma_start3A_102 = tpu.memref_squeeze %dma_start3A_101 : memref<1x!tpu.dma_semaphore, #tpu.memory_space<semaphore_mem>> -> memref<!tpu.dma_semaphore, #tpu.memory_space<semaphore_mem>>
        tpu.enqueue_indirect_dma source(%dma_start3A_100 : memref<10000x64xbf16, #tpu.memory_space<hbm>>) target(%dma_start3A_90 : memref<80x64xbf16, #tpu.memory_space<vmem>>) offsets(%dma_start3A_93 : memref<80xi32, #tpu.memory_space<vmem>>) semaphore(%dma_start3A_102 : memref<!tpu.dma_semaphore, #tpu.memory_space<semaphore_mem>>)
      } else {
      }
      %scan3A_75 = arith.constant 0 : i32
      %scan3A_76 = arith.constant 0 : i32
      %scan3A_77 = arith.constant 5 : i32
      %scan3A_78 = arith.addi %scan3A_76, %scan3A_77 : i32
      %scan3A_79 = arith.constant 1 : i32
      %scan3A_80 = scf.for %scan3A_83 = %scan3A_76 to %scan3A_78 step %scan3A_79 iter_args(%scan3A_84 = %scan3A_75) -> (i32)  : i32 {
        %mul3A_85 = arith.constant 80 : i32
        %mul3A_86 = arith.muli %scan3A_52, %mul3A_85 : i32
        %mul3A_87 = arith.constant 16 : i32
        %mul3A_88 = arith.muli %scan3A_83, %mul3A_87 : i32
        %add3A_89 = arith.addi %mul3A_86, %mul3A_88 : i32
        %get3A = arith.index_cast %add3A_89 : i32 to index
        %get3A_90 = tpu.vector_load %arg9[%get3A] {strides = array<i32>} : memref<20000xf32, #tpu.memory_space<vmem>>, vector<16xf32>,
        %slice3A = vector.extract_strided_slice %get3A_90 {offsets = [0], sizes = [1], strides = [1]} : vector<16xf32> to vector<1xf32>
        %squeeze3A = vector.extract %slice3A[0] : f32 from vector<1xf32>
        %broadcast_in_dim3A = vector.broadcast %squeeze3A : f32 to vector<16xf32>
        %mul3A_91 = arith.constant 16 : i32
        %mul3A_92 = arith.muli %scan3A_83, %mul3A_91 : i32
        %add3A_93 = arith.constant 0 : i32
        %add3A_94 = arith.addi %mul3A_92, %add3A_93 : i32
        %get3A_95 = arith.index_cast %rem3A_55 : i32 to index
        %get3A_96 = arith.index_cast %add3A_94 : i32 to index
        %get3A_97 = arith.constant 0 : index
        %get3A_98 = tpu.vector_load %arg10[%get3A_95, %get3A_96, %get3A_97] {strides = array<i32>} : memref<2x80x64xbf16, #tpu.memory_space<vmem>>, vector<32xbf16>,
        %bitcast3A = vector.bitcast %get3A_98 : vector<32xbf16> to vector<16xi32>
        %shift_left3A = arith.constant 16 : i32
        %shift_left3A_99 = vector.broadcast %shift_left3A : i32 to vector<16xi32>
        %shift_left3A_100 = arith.shli %bitcast3A, %shift_left3A_99 : vector<16xi32>
        %bitcast3A_101 = vector.bitcast %shift_left3A_100 : vector<16xi32> to vector<16xf32>
        %and3A = arith.constant -65536 : i32
        %and3A_102 = vector.broadcast %and3A : i32 to vector<16xi32>
        %and3A_103 = arith.andi %bitcast3A, %and3A_102 : vector<16xi32>
        %bitcast3A_104 = vector.bitcast %and3A_103 : vector<16xi32> to vector<16xf32>
        %mul3A_105 = arith.mulf %bitcast3A_101, %broadcast_in_dim3A : vector<16xf32>
        %swap3A = arith.index_cast %add3A_94 : i32 to index
        %swap3A_106 = arith.constant 0 : index
        %swap3A_107 = tpu.vector_load %arg11[%swap3A, %swap3A_106] {strides = array<i32>} : memref<80x64xf32, #tpu.memory_space<vmem>>, vector<16xf32>,
        tpu.vector_store %arg11[%swap3A, %swap3A_106], %mul3A_105 {strides = array<i32>} : memref<80x64xf32, #tpu.memory_space<vmem>>, vector<16xf32>,
        %mul3A_108 = arith.mulf %bitcast3A_104, %broadcast_in_dim3A : vector<16xf32>
        %swap3A_109 = arith.index_cast %add3A_94 : i32 to index
        %swap3A_110 = arith.constant 16 : index
        %swap3A_111 = tpu.vector_load %arg11[%swap3A_109, %swap3A_110] {strides = array<i32>} : memref<80x64xf32, #tpu.memory_space<vmem>>, vector<16xf32>,
        tpu.vector_store %arg11[%swap3A_109, %swap3A_110], %mul3A_108 {strides = array<i32>} : memref<80x64xf32, #tpu.memory_space<vmem>>, vector<16xf32>,
        %get3A_112 = arith.index_cast %rem3A_55 : i32 to index
        %get3A_113 = arith.index_cast %add3A_94 : i32 to index
        %get3A_114 = arith.constant 32 : index
        %get3A_115 = tpu.vector_load %arg10[%get3A_112, %get3A_113, %get3A_114] {strides = array<i32>} : memref<2x80x64xbf16, #tpu.memory_space<vmem>>, vector<32xbf16>,
        %bitcast3A_116 = vector.bitcast %get3A_115 : vector<32xbf16> to vector<16xi32>
        %shift_left3A_117 = arith.constant 16 : i32
        %shift_left3A_118 = vector.broadcast %shift_left3A_117 : i32 to vector<16xi32>
        %shift_left3A_119 = arith.shli %bitcast3A_116, %shift_left3A_118 : vector<16xi32>
        %bitcast3A_120 = vector.bitcast %shift_left3A_119 : vector<16xi32> to vector<16xf32>
        %and3A_121 = arith.constant -65536 : i32
        %and3A_122 = vector.broadcast %and3A_121 : i32 to vector<16xi32>
        %and3A_123 = arith.andi %bitcast3A_116, %and3A_122 : vector<16xi32>
        %bitcast3A_124 = vector.bitcast %and3A_123 : vector<16xi32> to vector<16xf32>
        %mul3A_125 = arith.mulf %bitcast3A_120, %broadcast_in_dim3A : vector<16xf32>
        %swap3A_126 = arith.index_cast %add3A_94 : i32 to index
        %swap3A_127 = arith.constant 32 : index
        %swap3A_128 = tpu.vector_load %arg11[%swap3A_126, %swap3A_127] {strides = array<i32>} : memref<80x64xf32, #tpu.memory_space<vmem>>, vector<16xf32>,
        tpu.vector_store %arg11[%swap3A_126, %swap3A_127], %mul3A_125 {strides = array<i32>} : memref<80x64xf32, #tpu.memory_space<vmem>>, vector<16xf32>,
        %mul3A_129 = arith.mulf %bitcast3A_124, %broadcast_in_dim3A : vector<16xf32>
        %swap3A_130 = arith.index_cast %add3A_94 : i32 to index
        %swap3A_131 = arith.constant 48 : index
        %swap3A_132 = tpu.vector_load %arg11[%swap3A_130, %swap3A_131] {strides = array<i32>} : memref<80x64xf32, #tpu.memory_space<vmem>>, vector<16xf32>,
        tpu.vector_store %arg11[%swap3A_130, %swap3A_131], %mul3A_129 {strides = array<i32>} : memref<80x64xf32, #tpu.memory_space<vmem>>, vector<16xf32>,
        %slice3A_133 = vector.extract_strided_slice %get3A_90 {offsets = [1], sizes = [1], strides = [1]} : vector<16xf32> to vector<1xf32>
        %squeeze3A_134 = vector.extract %slice3A_133[0] : f32 from vector<1xf32>
        %broadcast_in_dim3A_135 = vector.broadcast %squeeze3A_134 : f32 to vector<16xf32>
        %mul3A_136 = arith.constant 16 : i32
        %mul3A_137 = arith.muli %scan3A_83, %mul3A_136 : i32
        %add3A_138 = arith.constant 1 : i32
        %add3A_139 = arith.addi %mul3A_137, %add3A_138 : i32
        %get3A_140 = arith.index_cast %rem3A_55 : i32 to index
        %get3A_141 = arith.index_cast %add3A_139 : i32 to index
        %get3A_142 = arith.constant 0 : index
        %get3A_143 = tpu.vector_load %arg10[%get3A_140, %get3A_141, %get3A_142] {strides = array<i32>} : memref<2x80x64xbf16, #tpu.memory_space<vmem>>, vector<32xbf16>,
        %bitcast3A_144 = vector.bitcast %get3A_143 : vector<32xbf16> to vector<16xi32>
        %shift_left3A_145 = arith.constant 16 : i32
        %shift_left3A_146 = vector.broadcast %shift_left3A_145 : i32 to vector<16xi32>
        %shift_left3A_147 = arith.shli %bitcast3A_144, %shift_left3A_146 : vector<16xi32>
        %bitcast3A_148 = vector.bitcast %shift_left3A_147 : vector<16xi32> to vector<16xf32>
        %and3A_149 = arith.constant -65536 : i32
        %and3A_150 = vector.broadcast %and3A_149 : i32 to vector<16xi32>
        %and3A_151 = arith.andi %bitcast3A_144, %and3A_150 : vector<16xi32>
        %bitcast3A_152 = vector.bitcast %and3A_151 : vector<16xi32> to vector<16xf32>
        %mul3A_153 = arith.mulf %bitcast3A_148, %broadcast_in_dim3A_135 : vector<16xf32>
        %swap3A_154 = arith.index_cast %add3A_139 : i32 to index
        %swap3A_155 = arith.constant 0 : index
        %swap3A_156 = tpu.vector_load %arg11[%swap3A_154, %swap3A_155] {strides = array<i32>} : memref<80x64xf32, #tpu.memory_space<vmem>>, vector<16xf32>,
        tpu.vector_store %arg11[%swap3A_154, %swap3A_155], %mul3A_153 {strides = array<i32>} : memref<80x64xf32, #tpu.memory_space<vmem>>, vector<16xf32>,
        %mul3A_157 = arith.mulf %bitcast3A_152, %broadcast_in_dim3A_135 : vector<16xf32>
        %swap3A_158 = arith.index_cast %add3A_139 : i32 to index
        %swap3A_159 = arith.constant 16 : index
        %swap3A_160 = tpu.vector_load %arg11[%swap3A_158, %swap3A_159] {strides = array<i32>} : memref<80x64xf32, #tpu.memory_space<vmem>>, vector<16xf32>,
        tpu.vector_store %arg11[%swap3A_158, %swap3A_159], %mul3A_157 {strides = array<i32>} : memref<80x64xf32, #tpu.memory_space<vmem>>, vector<16xf32>,
        %get3A_161 = arith.index_cast %rem3A_55 : i32 to index
        %get3A_162 = arith.index_cast %add3A_139 : i32 to index
        %get3A_163 = arith.constant 32 : index
        %get3A_164 = tpu.vector_load %arg10[%get3A_161, %get3A_162, %get3A_163] {strides = array<i32>} : memref<2x80x64xbf16, #tpu.memory_space<vmem>>, vector<32xbf16>,
        %bitcast3A_165 = vector.bitcast %get3A_164 : vector<32xbf16> to vector<16xi32>
        %shift_left3A_166 = arith.constant 16 : i32
        %shift_left3A_167 = vector.broadcast %shift_left3A_166 : i32 to vector<16xi32>
        %shift_left3A_168 = arith.shli %bitcast3A_165, %shift_left3A_167 : vector<16xi32>
        %bitcast3A_169 = vector.bitcast %shift_left3A_168 : vector<16xi32> to vector<16xf32>
        %and3A_170 = arith.constant -65536 : i32
        %and3A_171 = vector.broadcast %and3A_170 : i32 to vector<16xi32>
        %and3A_172 = arith.andi %bitcast3A_165, %and3A_171 : vector<16xi32>
        %bitcast3A_173 = vector.bitcast %and3A_172 : vector<16xi32> to vector<16xf32>
        %mul3A_174 = arith.mulf %bitcast3A_169, %broadcast_in_dim3A_135 : vector<16xf32>
        %swap3A_175 = arith.index_cast %add3A_139 : i32 to index
        %swap3A_176 = arith.constant 32 : index
        %swap3A_177 = tpu.vector_load %arg11[%swap3A_175, %swap3A_176] {strides = array<i32>} : memref<80x64xf32, #tpu.memory_space<vmem>>, vector<16xf32>,
        tpu.vector_store %arg11[%swap3A_175, %swap3A_176], %mul3A_174 {strides = array<i32>} : memref<80x64xf32, #tpu.memory_space<vmem>>, vector<16xf32>,
        %mul3A_178 = arith.mulf %bitcast3A_173, %broadcast_in_dim3A_135 : vector<16xf32>
        %swap3A_179 = arith.index_cast %add3A_139 : i32 to index
        %swap3A_180 = arith.constant 48 : index
        %swap3A_181 = tpu.vector_load %arg11[%swap3A_179, %swap3A_180] {strides = array<i32>} : memref<80x64xf32, #tpu.memory_space<vmem>>, vector<16xf32>,
        tpu.vector_store %arg11[%swap3A_179, %swap3A_180], %mul3A_178 {strides = array<i32>} : memref<80x64xf32, #tpu.memory_space<vmem>>, vector<16xf32>,
        %slice3A_182 = vector.extract_strided_slice %get3A_90 {offsets = [2], sizes = [1], strides = [1]} : vector<16xf32> to vector<1xf32>
        %squeeze3A_183 = vector.extract %slice3A_182[0] : f32 from vector<1xf32>
        %broadcast_in_dim3A_184 = vector.broadcast %squeeze3A_183 : f32 to vector<16xf32>
        %mul3A_185 = arith.constant 16 : i32
        %mul3A_186 = arith.muli %scan3A_83, %mul3A_185 : i32
        %add3A_187 = arith.constant 2 : i32
        %add3A_188 = arith.addi %mul3A_186, %add3A_187 : i32
        %get3A_189 = arith.index_cast %rem3A_55 : i32 to index
        %get3A_190 = arith.index_cast %add3A_188 : i32 to index
        %get3A_191 = arith.constant 0 : index
        %get3A_192 = tpu.vector_load %arg10[%get3A_189, %get3A_190, %get3A_191] {strides = array<i32>} : memref<2x80x64xbf16, #tpu.memory_space<vmem>>, vector<32xbf16>,
        %bitcast3A_193 = vector.bitcast %get3A_192 : vector<32xbf16> to vector<16xi32>
        %shift_left3A_194 = arith.constant 16 : i32
        %shift_left3A_195 = vector.broadcast %shift_left3A_194 : i32 to vector<16xi32>
        %shift_left3A_196 = arith.shli %bitcast3A_193, %shift_left3A_195 : vector<16xi32>
        %bitcast3A_197 = vector.bitcast %shift_left3A_196 : vector<16xi32> to vector<16xf32>
        %and3A_198 = arith.constant -65536 : i32
        %and3A_199 = vector.broadcast %and3A_198 : i32 to vector<16xi32>
        %and3A_200 = arith.andi %bitcast3A_193, %and3A_199 : vector<16xi32>
        %bitcast3A_201 = vector.bitcast %and3A_200 : vector<16xi32> to vector<16xf32>
        %mul3A_202 = arith.mulf %bitcast3A_197, %broadcast_in_dim3A_184 : vector<16xf32>
        %swap3A_203 = arith.index_cast %add3A_188 : i32 to index
        %swap3A_204 = arith.constant 0 : index
        %swap3A_205 = tpu.vector_load %arg11[%swap3A_203, %swap3A_204] {strides = array<i32>} : memref<80x64xf32, #tpu.memory_space<vmem>>, vector<16xf32>,
        tpu.vector_store %arg11[%swap3A_203, %swap3A_204], %mul3A_202 {strides = array<i32>} : memref<80x64xf32, #tpu.memory_space<vmem>>, vector<16xf32>,
        %mul3A_206 = arith.mulf %bitcast3A_201, %broadcast_in_dim3A_184 : vector<16xf32>
        %swap3A_207 = arith.index_cast %add3A_188 : i32 to index
        %swap3A_208 = arith.constant 16 : index
        %swap3A_209 = tpu.vector_load %arg11[%swap3A_207, %swap3A_208] {strides = array<i32>} : memref<80x64xf32, #tpu.memory_space<vmem>>, vector<16xf32>,
        tpu.vector_store %arg11[%swap3A_207, %swap3A_208], %mul3A_206 {strides = array<i32>} : memref<80x64xf32, #tpu.memory_space<vmem>>, vector<16xf32>,
        %get3A_210 = arith.index_cast %rem3A_55 : i32 to index
        %get3A_211 = arith.index_cast %add3A_188 : i32 to index
        %get3A_212 = arith.constant 32 : index
        %get3A_213 = tpu.vector_load %arg10[%get3A_210, %get3A_211, %get3A_212] {strides = array<i32>} : memref<2x80x64xbf16, #tpu.memory_space<vmem>>, vector<32xbf16>,
        %bitcast3A_214 = vector.bitcast %get3A_213 : vector<32xbf16> to vector<16xi32>
        %shift_left3A_215 = arith.constant 16 : i32
        %shift_left3A_216 = vector.broadcast %shift_left3A_215 : i32 to vector<16xi32>
        %shift_left3A_217 = arith.shli %bitcast3A_214, %shift_left3A_216 : vector<16xi32>
        %bitcast3A_218 = vector.bitcast %shift_left3A_217 : vector<16xi32> to vector<16xf32>
        %and3A_219 = arith.constant -65536 : i32
        %and3A_220 = vector.broadcast %and3A_219 : i32 to vector<16xi32>
        %and3A_221 = arith.andi %bitcast3A_214, %and3A_220 : vector<16xi32>
        %bitcast3A_222 = vector.bitcast %and3A_221 : vector<16xi32> to vector<16xf32>
        %mul3A_223 = arith.mulf %bitcast3A_218, %broadcast_in_dim3A_184 : vector<16xf32>
        %swap3A_224 = arith.index_cast %add3A_188 : i32 to index
        %swap3A_225 = arith.constant 32 : index
        %swap3A_226 = tpu.vector_load %arg11[%swap3A_224, %swap3A_225] {strides = array<i32>} : memref<80x64xf32, #tpu.memory_space<vmem>>, vector<16xf32>,
        tpu.vector_store %arg11[%swap3A_224, %swap3A_225], %mul3A_223 {strides = array<i32>} : memref<80x64xf32, #tpu.memory_space<vmem>>, vector<16xf32>,
        %mul3A_227 = arith.mulf %bitcast3A_222, %broadcast_in_dim3A_184 : vector<16xf32>
        %swap3A_228 = arith.index_cast %add3A_188 : i32 to index
        %swap3A_229 = arith.constant 48 : index
        %swap3A_230 = tpu.vector_load %arg11[%swap3A_228, %swap3A_229] {strides = array<i32>} : memref<80x64xf32, #tpu.memory_space<vmem>>, vector<16xf32>,
        tpu.vector_store %arg11[%swap3A_228, %swap3A_229], %mul3A_227 {strides = array<i32>} : memref<80x64xf32, #tpu.memory_space<vmem>>, vector<16xf32>,
        %slice3A_231 = vector.extract_strided_slice %get3A_90 {offsets = [3], sizes = [1], strides = [1]} : vector<16xf32> to vector<1xf32>
        %squeeze3A_232 = vector.extract %slice3A_231[0] : f32 from vector<1xf32>
        %broadcast_in_dim3A_233 = vector.broadcast %squeeze3A_232 : f32 to vector<16xf32>
        %mul3A_234 = arith.constant 16 : i32
        %mul3A_235 = arith.muli %scan3A_83, %mul3A_234 : i32
        %add3A_236 = arith.constant 3 : i32
        %add3A_237 = arith.addi %mul3A_235, %add3A_236 : i32
        %get3A_238 = arith.index_cast %rem3A_55 : i32 to index
        %get3A_239 = arith.index_cast %add3A_237 : i32 to index
        %get3A_240 = arith.constant 0 : index
        %get3A_241 = tpu.vector_load %arg10[%get3A_238, %get3A_239, %get3A_240] {strides = array<i32>} : memref<2x80x64xbf16, #tpu.memory_space<vmem>>, vector<32xbf16>,
        %bitcast3A_242 = vector.bitcast %get3A_241 : vector<32xbf16> to vector<16xi32>
        %shift_left3A_243 = arith.constant 16 : i32
        %shift_left3A_244 = vector.broadcast %shift_left3A_243 : i32 to vector<16xi32>
        %shift_left3A_245 = arith.shli %bitcast3A_242, %shift_left3A_244 : vector<16xi32>
        %bitcast3A_246 = vector.bitcast %shift_left3A_245 : vector<16xi32> to vector<16xf32>
        %and3A_247 = arith.constant -65536 : i32
        %and3A_248 = vector.broadcast %and3A_247 : i32 to vector<16xi32>
        %and3A_249 = arith.andi %bitcast3A_242, %and3A_248 : vector<16xi32>
        %bitcast3A_250 = vector.bitcast %and3A_249 : vector<16xi32> to vector<16xf32>
        %mul3A_251 = arith.mulf %bitcast3A_246, %broadcast_in_dim3A_233 : vector<16xf32>
        %swap3A_252 = arith.index_cast %add3A_237 : i32 to index
        %swap3A_253 = arith.constant 0 : index
        %swap3A_254 = tpu.vector_load %arg11[%swap3A_252, %swap3A_253] {strides = array<i32>} : memref<80x64xf32, #tpu.memory_space<vmem>>, vector<16xf32>,
        tpu.vector_store %arg11[%swap3A_252, %swap3A_253], %mul3A_251 {strides = array<i32>} : memref<80x64xf32, #tpu.memory_space<vmem>>, vector<16xf32>,
        %mul3A_255 = arith.mulf %bitcast3A_250, %broadcast_in_dim3A_233 : vector<16xf32>
        %swap3A_256 = arith.index_cast %add3A_237 : i32 to index
        %swap3A_257 = arith.constant 16 : index
        %swap3A_258 = tpu.vector_load %arg11[%swap3A_256, %swap3A_257] {strides = array<i32>} : memref<80x64xf32, #tpu.memory_space<vmem>>, vector<16xf32>,
        tpu.vector_store %arg11[%swap3A_256, %swap3A_257], %mul3A_255 {strides = array<i32>} : memref<80x64xf32, #tpu.memory_space<vmem>>, vector<16xf32>,
        %get3A_259 = arith.index_cast %rem3A_55 : i32 to index
        %get3A_260 = arith.index_cast %add3A_237 : i32 to index
        %get3A_261 = arith.constant 32 : index
        %get3A_262 = tpu.vector_load %arg10[%get3A_259, %get3A_260, %get3A_261] {strides = array<i32>} : memref<2x80x64xbf16, #tpu.memory_space<vmem>>, vector<32xbf16>,
        %bitcast3A_263 = vector.bitcast %get3A_262 : vector<32xbf16> to vector<16xi32>
        %shift_left3A_264 = arith.constant 16 : i32
        %shift_left3A_265 = vector.broadcast %shift_left3A_264 : i32 to vector<16xi32>
        %shift_left3A_266 = arith.shli %bitcast3A_263, %shift_left3A_265 : vector<16xi32>
        %bitcast3A_267 = vector.bitcast %shift_left3A_266 : vector<16xi32> to vector<16xf32>
        %and3A_268 = arith.constant -65536 : i32
        %and3A_269 = vector.broadcast %and3A_268 : i32 to vector<16xi32>
        %and3A_270 = arith.andi %bitcast3A_263, %and3A_269 : vector<16xi32>
        %bitcast3A_271 = vector.bitcast %and3A_270 : vector<16xi32> to vector<16xf32>
        %mul3A_272 = arith.mulf %bitcast3A_267, %broadcast_in_dim3A_233 : vector<16xf32>
        %swap3A_273 = arith.index_cast %add3A_237 : i32 to index
        %swap3A_274 = arith.constant 32 : index
        %swap3A_275 = tpu.vector_load %arg11[%swap3A_273, %swap3A_274] {strides = array<i32>} : memref<80x64xf32, #tpu.memory_space<vmem>>, vector<16xf32>,
        tpu.vector_store %arg11[%swap3A_273, %swap3A_274], %mul3A_272 {strides = array<i32>} : memref<80x64xf32, #tpu.memory_space<vmem>>, vector<16xf32>,
        %mul3A_276 = arith.mulf %bitcast3A_271, %broadcast_in_dim3A_233 : vector<16xf32>
        %swap3A_277 = arith.index_cast %add3A_237 : i32 to index
        %swap3A_278 = arith.constant 48 : index
        %swap3A_279 = tpu.vector_load %arg11[%swap3A_277, %swap3A_278] {strides = array<i32>} : memref<80x64xf32, #tpu.memory_space<vmem>>, vector<16xf32>,
        tpu.vector_store %arg11[%swap3A_277, %swap3A_278], %mul3A_276 {strides = array<i32>} : memref<80x64xf32, #tpu.memory_space<vmem>>, vector<16xf32>,
        %slice3A_280 = vector.extract_strided_slice %get3A_90 {offsets = [4], sizes = [1], strides = [1]} : vector<16xf32> to vector<1xf32>
        %squeeze3A_281 = vector.extract %slice3A_280[0] : f32 from vector<1xf32>
        %broadcast_in_dim3A_282 = vector.broadcast %squeeze3A_281 : f32 to vector<16xf32>
        %mul3A_283 = arith.constant 16 : i32
        %mul3A_284 = arith.muli %scan3A_83, %mul3A_283 : i32
        %add3A_285 = arith.constant 4 : i32
        %add3A_286 = arith.addi %mul3A_284, %add3A_285 : i32
        %get3A_287 = arith.index_cast %rem3A_55 : i32 to index
        %get3A_288 = arith.index_cast %add3A_286 : i32 to index
        %get3A_289 = arith.constant 0 : index
        %get3A_290 = tpu.vector_load %arg10[%get3A_287, %get3A_288, %get3A_289] {strides = array<i32>} : memref<2x80x64xbf16, #tpu.memory_space<vmem>>, vector<32xbf16>,
        %bitcast3A_291 = vector.bitcast %get3A_290 : vector<32xbf16> to vector<16xi32>
        %shift_left3A_292 = arith.constant 16 : i32
        %shift_left3A_293 = vector.broadcast %shift_left3A_292 : i32 to vector<16xi32>
        %shift_left3A_294 = arith.shli %bitcast3A_291, %shift_left3A_293 : vector<16xi32>
        %bitcast3A_295 = vector.bitcast %shift_left3A_294 : vector<16xi32> to vector<16xf32>
        %and3A_296 = arith.constant -65536 : i32
        %and3A_297 = vector.broadcast %and3A_296 : i32 to vector<16xi32>
        %and3A_298 = arith.andi %bitcast3A_291, %and3A_297 : vector<16xi32>
        %bitcast3A_299 = vector.bitcast %and3A_298 : vector<16xi32> to vector<16xf32>
        %mul3A_300 = arith.mulf %bitcast3A_295, %broadcast_in_dim3A_282 : vector<16xf32>
        %swap3A_301 = arith.index_cast %add3A_286 : i32 to index
        %swap3A_302 = arith.constant 0 : index
        %swap3A_303 = tpu.vector_load %arg11[%swap3A_301, %swap3A_302] {strides = array<i32>} : memref<80x64xf32, #tpu.memory_space<vmem>>, vector<16xf32>,
        tpu.vector_store %arg11[%swap3A_301, %swap3A_302], %mul3A_300 {strides = array<i32>} : memref<80x64xf32, #tpu.memory_space<vmem>>, vector<16xf32>,
        %mul3A_304 = arith.mulf %bitcast3A_299, %broadcast_in_dim3A_282 : vector<16xf32>
        %swap3A_305 = arith.index_cast %add3A_286 : i32 to index
        %swap3A_306 = arith.constant 16 : index
        %swap3A_307 = tpu.vector_load %arg11[%swap3A_305, %swap3A_306] {strides = array<i32>} : memref<80x64xf32, #tpu.memory_space<vmem>>, vector<16xf32>,
        tpu.vector_store %arg11[%swap3A_305, %swap3A_306], %mul3A_304 {strides = array<i32>} : memref<80x64xf32, #tpu.memory_space<vmem>>, vector<16xf32>,
        %get3A_308 = arith.index_cast %rem3A_55 : i32 to index
        %get3A_309 = arith.index_cast %add3A_286 : i32 to index
        %get3A_310 = arith.constant 32 : index
        %get3A_311 = tpu.vector_load %arg10[%get3A_308, %get3A_309, %get3A_310] {strides = array<i32>} : memref<2x80x64xbf16, #tpu.memory_space<vmem>>, vector<32xbf16>,
        %bitcast3A_312 = vector.bitcast %get3A_311 : vector<32xbf16> to vector<16xi32>
        %shift_left3A_313 = arith.constant 16 : i32
        %shift_left3A_314 = vector.broadcast %shift_left3A_313 : i32 to vector<16xi32>
        %shift_left3A_315 = arith.shli %bitcast3A_312, %shift_left3A_314 : vector<16xi32>
        %bitcast3A_316 = vector.bitcast %shift_left3A_315 : vector<16xi32> to vector<16xf32>
        %and3A_317 = arith.constant -65536 : i32
        %and3A_318 = vector.broadcast %and3A_317 : i32 to vector<16xi32>
        %and3A_319 = arith.andi %bitcast3A_312, %and3A_318 : vector<16xi32>
        %bitcast3A_320 = vector.bitcast %and3A_319 : vector<16xi32> to vector<16xf32>
        %mul3A_321 = arith.mulf %bitcast3A_316, %broadcast_in_dim3A_282 : vector<16xf32>
        %swap3A_322 = arith.index_cast %add3A_286 : i32 to index
        %swap3A_323 = arith.constant 32 : index
        %swap3A_324 = tpu.vector_load %arg11[%swap3A_322, %swap3A_323] {strides = array<i32>} : memref<80x64xf32, #tpu.memory_space<vmem>>, vector<16xf32>,
        tpu.vector_store %arg11[%swap3A_322, %swap3A_323], %mul3A_321 {strides = array<i32>} : memref<80x64xf32, #tpu.memory_space<vmem>>, vector<16xf32>,
        %mul3A_325 = arith.mulf %bitcast3A_320, %broadcast_in_dim3A_282 : vector<16xf32>
        %swap3A_326 = arith.index_cast %add3A_286 : i32 to index
        %swap3A_327 = arith.constant 48 : index
        %swap3A_328 = tpu.vector_load %arg11[%swap3A_326, %swap3A_327] {strides = array<i32>} : memref<80x64xf32, #tpu.memory_space<vmem>>, vector<16xf32>,
        tpu.vector_store %arg11[%swap3A_326, %swap3A_327], %mul3A_325 {strides = array<i32>} : memref<80x64xf32, #tpu.memory_space<vmem>>, vector<16xf32>,
        %slice3A_329 = vector.extract_strided_slice %get3A_90 {offsets = [5], sizes = [1], strides = [1]} : vector<16xf32> to vector<1xf32>
        %squeeze3A_330 = vector.extract %slice3A_329[0] : f32 from vector<1xf32>
        %broadcast_in_dim3A_331 = vector.broadcast %squeeze3A_330 : f32 to vector<16xf32>
        %mul3A_332 = arith.constant 16 : i32
        %mul3A_333 = arith.muli %scan3A_83, %mul3A_332 : i32
        %add3A_334 = arith.constant 5 : i32
        %add3A_335 = arith.addi %mul3A_333, %add3A_334 : i32
        %get3A_336 = arith.index_cast %rem3A_55 : i32 to index
        %get3A_337 = arith.index_cast %add3A_335 : i32 to index
        %get3A_338 = arith.constant 0 : index
        %get3A_339 = tpu.vector_load %arg10[%get3A_336, %get3A_337, %get3A_338] {strides = array<i32>} : memref<2x80x64xbf16, #tpu.memory_space<vmem>>, vector<32xbf16>,
        %bitcast3A_340 = vector.bitcast %get3A_339 : vector<32xbf16> to vector<16xi32>
        %shift_left3A_341 = arith.constant 16 : i32
        %shift_left3A_342 = vector.broadcast %shift_left3A_341 : i32 to vector<16xi32>
        %shift_left3A_343 = arith.shli %bitcast3A_340, %shift_left3A_342 : vector<16xi32>
        %bitcast3A_344 = vector.bitcast %shift_left3A_343 : vector<16xi32> to vector<16xf32>
        %and3A_345 = arith.constant -65536 : i32
        %and3A_346 = vector.broadcast %and3A_345 : i32 to vector<16xi32>
        %and3A_347 = arith.andi %bitcast3A_340, %and3A_346 : vector<16xi32>
        %bitcast3A_348 = vector.bitcast %and3A_347 : vector<16xi32> to vector<16xf32>
        %mul3A_349 = arith.mulf %bitcast3A_344, %broadcast_in_dim3A_331 : vector<16xf32>
        %swap3A_350 = arith.index_cast %add3A_335 : i32 to index
        %swap3A_351 = arith.constant 0 : index
        %swap3A_352 = tpu.vector_load %arg11[%swap3A_350, %swap3A_351] {strides = array<i32>} : memref<80x64xf32, #tpu.memory_space<vmem>>, vector<16xf32>,
        tpu.vector_store %arg11[%swap3A_350, %swap3A_351], %mul3A_349 {strides = array<i32>} : memref<80x64xf32, #tpu.memory_space<vmem>>, vector<16xf32>,
        %mul3A_353 = arith.mulf %bitcast3A_348, %broadcast_in_dim3A_331 : vector<16xf32>
        %swap3A_354 = arith.index_cast %add3A_335 : i32 to index
        %swap3A_355 = arith.constant 16 : index
        %swap3A_356 = tpu.vector_load %arg11[%swap3A_354, %swap3A_355] {strides = array<i32>} : memref<80x64xf32, #tpu.memory_space<vmem>>, vector<16xf32>,
        tpu.vector_store %arg11[%swap3A_354, %swap3A_355], %mul3A_353 {strides = array<i32>} : memref<80x64xf32, #tpu.memory_space<vmem>>, vector<16xf32>,
        %get3A_357 = arith.index_cast %rem3A_55 : i32 to index
        %get3A_358 = arith.index_cast %add3A_335 : i32 to index
        %get3A_359 = arith.constant 32 : index
        %get3A_360 = tpu.vector_load %arg10[%get3A_357, %get3A_358, %get3A_359] {strides = array<i32>} : memref<2x80x64xbf16, #tpu.memory_space<vmem>>, vector<32xbf16>,
        %bitcast3A_361 = vector.bitcast %get3A_360 : vector<32xbf16> to vector<16xi32>
        %shift_left3A_362 = arith.constant 16 : i32
        %shift_left3A_363 = vector.broadcast %shift_left3A_362 : i32 to vector<16xi32>
        %shift_left3A_364 = arith.shli %bitcast3A_361, %shift_left3A_363 : vector<16xi32>
        %bitcast3A_365 = vector.bitcast %shift_left3A_364 : vector<16xi32> to vector<16xf32>
        %and3A_366 = arith.constant -65536 : i32
        %and3A_367 = vector.broadcast %and3A_366 : i32 to vector<16xi32>
        %and3A_368 = arith.andi %bitcast3A_361, %and3A_367 : vector<16xi32>
        %bitcast3A_369 = vector.bitcast %and3A_368 : vector<16xi32> to vector<16xf32>
        %mul3A_370 = arith.mulf %bitcast3A_365, %broadcast_in_dim3A_331 : vector<16xf32>
        %swap3A_371 = arith.index_cast %add3A_335 : i32 to index
        %swap3A_372 = arith.constant 32 : index
        %swap3A_373 = tpu.vector_load %arg11[%swap3A_371, %swap3A_372] {strides = array<i32>} : memref<80x64xf32, #tpu.memory_space<vmem>>, vector<16xf32>,
        tpu.vector_store %arg11[%swap3A_371, %swap3A_372], %mul3A_370 {strides = array<i32>} : memref<80x64xf32, #tpu.memory_space<vmem>>, vector<16xf32>,
        %mul3A_374 = arith.mulf %bitcast3A_369, %broadcast_in_dim3A_331 : vector<16xf32>
        %swap3A_375 = arith.index_cast %add3A_335 : i32 to index
        %swap3A_376 = arith.constant 48 : index
        %swap3A_377 = tpu.vector_load %arg11[%swap3A_375, %swap3A_376] {strides = array<i32>} : memref<80x64xf32, #tpu.memory_space<vmem>>, vector<16xf32>,
        tpu.vector_store %arg11[%swap3A_375, %swap3A_376], %mul3A_374 {strides = array<i32>} : memref<80x64xf32, #tpu.memory_space<vmem>>, vector<16xf32>,
        %slice3A_378 = vector.extract_strided_slice %get3A_90 {offsets = [6], sizes = [1], strides = [1]} : vector<16xf32> to vector<1xf32>
        %squeeze3A_379 = vector.extract %slice3A_378[0] : f32 from vector<1xf32>
        %broadcast_in_dim3A_380 = vector.broadcast %squeeze3A_379 : f32 to vector<16xf32>
        %mul3A_381 = arith.constant 16 : i32
        %mul3A_382 = arith.muli %scan3A_83, %mul3A_381 : i32
        %add3A_383 = arith.constant 6 : i32
        %add3A_384 = arith.addi %mul3A_382, %add3A_383 : i32
        %get3A_385 = arith.index_cast %rem3A_55 : i32 to index
        %get3A_386 = arith.index_cast %add3A_384 : i32 to index
        %get3A_387 = arith.constant 0 : index
        %get3A_388 = tpu.vector_load %arg10[%get3A_385, %get3A_386, %get3A_387] {strides = array<i32>} : memref<2x80x64xbf16, #tpu.memory_space<vmem>>, vector<32xbf16>,
        %bitcast3A_389 = vector.bitcast %get3A_388 : vector<32xbf16> to vector<16xi32>
        %shift_left3A_390 = arith.constant 16 : i32
        %shift_left3A_391 = vector.broadcast %shift_left3A_390 : i32 to vector<16xi32>
        %shift_left3A_392 = arith.shli %bitcast3A_389, %shift_left3A_391 : vector<16xi32>
        %bitcast3A_393 = vector.bitcast %shift_left3A_392 : vector<16xi32> to vector<16xf32>
        %and3A_394 = arith.constant -65536 : i32
        %and3A_395 = vector.broadcast %and3A_394 : i32 to vector<16xi32>
        %and3A_396 = arith.andi %bitcast3A_389, %and3A_395 : vector<16xi32>
        %bitcast3A_397 = vector.bitcast %and3A_396 : vector<16xi32> to vector<16xf32>
        %mul3A_398 = arith.mulf %bitcast3A_393, %broadcast_in_dim3A_380 : vector<16xf32>
        %swap3A_399 = arith.index_cast %add3A_384 : i32 to index
        %swap3A_400 = arith.constant 0 : index
        %swap3A_401 = tpu.vector_load %arg11[%swap3A_399, %swap3A_400] {strides = array<i32>} : memref<80x64xf32, #tpu.memory_space<vmem>>, vector<16xf32>,
        tpu.vector_store %arg11[%swap3A_399, %swap3A_400], %mul3A_398 {strides = array<i32>} : memref<80x64xf32, #tpu.memory_space<vmem>>, vector<16xf32>,
        %mul3A_402 = arith.mulf %bitcast3A_397, %broadcast_in_dim3A_380 : vector<16xf32>
        %swap3A_403 = arith.index_cast %add3A_384 : i32 to index
        %swap3A_404 = arith.constant 16 : index
        %swap3A_405 = tpu.vector_load %arg11[%swap3A_403, %swap3A_404] {strides = array<i32>} : memref<80x64xf32, #tpu.memory_space<vmem>>, vector<16xf32>,
        tpu.vector_store %arg11[%swap3A_403, %swap3A_404], %mul3A_402 {strides = array<i32>} : memref<80x64xf32, #tpu.memory_space<vmem>>, vector<16xf32>,
        %get3A_406 = arith.index_cast %rem3A_55 : i32 to index
        %get3A_407 = arith.index_cast %add3A_384 : i32 to index
        %get3A_408 = arith.constant 32 : index
        %get3A_409 = tpu.vector_load %arg10[%get3A_406, %get3A_407, %get3A_408] {strides = array<i32>} : memref<2x80x64xbf16, #tpu.memory_space<vmem>>, vector<32xbf16>,
        %bitcast3A_410 = vector.bitcast %get3A_409 : vector<32xbf16> to vector<16xi32>
        %shift_left3A_411 = arith.constant 16 : i32
        %shift_left3A_412 = vector.broadcast %shift_left3A_411 : i32 to vector<16xi32>
        %shift_left3A_413 = arith.shli %bitcast3A_410, %shift_left3A_412 : vector<16xi32>
        %bitcast3A_414 = vector.bitcast %shift_left3A_413 : vector<16xi32> to vector<16xf32>
        %and3A_415 = arith.constant -65536 : i32
        %and3A_416 = vector.broadcast %and3A_415 : i32 to vector<16xi32>
        %and3A_417 = arith.andi %bitcast3A_410, %and3A_416 : vector<16xi32>
        %bitcast3A_418 = vector.bitcast %and3A_417 : vector<16xi32> to vector<16xf32>
        %mul3A_419 = arith.mulf %bitcast3A_414, %broadcast_in_dim3A_380 : vector<16xf32>
        %swap3A_420 = arith.index_cast %add3A_384 : i32 to index
        %swap3A_421 = arith.constant 32 : index
        %swap3A_422 = tpu.vector_load %arg11[%swap3A_420, %swap3A_421] {strides = array<i32>} : memref<80x64xf32, #tpu.memory_space<vmem>>, vector<16xf32>,
        tpu.vector_store %arg11[%swap3A_420, %swap3A_421], %mul3A_419 {strides = array<i32>} : memref<80x64xf32, #tpu.memory_space<vmem>>, vector<16xf32>,
        %mul3A_423 = arith.mulf %bitcast3A_418, %broadcast_in_dim3A_380 : vector<16xf32>
        %swap3A_424 = arith.index_cast %add3A_384 : i32 to index
        %swap3A_425 = arith.constant 48 : index
        %swap3A_426 = tpu.vector_load %arg11[%swap3A_424, %swap3A_425] {strides = array<i32>} : memref<80x64xf32, #tpu.memory_space<vmem>>, vector<16xf32>,
        tpu.vector_store %arg11[%swap3A_424, %swap3A_425], %mul3A_423 {strides = array<i32>} : memref<80x64xf32, #tpu.memory_space<vmem>>, vector<16xf32>,
        %slice3A_427 = vector.extract_strided_slice %get3A_90 {offsets = [7], sizes = [1], strides = [1]} : vector<16xf32> to vector<1xf32>
        %squeeze3A_428 = vector.extract %slice3A_427[0] : f32 from vector<1xf32>
        %broadcast_in_dim3A_429 = vector.broadcast %squeeze3A_428 : f32 to vector<16xf32>
        %mul3A_430 = arith.constant 16 : i32
        %mul3A_431 = arith.muli %scan3A_83, %mul3A_430 : i32
        %add3A_432 = arith.constant 7 : i32
        %add3A_433 = arith.addi %mul3A_431, %add3A_432 : i32
        %get3A_434 = arith.index_cast %rem3A_55 : i32 to index
        %get3A_435 = arith.index_cast %add3A_433 : i32 to index
        %get3A_436 = arith.constant 0 : index
        %get3A_437 = tpu.vector_load %arg10[%get3A_434, %get3A_435, %get3A_436] {strides = array<i32>} : memref<2x80x64xbf16, #tpu.memory_space<vmem>>, vector<32xbf16>,
        %bitcast3A_438 = vector.bitcast %get3A_437 : vector<32xbf16> to vector<16xi32>
        %shift_left3A_439 = arith.constant 16 : i32
        %shift_left3A_440 = vector.broadcast %shift_left3A_439 : i32 to vector<16xi32>
        %shift_left3A_441 = arith.shli %bitcast3A_438, %shift_left3A_440 : vector<16xi32>
        %bitcast3A_442 = vector.bitcast %shift_left3A_441 : vector<16xi32> to vector<16xf32>
        %and3A_443 = arith.constant -65536 : i32
        %and3A_444 = vector.broadcast %and3A_443 : i32 to vector<16xi32>
        %and3A_445 = arith.andi %bitcast3A_438, %and3A_444 : vector<16xi32>
        %bitcast3A_446 = vector.bitcast %and3A_445 : vector<16xi32> to vector<16xf32>
        %mul3A_447 = arith.mulf %bitcast3A_442, %broadcast_in_dim3A_429 : vector<16xf32>
        %swap3A_448 = arith.index_cast %add3A_433 : i32 to index
        %swap3A_449 = arith.constant 0 : index
        %swap3A_450 = tpu.vector_load %arg11[%swap3A_448, %swap3A_449] {strides = array<i32>} : memref<80x64xf32, #tpu.memory_space<vmem>>, vector<16xf32>,
        tpu.vector_store %arg11[%swap3A_448, %swap3A_449], %mul3A_447 {strides = array<i32>} : memref<80x64xf32, #tpu.memory_space<vmem>>, vector<16xf32>,
        %mul3A_451 = arith.mulf %bitcast3A_446, %broadcast_in_dim3A_429 : vector<16xf32>
        %swap3A_452 = arith.index_cast %add3A_433 : i32 to index
        %swap3A_453 = arith.constant 16 : index
        %swap3A_454 = tpu.vector_load %arg11[%swap3A_452, %swap3A_453] {strides = array<i32>} : memref<80x64xf32, #tpu.memory_space<vmem>>, vector<16xf32>,
        tpu.vector_store %arg11[%swap3A_452, %swap3A_453], %mul3A_451 {strides = array<i32>} : memref<80x64xf32, #tpu.memory_space<vmem>>, vector<16xf32>,
        %get3A_455 = arith.index_cast %rem3A_55 : i32 to index
        %get3A_456 = arith.index_cast %add3A_433 : i32 to index
        %get3A_457 = arith.constant 32 : index
        %get3A_458 = tpu.vector_load %arg10[%get3A_455, %get3A_456, %get3A_457] {strides = array<i32>} : memref<2x80x64xbf16, #tpu.memory_space<vmem>>, vector<32xbf16>,
        %bitcast3A_459 = vector.bitcast %get3A_458 : vector<32xbf16> to vector<16xi32>
        %shift_left3A_460 = arith.constant 16 : i32
        %shift_left3A_461 = vector.broadcast %shift_left3A_460 : i32 to vector<16xi32>
        %shift_left3A_462 = arith.shli %bitcast3A_459, %shift_left3A_461 : vector<16xi32>
        %bitcast3A_463 = vector.bitcast %shift_left3A_462 : vector<16xi32> to vector<16xf32>
        %and3A_464 = arith.constant -65536 : i32
        %and3A_465 = vector.broadcast %and3A_464 : i32 to vector<16xi32>
        %and3A_466 = arith.andi %bitcast3A_459, %and3A_465 : vector<16xi32>
        %bitcast3A_467 = vector.bitcast %and3A_466 : vector<16xi32> to vector<16xf32>
        %mul3A_468 = arith.mulf %bitcast3A_463, %broadcast_in_dim3A_429 : vector<16xf32>
        %swap3A_469 = arith.index_cast %add3A_433 : i32 to index
        %swap3A_470 = arith.constant 32 : index
        %swap3A_471 = tpu.vector_load %arg11[%swap3A_469, %swap3A_470] {strides = array<i32>} : memref<80x64xf32, #tpu.memory_space<vmem>>, vector<16xf32>,
        tpu.vector_store %arg11[%swap3A_469, %swap3A_470], %mul3A_468 {strides = array<i32>} : memref<80x64xf32, #tpu.memory_space<vmem>>, vector<16xf32>,
        %mul3A_472 = arith.mulf %bitcast3A_467, %broadcast_in_dim3A_429 : vector<16xf32>
        %swap3A_473 = arith.index_cast %add3A_433 : i32 to index
        %swap3A_474 = arith.constant 48 : index
        %swap3A_475 = tpu.vector_load %arg11[%swap3A_473, %swap3A_474] {strides = array<i32>} : memref<80x64xf32, #tpu.memory_space<vmem>>, vector<16xf32>,
        tpu.vector_store %arg11[%swap3A_473, %swap3A_474], %mul3A_472 {strides = array<i32>} : memref<80x64xf32, #tpu.memory_space<vmem>>, vector<16xf32>,
        %slice3A_476 = vector.extract_strided_slice %get3A_90 {offsets = [8], sizes = [1], strides = [1]} : vector<16xf32> to vector<1xf32>
        %squeeze3A_477 = vector.extract %slice3A_476[0] : f32 from vector<1xf32>
        %broadcast_in_dim3A_478 = vector.broadcast %squeeze3A_477 : f32 to vector<16xf32>
        %mul3A_479 = arith.constant 16 : i32
        %mul3A_480 = arith.muli %scan3A_83, %mul3A_479 : i32
        %add3A_481 = arith.constant 8 : i32
        %add3A_482 = arith.addi %mul3A_480, %add3A_481 : i32
        %get3A_483 = arith.index_cast %rem3A_55 : i32 to index
        %get3A_484 = arith.index_cast %add3A_482 : i32 to index
        %get3A_485 = arith.constant 0 : index
        %get3A_486 = tpu.vector_load %arg10[%get3A_483, %get3A_484, %get3A_485] {strides = array<i32>} : memref<2x80x64xbf16, #tpu.memory_space<vmem>>, vector<32xbf16>,
        %bitcast3A_487 = vector.bitcast %get3A_486 : vector<32xbf16> to vector<16xi32>
        %shift_left3A_488 = arith.constant 16 : i32
        %shift_left3A_489 = vector.broadcast %shift_left3A_488 : i32 to vector<16xi32>
        %shift_left3A_490 = arith.shli %bitcast3A_487, %shift_left3A_489 : vector<16xi32>
        %bitcast3A_491 = vector.bitcast %shift_left3A_490 : vector<16xi32> to vector<16xf32>
        %and3A_492 = arith.constant -65536 : i32
        %and3A_493 = vector.broadcast %and3A_492 : i32 to vector<16xi32>
        %and3A_494 = arith.andi %bitcast3A_487, %and3A_493 : vector<16xi32>
        %bitcast3A_495 = vector.bitcast %and3A_494 : vector<16xi32> to vector<16xf32>
        %mul3A_496 = arith.mulf %bitcast3A_491, %broadcast_in_dim3A_478 : vector<16xf32>
        %swap3A_497 = arith.index_cast %add3A_482 : i32 to index
        %swap3A_498 = arith.constant 0 : index
        %swap3A_499 = tpu.vector_load %arg11[%swap3A_497, %swap3A_498] {strides = array<i32>} : memref<80x64xf32, #tpu.memory_space<vmem>>, vector<16xf32>,
        tpu.vector_store %arg11[%swap3A_497, %swap3A_498], %mul3A_496 {strides = array<i32>} : memref<80x64xf32, #tpu.memory_space<vmem>>, vector<16xf32>,
        %mul3A_500 = arith.mulf %bitcast3A_495, %broadcast_in_dim3A_478 : vector<16xf32>
        %swap3A_501 = arith.index_cast %add3A_482 : i32 to index
        %swap3A_502 = arith.constant 16 : index
        %swap3A_503 = tpu.vector_load %arg11[%swap3A_501, %swap3A_502] {strides = array<i32>} : memref<80x64xf32, #tpu.memory_space<vmem>>, vector<16xf32>,
        tpu.vector_store %arg11[%swap3A_501, %swap3A_502], %mul3A_500 {strides = array<i32>} : memref<80x64xf32, #tpu.memory_space<vmem>>, vector<16xf32>,
        %get3A_504 = arith.index_cast %rem3A_55 : i32 to index
        %get3A_505 = arith.index_cast %add3A_482 : i32 to index
        %get3A_506 = arith.constant 32 : index
        %get3A_507 = tpu.vector_load %arg10[%get3A_504, %get3A_505, %get3A_506] {strides = array<i32>} : memref<2x80x64xbf16, #tpu.memory_space<vmem>>, vector<32xbf16>,
        %bitcast3A_508 = vector.bitcast %get3A_507 : vector<32xbf16> to vector<16xi32>
        %shift_left3A_509 = arith.constant 16 : i32
        %shift_left3A_510 = vector.broadcast %shift_left3A_509 : i32 to vector<16xi32>
        %shift_left3A_511 = arith.shli %bitcast3A_508, %shift_left3A_510 : vector<16xi32>
        %bitcast3A_512 = vector.bitcast %shift_left3A_511 : vector<16xi32> to vector<16xf32>
        %and3A_513 = arith.constant -65536 : i32
        %and3A_514 = vector.broadcast %and3A_513 : i32 to vector<16xi32>
        %and3A_515 = arith.andi %bitcast3A_508, %and3A_514 : vector<16xi32>
        %bitcast3A_516 = vector.bitcast %and3A_515 : vector<16xi32> to vector<16xf32>
        %mul3A_517 = arith.mulf %bitcast3A_512, %broadcast_in_dim3A_478 : vector<16xf32>
        %swap3A_518 = arith.index_cast %add3A_482 : i32 to index
        %swap3A_519 = arith.constant 32 : index
        %swap3A_520 = tpu.vector_load %arg11[%swap3A_518, %swap3A_519] {strides = array<i32>} : memref<80x64xf32, #tpu.memory_space<vmem>>, vector<16xf32>,
        tpu.vector_store %arg11[%swap3A_518, %swap3A_519], %mul3A_517 {strides = array<i32>} : memref<80x64xf32, #tpu.memory_space<vmem>>, vector<16xf32>,
        %mul3A_521 = arith.mulf %bitcast3A_516, %broadcast_in_dim3A_478 : vector<16xf32>
        %swap3A_522 = arith.index_cast %add3A_482 : i32 to index
        %swap3A_523 = arith.constant 48 : index
        %swap3A_524 = tpu.vector_load %arg11[%swap3A_522, %swap3A_523] {strides = array<i32>} : memref<80x64xf32, #tpu.memory_space<vmem>>, vector<16xf32>,
        tpu.vector_store %arg11[%swap3A_522, %swap3A_523], %mul3A_521 {strides = array<i32>} : memref<80x64xf32, #tpu.memory_space<vmem>>, vector<16xf32>,
        %slice3A_525 = vector.extract_strided_slice %get3A_90 {offsets = [9], sizes = [1], strides = [1]} : vector<16xf32> to vector<1xf32>
        %squeeze3A_526 = vector.extract %slice3A_525[0] : f32 from vector<1xf32>
        %broadcast_in_dim3A_527 = vector.broadcast %squeeze3A_526 : f32 to vector<16xf32>
        %mul3A_528 = arith.constant 16 : i32
        %mul3A_529 = arith.muli %scan3A_83, %mul3A_528 : i32
        %add3A_530 = arith.constant 9 : i32
        %add3A_531 = arith.addi %mul3A_529, %add3A_530 : i32
        %get3A_532 = arith.index_cast %rem3A_55 : i32 to index
        %get3A_533 = arith.index_cast %add3A_531 : i32 to index
        %get3A_534 = arith.constant 0 : index
        %get3A_535 = tpu.vector_load %arg10[%get3A_532, %get3A_533, %get3A_534] {strides = array<i32>} : memref<2x80x64xbf16, #tpu.memory_space<vmem>>, vector<32xbf16>,
        %bitcast3A_536 = vector.bitcast %get3A_535 : vector<32xbf16> to vector<16xi32>
        %shift_left3A_537 = arith.constant 16 : i32
        %shift_left3A_538 = vector.broadcast %shift_left3A_537 : i32 to vector<16xi32>
        %shift_left3A_539 = arith.shli %bitcast3A_536, %shift_left3A_538 : vector<16xi32>
        %bitcast3A_540 = vector.bitcast %shift_left3A_539 : vector<16xi32> to vector<16xf32>
        %and3A_541 = arith.constant -65536 : i32
        %and3A_542 = vector.broadcast %and3A_541 : i32 to vector<16xi32>
        %and3A_543 = arith.andi %bitcast3A_536, %and3A_542 : vector<16xi32>
        %bitcast3A_544 = vector.bitcast %and3A_543 : vector<16xi32> to vector<16xf32>
        %mul3A_545 = arith.mulf %bitcast3A_540, %broadcast_in_dim3A_527 : vector<16xf32>
        %swap3A_546 = arith.index_cast %add3A_531 : i32 to index
        %swap3A_547 = arith.constant 0 : index
        %swap3A_548 = tpu.vector_load %arg11[%swap3A_546, %swap3A_547] {strides = array<i32>} : memref<80x64xf32, #tpu.memory_space<vmem>>, vector<16xf32>,
        tpu.vector_store %arg11[%swap3A_546, %swap3A_547], %mul3A_545 {strides = array<i32>} : memref<80x64xf32, #tpu.memory_space<vmem>>, vector<16xf32>,
        %mul3A_549 = arith.mulf %bitcast3A_544, %broadcast_in_dim3A_527 : vector<16xf32>
        %swap3A_550 = arith.index_cast %add3A_531 : i32 to index
        %swap3A_551 = arith.constant 16 : index
        %swap3A_552 = tpu.vector_load %arg11[%swap3A_550, %swap3A_551] {strides = array<i32>} : memref<80x64xf32, #tpu.memory_space<vmem>>, vector<16xf32>,
        tpu.vector_store %arg11[%swap3A_550, %swap3A_551], %mul3A_549 {strides = array<i32>} : memref<80x64xf32, #tpu.memory_space<vmem>>, vector<16xf32>,
        %get3A_553 = arith.index_cast %rem3A_55 : i32 to index
        %get3A_554 = arith.index_cast %add3A_531 : i32 to index
        %get3A_555 = arith.constant 32 : index
        %get3A_556 = tpu.vector_load %arg10[%get3A_553, %get3A_554, %get3A_555] {strides = array<i32>} : memref<2x80x64xbf16, #tpu.memory_space<vmem>>, vector<32xbf16>,
        %bitcast3A_557 = vector.bitcast %get3A_556 : vector<32xbf16> to vector<16xi32>
        %shift_left3A_558 = arith.constant 16 : i32
        %shift_left3A_559 = vector.broadcast %shift_left3A_558 : i32 to vector<16xi32>
        %shift_left3A_560 = arith.shli %bitcast3A_557, %shift_left3A_559 : vector<16xi32>
        %bitcast3A_561 = vector.bitcast %shift_left3A_560 : vector<16xi32> to vector<16xf32>
        %and3A_562 = arith.constant -65536 : i32
        %and3A_563 = vector.broadcast %and3A_562 : i32 to vector<16xi32>
        %and3A_564 = arith.andi %bitcast3A_557, %and3A_563 : vector<16xi32>
        %bitcast3A_565 = vector.bitcast %and3A_564 : vector<16xi32> to vector<16xf32>
        %mul3A_566 = arith.mulf %bitcast3A_561, %broadcast_in_dim3A_527 : vector<16xf32>
        %swap3A_567 = arith.index_cast %add3A_531 : i32 to index
        %swap3A_568 = arith.constant 32 : index
        %swap3A_569 = tpu.vector_load %arg11[%swap3A_567, %swap3A_568] {strides = array<i32>} : memref<80x64xf32, #tpu.memory_space<vmem>>, vector<16xf32>,
        tpu.vector_store %arg11[%swap3A_567, %swap3A_568], %mul3A_566 {strides = array<i32>} : memref<80x64xf32, #tpu.memory_space<vmem>>, vector<16xf32>,
        %mul3A_570 = arith.mulf %bitcast3A_565, %broadcast_in_dim3A_527 : vector<16xf32>
        %swap3A_571 = arith.index_cast %add3A_531 : i32 to index
        %swap3A_572 = arith.constant 48 : index
        %swap3A_573 = tpu.vector_load %arg11[%swap3A_571, %swap3A_572] {strides = array<i32>} : memref<80x64xf32, #tpu.memory_space<vmem>>, vector<16xf32>,
        tpu.vector_store %arg11[%swap3A_571, %swap3A_572], %mul3A_570 {strides = array<i32>} : memref<80x64xf32, #tpu.memory_space<vmem>>, vector<16xf32>,
        %slice3A_574 = vector.extract_strided_slice %get3A_90 {offsets = [10], sizes = [1], strides = [1]} : vector<16xf32> to vector<1xf32>
        %squeeze3A_575 = vector.extract %slice3A_574[0] : f32 from vector<1xf32>
        %broadcast_in_dim3A_576 = vector.broadcast %squeeze3A_575 : f32 to vector<16xf32>
        %mul3A_577 = arith.constant 16 : i32
        %mul3A_578 = arith.muli %scan3A_83, %mul3A_577 : i32
        %add3A_579 = arith.constant 10 : i32
        %add3A_580 = arith.addi %mul3A_578, %add3A_579 : i32
        %get3A_581 = arith.index_cast %rem3A_55 : i32 to index
        %get3A_582 = arith.index_cast %add3A_580 : i32 to index
        %get3A_583 = arith.constant 0 : index
        %get3A_584 = tpu.vector_load %arg10[%get3A_581, %get3A_582, %get3A_583] {strides = array<i32>} : memref<2x80x64xbf16, #tpu.memory_space<vmem>>, vector<32xbf16>,
        %bitcast3A_585 = vector.bitcast %get3A_584 : vector<32xbf16> to vector<16xi32>
        %shift_left3A_586 = arith.constant 16 : i32
        %shift_left3A_587 = vector.broadcast %shift_left3A_586 : i32 to vector<16xi32>
        %shift_left3A_588 = arith.shli %bitcast3A_585, %shift_left3A_587 : vector<16xi32>
        %bitcast3A_589 = vector.bitcast %shift_left3A_588 : vector<16xi32> to vector<16xf32>
        %and3A_590 = arith.constant -65536 : i32
        %and3A_591 = vector.broadcast %and3A_590 : i32 to vector<16xi32>
        %and3A_592 = arith.andi %bitcast3A_585, %and3A_591 : vector<16xi32>
        %bitcast3A_593 = vector.bitcast %and3A_592 : vector<16xi32> to vector<16xf32>
        %mul3A_594 = arith.mulf %bitcast3A_589, %broadcast_in_dim3A_576 : vector<16xf32>
        %swap3A_595 = arith.index_cast %add3A_580 : i32 to index
        %swap3A_596 = arith.constant 0 : index
        %swap3A_597 = tpu.vector_load %arg11[%swap3A_595, %swap3A_596] {strides = array<i32>} : memref<80x64xf32, #tpu.memory_space<vmem>>, vector<16xf32>,
        tpu.vector_store %arg11[%swap3A_595, %swap3A_596], %mul3A_594 {strides = array<i32>} : memref<80x64xf32, #tpu.memory_space<vmem>>, vector<16xf32>,
        %mul3A_598 = arith.mulf %bitcast3A_593, %broadcast_in_dim3A_576 : vector<16xf32>
        %swap3A_599 = arith.index_cast %add3A_580 : i32 to index
        %swap3A_600 = arith.constant 16 : index
        %swap3A_601 = tpu.vector_load %arg11[%swap3A_599, %swap3A_600] {strides = array<i32>} : memref<80x64xf32, #tpu.memory_space<vmem>>, vector<16xf32>,
        tpu.vector_store %arg11[%swap3A_599, %swap3A_600], %mul3A_598 {strides = array<i32>} : memref<80x64xf32, #tpu.memory_space<vmem>>, vector<16xf32>,
        %get3A_602 = arith.index_cast %rem3A_55 : i32 to index
        %get3A_603 = arith.index_cast %add3A_580 : i32 to index
        %get3A_604 = arith.constant 32 : index
        %get3A_605 = tpu.vector_load %arg10[%get3A_602, %get3A_603, %get3A_604] {strides = array<i32>} : memref<2x80x64xbf16, #tpu.memory_space<vmem>>, vector<32xbf16>,
        %bitcast3A_606 = vector.bitcast %get3A_605 : vector<32xbf16> to vector<16xi32>
        %shift_left3A_607 = arith.constant 16 : i32
        %shift_left3A_608 = vector.broadcast %shift_left3A_607 : i32 to vector<16xi32>
        %shift_left3A_609 = arith.shli %bitcast3A_606, %shift_left3A_608 : vector<16xi32>
        %bitcast3A_610 = vector.bitcast %shift_left3A_609 : vector<16xi32> to vector<16xf32>
        %and3A_611 = arith.constant -65536 : i32
        %and3A_612 = vector.broadcast %and3A_611 : i32 to vector<16xi32>
        %and3A_613 = arith.andi %bitcast3A_606, %and3A_612 : vector<16xi32>
        %bitcast3A_614 = vector.bitcast %and3A_613 : vector<16xi32> to vector<16xf32>
        %mul3A_615 = arith.mulf %bitcast3A_610, %broadcast_in_dim3A_576 : vector<16xf32>
        %swap3A_616 = arith.index_cast %add3A_580 : i32 to index
        %swap3A_617 = arith.constant 32 : index
        %swap3A_618 = tpu.vector_load %arg11[%swap3A_616, %swap3A_617] {strides = array<i32>} : memref<80x64xf32, #tpu.memory_space<vmem>>, vector<16xf32>,
        tpu.vector_store %arg11[%swap3A_616, %swap3A_617], %mul3A_615 {strides = array<i32>} : memref<80x64xf32, #tpu.memory_space<vmem>>, vector<16xf32>,
        %mul3A_619 = arith.mulf %bitcast3A_614, %broadcast_in_dim3A_576 : vector<16xf32>
        %swap3A_620 = arith.index_cast %add3A_580 : i32 to index
        %swap3A_621 = arith.constant 48 : index
        %swap3A_622 = tpu.vector_load %arg11[%swap3A_620, %swap3A_621] {strides = array<i32>} : memref<80x64xf32, #tpu.memory_space<vmem>>, vector<16xf32>,
        tpu.vector_store %arg11[%swap3A_620, %swap3A_621], %mul3A_619 {strides = array<i32>} : memref<80x64xf32, #tpu.memory_space<vmem>>, vector<16xf32>,
        %slice3A_623 = vector.extract_strided_slice %get3A_90 {offsets = [11], sizes = [1], strides = [1]} : vector<16xf32> to vector<1xf32>
        %squeeze3A_624 = vector.extract %slice3A_623[0] : f32 from vector<1xf32>
        %broadcast_in_dim3A_625 = vector.broadcast %squeeze3A_624 : f32 to vector<16xf32>
        %mul3A_626 = arith.constant 16 : i32
        %mul3A_627 = arith.muli %scan3A_83, %mul3A_626 : i32
        %add3A_628 = arith.constant 11 : i32
        %add3A_629 = arith.addi %mul3A_627, %add3A_628 : i32
        %get3A_630 = arith.index_cast %rem3A_55 : i32 to index
        %get3A_631 = arith.index_cast %add3A_629 : i32 to index
        %get3A_632 = arith.constant 0 : index
        %get3A_633 = tpu.vector_load %arg10[%get3A_630, %get3A_631, %get3A_632] {strides = array<i32>} : memref<2x80x64xbf16, #tpu.memory_space<vmem>>, vector<32xbf16>,
        %bitcast3A_634 = vector.bitcast %get3A_633 : vector<32xbf16> to vector<16xi32>
        %shift_left3A_635 = arith.constant 16 : i32
        %shift_left3A_636 = vector.broadcast %shift_left3A_635 : i32 to vector<16xi32>
        %shift_left3A_637 = arith.shli %bitcast3A_634, %shift_left3A_636 : vector<16xi32>
        %bitcast3A_638 = vector.bitcast %shift_left3A_637 : vector<16xi32> to vector<16xf32>
        %and3A_639 = arith.constant -65536 : i32
        %and3A_640 = vector.broadcast %and3A_639 : i32 to vector<16xi32>
        %and3A_641 = arith.andi %bitcast3A_634, %and3A_640 : vector<16xi32>
        %bitcast3A_642 = vector.bitcast %and3A_641 : vector<16xi32> to vector<16xf32>
        %mul3A_643 = arith.mulf %bitcast3A_638, %broadcast_in_dim3A_625 : vector<16xf32>
        %swap3A_644 = arith.index_cast %add3A_629 : i32 to index
        %swap3A_645 = arith.constant 0 : index
        %swap3A_646 = tpu.vector_load %arg11[%swap3A_644, %swap3A_645] {strides = array<i32>} : memref<80x64xf32, #tpu.memory_space<vmem>>, vector<16xf32>,
        tpu.vector_store %arg11[%swap3A_644, %swap3A_645], %mul3A_643 {strides = array<i32>} : memref<80x64xf32, #tpu.memory_space<vmem>>, vector<16xf32>,
        %mul3A_647 = arith.mulf %bitcast3A_642, %broadcast_in_dim3A_625 : vector<16xf32>
        %swap3A_648 = arith.index_cast %add3A_629 : i32 to index
        %swap3A_649 = arith.constant 16 : index
        %swap3A_650 = tpu.vector_load %arg11[%swap3A_648, %swap3A_649] {strides = array<i32>} : memref<80x64xf32, #tpu.memory_space<vmem>>, vector<16xf32>,
        tpu.vector_store %arg11[%swap3A_648, %swap3A_649], %mul3A_647 {strides = array<i32>} : memref<80x64xf32, #tpu.memory_space<vmem>>, vector<16xf32>,
        %get3A_651 = arith.index_cast %rem3A_55 : i32 to index
        %get3A_652 = arith.index_cast %add3A_629 : i32 to index
        %get3A_653 = arith.constant 32 : index
        %get3A_654 = tpu.vector_load %arg10[%get3A_651, %get3A_652, %get3A_653] {strides = array<i32>} : memref<2x80x64xbf16, #tpu.memory_space<vmem>>, vector<32xbf16>,
        %bitcast3A_655 = vector.bitcast %get3A_654 : vector<32xbf16> to vector<16xi32>
        %shift_left3A_656 = arith.constant 16 : i32
        %shift_left3A_657 = vector.broadcast %shift_left3A_656 : i32 to vector<16xi32>
        %shift_left3A_658 = arith.shli %bitcast3A_655, %shift_left3A_657 : vector<16xi32>
        %bitcast3A_659 = vector.bitcast %shift_left3A_658 : vector<16xi32> to vector<16xf32>
        %and3A_660 = arith.constant -65536 : i32
        %and3A_661 = vector.broadcast %and3A_660 : i32 to vector<16xi32>
        %and3A_662 = arith.andi %bitcast3A_655, %and3A_661 : vector<16xi32>
        %bitcast3A_663 = vector.bitcast %and3A_662 : vector<16xi32> to vector<16xf32>
        %mul3A_664 = arith.mulf %bitcast3A_659, %broadcast_in_dim3A_625 : vector<16xf32>
        %swap3A_665 = arith.index_cast %add3A_629 : i32 to index
        %swap3A_666 = arith.constant 32 : index
        %swap3A_667 = tpu.vector_load %arg11[%swap3A_665, %swap3A_666] {strides = array<i32>} : memref<80x64xf32, #tpu.memory_space<vmem>>, vector<16xf32>,
        tpu.vector_store %arg11[%swap3A_665, %swap3A_666], %mul3A_664 {strides = array<i32>} : memref<80x64xf32, #tpu.memory_space<vmem>>, vector<16xf32>,
        %mul3A_668 = arith.mulf %bitcast3A_663, %broadcast_in_dim3A_625 : vector<16xf32>
        %swap3A_669 = arith.index_cast %add3A_629 : i32 to index
        %swap3A_670 = arith.constant 48 : index
        %swap3A_671 = tpu.vector_load %arg11[%swap3A_669, %swap3A_670] {strides = array<i32>} : memref<80x64xf32, #tpu.memory_space<vmem>>, vector<16xf32>,
        tpu.vector_store %arg11[%swap3A_669, %swap3A_670], %mul3A_668 {strides = array<i32>} : memref<80x64xf32, #tpu.memory_space<vmem>>, vector<16xf32>,
        %slice3A_672 = vector.extract_strided_slice %get3A_90 {offsets = [12], sizes = [1], strides = [1]} : vector<16xf32> to vector<1xf32>
        %squeeze3A_673 = vector.extract %slice3A_672[0] : f32 from vector<1xf32>
        %broadcast_in_dim3A_674 = vector.broadcast %squeeze3A_673 : f32 to vector<16xf32>
        %mul3A_675 = arith.constant 16 : i32
        %mul3A_676 = arith.muli %scan3A_83, %mul3A_675 : i32
        %add3A_677 = arith.constant 12 : i32
        %add3A_678 = arith.addi %mul3A_676, %add3A_677 : i32
        %get3A_679 = arith.index_cast %rem3A_55 : i32 to index
        %get3A_680 = arith.index_cast %add3A_678 : i32 to index
        %get3A_681 = arith.constant 0 : index
        %get3A_682 = tpu.vector_load %arg10[%get3A_679, %get3A_680, %get3A_681] {strides = array<i32>} : memref<2x80x64xbf16, #tpu.memory_space<vmem>>, vector<32xbf16>,
        %bitcast3A_683 = vector.bitcast %get3A_682 : vector<32xbf16> to vector<16xi32>
        %shift_left3A_684 = arith.constant 16 : i32
        %shift_left3A_685 = vector.broadcast %shift_left3A_684 : i32 to vector<16xi32>
        %shift_left3A_686 = arith.shli %bitcast3A_683, %shift_left3A_685 : vector<16xi32>
        %bitcast3A_687 = vector.bitcast %shift_left3A_686 : vector<16xi32> to vector<16xf32>
        %and3A_688 = arith.constant -65536 : i32
        %and3A_689 = vector.broadcast %and3A_688 : i32 to vector<16xi32>
        %and3A_690 = arith.andi %bitcast3A_683, %and3A_689 : vector<16xi32>
        %bitcast3A_691 = vector.bitcast %and3A_690 : vector<16xi32> to vector<16xf32>
        %mul3A_692 = arith.mulf %bitcast3A_687, %broadcast_in_dim3A_674 : vector<16xf32>
        %swap3A_693 = arith.index_cast %add3A_678 : i32 to index
        %swap3A_694 = arith.constant 0 : index
        %swap3A_695 = tpu.vector_load %arg11[%swap3A_693, %swap3A_694] {strides = array<i32>} : memref<80x64xf32, #tpu.memory_space<vmem>>, vector<16xf32>,
        tpu.vector_store %arg11[%swap3A_693, %swap3A_694], %mul3A_692 {strides = array<i32>} : memref<80x64xf32, #tpu.memory_space<vmem>>, vector<16xf32>,
        %mul3A_696 = arith.mulf %bitcast3A_691, %broadcast_in_dim3A_674 : vector<16xf32>
        %swap3A_697 = arith.index_cast %add3A_678 : i32 to index
        %swap3A_698 = arith.constant 16 : index
        %swap3A_699 = tpu.vector_load %arg11[%swap3A_697, %swap3A_698] {strides = array<i32>} : memref<80x64xf32, #tpu.memory_space<vmem>>, vector<16xf32>,
        tpu.vector_store %arg11[%swap3A_697, %swap3A_698], %mul3A_696 {strides = array<i32>} : memref<80x64xf32, #tpu.memory_space<vmem>>, vector<16xf32>,
        %get3A_700 = arith.index_cast %rem3A_55 : i32 to index
        %get3A_701 = arith.index_cast %add3A_678 : i32 to index
        %get3A_702 = arith.constant 32 : index
        %get3A_703 = tpu.vector_load %arg10[%get3A_700, %get3A_701, %get3A_702] {strides = array<i32>} : memref<2x80x64xbf16, #tpu.memory_space<vmem>>, vector<32xbf16>,
        %bitcast3A_704 = vector.bitcast %get3A_703 : vector<32xbf16> to vector<16xi32>
        %shift_left3A_705 = arith.constant 16 : i32
        %shift_left3A_706 = vector.broadcast %shift_left3A_705 : i32 to vector<16xi32>
        %shift_left3A_707 = arith.shli %bitcast3A_704, %shift_left3A_706 : vector<16xi32>
        %bitcast3A_708 = vector.bitcast %shift_left3A_707 : vector<16xi32> to vector<16xf32>
        %and3A_709 = arith.constant -65536 : i32
        %and3A_710 = vector.broadcast %and3A_709 : i32 to vector<16xi32>
        %and3A_711 = arith.andi %bitcast3A_704, %and3A_710 : vector<16xi32>
        %bitcast3A_712 = vector.bitcast %and3A_711 : vector<16xi32> to vector<16xf32>
        %mul3A_713 = arith.mulf %bitcast3A_708, %broadcast_in_dim3A_674 : vector<16xf32>
        %swap3A_714 = arith.index_cast %add3A_678 : i32 to index
        %swap3A_715 = arith.constant 32 : index
        %swap3A_716 = tpu.vector_load %arg11[%swap3A_714, %swap3A_715] {strides = array<i32>} : memref<80x64xf32, #tpu.memory_space<vmem>>, vector<16xf32>,
        tpu.vector_store %arg11[%swap3A_714, %swap3A_715], %mul3A_713 {strides = array<i32>} : memref<80x64xf32, #tpu.memory_space<vmem>>, vector<16xf32>,
        %mul3A_717 = arith.mulf %bitcast3A_712, %broadcast_in_dim3A_674 : vector<16xf32>
        %swap3A_718 = arith.index_cast %add3A_678 : i32 to index
        %swap3A_719 = arith.constant 48 : index
        %swap3A_720 = tpu.vector_load %arg11[%swap3A_718, %swap3A_719] {strides = array<i32>} : memref<80x64xf32, #tpu.memory_space<vmem>>, vector<16xf32>,
        tpu.vector_store %arg11[%swap3A_718, %swap3A_719], %mul3A_717 {strides = array<i32>} : memref<80x64xf32, #tpu.memory_space<vmem>>, vector<16xf32>,
        %slice3A_721 = vector.extract_strided_slice %get3A_90 {offsets = [13], sizes = [1], strides = [1]} : vector<16xf32> to vector<1xf32>
        %squeeze3A_722 = vector.extract %slice3A_721[0] : f32 from vector<1xf32>
        %broadcast_in_dim3A_723 = vector.broadcast %squeeze3A_722 : f32 to vector<16xf32>
        %mul3A_724 = arith.constant 16 : i32
        %mul3A_725 = arith.muli %scan3A_83, %mul3A_724 : i32
        %add3A_726 = arith.constant 13 : i32
        %add3A_727 = arith.addi %mul3A_725, %add3A_726 : i32
        %get3A_728 = arith.index_cast %rem3A_55 : i32 to index
        %get3A_729 = arith.index_cast %add3A_727 : i32 to index
        %get3A_730 = arith.constant 0 : index
        %get3A_731 = tpu.vector_load %arg10[%get3A_728, %get3A_729, %get3A_730] {strides = array<i32>} : memref<2x80x64xbf16, #tpu.memory_space<vmem>>, vector<32xbf16>,
        %bitcast3A_732 = vector.bitcast %get3A_731 : vector<32xbf16> to vector<16xi32>
        %shift_left3A_733 = arith.constant 16 : i32
        %shift_left3A_734 = vector.broadcast %shift_left3A_733 : i32 to vector<16xi32>
        %shift_left3A_735 = arith.shli %bitcast3A_732, %shift_left3A_734 : vector<16xi32>
        %bitcast3A_736 = vector.bitcast %shift_left3A_735 : vector<16xi32> to vector<16xf32>
        %and3A_737 = arith.constant -65536 : i32
        %and3A_738 = vector.broadcast %and3A_737 : i32 to vector<16xi32>
        %and3A_739 = arith.andi %bitcast3A_732, %and3A_738 : vector<16xi32>
        %bitcast3A_740 = vector.bitcast %and3A_739 : vector<16xi32> to vector<16xf32>
        %mul3A_741 = arith.mulf %bitcast3A_736, %broadcast_in_dim3A_723 : vector<16xf32>
        %swap3A_742 = arith.index_cast %add3A_727 : i32 to index
        %swap3A_743 = arith.constant 0 : index
        %swap3A_744 = tpu.vector_load %arg11[%swap3A_742, %swap3A_743] {strides = array<i32>} : memref<80x64xf32, #tpu.memory_space<vmem>>, vector<16xf32>,
        tpu.vector_store %arg11[%swap3A_742, %swap3A_743], %mul3A_741 {strides = array<i32>} : memref<80x64xf32, #tpu.memory_space<vmem>>, vector<16xf32>,
        %mul3A_745 = arith.mulf %bitcast3A_740, %broadcast_in_dim3A_723 : vector<16xf32>
        %swap3A_746 = arith.index_cast %add3A_727 : i32 to index
        %swap3A_747 = arith.constant 16 : index
        %swap3A_748 = tpu.vector_load %arg11[%swap3A_746, %swap3A_747] {strides = array<i32>} : memref<80x64xf32, #tpu.memory_space<vmem>>, vector<16xf32>,
        tpu.vector_store %arg11[%swap3A_746, %swap3A_747], %mul3A_745 {strides = array<i32>} : memref<80x64xf32, #tpu.memory_space<vmem>>, vector<16xf32>,
        %get3A_749 = arith.index_cast %rem3A_55 : i32 to index
        %get3A_750 = arith.index_cast %add3A_727 : i32 to index
        %get3A_751 = arith.constant 32 : index
        %get3A_752 = tpu.vector_load %arg10[%get3A_749, %get3A_750, %get3A_751] {strides = array<i32>} : memref<2x80x64xbf16, #tpu.memory_space<vmem>>, vector<32xbf16>,
        %bitcast3A_753 = vector.bitcast %get3A_752 : vector<32xbf16> to vector<16xi32>
        %shift_left3A_754 = arith.constant 16 : i32
        %shift_left3A_755 = vector.broadcast %shift_left3A_754 : i32 to vector<16xi32>
        %shift_left3A_756 = arith.shli %bitcast3A_753, %shift_left3A_755 : vector<16xi32>
        %bitcast3A_757 = vector.bitcast %shift_left3A_756 : vector<16xi32> to vector<16xf32>
        %and3A_758 = arith.constant -65536 : i32
        %and3A_759 = vector.broadcast %and3A_758 : i32 to vector<16xi32>
        %and3A_760 = arith.andi %bitcast3A_753, %and3A_759 : vector<16xi32>
        %bitcast3A_761 = vector.bitcast %and3A_760 : vector<16xi32> to vector<16xf32>
        %mul3A_762 = arith.mulf %bitcast3A_757, %broadcast_in_dim3A_723 : vector<16xf32>
        %swap3A_763 = arith.index_cast %add3A_727 : i32 to index
        %swap3A_764 = arith.constant 32 : index
        %swap3A_765 = tpu.vector_load %arg11[%swap3A_763, %swap3A_764] {strides = array<i32>} : memref<80x64xf32, #tpu.memory_space<vmem>>, vector<16xf32>,
        tpu.vector_store %arg11[%swap3A_763, %swap3A_764], %mul3A_762 {strides = array<i32>} : memref<80x64xf32, #tpu.memory_space<vmem>>, vector<16xf32>,
        %mul3A_766 = arith.mulf %bitcast3A_761, %broadcast_in_dim3A_723 : vector<16xf32>
        %swap3A_767 = arith.index_cast %add3A_727 : i32 to index
        %swap3A_768 = arith.constant 48 : index
        %swap3A_769 = tpu.vector_load %arg11[%swap3A_767, %swap3A_768] {strides = array<i32>} : memref<80x64xf32, #tpu.memory_space<vmem>>, vector<16xf32>,
        tpu.vector_store %arg11[%swap3A_767, %swap3A_768], %mul3A_766 {strides = array<i32>} : memref<80x64xf32, #tpu.memory_space<vmem>>, vector<16xf32>,
        %slice3A_770 = vector.extract_strided_slice %get3A_90 {offsets = [14], sizes = [1], strides = [1]} : vector<16xf32> to vector<1xf32>
        %squeeze3A_771 = vector.extract %slice3A_770[0] : f32 from vector<1xf32>
        %broadcast_in_dim3A_772 = vector.broadcast %squeeze3A_771 : f32 to vector<16xf32>
        %mul3A_773 = arith.constant 16 : i32
        %mul3A_774 = arith.muli %scan3A_83, %mul3A_773 : i32
        %add3A_775 = arith.constant 14 : i32
        %add3A_776 = arith.addi %mul3A_774, %add3A_775 : i32
        %get3A_777 = arith.index_cast %rem3A_55 : i32 to index
        %get3A_778 = arith.index_cast %add3A_776 : i32 to index
        %get3A_779 = arith.constant 0 : index
        %get3A_780 = tpu.vector_load %arg10[%get3A_777, %get3A_778, %get3A_779] {strides = array<i32>} : memref<2x80x64xbf16, #tpu.memory_space<vmem>>, vector<32xbf16>,
        %bitcast3A_781 = vector.bitcast %get3A_780 : vector<32xbf16> to vector<16xi32>
        %shift_left3A_782 = arith.constant 16 : i32
        %shift_left3A_783 = vector.broadcast %shift_left3A_782 : i32 to vector<16xi32>
        %shift_left3A_784 = arith.shli %bitcast3A_781, %shift_left3A_783 : vector<16xi32>
        %bitcast3A_785 = vector.bitcast %shift_left3A_784 : vector<16xi32> to vector<16xf32>
        %and3A_786 = arith.constant -65536 : i32
        %and3A_787 = vector.broadcast %and3A_786 : i32 to vector<16xi32>
        %and3A_788 = arith.andi %bitcast3A_781, %and3A_787 : vector<16xi32>
        %bitcast3A_789 = vector.bitcast %and3A_788 : vector<16xi32> to vector<16xf32>
        %mul3A_790 = arith.mulf %bitcast3A_785, %broadcast_in_dim3A_772 : vector<16xf32>
        %swap3A_791 = arith.index_cast %add3A_776 : i32 to index
        %swap3A_792 = arith.constant 0 : index
        %swap3A_793 = tpu.vector_load %arg11[%swap3A_791, %swap3A_792] {strides = array<i32>} : memref<80x64xf32, #tpu.memory_space<vmem>>, vector<16xf32>,
        tpu.vector_store %arg11[%swap3A_791, %swap3A_792], %mul3A_790 {strides = array<i32>} : memref<80x64xf32, #tpu.memory_space<vmem>>, vector<16xf32>,
        %mul3A_794 = arith.mulf %bitcast3A_789, %broadcast_in_dim3A_772 : vector<16xf32>
        %swap3A_795 = arith.index_cast %add3A_776 : i32 to index
        %swap3A_796 = arith.constant 16 : index
        %swap3A_797 = tpu.vector_load %arg11[%swap3A_795, %swap3A_796] {strides = array<i32>} : memref<80x64xf32, #tpu.memory_space<vmem>>, vector<16xf32>,
        tpu.vector_store %arg11[%swap3A_795, %swap3A_796], %mul3A_794 {strides = array<i32>} : memref<80x64xf32, #tpu.memory_space<vmem>>, vector<16xf32>,
        %get3A_798 = arith.index_cast %rem3A_55 : i32 to index
        %get3A_799 = arith.index_cast %add3A_776 : i32 to index
        %get3A_800 = arith.constant 32 : index
        %get3A_801 = tpu.vector_load %arg10[%get3A_798, %get3A_799, %get3A_800] {strides = array<i32>} : memref<2x80x64xbf16, #tpu.memory_space<vmem>>, vector<32xbf16>,
        %bitcast3A_802 = vector.bitcast %get3A_801 : vector<32xbf16> to vector<16xi32>
        %shift_left3A_803 = arith.constant 16 : i32
        %shift_left3A_804 = vector.broadcast %shift_left3A_803 : i32 to vector<16xi32>
        %shift_left3A_805 = arith.shli %bitcast3A_802, %shift_left3A_804 : vector<16xi32>
        %bitcast3A_806 = vector.bitcast %shift_left3A_805 : vector<16xi32> to vector<16xf32>
        %and3A_807 = arith.constant -65536 : i32
        %and3A_808 = vector.broadcast %and3A_807 : i32 to vector<16xi32>
        %and3A_809 = arith.andi %bitcast3A_802, %and3A_808 : vector<16xi32>
        %bitcast3A_810 = vector.bitcast %and3A_809 : vector<16xi32> to vector<16xf32>
        %mul3A_811 = arith.mulf %bitcast3A_806, %broadcast_in_dim3A_772 : vector<16xf32>
        %swap3A_812 = arith.index_cast %add3A_776 : i32 to index
        %swap3A_813 = arith.constant 32 : index
        %swap3A_814 = tpu.vector_load %arg11[%swap3A_812, %swap3A_813] {strides = array<i32>} : memref<80x64xf32, #tpu.memory_space<vmem>>, vector<16xf32>,
        tpu.vector_store %arg11[%swap3A_812, %swap3A_813], %mul3A_811 {strides = array<i32>} : memref<80x64xf32, #tpu.memory_space<vmem>>, vector<16xf32>,
        %mul3A_815 = arith.mulf %bitcast3A_810, %broadcast_in_dim3A_772 : vector<16xf32>
        %swap3A_816 = arith.index_cast %add3A_776 : i32 to index
        %swap3A_817 = arith.constant 48 : index
        %swap3A_818 = tpu.vector_load %arg11[%swap3A_816, %swap3A_817] {strides = array<i32>} : memref<80x64xf32, #tpu.memory_space<vmem>>, vector<16xf32>,
        tpu.vector_store %arg11[%swap3A_816, %swap3A_817], %mul3A_815 {strides = array<i32>} : memref<80x64xf32, #tpu.memory_space<vmem>>, vector<16xf32>,
        %slice3A_819 = vector.extract_strided_slice %get3A_90 {offsets = [15], sizes = [1], strides = [1]} : vector<16xf32> to vector<1xf32>
        %squeeze3A_820 = vector.extract %slice3A_819[0] : f32 from vector<1xf32>
        %broadcast_in_dim3A_821 = vector.broadcast %squeeze3A_820 : f32 to vector<16xf32>
        %mul3A_822 = arith.constant 16 : i32
        %mul3A_823 = arith.muli %scan3A_83, %mul3A_822 : i32
        %add3A_824 = arith.constant 15 : i32
        %add3A_825 = arith.addi %mul3A_823, %add3A_824 : i32
        %get3A_826 = arith.index_cast %rem3A_55 : i32 to index
        %get3A_827 = arith.index_cast %add3A_825 : i32 to index
        %get3A_828 = arith.constant 0 : index
        %get3A_829 = tpu.vector_load %arg10[%get3A_826, %get3A_827, %get3A_828] {strides = array<i32>} : memref<2x80x64xbf16, #tpu.memory_space<vmem>>, vector<32xbf16>,
        %bitcast3A_830 = vector.bitcast %get3A_829 : vector<32xbf16> to vector<16xi32>
        %shift_left3A_831 = arith.constant 16 : i32
        %shift_left3A_832 = vector.broadcast %shift_left3A_831 : i32 to vector<16xi32>
        %shift_left3A_833 = arith.shli %bitcast3A_830, %shift_left3A_832 : vector<16xi32>
        %bitcast3A_834 = vector.bitcast %shift_left3A_833 : vector<16xi32> to vector<16xf32>
        %and3A_835 = arith.constant -65536 : i32
        %and3A_836 = vector.broadcast %and3A_835 : i32 to vector<16xi32>
        %and3A_837 = arith.andi %bitcast3A_830, %and3A_836 : vector<16xi32>
        %bitcast3A_838 = vector.bitcast %and3A_837 : vector<16xi32> to vector<16xf32>
        %mul3A_839 = arith.mulf %bitcast3A_834, %broadcast_in_dim3A_821 : vector<16xf32>
        %swap3A_840 = arith.index_cast %add3A_825 : i32 to index
        %swap3A_841 = arith.constant 0 : index
        %swap3A_842 = tpu.vector_load %arg11[%swap3A_840, %swap3A_841] {strides = array<i32>} : memref<80x64xf32, #tpu.memory_space<vmem>>, vector<16xf32>,
        tpu.vector_store %arg11[%swap3A_840, %swap3A_841], %mul3A_839 {strides = array<i32>} : memref<80x64xf32, #tpu.memory_space<vmem>>, vector<16xf32>,
        %mul3A_843 = arith.mulf %bitcast3A_838, %broadcast_in_dim3A_821 : vector<16xf32>
        %swap3A_844 = arith.index_cast %add3A_825 : i32 to index
        %swap3A_845 = arith.constant 16 : index
        %swap3A_846 = tpu.vector_load %arg11[%swap3A_844, %swap3A_845] {strides = array<i32>} : memref<80x64xf32, #tpu.memory_space<vmem>>, vector<16xf32>,
        tpu.vector_store %arg11[%swap3A_844, %swap3A_845], %mul3A_843 {strides = array<i32>} : memref<80x64xf32, #tpu.memory_space<vmem>>, vector<16xf32>,
        %get3A_847 = arith.index_cast %rem3A_55 : i32 to index
        %get3A_848 = arith.index_cast %add3A_825 : i32 to index
        %get3A_849 = arith.constant 32 : index
        %get3A_850 = tpu.vector_load %arg10[%get3A_847, %get3A_848, %get3A_849] {strides = array<i32>} : memref<2x80x64xbf16, #tpu.memory_space<vmem>>, vector<32xbf16>,
        %bitcast3A_851 = vector.bitcast %get3A_850 : vector<32xbf16> to vector<16xi32>
        %shift_left3A_852 = arith.constant 16 : i32
        %shift_left3A_853 = vector.broadcast %shift_left3A_852 : i32 to vector<16xi32>
        %shift_left3A_854 = arith.shli %bitcast3A_851, %shift_left3A_853 : vector<16xi32>
        %bitcast3A_855 = vector.bitcast %shift_left3A_854 : vector<16xi32> to vector<16xf32>
        %and3A_856 = arith.constant -65536 : i32
        %and3A_857 = vector.broadcast %and3A_856 : i32 to vector<16xi32>
        %and3A_858 = arith.andi %bitcast3A_851, %and3A_857 : vector<16xi32>
        %bitcast3A_859 = vector.bitcast %and3A_858 : vector<16xi32> to vector<16xf32>
        %mul3A_860 = arith.mulf %bitcast3A_855, %broadcast_in_dim3A_821 : vector<16xf32>
        %swap3A_861 = arith.index_cast %add3A_825 : i32 to index
        %swap3A_862 = arith.constant 32 : index
        %swap3A_863 = tpu.vector_load %arg11[%swap3A_861, %swap3A_862] {strides = array<i32>} : memref<80x64xf32, #tpu.memory_space<vmem>>, vector<16xf32>,
        tpu.vector_store %arg11[%swap3A_861, %swap3A_862], %mul3A_860 {strides = array<i32>} : memref<80x64xf32, #tpu.memory_space<vmem>>, vector<16xf32>,
        %mul3A_864 = arith.mulf %bitcast3A_859, %broadcast_in_dim3A_821 : vector<16xf32>
        %swap3A_865 = arith.index_cast %add3A_825 : i32 to index
        %swap3A_866 = arith.constant 48 : index
        %swap3A_867 = tpu.vector_load %arg11[%swap3A_865, %swap3A_866] {strides = array<i32>} : memref<80x64xf32, #tpu.memory_space<vmem>>, vector<16xf32>,
        tpu.vector_store %arg11[%swap3A_865, %swap3A_866], %mul3A_864 {strides = array<i32>} : memref<80x64xf32, #tpu.memory_space<vmem>>, vector<16xf32>,
        %scan3A_868 = arith.constant 0 : i32
        scf.yield %scan3A_868 : i32
      }
      %scan3A_81 = arith.constant 5 : i32
      "tpu.region"() ({
        %run_scoped3A = tpu.sem_alloc : memref<!tpu.dma_semaphore, #tpu.memory_space<semaphore_mem>>
        %dma_start3A_83 = arith.constant 0 : i32
        %dma_start3A_84 = tpu.memref_slice %arg8[%scan3A_52, %dma_start3A_83] : memref<250x80xi32, #tpu.memory_space<vmem>> -> memref<1x80xi32, #tpu.memory_space<vmem>>
        %dma_start3A_85 = tpu.memref_squeeze %dma_start3A_84 : memref<1x80xi32, #tpu.memory_space<vmem>> -> memref<80xi32, #tpu.memory_space<vmem>>
        %dma_start3A_86 = arith.constant 0 : i32
        %dma_start3A_87 = arith.constant 0 : i32
        %dma_start3A_88 = tpu.memref_slice %arg13[%dma_start3A_86, %dma_start3A_87] : memref<10240x64xf32, #tpu.memory_space<vmem_shared>> -> memref<10240x64xf32, #tpu.memory_space<vmem_shared>>
        tpu.enqueue_indirect_dma source(%arg11 : memref<80x64xf32, #tpu.memory_space<vmem>>) target(%dma_start3A_88 : memref<10240x64xf32, #tpu.memory_space<vmem_shared>>) offsets(%dma_start3A_85 : memref<80xi32, #tpu.memory_space<vmem>>) semaphore(%run_scoped3A : memref<!tpu.dma_semaphore, #tpu.memory_space<semaphore_mem>>) {add = true}
        %dma_wait3A_89 = arith.constant 0 : i32
        %dma_wait3A_90 = tpu.memref_slice %arg8[%scan3A_52, %dma_wait3A_89] : memref<250x80xi32, #tpu.memory_space<vmem>> -> memref<1x80xi32, #tpu.memory_space<vmem>>
        %dma_wait3A_91 = tpu.memref_squeeze %dma_wait3A_90 : memref<1x80xi32, #tpu.memory_space<vmem>> -> memref<80xi32, #tpu.memory_space<vmem>>
        %dma_wait3A_92 = arith.constant 0 : i32
        %dma_wait3A_93 = arith.constant 0 : i32
        %dma_wait3A_94 = tpu.memref_slice %arg13[%dma_wait3A_92, %dma_wait3A_93] : memref<10240x64xf32, #tpu.memory_space<vmem_shared>> -> memref<10240x64xf32, #tpu.memory_space<vmem_shared>>
        tpu.wait_indirect_dma semaphore(%run_scoped3A : memref<!tpu.dma_semaphore, #tpu.memory_space<semaphore_mem>>) src(%arg11 : memref<80x64xf32, #tpu.memory_space<vmem>>) dst(%dma_wait3A_94 : memref<10240x64xf32, #tpu.memory_space<vmem_shared>>)
        tpu.yield
      }) : () -> ()
      %scan3A_82 = arith.constant 0 : i32
      scf.yield %scan3A_82 : i32
    }
    %scan3A_40 = arith.constant 250 : i32
    %barrier3A_41 = arith.constant 0 : index
    tpu.barrier barrier_id(%barrier3A_41)
    %add3A_42 = arith.constant 0 : i32
    %add3A_43 = arith.addi %mul3A_6, %add3A_42 : i32
    "tpu.region"() ({
      %run_scoped3A = tpu.sem_alloc : memref<!tpu.dma_semaphore, #tpu.memory_space<semaphore_mem>>
      %dma_start3A_52 = arith.constant 0 : i32
      %dma_start3A_53 = tpu.memref_slice %arg6[%arg0, %add3A_43, %dma_start3A_52] : memref<2x10240x64xf32, #tpu.memory_space<hbm>> -> memref<1x128x64xf32, #tpu.memory_space<hbm>>
      %dma_start3A_54 = tpu.memref_squeeze %dma_start3A_53 : memref<1x128x64xf32, #tpu.memory_space<hbm>> -> memref<128x64xf32, #tpu.memory_space<hbm>>
      %dma_start3A_55 = arith.constant 0 : i32
      %dma_start3A_56 = tpu.memref_slice %arg13[%add3A_43, %dma_start3A_55] : memref<10240x64xf32, #tpu.memory_space<vmem_shared>> -> memref<128x64xf32, #tpu.memory_space<vmem_shared>>
      tpu.enqueue_dma source(%dma_start3A_56 : memref<128x64xf32, #tpu.memory_space<vmem_shared>>) target(%dma_start3A_54 : memref<128x64xf32, #tpu.memory_space<hbm>>) target_semaphore(%run_scoped3A : memref<!tpu.dma_semaphore, #tpu.memory_space<semaphore_mem>>)
      %dma_wait3A = arith.constant 0 : i32
      %dma_wait3A_57 = tpu.memref_slice %arg6[%arg0, %add3A_43, %dma_wait3A] : memref<2x10240x64xf32, #tpu.memory_space<hbm>> -> memref<1x128x64xf32, #tpu.memory_space<hbm>>
      %dma_wait3A_58 = tpu.memref_squeeze %dma_wait3A_57 : memref<1x128x64xf32, #tpu.memory_space<hbm>> -> memref<128x64xf32, #tpu.memory_space<hbm>>
      %dma_wait3A_59 = arith.constant 0 : i32
      %dma_wait3A_60 = tpu.memref_slice %arg13[%add3A_43, %dma_wait3A_59] : memref<10240x64xf32, #tpu.memory_space<vmem_shared>> -> memref<128x64xf32, #tpu.memory_space<vmem_shared>>
      tpu.wait_dma2 semaphore(%run_scoped3A : memref<!tpu.dma_semaphore, #tpu.memory_space<semaphore_mem>>) src(%dma_wait3A_60 : memref<128x64xf32, #tpu.memory_space<vmem_shared>>) dst(%dma_wait3A_58 : memref<128x64xf32, #tpu.memory_space<hbm>>)
      tpu.yield
    }) : () -> ()
    %add3A_44 = arith.constant 128 : i32
    %add3A_45 = arith.addi %mul3A_6, %add3A_44 : i32
    "tpu.region"() ({
      %run_scoped3A = tpu.sem_alloc : memref<!tpu.dma_semaphore, #tpu.memory_space<semaphore_mem>>
      %dma_start3A_52 = arith.constant 0 : i32
      %dma_start3A_53 = tpu.memref_slice %arg6[%arg0, %add3A_45, %dma_start3A_52] : memref<2x10240x64xf32, #tpu.memory_space<hbm>> -> memref<1x128x64xf32, #tpu.memory_space<hbm>>
      %dma_start3A_54 = tpu.memref_squeeze %dma_start3A_53 : memref<1x128x64xf32, #tpu.memory_space<hbm>> -> memref<128x64xf32, #tpu.memory_space<hbm>>
      %dma_start3A_55 = arith.constant 0 : i32
      %dma_start3A_56 = tpu.memref_slice %arg13[%add3A_45, %dma_start3A_55] : memref<10240x64xf32, #tpu.memory_space<vmem_shared>> -> memref<128x64xf32, #tpu.memory_space<vmem_shared>>
      tpu.enqueue_dma source(%dma_start3A_56 : memref<128x64xf32, #tpu.memory_space<vmem_shared>>) target(%dma_start3A_54 : memref<128x64xf32, #tpu.memory_space<hbm>>) target_semaphore(%run_scoped3A : memref<!tpu.dma_semaphore, #tpu.memory_space<semaphore_mem>>)
      %dma_wait3A = arith.constant 0 : i32
      %dma_wait3A_57 = tpu.memref_slice %arg6[%arg0, %add3A_45, %dma_wait3A] : memref<2x10240x64xf32, #tpu.memory_space<hbm>> -> memref<1x128x64xf32, #tpu.memory_space<hbm>>
      %dma_wait3A_58 = tpu.memref_squeeze %dma_wait3A_57 : memref<1x128x64xf32, #tpu.memory_space<hbm>> -> memref<128x64xf32, #tpu.memory_space<hbm>>
      %dma_wait3A_59 = arith.constant 0 : i32
      %dma_wait3A_60 = tpu.memref_slice %arg13[%add3A_45, %dma_wait3A_59] : memref<10240x64xf32, #tpu.memory_space<vmem_shared>> -> memref<128x64xf32, #tpu.memory_space<vmem_shared>>
      tpu.wait_dma2 semaphore(%run_scoped3A : memref<!tpu.dma_semaphore, #tpu.memory_space<semaphore_mem>>) src(%dma_wait3A_60 : memref<128x64xf32, #tpu.memory_space<vmem_shared>>) dst(%dma_wait3A_58 : memref<128x64xf32, #tpu.memory_space<hbm>>)
      tpu.yield
    }) : () -> ()
    %add3A_46 = arith.constant 256 : i32
    %add3A_47 = arith.addi %mul3A_6, %add3A_46 : i32
    "tpu.region"() ({
      %run_scoped3A = tpu.sem_alloc : memref<!tpu.dma_semaphore, #tpu.memory_space<semaphore_mem>>
      %dma_start3A_52 = arith.constant 0 : i32
      %dma_start3A_53 = tpu.memref_slice %arg6[%arg0, %add3A_47, %dma_start3A_52] : memref<2x10240x64xf32, #tpu.memory_space<hbm>> -> memref<1x128x64xf32, #tpu.memory_space<hbm>>
      %dma_start3A_54 = tpu.memref_squeeze %dma_start3A_53 : memref<1x128x64xf32, #tpu.memory_space<hbm>> -> memref<128x64xf32, #tpu.memory_space<hbm>>
      %dma_start3A_55 = arith.constant 0 : i32
      %dma_start3A_56 = tpu.memref_slice %arg13[%add3A_47, %dma_start3A_55] : memref<10240x64xf32, #tpu.memory_space<vmem_shared>> -> memref<128x64xf32, #tpu.memory_space<vmem_shared>>
      tpu.enqueue_dma source(%dma_start3A_56 : memref<128x64xf32, #tpu.memory_space<vmem_shared>>) target(%dma_start3A_54 : memref<128x64xf32, #tpu.memory_space<hbm>>) target_semaphore(%run_scoped3A : memref<!tpu.dma_semaphore, #tpu.memory_space<semaphore_mem>>)
      %dma_wait3A = arith.constant 0 : i32
      %dma_wait3A_57 = tpu.memref_slice %arg6[%arg0, %add3A_47, %dma_wait3A] : memref<2x10240x64xf32, #tpu.memory_space<hbm>> -> memref<1x128x64xf32, #tpu.memory_space<hbm>>
      %dma_wait3A_58 = tpu.memref_squeeze %dma_wait3A_57 : memref<1x128x64xf32, #tpu.memory_space<hbm>> -> memref<128x64xf32, #tpu.memory_space<hbm>>
      %dma_wait3A_59 = arith.constant 0 : i32
      %dma_wait3A_60 = tpu.memref_slice %arg13[%add3A_47, %dma_wait3A_59] : memref<10240x64xf32, #tpu.memory_space<vmem_shared>> -> memref<128x64xf32, #tpu.memory_space<vmem_shared>>
      tpu.wait_dma2 semaphore(%run_scoped3A : memref<!tpu.dma_semaphore, #tpu.memory_space<semaphore_mem>>) src(%dma_wait3A_60 : memref<128x64xf32, #tpu.memory_space<vmem_shared>>) dst(%dma_wait3A_58 : memref<128x64xf32, #tpu.memory_space<hbm>>)
      tpu.yield
    }) : () -> ()
    %add3A_48 = arith.constant 384 : i32
    %add3A_49 = arith.addi %mul3A_6, %add3A_48 : i32
    "tpu.region"() ({
      %run_scoped3A = tpu.sem_alloc : memref<!tpu.dma_semaphore, #tpu.memory_space<semaphore_mem>>
      %dma_start3A_52 = arith.constant 0 : i32
      %dma_start3A_53 = tpu.memref_slice %arg6[%arg0, %add3A_49, %dma_start3A_52] : memref<2x10240x64xf32, #tpu.memory_space<hbm>> -> memref<1x128x64xf32, #tpu.memory_space<hbm>>
      %dma_start3A_54 = tpu.memref_squeeze %dma_start3A_53 : memref<1x128x64xf32, #tpu.memory_space<hbm>> -> memref<128x64xf32, #tpu.memory_space<hbm>>
      %dma_start3A_55 = arith.constant 0 : i32
      %dma_start3A_56 = tpu.memref_slice %arg13[%add3A_49, %dma_start3A_55] : memref<10240x64xf32, #tpu.memory_space<vmem_shared>> -> memref<128x64xf32, #tpu.memory_space<vmem_shared>>
      tpu.enqueue_dma source(%dma_start3A_56 : memref<128x64xf32, #tpu.memory_space<vmem_shared>>) target(%dma_start3A_54 : memref<128x64xf32, #tpu.memory_space<hbm>>) target_semaphore(%run_scoped3A : memref<!tpu.dma_semaphore, #tpu.memory_space<semaphore_mem>>)
      %dma_wait3A = arith.constant 0 : i32
      %dma_wait3A_57 = tpu.memref_slice %arg6[%arg0, %add3A_49, %dma_wait3A] : memref<2x10240x64xf32, #tpu.memory_space<hbm>> -> memref<1x128x64xf32, #tpu.memory_space<hbm>>
      %dma_wait3A_58 = tpu.memref_squeeze %dma_wait3A_57 : memref<1x128x64xf32, #tpu.memory_space<hbm>> -> memref<128x64xf32, #tpu.memory_space<hbm>>
      %dma_wait3A_59 = arith.constant 0 : i32
      %dma_wait3A_60 = tpu.memref_slice %arg13[%add3A_49, %dma_wait3A_59] : memref<10240x64xf32, #tpu.memory_space<vmem_shared>> -> memref<128x64xf32, #tpu.memory_space<vmem_shared>>
      tpu.wait_dma2 semaphore(%run_scoped3A : memref<!tpu.dma_semaphore, #tpu.memory_space<semaphore_mem>>) src(%dma_wait3A_60 : memref<128x64xf32, #tpu.memory_space<vmem_shared>>) dst(%dma_wait3A_58 : memref<128x64xf32, #tpu.memory_space<hbm>>)
      tpu.yield
    }) : () -> ()
    %add3A_50 = arith.constant 512 : i32
    %add3A_51 = arith.addi %mul3A_6, %add3A_50 : i32
    "tpu.region"() ({
      %run_scoped3A = tpu.sem_alloc : memref<!tpu.dma_semaphore, #tpu.memory_space<semaphore_mem>>
      %dma_start3A_52 = arith.constant 0 : i32
      %dma_start3A_53 = tpu.memref_slice %arg6[%arg0, %add3A_51, %dma_start3A_52] : memref<2x10240x64xf32, #tpu.memory_space<hbm>> -> memref<1x128x64xf32, #tpu.memory_space<hbm>>
      %dma_start3A_54 = tpu.memref_squeeze %dma_start3A_53 : memref<1x128x64xf32, #tpu.memory_space<hbm>> -> memref<128x64xf32, #tpu.memory_space<hbm>>
      %dma_start3A_55 = arith.constant 0 : i32
      %dma_start3A_56 = tpu.memref_slice %arg13[%add3A_51, %dma_start3A_55] : memref<10240x64xf32, #tpu.memory_space<vmem_shared>> -> memref<128x64xf32, #tpu.memory_space<vmem_shared>>
      tpu.enqueue_dma source(%dma_start3A_56 : memref<128x64xf32, #tpu.memory_space<vmem_shared>>) target(%dma_start3A_54 : memref<128x64xf32, #tpu.memory_space<hbm>>) target_semaphore(%run_scoped3A : memref<!tpu.dma_semaphore, #tpu.memory_space<semaphore_mem>>)
      %dma_wait3A = arith.constant 0 : i32
      %dma_wait3A_57 = tpu.memref_slice %arg6[%arg0, %add3A_51, %dma_wait3A] : memref<2x10240x64xf32, #tpu.memory_space<hbm>> -> memref<1x128x64xf32, #tpu.memory_space<hbm>>
      %dma_wait3A_58 = tpu.memref_squeeze %dma_wait3A_57 : memref<1x128x64xf32, #tpu.memory_space<hbm>> -> memref<128x64xf32, #tpu.memory_space<hbm>>
      %dma_wait3A_59 = arith.constant 0 : i32
      %dma_wait3A_60 = tpu.memref_slice %arg13[%add3A_51, %dma_wait3A_59] : memref<10240x64xf32, #tpu.memory_space<vmem_shared>> -> memref<128x64xf32, #tpu.memory_space<vmem_shared>>
      tpu.wait_dma2 semaphore(%run_scoped3A : memref<!tpu.dma_semaphore, #tpu.memory_space<semaphore_mem>>) src(%dma_wait3A_60 : memref<128x64xf32, #tpu.memory_space<vmem_shared>>) dst(%dma_wait3A_58 : memref<128x64xf32, #tpu.memory_space<hbm>>)
      tpu.yield
    }) : () -> ()
    return
  }
}

#map = affine_map<(d0, d1) -> (0)>
#map1 = affine_map<(d0, d1) -> (0, 0)>
module attributes {stable_mosaic.version = 14 : i64} {
  func.func @_sc_bincount(%arg0: i32, %arg1: i32, %arg2: memref<320000xi32, #tpu.memory_space<hbm>>, %arg3: memref<320000xi32, #tpu.memory_space<hbm>>, %arg4: memref<32x10240xf32, #tpu.memory_space<hbm>>, %arg5: memref<32x10240xf32, #tpu.memory_space<hbm>>, %arg6: memref<10000xi32, #tpu.memory_space<vmem>>, %arg7: memref<10000xi32, #tpu.memory_space<vmem>>, %arg8: memref<10240xf32, #tpu.memory_space<vmem>>, %arg9: memref<10240xf32, #tpu.memory_space<vmem>>) attributes {dimension_semantics = [#tpu.dimension_semantics<core_parallel>, #tpu.dimension_semantics<subcore_parallel>], iteration_bounds = array<i64: 2, 16>, scalar_prefetch = 0 : i64, scratch_operands = 4 : i64, tpu.core_type = #tpu.core_type<sc_vector_subcore>, window_params = [{transform_indices = #map}, {transform_indices = #map}, {transform_indices = #map1}, {transform_indices = #map1}]} {
    %mul3A = arith.constant 16 : i32
    %mul3A_0 = arith.muli %arg0, %mul3A : i32
    %add3A = arith.addi %mul3A_0, %arg1 : i32
    %mul3A_1 = arith.constant 10000 : i32
    %mul3A_2 = arith.muli %add3A, %mul3A_1 : i32
    "tpu.region"() ({
      %run_scoped3A = tpu.sem_alloc : memref<!tpu.dma_semaphore, #tpu.memory_space<semaphore_mem>>
      %dma_start3A = tpu.memref_slice %arg2[%mul3A_2] : memref<320000xi32, #tpu.memory_space<hbm>> -> memref<10000xi32, #tpu.memory_space<hbm>>
      %dma_start3A_16 = tpu.memref_slice %arg2[%mul3A_2] : memref<320000xi32, #tpu.memory_space<hbm>> -> memref<10000xi32, #tpu.memory_space<hbm>>
      tpu.enqueue_dma source(%dma_start3A_16 : memref<10000xi32, #tpu.memory_space<hbm>>) target(%arg6 : memref<10000xi32, #tpu.memory_space<vmem>>) target_semaphore(%run_scoped3A : memref<!tpu.dma_semaphore, #tpu.memory_space<semaphore_mem>>)
      %dma_wait3A = tpu.memref_slice %arg2[%mul3A_2] : memref<320000xi32, #tpu.memory_space<hbm>> -> memref<10000xi32, #tpu.memory_space<hbm>>
      %dma_wait3A_17 = tpu.memref_slice %arg2[%mul3A_2] : memref<320000xi32, #tpu.memory_space<hbm>> -> memref<10000xi32, #tpu.memory_space<hbm>>
      tpu.wait_dma2 semaphore(%run_scoped3A : memref<!tpu.dma_semaphore, #tpu.memory_space<semaphore_mem>>) src(%dma_wait3A_17 : memref<10000xi32, #tpu.memory_space<hbm>>) dst(%arg6 : memref<10000xi32, #tpu.memory_space<vmem>>)
      tpu.yield
    }) : () -> ()
    "tpu.region"() ({
      %run_scoped3A = tpu.sem_alloc : memref<!tpu.dma_semaphore, #tpu.memory_space<semaphore_mem>>
      %dma_start3A = tpu.memref_slice %arg3[%mul3A_2] : memref<320000xi32, #tpu.memory_space<hbm>> -> memref<10000xi32, #tpu.memory_space<hbm>>
      %dma_start3A_16 = tpu.memref_slice %arg3[%mul3A_2] : memref<320000xi32, #tpu.memory_space<hbm>> -> memref<10000xi32, #tpu.memory_space<hbm>>
      tpu.enqueue_dma source(%dma_start3A_16 : memref<10000xi32, #tpu.memory_space<hbm>>) target(%arg7 : memref<10000xi32, #tpu.memory_space<vmem>>) target_semaphore(%run_scoped3A : memref<!tpu.dma_semaphore, #tpu.memory_space<semaphore_mem>>)
      %dma_wait3A = tpu.memref_slice %arg3[%mul3A_2] : memref<320000xi32, #tpu.memory_space<hbm>> -> memref<10000xi32, #tpu.memory_space<hbm>>
      %dma_wait3A_17 = tpu.memref_slice %arg3[%mul3A_2] : memref<320000xi32, #tpu.memory_space<hbm>> -> memref<10000xi32, #tpu.memory_space<hbm>>
      tpu.wait_dma2 semaphore(%run_scoped3A : memref<!tpu.dma_semaphore, #tpu.memory_space<semaphore_mem>>) src(%dma_wait3A_17 : memref<10000xi32, #tpu.memory_space<hbm>>) dst(%arg7 : memref<10000xi32, #tpu.memory_space<vmem>>)
      tpu.yield
    }) : () -> ()
    %scan3A = arith.constant 0 : i32
    %scan3A_3 = arith.constant 0 : i32
    %scan3A_4 = arith.constant 640 : i32
    %scan3A_5 = arith.addi %scan3A_3, %scan3A_4 : i32
    %scan3A_6 = arith.constant 1 : i32
    %scan3A_7 = scf.for %scan3A_16 = %scan3A_3 to %scan3A_5 step %scan3A_6 iter_args(%scan3A_17 = %scan3A) -> (i32)  : i32 {
      %broadcast_in_dim3A = arith.constant 0.000000e+00 : f32
      %broadcast_in_dim3A_18 = vector.broadcast %broadcast_in_dim3A : f32 to vector<16xf32>
      %mul3A_19 = arith.constant 16 : i32
      %mul3A_20 = arith.muli %scan3A_16, %mul3A_19 : i32
      %swap3A = arith.index_cast %mul3A_20 : i32 to index
      %swap3A_21 = tpu.vector_load %arg8[%swap3A] {strides = array<i32>} : memref<10240xf32, #tpu.memory_space<vmem>>, vector<16xf32>,
      tpu.vector_store %arg8[%swap3A], %broadcast_in_dim3A_18 {strides = array<i32>} : memref<10240xf32, #tpu.memory_space<vmem>>, vector<16xf32>,
      %mul3A_22 = arith.constant 16 : i32
      %mul3A_23 = arith.muli %scan3A_16, %mul3A_22 : i32
      %swap3A_24 = arith.index_cast %mul3A_23 : i32 to index
      %swap3A_25 = tpu.vector_load %arg9[%swap3A_24] {strides = array<i32>} : memref<10240xf32, #tpu.memory_space<vmem>>, vector<16xf32>,
      tpu.vector_store %arg9[%swap3A_24], %broadcast_in_dim3A_18 {strides = array<i32>} : memref<10240xf32, #tpu.memory_space<vmem>>, vector<16xf32>,
      %scan3A_26 = arith.constant 0 : i32
      scf.yield %scan3A_26 : i32
    }
    %scan3A_8 = arith.constant 640 : i32
    %scan3A_9 = arith.constant 0 : i32
    %scan3A_10 = arith.constant 0 : i32
    %scan3A_11 = arith.constant 625 : i32
    %scan3A_12 = arith.addi %scan3A_10, %scan3A_11 : i32
    %scan3A_13 = arith.constant 1 : i32
    %scan3A_14 = scf.for %scan3A_16 = %scan3A_10 to %scan3A_12 step %scan3A_13 iter_args(%scan3A_17 = %scan3A_9) -> (i32)  : i32 {
      %mul3A_18 = arith.constant 16 : i32
      %mul3A_19 = arith.muli %scan3A_16, %mul3A_18 : i32
      %get3A = arith.index_cast %mul3A_19 : i32 to index
      %get3A_20 = tpu.vector_load %arg6[%get3A] {strides = array<i32>} : memref<10000xi32, #tpu.memory_space<vmem>>, vector<16xi32>,
      %broadcast_in_dim3A = arith.constant true
      %broadcast_in_dim3A_21 = vector.broadcast %broadcast_in_dim3A : i1 to vector<16xi1>
      %unique3A, %unique3A_22 = tpu.scan_count mask(%broadcast_in_dim3A_21 : vector<16xi1>) value(%get3A_20 : vector<16xi32>) : vector<16xi1>, vector<16xi32>
      %convert_element_type3A = arith.sitofp %unique3A_22 : vector<16xi32> to vector<16xf32>
      tpu.vector_store_idx %arg8[%get3A_20], %convert_element_type3A masked %unique3A {add = true} : memref<10240xf32, #tpu.memory_space<vmem>>[vector<16xi32>], vector<16xf32>, vector<16xi1>
      %mul3A_23 = arith.constant 16 : i32
      %mul3A_24 = arith.muli %scan3A_16, %mul3A_23 : i32
      %get3A_25 = arith.index_cast %mul3A_24 : i32 to index
      %get3A_26 = tpu.vector_load %arg7[%get3A_25] {strides = array<i32>} : memref<10000xi32, #tpu.memory_space<vmem>>, vector<16xi32>,
      %broadcast_in_dim3A_27 = arith.constant true
      %broadcast_in_dim3A_28 = vector.broadcast %broadcast_in_dim3A_27 : i1 to vector<16xi1>
      %unique3A_29, %unique3A_30 = tpu.scan_count mask(%broadcast_in_dim3A_28 : vector<16xi1>) value(%get3A_26 : vector<16xi32>) : vector<16xi1>, vector<16xi32>
      %convert_element_type3A_31 = arith.sitofp %unique3A_30 : vector<16xi32> to vector<16xf32>
      tpu.vector_store_idx %arg9[%get3A_26], %convert_element_type3A_31 masked %unique3A_29 {add = true} : memref<10240xf32, #tpu.memory_space<vmem>>[vector<16xi32>], vector<16xf32>, vector<16xi1>
      %scan3A_32 = arith.constant 0 : i32
      scf.yield %scan3A_32 : i32
    }
    %scan3A_15 = arith.constant 625 : i32
    "tpu.region"() ({
      %run_scoped3A = tpu.sem_alloc : memref<!tpu.dma_semaphore, #tpu.memory_space<semaphore_mem>>
      %dma_start3A = arith.constant 0 : i32
      %dma_start3A_16 = tpu.memref_slice %arg4[%add3A, %dma_start3A] : memref<32x10240xf32, #tpu.memory_space<hbm>> -> memref<1x10240xf32, #tpu.memory_space<hbm>>
      %dma_start3A_17 = tpu.memref_squeeze %dma_start3A_16 : memref<1x10240xf32, #tpu.memory_space<hbm>> -> memref<10240xf32, #tpu.memory_space<hbm>>
      %dma_start3A_18 = arith.constant 0 : i32
      %dma_start3A_19 = tpu.memref_slice %arg4[%add3A, %dma_start3A_18] : memref<32x10240xf32, #tpu.memory_space<hbm>> -> memref<1x10240xf32, #tpu.memory_space<hbm>>
      %dma_start3A_20 = tpu.memref_squeeze %dma_start3A_19 : memref<1x10240xf32, #tpu.memory_space<hbm>> -> memref<10240xf32, #tpu.memory_space<hbm>>
      tpu.enqueue_dma source(%arg8 : memref<10240xf32, #tpu.memory_space<vmem>>) target(%dma_start3A_20 : memref<10240xf32, #tpu.memory_space<hbm>>) target_semaphore(%run_scoped3A : memref<!tpu.dma_semaphore, #tpu.memory_space<semaphore_mem>>)
      %dma_wait3A = arith.constant 0 : i32
      %dma_wait3A_21 = tpu.memref_slice %arg4[%add3A, %dma_wait3A] : memref<32x10240xf32, #tpu.memory_space<hbm>> -> memref<1x10240xf32, #tpu.memory_space<hbm>>
      %dma_wait3A_22 = tpu.memref_squeeze %dma_wait3A_21 : memref<1x10240xf32, #tpu.memory_space<hbm>> -> memref<10240xf32, #tpu.memory_space<hbm>>
      %dma_wait3A_23 = arith.constant 0 : i32
      %dma_wait3A_24 = tpu.memref_slice %arg4[%add3A, %dma_wait3A_23] : memref<32x10240xf32, #tpu.memory_space<hbm>> -> memref<1x10240xf32, #tpu.memory_space<hbm>>
      %dma_wait3A_25 = tpu.memref_squeeze %dma_wait3A_24 : memref<1x10240xf32, #tpu.memory_space<hbm>> -> memref<10240xf32, #tpu.memory_space<hbm>>
      tpu.wait_dma2 semaphore(%run_scoped3A : memref<!tpu.dma_semaphore, #tpu.memory_space<semaphore_mem>>) src(%arg8 : memref<10240xf32, #tpu.memory_space<vmem>>) dst(%dma_wait3A_25 : memref<10240xf32, #tpu.memory_space<hbm>>)
      tpu.yield
    }) : () -> ()
    "tpu.region"() ({
      %run_scoped3A = tpu.sem_alloc : memref<!tpu.dma_semaphore, #tpu.memory_space<semaphore_mem>>
      %dma_start3A = arith.constant 0 : i32
      %dma_start3A_16 = tpu.memref_slice %arg5[%add3A, %dma_start3A] : memref<32x10240xf32, #tpu.memory_space<hbm>> -> memref<1x10240xf32, #tpu.memory_space<hbm>>
      %dma_start3A_17 = tpu.memref_squeeze %dma_start3A_16 : memref<1x10240xf32, #tpu.memory_space<hbm>> -> memref<10240xf32, #tpu.memory_space<hbm>>
      %dma_start3A_18 = arith.constant 0 : i32
      %dma_start3A_19 = tpu.memref_slice %arg5[%add3A, %dma_start3A_18] : memref<32x10240xf32, #tpu.memory_space<hbm>> -> memref<1x10240xf32, #tpu.memory_space<hbm>>
      %dma_start3A_20 = tpu.memref_squeeze %dma_start3A_19 : memref<1x10240xf32, #tpu.memory_space<hbm>> -> memref<10240xf32, #tpu.memory_space<hbm>>
      tpu.enqueue_dma source(%arg9 : memref<10240xf32, #tpu.memory_space<vmem>>) target(%dma_start3A_20 : memref<10240xf32, #tpu.memory_space<hbm>>) target_semaphore(%run_scoped3A : memref<!tpu.dma_semaphore, #tpu.memory_space<semaphore_mem>>)
      %dma_wait3A = arith.constant 0 : i32
      %dma_wait3A_21 = tpu.memref_slice %arg5[%add3A, %dma_wait3A] : memref<32x10240xf32, #tpu.memory_space<hbm>> -> memref<1x10240xf32, #tpu.memory_space<hbm>>
      %dma_wait3A_22 = tpu.memref_squeeze %dma_wait3A_21 : memref<1x10240xf32, #tpu.memory_space<hbm>> -> memref<10240xf32, #tpu.memory_space<hbm>>
      %dma_wait3A_23 = arith.constant 0 : i32
      %dma_wait3A_24 = tpu.memref_slice %arg5[%add3A, %dma_wait3A_23] : memref<32x10240xf32, #tpu.memory_space<hbm>> -> memref<1x10240xf32, #tpu.memory_space<hbm>>
      %dma_wait3A_25 = tpu.memref_squeeze %dma_wait3A_24 : memref<1x10240xf32, #tpu.memory_space<hbm>> -> memref<10240xf32, #tpu.memory_space<hbm>>
      tpu.wait_dma2 semaphore(%run_scoped3A : memref<!tpu.dma_semaphore, #tpu.memory_space<semaphore_mem>>) src(%arg9 : memref<10240xf32, #tpu.memory_space<vmem>>) dst(%dma_wait3A_25 : memref<10240xf32, #tpu.memory_space<hbm>>)
      tpu.yield
    }) : () -> ()
    return
  }
}

#map = affine_map<(d0, d1) -> (0, 0, 0)>
#map1 = affine_map<(d0, d1) -> (0, 0)>
module attributes {stable_mosaic.version = 14 : i64} {
  func.func @_sc_scatter(%arg0: i32, %arg1: i32, %arg2: memref<16x250x80xi32, #tpu.memory_space<hbm>>, %arg3: memref<16x250x80xi32, #tpu.memory_space<hbm>>, %arg4: memref<16x20000xf32, #tpu.memory_space<hbm>>, %arg5: memref<2x10000x64xbf16, #tpu.memory_space<hbm>>, %arg6: memref<2x10240x64xf32, #tpu.memory_space<hbm>>, %arg7: memref<250x80xi32, #tpu.memory_space<vmem>>, %arg8: memref<250x80xi32, #tpu.memory_space<vmem>>, %arg9: memref<20000xf32, #tpu.memory_space<vmem>>, %arg10: memref<2x80x64xbf16, #tpu.memory_space<vmem>>, %arg11: memref<80x64xf32, #tpu.memory_space<vmem>>, %arg12: memref<128x64xf32, #tpu.memory_space<vmem>>, %arg13: memref<10240x64xf32, #tpu.memory_space<vmem_shared>>, %arg14: memref<2x!tpu.dma_semaphore, #tpu.memory_space<semaphore_mem>>) attributes {dimension_semantics = [#tpu.dimension_semantics<core_parallel>, #tpu.dimension_semantics<subcore_parallel>], iteration_bounds = array<i64: 2, 16>, scalar_prefetch = 0 : i64, scratch_operands = 8 : i64, tpu.core_type = #tpu.core_type<sc_vector_subcore>, window_params = [{transform_indices = #map}, {transform_indices = #map}, {transform_indices = #map1}, {transform_indices = #map}, {transform_indices = #map}]} {
    "tpu.region"() ({
      %run_scoped3A = tpu.sem_alloc : memref<!tpu.dma_semaphore, #tpu.memory_space<semaphore_mem>>
      %dma_start3A_52 = arith.constant 0 : i32
      %dma_start3A_53 = arith.constant 0 : i32
      %dma_start3A_54 = tpu.memref_slice %arg2[%arg1, %dma_start3A_52, %dma_start3A_53] : memref<16x250x80xi32, #tpu.memory_space<hbm>> -> memref<1x250x80xi32, #tpu.memory_space<hbm>>
      %dma_start3A_55 = tpu.memref_squeeze %dma_start3A_54 : memref<1x250x80xi32, #tpu.memory_space<hbm>> -> memref<250x80xi32, #tpu.memory_space<hbm>>
      %dma_start3A_56 = arith.constant 0 : i32
      %dma_start3A_57 = arith.constant 0 : i32
      %dma_start3A_58 = tpu.memref_slice %arg2[%arg1, %dma_start3A_56, %dma_start3A_57] : memref<16x250x80xi32, #tpu.memory_space<hbm>> -> memref<1x250x80xi32, #tpu.memory_space<hbm>>
      %dma_start3A_59 = tpu.memref_squeeze %dma_start3A_58 : memref<1x250x80xi32, #tpu.memory_space<hbm>> -> memref<250x80xi32, #tpu.memory_space<hbm>>
      tpu.enqueue_dma source(%dma_start3A_59 : memref<250x80xi32, #tpu.memory_space<hbm>>) target(%arg7 : memref<250x80xi32, #tpu.memory_space<vmem>>) target_semaphore(%run_scoped3A : memref<!tpu.dma_semaphore, #tpu.memory_space<semaphore_mem>>)
      %dma_wait3A = arith.constant 0 : i32
      %dma_wait3A_60 = arith.constant 0 : i32
      %dma_wait3A_61 = tpu.memref_slice %arg2[%arg1, %dma_wait3A, %dma_wait3A_60] : memref<16x250x80xi32, #tpu.memory_space<hbm>> -> memref<1x250x80xi32, #tpu.memory_space<hbm>>
      %dma_wait3A_62 = tpu.memref_squeeze %dma_wait3A_61 : memref<1x250x80xi32, #tpu.memory_space<hbm>> -> memref<250x80xi32, #tpu.memory_space<hbm>>
      %dma_wait3A_63 = arith.constant 0 : i32
      %dma_wait3A_64 = arith.constant 0 : i32
      %dma_wait3A_65 = tpu.memref_slice %arg2[%arg1, %dma_wait3A_63, %dma_wait3A_64] : memref<16x250x80xi32, #tpu.memory_space<hbm>> -> memref<1x250x80xi32, #tpu.memory_space<hbm>>
      %dma_wait3A_66 = tpu.memref_squeeze %dma_wait3A_65 : memref<1x250x80xi32, #tpu.memory_space<hbm>> -> memref<250x80xi32, #tpu.memory_space<hbm>>
      tpu.wait_dma2 semaphore(%run_scoped3A : memref<!tpu.dma_semaphore, #tpu.memory_space<semaphore_mem>>) src(%dma_wait3A_66 : memref<250x80xi32, #tpu.memory_space<hbm>>) dst(%arg7 : memref<250x80xi32, #tpu.memory_space<vmem>>)
      tpu.yield
    }) : () -> ()
    "tpu.region"() ({
      %run_scoped3A = tpu.sem_alloc : memref<!tpu.dma_semaphore, #tpu.memory_space<semaphore_mem>>
      %dma_start3A_52 = arith.constant 0 : i32
      %dma_start3A_53 = arith.constant 0 : i32
      %dma_start3A_54 = tpu.memref_slice %arg3[%arg1, %dma_start3A_52, %dma_start3A_53] : memref<16x250x80xi32, #tpu.memory_space<hbm>> -> memref<1x250x80xi32, #tpu.memory_space<hbm>>
      %dma_start3A_55 = tpu.memref_squeeze %dma_start3A_54 : memref<1x250x80xi32, #tpu.memory_space<hbm>> -> memref<250x80xi32, #tpu.memory_space<hbm>>
      %dma_start3A_56 = arith.constant 0 : i32
      %dma_start3A_57 = arith.constant 0 : i32
      %dma_start3A_58 = tpu.memref_slice %arg3[%arg1, %dma_start3A_56, %dma_start3A_57] : memref<16x250x80xi32, #tpu.memory_space<hbm>> -> memref<1x250x80xi32, #tpu.memory_space<hbm>>
      %dma_start3A_59 = tpu.memref_squeeze %dma_start3A_58 : memref<1x250x80xi32, #tpu.memory_space<hbm>> -> memref<250x80xi32, #tpu.memory_space<hbm>>
      tpu.enqueue_dma source(%dma_start3A_59 : memref<250x80xi32, #tpu.memory_space<hbm>>) target(%arg8 : memref<250x80xi32, #tpu.memory_space<vmem>>) target_semaphore(%run_scoped3A : memref<!tpu.dma_semaphore, #tpu.memory_space<semaphore_mem>>)
      %dma_wait3A = arith.constant 0 : i32
      %dma_wait3A_60 = arith.constant 0 : i32
      %dma_wait3A_61 = tpu.memref_slice %arg3[%arg1, %dma_wait3A, %dma_wait3A_60] : memref<16x250x80xi32, #tpu.memory_space<hbm>> -> memref<1x250x80xi32, #tpu.memory_space<hbm>>
      %dma_wait3A_62 = tpu.memref_squeeze %dma_wait3A_61 : memref<1x250x80xi32, #tpu.memory_space<hbm>> -> memref<250x80xi32, #tpu.memory_space<hbm>>
      %dma_wait3A_63 = arith.constant 0 : i32
      %dma_wait3A_64 = arith.constant 0 : i32
      %dma_wait3A_65 = tpu.memref_slice %arg3[%arg1, %dma_wait3A_63, %dma_wait3A_64] : memref<16x250x80xi32, #tpu.memory_space<hbm>> -> memref<1x250x80xi32, #tpu.memory_space<hbm>>
      %dma_wait3A_66 = tpu.memref_squeeze %dma_wait3A_65 : memref<1x250x80xi32, #tpu.memory_space<hbm>> -> memref<250x80xi32, #tpu.memory_space<hbm>>
      tpu.wait_dma2 semaphore(%run_scoped3A : memref<!tpu.dma_semaphore, #tpu.memory_space<semaphore_mem>>) src(%dma_wait3A_66 : memref<250x80xi32, #tpu.memory_space<hbm>>) dst(%arg8 : memref<250x80xi32, #tpu.memory_space<vmem>>)
      tpu.yield
    }) : () -> ()
    "tpu.region"() ({
      %run_scoped3A = tpu.sem_alloc : memref<!tpu.dma_semaphore, #tpu.memory_space<semaphore_mem>>
      %dma_start3A_52 = arith.constant 0 : i32
      %dma_start3A_53 = tpu.memref_slice %arg4[%arg1, %dma_start3A_52] : memref<16x20000xf32, #tpu.memory_space<hbm>> -> memref<1x20000xf32, #tpu.memory_space<hbm>>
      %dma_start3A_54 = tpu.memref_squeeze %dma_start3A_53 : memref<1x20000xf32, #tpu.memory_space<hbm>> -> memref<20000xf32, #tpu.memory_space<hbm>>
      %dma_start3A_55 = arith.constant 0 : i32
      %dma_start3A_56 = tpu.memref_slice %arg4[%arg1, %dma_start3A_55] : memref<16x20000xf32, #tpu.memory_space<hbm>> -> memref<1x20000xf32, #tpu.memory_space<hbm>>
      %dma_start3A_57 = tpu.memref_squeeze %dma_start3A_56 : memref<1x20000xf32, #tpu.memory_space<hbm>> -> memref<20000xf32, #tpu.memory_space<hbm>>
      tpu.enqueue_dma source(%dma_start3A_57 : memref<20000xf32, #tpu.memory_space<hbm>>) target(%arg9 : memref<20000xf32, #tpu.memory_space<vmem>>) target_semaphore(%run_scoped3A : memref<!tpu.dma_semaphore, #tpu.memory_space<semaphore_mem>>)
      %dma_wait3A = arith.constant 0 : i32
      %dma_wait3A_58 = tpu.memref_slice %arg4[%arg1, %dma_wait3A] : memref<16x20000xf32, #tpu.memory_space<hbm>> -> memref<1x20000xf32, #tpu.memory_space<hbm>>
      %dma_wait3A_59 = tpu.memref_squeeze %dma_wait3A_58 : memref<1x20000xf32, #tpu.memory_space<hbm>> -> memref<20000xf32, #tpu.memory_space<hbm>>
      %dma_wait3A_60 = arith.constant 0 : i32
      %dma_wait3A_61 = tpu.memref_slice %arg4[%arg1, %dma_wait3A_60] : memref<16x20000xf32, #tpu.memory_space<hbm>> -> memref<1x20000xf32, #tpu.memory_space<hbm>>
      %dma_wait3A_62 = tpu.memref_squeeze %dma_wait3A_61 : memref<1x20000xf32, #tpu.memory_space<hbm>> -> memref<20000xf32, #tpu.memory_space<hbm>>
      tpu.wait_dma2 semaphore(%run_scoped3A : memref<!tpu.dma_semaphore, #tpu.memory_space<semaphore_mem>>) src(%dma_wait3A_62 : memref<20000xf32, #tpu.memory_space<hbm>>) dst(%arg9 : memref<20000xf32, #tpu.memory_space<vmem>>)
      tpu.yield
    }) : () -> ()
    %scan3A = arith.constant 0 : i32
    %scan3A_0 = arith.constant 0 : i32
    %scan3A_1 = arith.constant 128 : i32
    %scan3A_2 = arith.addi %scan3A_0, %scan3A_1 : i32
    %scan3A_3 = arith.constant 1 : i32
    %scan3A_4 = scf.for %scan3A_52 = %scan3A_0 to %scan3A_2 step %scan3A_3 iter_args(%scan3A_53 = %scan3A) -> (i32)  : i32 {
      %broadcast_in_dim3A = arith.constant 0.000000e+00 : f32
      %broadcast_in_dim3A_54 = vector.broadcast %broadcast_in_dim3A : f32 to vector<16xf32>
      %swap3A = arith.index_cast %scan3A_52 : i32 to index
      %swap3A_55 = arith.constant 0 : index
      %swap3A_56 = tpu.vector_load %arg12[%swap3A, %swap3A_55] {strides = array<i32>} : memref<128x64xf32, #tpu.memory_space<vmem>>, vector<16xf32>,
      tpu.vector_store %arg12[%swap3A, %swap3A_55], %broadcast_in_dim3A_54 {strides = array<i32>} : memref<128x64xf32, #tpu.memory_space<vmem>>, vector<16xf32>,
      %broadcast_in_dim3A_57 = arith.constant 0.000000e+00 : f32
      %broadcast_in_dim3A_58 = vector.broadcast %broadcast_in_dim3A_57 : f32 to vector<16xf32>
      %swap3A_59 = arith.index_cast %scan3A_52 : i32 to index
      %swap3A_60 = arith.constant 16 : index
      %swap3A_61 = tpu.vector_load %arg12[%swap3A_59, %swap3A_60] {strides = array<i32>} : memref<128x64xf32, #tpu.memory_space<vmem>>, vector<16xf32>,
      tpu.vector_store %arg12[%swap3A_59, %swap3A_60], %broadcast_in_dim3A_58 {strides = array<i32>} : memref<128x64xf32, #tpu.memory_space<vmem>>, vector<16xf32>,
      %broadcast_in_dim3A_62 = arith.constant 0.000000e+00 : f32
      %broadcast_in_dim3A_63 = vector.broadcast %broadcast_in_dim3A_62 : f32 to vector<16xf32>
      %swap3A_64 = arith.index_cast %scan3A_52 : i32 to index
      %swap3A_65 = arith.constant 32 : index
      %swap3A_66 = tpu.vector_load %arg12[%swap3A_64, %swap3A_65] {strides = array<i32>} : memref<128x64xf32, #tpu.memory_space<vmem>>, vector<16xf32>,
      tpu.vector_store %arg12[%swap3A_64, %swap3A_65], %broadcast_in_dim3A_63 {strides = array<i32>} : memref<128x64xf32, #tpu.memory_space<vmem>>, vector<16xf32>,
      %broadcast_in_dim3A_67 = arith.constant 0.000000e+00 : f32
      %broadcast_in_dim3A_68 = vector.broadcast %broadcast_in_dim3A_67 : f32 to vector<16xf32>
      %swap3A_69 = arith.index_cast %scan3A_52 : i32 to index
      %swap3A_70 = arith.constant 48 : index
      %swap3A_71 = tpu.vector_load %arg12[%swap3A_69, %swap3A_70] {strides = array<i32>} : memref<128x64xf32, #tpu.memory_space<vmem>>, vector<16xf32>,
      tpu.vector_store %arg12[%swap3A_69, %swap3A_70], %broadcast_in_dim3A_68 {strides = array<i32>} : memref<128x64xf32, #tpu.memory_space<vmem>>, vector<16xf32>,
      %scan3A_72 = arith.constant 0 : i32
      scf.yield %scan3A_72 : i32
    }
    %scan3A_5 = arith.constant 128 : i32
    %mul3A = arith.constant 640 : i32
    %mul3A_6 = arith.muli %arg1, %mul3A : i32
    %add3A = arith.constant 0 : i32
    %add3A_7 = arith.addi %mul3A_6, %add3A : i32
    "tpu.region"() ({
      %run_scoped3A = tpu.sem_alloc : memref<!tpu.dma_semaphore, #tpu.memory_space<semaphore_mem>>
      %dma_start3A_52 = arith.constant 0 : i32
      %dma_start3A_53 = tpu.memref_slice %arg13[%add3A_7, %dma_start3A_52] : memref<10240x64xf32, #tpu.memory_space<vmem_shared>> -> memref<128x64xf32, #tpu.memory_space<vmem_shared>>
      %dma_start3A_54 = arith.constant 0 : i32
      %dma_start3A_55 = tpu.memref_slice %arg13[%add3A_7, %dma_start3A_54] : memref<10240x64xf32, #tpu.memory_space<vmem_shared>> -> memref<128x64xf32, #tpu.memory_space<vmem_shared>>
      tpu.enqueue_dma source(%arg12 : memref<128x64xf32, #tpu.memory_space<vmem>>) target(%dma_start3A_55 : memref<128x64xf32, #tpu.memory_space<vmem_shared>>) target_semaphore(%run_scoped3A : memref<!tpu.dma_semaphore, #tpu.memory_space<semaphore_mem>>)
      %dma_wait3A = arith.constant 0 : i32
      %dma_wait3A_56 = tpu.memref_slice %arg13[%add3A_7, %dma_wait3A] : memref<10240x64xf32, #tpu.memory_space<vmem_shared>> -> memref<128x64xf32, #tpu.memory_space<vmem_shared>>
      %dma_wait3A_57 = arith.constant 0 : i32
      %dma_wait3A_58 = tpu.memref_slice %arg13[%add3A_7, %dma_wait3A_57] : memref<10240x64xf32, #tpu.memory_space<vmem_shared>> -> memref<128x64xf32, #tpu.memory_space<vmem_shared>>
      tpu.wait_dma2 semaphore(%run_scoped3A : memref<!tpu.dma_semaphore, #tpu.memory_space<semaphore_mem>>) src(%arg12 : memref<128x64xf32, #tpu.memory_space<vmem>>) dst(%dma_wait3A_58 : memref<128x64xf32, #tpu.memory_space<vmem_shared>>)
      tpu.yield
    }) : () -> ()
    %add3A_8 = arith.constant 128 : i32
    %add3A_9 = arith.addi %mul3A_6, %add3A_8 : i32
    "tpu.region"() ({
      %run_scoped3A = tpu.sem_alloc : memref<!tpu.dma_semaphore, #tpu.memory_space<semaphore_mem>>
      %dma_start3A_52 = arith.constant 0 : i32
      %dma_start3A_53 = tpu.memref_slice %arg13[%add3A_9, %dma_start3A_52] : memref<10240x64xf32, #tpu.memory_space<vmem_shared>> -> memref<128x64xf32, #tpu.memory_space<vmem_shared>>
      %dma_start3A_54 = arith.constant 0 : i32
      %dma_start3A_55 = tpu.memref_slice %arg13[%add3A_9, %dma_start3A_54] : memref<10240x64xf32, #tpu.memory_space<vmem_shared>> -> memref<128x64xf32, #tpu.memory_space<vmem_shared>>
      tpu.enqueue_dma source(%arg12 : memref<128x64xf32, #tpu.memory_space<vmem>>) target(%dma_start3A_55 : memref<128x64xf32, #tpu.memory_space<vmem_shared>>) target_semaphore(%run_scoped3A : memref<!tpu.dma_semaphore, #tpu.memory_space<semaphore_mem>>)
      %dma_wait3A = arith.constant 0 : i32
      %dma_wait3A_56 = tpu.memref_slice %arg13[%add3A_9, %dma_wait3A] : memref<10240x64xf32, #tpu.memory_space<vmem_shared>> -> memref<128x64xf32, #tpu.memory_space<vmem_shared>>
      %dma_wait3A_57 = arith.constant 0 : i32
      %dma_wait3A_58 = tpu.memref_slice %arg13[%add3A_9, %dma_wait3A_57] : memref<10240x64xf32, #tpu.memory_space<vmem_shared>> -> memref<128x64xf32, #tpu.memory_space<vmem_shared>>
      tpu.wait_dma2 semaphore(%run_scoped3A : memref<!tpu.dma_semaphore, #tpu.memory_space<semaphore_mem>>) src(%arg12 : memref<128x64xf32, #tpu.memory_space<vmem>>) dst(%dma_wait3A_58 : memref<128x64xf32, #tpu.memory_space<vmem_shared>>)
      tpu.yield
    }) : () -> ()
    %add3A_10 = arith.constant 256 : i32
    %add3A_11 = arith.addi %mul3A_6, %add3A_10 : i32
    "tpu.region"() ({
      %run_scoped3A = tpu.sem_alloc : memref<!tpu.dma_semaphore, #tpu.memory_space<semaphore_mem>>
      %dma_start3A_52 = arith.constant 0 : i32
      %dma_start3A_53 = tpu.memref_slice %arg13[%add3A_11, %dma_start3A_52] : memref<10240x64xf32, #tpu.memory_space<vmem_shared>> -> memref<128x64xf32, #tpu.memory_space<vmem_shared>>
      %dma_start3A_54 = arith.constant 0 : i32
      %dma_start3A_55 = tpu.memref_slice %arg13[%add3A_11, %dma_start3A_54] : memref<10240x64xf32, #tpu.memory_space<vmem_shared>> -> memref<128x64xf32, #tpu.memory_space<vmem_shared>>
      tpu.enqueue_dma source(%arg12 : memref<128x64xf32, #tpu.memory_space<vmem>>) target(%dma_start3A_55 : memref<128x64xf32, #tpu.memory_space<vmem_shared>>) target_semaphore(%run_scoped3A : memref<!tpu.dma_semaphore, #tpu.memory_space<semaphore_mem>>)
      %dma_wait3A = arith.constant 0 : i32
      %dma_wait3A_56 = tpu.memref_slice %arg13[%add3A_11, %dma_wait3A] : memref<10240x64xf32, #tpu.memory_space<vmem_shared>> -> memref<128x64xf32, #tpu.memory_space<vmem_shared>>
      %dma_wait3A_57 = arith.constant 0 : i32
      %dma_wait3A_58 = tpu.memref_slice %arg13[%add3A_11, %dma_wait3A_57] : memref<10240x64xf32, #tpu.memory_space<vmem_shared>> -> memref<128x64xf32, #tpu.memory_space<vmem_shared>>
      tpu.wait_dma2 semaphore(%run_scoped3A : memref<!tpu.dma_semaphore, #tpu.memory_space<semaphore_mem>>) src(%arg12 : memref<128x64xf32, #tpu.memory_space<vmem>>) dst(%dma_wait3A_58 : memref<128x64xf32, #tpu.memory_space<vmem_shared>>)
      tpu.yield
    }) : () -> ()
    %add3A_12 = arith.constant 384 : i32
    %add3A_13 = arith.addi %mul3A_6, %add3A_12 : i32
    "tpu.region"() ({
      %run_scoped3A = tpu.sem_alloc : memref<!tpu.dma_semaphore, #tpu.memory_space<semaphore_mem>>
      %dma_start3A_52 = arith.constant 0 : i32
      %dma_start3A_53 = tpu.memref_slice %arg13[%add3A_13, %dma_start3A_52] : memref<10240x64xf32, #tpu.memory_space<vmem_shared>> -> memref<128x64xf32, #tpu.memory_space<vmem_shared>>
      %dma_start3A_54 = arith.constant 0 : i32
      %dma_start3A_55 = tpu.memref_slice %arg13[%add3A_13, %dma_start3A_54] : memref<10240x64xf32, #tpu.memory_space<vmem_shared>> -> memref<128x64xf32, #tpu.memory_space<vmem_shared>>
      tpu.enqueue_dma source(%arg12 : memref<128x64xf32, #tpu.memory_space<vmem>>) target(%dma_start3A_55 : memref<128x64xf32, #tpu.memory_space<vmem_shared>>) target_semaphore(%run_scoped3A : memref<!tpu.dma_semaphore, #tpu.memory_space<semaphore_mem>>)
      %dma_wait3A = arith.constant 0 : i32
      %dma_wait3A_56 = tpu.memref_slice %arg13[%add3A_13, %dma_wait3A] : memref<10240x64xf32, #tpu.memory_space<vmem_shared>> -> memref<128x64xf32, #tpu.memory_space<vmem_shared>>
      %dma_wait3A_57 = arith.constant 0 : i32
      %dma_wait3A_58 = tpu.memref_slice %arg13[%add3A_13, %dma_wait3A_57] : memref<10240x64xf32, #tpu.memory_space<vmem_shared>> -> memref<128x64xf32, #tpu.memory_space<vmem_shared>>
      tpu.wait_dma2 semaphore(%run_scoped3A : memref<!tpu.dma_semaphore, #tpu.memory_space<semaphore_mem>>) src(%arg12 : memref<128x64xf32, #tpu.memory_space<vmem>>) dst(%dma_wait3A_58 : memref<128x64xf32, #tpu.memory_space<vmem_shared>>)
      tpu.yield
    }) : () -> ()
    %add3A_14 = arith.constant 512 : i32
    %add3A_15 = arith.addi %mul3A_6, %add3A_14 : i32
    "tpu.region"() ({
      %run_scoped3A = tpu.sem_alloc : memref<!tpu.dma_semaphore, #tpu.memory_space<semaphore_mem>>
      %dma_start3A_52 = arith.constant 0 : i32
      %dma_start3A_53 = tpu.memref_slice %arg13[%add3A_15, %dma_start3A_52] : memref<10240x64xf32, #tpu.memory_space<vmem_shared>> -> memref<128x64xf32, #tpu.memory_space<vmem_shared>>
      %dma_start3A_54 = arith.constant 0 : i32
      %dma_start3A_55 = tpu.memref_slice %arg13[%add3A_15, %dma_start3A_54] : memref<10240x64xf32, #tpu.memory_space<vmem_shared>> -> memref<128x64xf32, #tpu.memory_space<vmem_shared>>
      tpu.enqueue_dma source(%arg12 : memref<128x64xf32, #tpu.memory_space<vmem>>) target(%dma_start3A_55 : memref<128x64xf32, #tpu.memory_space<vmem_shared>>) target_semaphore(%run_scoped3A : memref<!tpu.dma_semaphore, #tpu.memory_space<semaphore_mem>>)
      %dma_wait3A = arith.constant 0 : i32
      %dma_wait3A_56 = tpu.memref_slice %arg13[%add3A_15, %dma_wait3A] : memref<10240x64xf32, #tpu.memory_space<vmem_shared>> -> memref<128x64xf32, #tpu.memory_space<vmem_shared>>
      %dma_wait3A_57 = arith.constant 0 : i32
      %dma_wait3A_58 = tpu.memref_slice %arg13[%add3A_15, %dma_wait3A_57] : memref<10240x64xf32, #tpu.memory_space<vmem_shared>> -> memref<128x64xf32, #tpu.memory_space<vmem_shared>>
      tpu.wait_dma2 semaphore(%run_scoped3A : memref<!tpu.dma_semaphore, #tpu.memory_space<semaphore_mem>>) src(%arg12 : memref<128x64xf32, #tpu.memory_space<vmem>>) dst(%dma_wait3A_58 : memref<128x64xf32, #tpu.memory_space<vmem_shared>>)
      tpu.yield
    }) : () -> ()
    %barrier3A = arith.constant 0 : index
    tpu.barrier barrier_id(%barrier3A)
    %rem3A = arith.constant 0 : i32
    %rem3A_16 = arith.constant 2 : i32
    %rem3A_17 = arith.remsi %rem3A, %rem3A_16 : i32
    %dma_start3A = arith.constant 0 : i32
    %dma_start3A_18 = arith.constant 0 : i32
    %dma_start3A_19 = arith.constant 0 : i32
    %dma_start3A_20 = tpu.memref_slice %arg10[%rem3A_17, %dma_start3A_18, %dma_start3A_19] : memref<2x80x64xbf16, #tpu.memory_space<vmem>> -> memref<1x80x64xbf16, #tpu.memory_space<vmem>>
    %dma_start3A_21 = tpu.memref_squeeze %dma_start3A_20 : memref<1x80x64xbf16, #tpu.memory_space<vmem>> -> memref<80x64xbf16, #tpu.memory_space<vmem>>
    %dma_start3A_22 = arith.constant 0 : i32
    %dma_start3A_23 = tpu.memref_slice %arg7[%dma_start3A, %dma_start3A_22] : memref<250x80xi32, #tpu.memory_space<vmem>> -> memref<1x80xi32, #tpu.memory_space<vmem>>
    %dma_start3A_24 = tpu.memref_squeeze %dma_start3A_23 : memref<1x80xi32, #tpu.memory_space<vmem>> -> memref<80xi32, #tpu.memory_space<vmem>>
    %dma_start3A_25 = arith.constant 0 : i32
    %dma_start3A_26 = arith.constant 0 : i32
    %dma_start3A_27 = tpu.memref_slice %arg5[%arg0, %dma_start3A_25, %dma_start3A_26] : memref<2x10000x64xbf16, #tpu.memory_space<hbm>> -> memref<1x10000x64xbf16, #tpu.memory_space<hbm>>
    %dma_start3A_28 = tpu.memref_squeeze %dma_start3A_27 : memref<1x10000x64xbf16, #tpu.memory_space<hbm>> -> memref<10000x64xbf16, #tpu.memory_space<hbm>>
    %dma_start3A_29 = arith.constant 0 : i32
    %dma_start3A_30 = arith.constant 0 : i32
    %dma_start3A_31 = tpu.memref_slice %dma_start3A_28[%dma_start3A_29, %dma_start3A_30] : memref<10000x64xbf16, #tpu.memory_space<hbm>> -> memref<10000x64xbf16, #tpu.memory_space<hbm>>
    %dma_start3A_32 = tpu.memref_slice %arg14[%rem3A_17] : memref<2x!tpu.dma_semaphore, #tpu.memory_space<semaphore_mem>> -> memref<1x!tpu.dma_semaphore, #tpu.memory_space<semaphore_mem>>
    %dma_start3A_33 = tpu.memref_squeeze %dma_start3A_32 : memref<1x!tpu.dma_semaphore, #tpu.memory_space<semaphore_mem>> -> memref<!tpu.dma_semaphore, #tpu.memory_space<semaphore_mem>>
    tpu.enqueue_indirect_dma source(%dma_start3A_31 : memref<10000x64xbf16, #tpu.memory_space<hbm>>) target(%dma_start3A_21 : memref<80x64xbf16, #tpu.memory_space<vmem>>) offsets(%dma_start3A_24 : memref<80xi32, #tpu.memory_space<vmem>>) semaphore(%dma_start3A_33 : memref<!tpu.dma_semaphore, #tpu.memory_space<semaphore_mem>>)
    %scan3A_34 = arith.constant 0 : i32
    %scan3A_35 = arith.constant 0 : i32
    %scan3A_36 = arith.constant 250 : i32
    %scan3A_37 = arith.addi %scan3A_35, %scan3A_36 : i32
    %scan3A_38 = arith.constant 1 : i32
    %scan3A_39 = scf.for %scan3A_52 = %scan3A_35 to %scan3A_37 step %scan3A_38 iter_args(%scan3A_53 = %scan3A_34) -> (i32)  : i32 {
      %rem3A_54 = arith.constant 2 : i32
      %rem3A_55 = arith.remsi %scan3A_52, %rem3A_54 : i32
      %rem3A_56 = arith.constant 2 : i32
      %rem3A_57 = arith.remsi %scan3A_52, %rem3A_56 : i32
      %dma_wait3A = arith.constant 0 : i32
      %dma_wait3A_58 = arith.constant 0 : i32
      %dma_wait3A_59 = tpu.memref_slice %arg10[%rem3A_57, %dma_wait3A, %dma_wait3A_58] : memref<2x80x64xbf16, #tpu.memory_space<vmem>> -> memref<1x80x64xbf16, #tpu.memory_space<vmem>>
      %dma_wait3A_60 = tpu.memref_squeeze %dma_wait3A_59 : memref<1x80x64xbf16, #tpu.memory_space<vmem>> -> memref<80x64xbf16, #tpu.memory_space<vmem>>
      %dma_wait3A_61 = arith.constant 0 : i32
      %dma_wait3A_62 = tpu.memref_slice %arg7[%scan3A_52, %dma_wait3A_61] : memref<250x80xi32, #tpu.memory_space<vmem>> -> memref<1x80xi32, #tpu.memory_space<vmem>>
      %dma_wait3A_63 = tpu.memref_squeeze %dma_wait3A_62 : memref<1x80xi32, #tpu.memory_space<vmem>> -> memref<80xi32, #tpu.memory_space<vmem>>
      %dma_wait3A_64 = arith.constant 0 : i32
      %dma_wait3A_65 = arith.constant 0 : i32
      %dma_wait3A_66 = tpu.memref_slice %arg5[%arg0, %dma_wait3A_64, %dma_wait3A_65] : memref<2x10000x64xbf16, #tpu.memory_space<hbm>> -> memref<1x10000x64xbf16, #tpu.memory_space<hbm>>
      %dma_wait3A_67 = tpu.memref_squeeze %dma_wait3A_66 : memref<1x10000x64xbf16, #tpu.memory_space<hbm>> -> memref<10000x64xbf16, #tpu.memory_space<hbm>>
      %dma_wait3A_68 = arith.constant 0 : i32
      %dma_wait3A_69 = arith.constant 0 : i32
      %dma_wait3A_70 = tpu.memref_slice %dma_wait3A_67[%dma_wait3A_68, %dma_wait3A_69] : memref<10000x64xbf16, #tpu.memory_space<hbm>> -> memref<10000x64xbf16, #tpu.memory_space<hbm>>
      %dma_wait3A_71 = tpu.memref_slice %arg14[%rem3A_57] : memref<2x!tpu.dma_semaphore, #tpu.memory_space<semaphore_mem>> -> memref<1x!tpu.dma_semaphore, #tpu.memory_space<semaphore_mem>>
      %dma_wait3A_72 = tpu.memref_squeeze %dma_wait3A_71 : memref<1x!tpu.dma_semaphore, #tpu.memory_space<semaphore_mem>> -> memref<!tpu.dma_semaphore, #tpu.memory_space<semaphore_mem>>
      tpu.wait_indirect_dma semaphore(%dma_wait3A_72 : memref<!tpu.dma_semaphore, #tpu.memory_space<semaphore_mem>>) src(%dma_wait3A_70 : memref<10000x64xbf16, #tpu.memory_space<hbm>>) dst(%dma_wait3A_60 : memref<80x64xbf16, #tpu.memory_space<vmem>>)
      %lt3A = arith.constant 249 : i32
      %lt3A_73 = arith.cmpi slt, %scan3A_52, %lt3A : i32
      %convert_element_type3A = arith.extui %lt3A_73 : i1 to i32
      %cond3A = arith.constant 0 : i32
      %cond3A_74 = arith.cmpi ne, %convert_element_type3A, %cond3A : i32
      scf.if %cond3A_74 {
        %add3A_83 = arith.constant 1 : i32
        %add3A_84 = arith.addi %scan3A_52, %add3A_83 : i32
        %rem3A_85 = arith.constant 2 : i32
        %rem3A_86 = arith.remsi %add3A_84, %rem3A_85 : i32
        %dma_start3A_87 = arith.constant 0 : i32
        %dma_start3A_88 = arith.constant 0 : i32
        %dma_start3A_89 = tpu.memref_slice %arg10[%rem3A_86, %dma_start3A_87, %dma_start3A_88] : memref<2x80x64xbf16, #tpu.memory_space<vmem>> -> memref<1x80x64xbf16, #tpu.memory_space<vmem>>
        %dma_start3A_90 = tpu.memref_squeeze %dma_start3A_89 : memref<1x80x64xbf16, #tpu.memory_space<vmem>> -> memref<80x64xbf16, #tpu.memory_space<vmem>>
        %dma_start3A_91 = arith.constant 0 : i32
        %dma_start3A_92 = tpu.memref_slice %arg7[%add3A_84, %dma_start3A_91] : memref<250x80xi32, #tpu.memory_space<vmem>> -> memref<1x80xi32, #tpu.memory_space<vmem>>
        %dma_start3A_93 = tpu.memref_squeeze %dma_start3A_92 : memref<1x80xi32, #tpu.memory_space<vmem>> -> memref<80xi32, #tpu.memory_space<vmem>>
        %dma_start3A_94 = arith.constant 0 : i32
        %dma_start3A_95 = arith.constant 0 : i32
        %dma_start3A_96 = tpu.memref_slice %arg5[%arg0, %dma_start3A_94, %dma_start3A_95] : memref<2x10000x64xbf16, #tpu.memory_space<hbm>> -> memref<1x10000x64xbf16, #tpu.memory_space<hbm>>
        %dma_start3A_97 = tpu.memref_squeeze %dma_start3A_96 : memref<1x10000x64xbf16, #tpu.memory_space<hbm>> -> memref<10000x64xbf16, #tpu.memory_space<hbm>>
        %dma_start3A_98 = arith.constant 0 : i32
        %dma_start3A_99 = arith.constant 0 : i32
        %dma_start3A_100 = tpu.memref_slice %dma_start3A_97[%dma_start3A_98, %dma_start3A_99] : memref<10000x64xbf16, #tpu.memory_space<hbm>> -> memref<10000x64xbf16, #tpu.memory_space<hbm>>
        %dma_start3A_101 = tpu.memref_slice %arg14[%rem3A_86] : memref<2x!tpu.dma_semaphore, #tpu.memory_space<semaphore_mem>> -> memref<1x!tpu.dma_semaphore, #tpu.memory_space<semaphore_mem>>
        %dma_start3A_102 = tpu.memref_squeeze %dma_start3A_101 : memref<1x!tpu.dma_semaphore, #tpu.memory_space<semaphore_mem>> -> memref<!tpu.dma_semaphore, #tpu.memory_space<semaphore_mem>>
        tpu.enqueue_indirect_dma source(%dma_start3A_100 : memref<10000x64xbf16, #tpu.memory_space<hbm>>) target(%dma_start3A_90 : memref<80x64xbf16, #tpu.memory_space<vmem>>) offsets(%dma_start3A_93 : memref<80xi32, #tpu.memory_space<vmem>>) semaphore(%dma_start3A_102 : memref<!tpu.dma_semaphore, #tpu.memory_space<semaphore_mem>>)
      } else {
      }
      %scan3A_75 = arith.constant 0 : i32
      %scan3A_76 = arith.constant 0 : i32
      %scan3A_77 = arith.constant 5 : i32
      %scan3A_78 = arith.addi %scan3A_76, %scan3A_77 : i32
      %scan3A_79 = arith.constant 1 : i32
      %scan3A_80 = scf.for %scan3A_83 = %scan3A_76 to %scan3A_78 step %scan3A_79 iter_args(%scan3A_84 = %scan3A_75) -> (i32)  : i32 {
        %mul3A_85 = arith.constant 80 : i32
        %mul3A_86 = arith.muli %scan3A_52, %mul3A_85 : i32
        %mul3A_87 = arith.constant 16 : i32
        %mul3A_88 = arith.muli %scan3A_83, %mul3A_87 : i32
        %add3A_89 = arith.addi %mul3A_86, %mul3A_88 : i32
        %get3A = arith.index_cast %add3A_89 : i32 to index
        %get3A_90 = tpu.vector_load %arg9[%get3A] {strides = array<i32>} : memref<20000xf32, #tpu.memory_space<vmem>>, vector<16xf32>,
        %slice3A = vector.extract_strided_slice %get3A_90 {offsets = [0], sizes = [1], strides = [1]} : vector<16xf32> to vector<1xf32>
        %squeeze3A = vector.extract %slice3A[0] : f32 from vector<1xf32>
        %broadcast_in_dim3A = vector.broadcast %squeeze3A : f32 to vector<16xf32>
        %mul3A_91 = arith.constant 16 : i32
        %mul3A_92 = arith.muli %scan3A_83, %mul3A_91 : i32
        %add3A_93 = arith.constant 0 : i32
        %add3A_94 = arith.addi %mul3A_92, %add3A_93 : i32
        %get3A_95 = arith.index_cast %rem3A_55 : i32 to index
        %get3A_96 = arith.index_cast %add3A_94 : i32 to index
        %get3A_97 = arith.constant 0 : index
        %get3A_98 = tpu.vector_load %arg10[%get3A_95, %get3A_96, %get3A_97] {strides = array<i32>} : memref<2x80x64xbf16, #tpu.memory_space<vmem>>, vector<32xbf16>,
        %bitcast3A = vector.bitcast %get3A_98 : vector<32xbf16> to vector<16xi32>
        %shift_left3A = arith.constant 16 : i32
        %shift_left3A_99 = vector.broadcast %shift_left3A : i32 to vector<16xi32>
        %shift_left3A_100 = arith.shli %bitcast3A, %shift_left3A_99 : vector<16xi32>
        %bitcast3A_101 = vector.bitcast %shift_left3A_100 : vector<16xi32> to vector<16xf32>
        %and3A = arith.constant -65536 : i32
        %and3A_102 = vector.broadcast %and3A : i32 to vector<16xi32>
        %and3A_103 = arith.andi %bitcast3A, %and3A_102 : vector<16xi32>
        %bitcast3A_104 = vector.bitcast %and3A_103 : vector<16xi32> to vector<16xf32>
        %mul3A_105 = arith.mulf %bitcast3A_101, %broadcast_in_dim3A : vector<16xf32>
        %swap3A = arith.index_cast %add3A_94 : i32 to index
        %swap3A_106 = arith.constant 0 : index
        %swap3A_107 = tpu.vector_load %arg11[%swap3A, %swap3A_106] {strides = array<i32>} : memref<80x64xf32, #tpu.memory_space<vmem>>, vector<16xf32>,
        tpu.vector_store %arg11[%swap3A, %swap3A_106], %mul3A_105 {strides = array<i32>} : memref<80x64xf32, #tpu.memory_space<vmem>>, vector<16xf32>,
        %mul3A_108 = arith.mulf %bitcast3A_104, %broadcast_in_dim3A : vector<16xf32>
        %swap3A_109 = arith.index_cast %add3A_94 : i32 to index
        %swap3A_110 = arith.constant 16 : index
        %swap3A_111 = tpu.vector_load %arg11[%swap3A_109, %swap3A_110] {strides = array<i32>} : memref<80x64xf32, #tpu.memory_space<vmem>>, vector<16xf32>,
        tpu.vector_store %arg11[%swap3A_109, %swap3A_110], %mul3A_108 {strides = array<i32>} : memref<80x64xf32, #tpu.memory_space<vmem>>, vector<16xf32>,
        %get3A_112 = arith.index_cast %rem3A_55 : i32 to index
        %get3A_113 = arith.index_cast %add3A_94 : i32 to index
        %get3A_114 = arith.constant 32 : index
        %get3A_115 = tpu.vector_load %arg10[%get3A_112, %get3A_113, %get3A_114] {strides = array<i32>} : memref<2x80x64xbf16, #tpu.memory_space<vmem>>, vector<32xbf16>,
        %bitcast3A_116 = vector.bitcast %get3A_115 : vector<32xbf16> to vector<16xi32>
        %shift_left3A_117 = arith.constant 16 : i32
        %shift_left3A_118 = vector.broadcast %shift_left3A_117 : i32 to vector<16xi32>
        %shift_left3A_119 = arith.shli %bitcast3A_116, %shift_left3A_118 : vector<16xi32>
        %bitcast3A_120 = vector.bitcast %shift_left3A_119 : vector<16xi32> to vector<16xf32>
        %and3A_121 = arith.constant -65536 : i32
        %and3A_122 = vector.broadcast %and3A_121 : i32 to vector<16xi32>
        %and3A_123 = arith.andi %bitcast3A_116, %and3A_122 : vector<16xi32>
        %bitcast3A_124 = vector.bitcast %and3A_123 : vector<16xi32> to vector<16xf32>
        %mul3A_125 = arith.mulf %bitcast3A_120, %broadcast_in_dim3A : vector<16xf32>
        %swap3A_126 = arith.index_cast %add3A_94 : i32 to index
        %swap3A_127 = arith.constant 32 : index
        %swap3A_128 = tpu.vector_load %arg11[%swap3A_126, %swap3A_127] {strides = array<i32>} : memref<80x64xf32, #tpu.memory_space<vmem>>, vector<16xf32>,
        tpu.vector_store %arg11[%swap3A_126, %swap3A_127], %mul3A_125 {strides = array<i32>} : memref<80x64xf32, #tpu.memory_space<vmem>>, vector<16xf32>,
        %mul3A_129 = arith.mulf %bitcast3A_124, %broadcast_in_dim3A : vector<16xf32>
        %swap3A_130 = arith.index_cast %add3A_94 : i32 to index
        %swap3A_131 = arith.constant 48 : index
        %swap3A_132 = tpu.vector_load %arg11[%swap3A_130, %swap3A_131] {strides = array<i32>} : memref<80x64xf32, #tpu.memory_space<vmem>>, vector<16xf32>,
        tpu.vector_store %arg11[%swap3A_130, %swap3A_131], %mul3A_129 {strides = array<i32>} : memref<80x64xf32, #tpu.memory_space<vmem>>, vector<16xf32>,
        %slice3A_133 = vector.extract_strided_slice %get3A_90 {offsets = [1], sizes = [1], strides = [1]} : vector<16xf32> to vector<1xf32>
        %squeeze3A_134 = vector.extract %slice3A_133[0] : f32 from vector<1xf32>
        %broadcast_in_dim3A_135 = vector.broadcast %squeeze3A_134 : f32 to vector<16xf32>
        %mul3A_136 = arith.constant 16 : i32
        %mul3A_137 = arith.muli %scan3A_83, %mul3A_136 : i32
        %add3A_138 = arith.constant 1 : i32
        %add3A_139 = arith.addi %mul3A_137, %add3A_138 : i32
        %get3A_140 = arith.index_cast %rem3A_55 : i32 to index
        %get3A_141 = arith.index_cast %add3A_139 : i32 to index
        %get3A_142 = arith.constant 0 : index
        %get3A_143 = tpu.vector_load %arg10[%get3A_140, %get3A_141, %get3A_142] {strides = array<i32>} : memref<2x80x64xbf16, #tpu.memory_space<vmem>>, vector<32xbf16>,
        %bitcast3A_144 = vector.bitcast %get3A_143 : vector<32xbf16> to vector<16xi32>
        %shift_left3A_145 = arith.constant 16 : i32
        %shift_left3A_146 = vector.broadcast %shift_left3A_145 : i32 to vector<16xi32>
        %shift_left3A_147 = arith.shli %bitcast3A_144, %shift_left3A_146 : vector<16xi32>
        %bitcast3A_148 = vector.bitcast %shift_left3A_147 : vector<16xi32> to vector<16xf32>
        %and3A_149 = arith.constant -65536 : i32
        %and3A_150 = vector.broadcast %and3A_149 : i32 to vector<16xi32>
        %and3A_151 = arith.andi %bitcast3A_144, %and3A_150 : vector<16xi32>
        %bitcast3A_152 = vector.bitcast %and3A_151 : vector<16xi32> to vector<16xf32>
        %mul3A_153 = arith.mulf %bitcast3A_148, %broadcast_in_dim3A_135 : vector<16xf32>
        %swap3A_154 = arith.index_cast %add3A_139 : i32 to index
        %swap3A_155 = arith.constant 0 : index
        %swap3A_156 = tpu.vector_load %arg11[%swap3A_154, %swap3A_155] {strides = array<i32>} : memref<80x64xf32, #tpu.memory_space<vmem>>, vector<16xf32>,
        tpu.vector_store %arg11[%swap3A_154, %swap3A_155], %mul3A_153 {strides = array<i32>} : memref<80x64xf32, #tpu.memory_space<vmem>>, vector<16xf32>,
        %mul3A_157 = arith.mulf %bitcast3A_152, %broadcast_in_dim3A_135 : vector<16xf32>
        %swap3A_158 = arith.index_cast %add3A_139 : i32 to index
        %swap3A_159 = arith.constant 16 : index
        %swap3A_160 = tpu.vector_load %arg11[%swap3A_158, %swap3A_159] {strides = array<i32>} : memref<80x64xf32, #tpu.memory_space<vmem>>, vector<16xf32>,
        tpu.vector_store %arg11[%swap3A_158, %swap3A_159], %mul3A_157 {strides = array<i32>} : memref<80x64xf32, #tpu.memory_space<vmem>>, vector<16xf32>,
        %get3A_161 = arith.index_cast %rem3A_55 : i32 to index
        %get3A_162 = arith.index_cast %add3A_139 : i32 to index
        %get3A_163 = arith.constant 32 : index
        %get3A_164 = tpu.vector_load %arg10[%get3A_161, %get3A_162, %get3A_163] {strides = array<i32>} : memref<2x80x64xbf16, #tpu.memory_space<vmem>>, vector<32xbf16>,
        %bitcast3A_165 = vector.bitcast %get3A_164 : vector<32xbf16> to vector<16xi32>
        %shift_left3A_166 = arith.constant 16 : i32
        %shift_left3A_167 = vector.broadcast %shift_left3A_166 : i32 to vector<16xi32>
        %shift_left3A_168 = arith.shli %bitcast3A_165, %shift_left3A_167 : vector<16xi32>
        %bitcast3A_169 = vector.bitcast %shift_left3A_168 : vector<16xi32> to vector<16xf32>
        %and3A_170 = arith.constant -65536 : i32
        %and3A_171 = vector.broadcast %and3A_170 : i32 to vector<16xi32>
        %and3A_172 = arith.andi %bitcast3A_165, %and3A_171 : vector<16xi32>
        %bitcast3A_173 = vector.bitcast %and3A_172 : vector<16xi32> to vector<16xf32>
        %mul3A_174 = arith.mulf %bitcast3A_169, %broadcast_in_dim3A_135 : vector<16xf32>
        %swap3A_175 = arith.index_cast %add3A_139 : i32 to index
        %swap3A_176 = arith.constant 32 : index
        %swap3A_177 = tpu.vector_load %arg11[%swap3A_175, %swap3A_176] {strides = array<i32>} : memref<80x64xf32, #tpu.memory_space<vmem>>, vector<16xf32>,
        tpu.vector_store %arg11[%swap3A_175, %swap3A_176], %mul3A_174 {strides = array<i32>} : memref<80x64xf32, #tpu.memory_space<vmem>>, vector<16xf32>,
        %mul3A_178 = arith.mulf %bitcast3A_173, %broadcast_in_dim3A_135 : vector<16xf32>
        %swap3A_179 = arith.index_cast %add3A_139 : i32 to index
        %swap3A_180 = arith.constant 48 : index
        %swap3A_181 = tpu.vector_load %arg11[%swap3A_179, %swap3A_180] {strides = array<i32>} : memref<80x64xf32, #tpu.memory_space<vmem>>, vector<16xf32>,
        tpu.vector_store %arg11[%swap3A_179, %swap3A_180], %mul3A_178 {strides = array<i32>} : memref<80x64xf32, #tpu.memory_space<vmem>>, vector<16xf32>,
        %slice3A_182 = vector.extract_strided_slice %get3A_90 {offsets = [2], sizes = [1], strides = [1]} : vector<16xf32> to vector<1xf32>
        %squeeze3A_183 = vector.extract %slice3A_182[0] : f32 from vector<1xf32>
        %broadcast_in_dim3A_184 = vector.broadcast %squeeze3A_183 : f32 to vector<16xf32>
        %mul3A_185 = arith.constant 16 : i32
        %mul3A_186 = arith.muli %scan3A_83, %mul3A_185 : i32
        %add3A_187 = arith.constant 2 : i32
        %add3A_188 = arith.addi %mul3A_186, %add3A_187 : i32
        %get3A_189 = arith.index_cast %rem3A_55 : i32 to index
        %get3A_190 = arith.index_cast %add3A_188 : i32 to index
        %get3A_191 = arith.constant 0 : index
        %get3A_192 = tpu.vector_load %arg10[%get3A_189, %get3A_190, %get3A_191] {strides = array<i32>} : memref<2x80x64xbf16, #tpu.memory_space<vmem>>, vector<32xbf16>,
        %bitcast3A_193 = vector.bitcast %get3A_192 : vector<32xbf16> to vector<16xi32>
        %shift_left3A_194 = arith.constant 16 : i32
        %shift_left3A_195 = vector.broadcast %shift_left3A_194 : i32 to vector<16xi32>
        %shift_left3A_196 = arith.shli %bitcast3A_193, %shift_left3A_195 : vector<16xi32>
        %bitcast3A_197 = vector.bitcast %shift_left3A_196 : vector<16xi32> to vector<16xf32>
        %and3A_198 = arith.constant -65536 : i32
        %and3A_199 = vector.broadcast %and3A_198 : i32 to vector<16xi32>
        %and3A_200 = arith.andi %bitcast3A_193, %and3A_199 : vector<16xi32>
        %bitcast3A_201 = vector.bitcast %and3A_200 : vector<16xi32> to vector<16xf32>
        %mul3A_202 = arith.mulf %bitcast3A_197, %broadcast_in_dim3A_184 : vector<16xf32>
        %swap3A_203 = arith.index_cast %add3A_188 : i32 to index
        %swap3A_204 = arith.constant 0 : index
        %swap3A_205 = tpu.vector_load %arg11[%swap3A_203, %swap3A_204] {strides = array<i32>} : memref<80x64xf32, #tpu.memory_space<vmem>>, vector<16xf32>,
        tpu.vector_store %arg11[%swap3A_203, %swap3A_204], %mul3A_202 {strides = array<i32>} : memref<80x64xf32, #tpu.memory_space<vmem>>, vector<16xf32>,
        %mul3A_206 = arith.mulf %bitcast3A_201, %broadcast_in_dim3A_184 : vector<16xf32>
        %swap3A_207 = arith.index_cast %add3A_188 : i32 to index
        %swap3A_208 = arith.constant 16 : index
        %swap3A_209 = tpu.vector_load %arg11[%swap3A_207, %swap3A_208] {strides = array<i32>} : memref<80x64xf32, #tpu.memory_space<vmem>>, vector<16xf32>,
        tpu.vector_store %arg11[%swap3A_207, %swap3A_208], %mul3A_206 {strides = array<i32>} : memref<80x64xf32, #tpu.memory_space<vmem>>, vector<16xf32>,
        %get3A_210 = arith.index_cast %rem3A_55 : i32 to index
        %get3A_211 = arith.index_cast %add3A_188 : i32 to index
        %get3A_212 = arith.constant 32 : index
        %get3A_213 = tpu.vector_load %arg10[%get3A_210, %get3A_211, %get3A_212] {strides = array<i32>} : memref<2x80x64xbf16, #tpu.memory_space<vmem>>, vector<32xbf16>,
        %bitcast3A_214 = vector.bitcast %get3A_213 : vector<32xbf16> to vector<16xi32>
        %shift_left3A_215 = arith.constant 16 : i32
        %shift_left3A_216 = vector.broadcast %shift_left3A_215 : i32 to vector<16xi32>
        %shift_left3A_217 = arith.shli %bitcast3A_214, %shift_left3A_216 : vector<16xi32>
        %bitcast3A_218 = vector.bitcast %shift_left3A_217 : vector<16xi32> to vector<16xf32>
        %and3A_219 = arith.constant -65536 : i32
        %and3A_220 = vector.broadcast %and3A_219 : i32 to vector<16xi32>
        %and3A_221 = arith.andi %bitcast3A_214, %and3A_220 : vector<16xi32>
        %bitcast3A_222 = vector.bitcast %and3A_221 : vector<16xi32> to vector<16xf32>
        %mul3A_223 = arith.mulf %bitcast3A_218, %broadcast_in_dim3A_184 : vector<16xf32>
        %swap3A_224 = arith.index_cast %add3A_188 : i32 to index
        %swap3A_225 = arith.constant 32 : index
        %swap3A_226 = tpu.vector_load %arg11[%swap3A_224, %swap3A_225] {strides = array<i32>} : memref<80x64xf32, #tpu.memory_space<vmem>>, vector<16xf32>,
        tpu.vector_store %arg11[%swap3A_224, %swap3A_225], %mul3A_223 {strides = array<i32>} : memref<80x64xf32, #tpu.memory_space<vmem>>, vector<16xf32>,
        %mul3A_227 = arith.mulf %bitcast3A_222, %broadcast_in_dim3A_184 : vector<16xf32>
        %swap3A_228 = arith.index_cast %add3A_188 : i32 to index
        %swap3A_229 = arith.constant 48 : index
        %swap3A_230 = tpu.vector_load %arg11[%swap3A_228, %swap3A_229] {strides = array<i32>} : memref<80x64xf32, #tpu.memory_space<vmem>>, vector<16xf32>,
        tpu.vector_store %arg11[%swap3A_228, %swap3A_229], %mul3A_227 {strides = array<i32>} : memref<80x64xf32, #tpu.memory_space<vmem>>, vector<16xf32>,
        %slice3A_231 = vector.extract_strided_slice %get3A_90 {offsets = [3], sizes = [1], strides = [1]} : vector<16xf32> to vector<1xf32>
        %squeeze3A_232 = vector.extract %slice3A_231[0] : f32 from vector<1xf32>
        %broadcast_in_dim3A_233 = vector.broadcast %squeeze3A_232 : f32 to vector<16xf32>
        %mul3A_234 = arith.constant 16 : i32
        %mul3A_235 = arith.muli %scan3A_83, %mul3A_234 : i32
        %add3A_236 = arith.constant 3 : i32
        %add3A_237 = arith.addi %mul3A_235, %add3A_236 : i32
        %get3A_238 = arith.index_cast %rem3A_55 : i32 to index
        %get3A_239 = arith.index_cast %add3A_237 : i32 to index
        %get3A_240 = arith.constant 0 : index
        %get3A_241 = tpu.vector_load %arg10[%get3A_238, %get3A_239, %get3A_240] {strides = array<i32>} : memref<2x80x64xbf16, #tpu.memory_space<vmem>>, vector<32xbf16>,
        %bitcast3A_242 = vector.bitcast %get3A_241 : vector<32xbf16> to vector<16xi32>
        %shift_left3A_243 = arith.constant 16 : i32
        %shift_left3A_244 = vector.broadcast %shift_left3A_243 : i32 to vector<16xi32>
        %shift_left3A_245 = arith.shli %bitcast3A_242, %shift_left3A_244 : vector<16xi32>
        %bitcast3A_246 = vector.bitcast %shift_left3A_245 : vector<16xi32> to vector<16xf32>
        %and3A_247 = arith.constant -65536 : i32
        %and3A_248 = vector.broadcast %and3A_247 : i32 to vector<16xi32>
        %and3A_249 = arith.andi %bitcast3A_242, %and3A_248 : vector<16xi32>
        %bitcast3A_250 = vector.bitcast %and3A_249 : vector<16xi32> to vector<16xf32>
        %mul3A_251 = arith.mulf %bitcast3A_246, %broadcast_in_dim3A_233 : vector<16xf32>
        %swap3A_252 = arith.index_cast %add3A_237 : i32 to index
        %swap3A_253 = arith.constant 0 : index
        %swap3A_254 = tpu.vector_load %arg11[%swap3A_252, %swap3A_253] {strides = array<i32>} : memref<80x64xf32, #tpu.memory_space<vmem>>, vector<16xf32>,
        tpu.vector_store %arg11[%swap3A_252, %swap3A_253], %mul3A_251 {strides = array<i32>} : memref<80x64xf32, #tpu.memory_space<vmem>>, vector<16xf32>,
        %mul3A_255 = arith.mulf %bitcast3A_250, %broadcast_in_dim3A_233 : vector<16xf32>
        %swap3A_256 = arith.index_cast %add3A_237 : i32 to index
        %swap3A_257 = arith.constant 16 : index
        %swap3A_258 = tpu.vector_load %arg11[%swap3A_256, %swap3A_257] {strides = array<i32>} : memref<80x64xf32, #tpu.memory_space<vmem>>, vector<16xf32>,
        tpu.vector_store %arg11[%swap3A_256, %swap3A_257], %mul3A_255 {strides = array<i32>} : memref<80x64xf32, #tpu.memory_space<vmem>>, vector<16xf32>,
        %get3A_259 = arith.index_cast %rem3A_55 : i32 to index
        %get3A_260 = arith.index_cast %add3A_237 : i32 to index
        %get3A_261 = arith.constant 32 : index
        %get3A_262 = tpu.vector_load %arg10[%get3A_259, %get3A_260, %get3A_261] {strides = array<i32>} : memref<2x80x64xbf16, #tpu.memory_space<vmem>>, vector<32xbf16>,
        %bitcast3A_263 = vector.bitcast %get3A_262 : vector<32xbf16> to vector<16xi32>
        %shift_left3A_264 = arith.constant 16 : i32
        %shift_left3A_265 = vector.broadcast %shift_left3A_264 : i32 to vector<16xi32>
        %shift_left3A_266 = arith.shli %bitcast3A_263, %shift_left3A_265 : vector<16xi32>
        %bitcast3A_267 = vector.bitcast %shift_left3A_266 : vector<16xi32> to vector<16xf32>
        %and3A_268 = arith.constant -65536 : i32
        %and3A_269 = vector.broadcast %and3A_268 : i32 to vector<16xi32>
        %and3A_270 = arith.andi %bitcast3A_263, %and3A_269 : vector<16xi32>
        %bitcast3A_271 = vector.bitcast %and3A_270 : vector<16xi32> to vector<16xf32>
        %mul3A_272 = arith.mulf %bitcast3A_267, %broadcast_in_dim3A_233 : vector<16xf32>
        %swap3A_273 = arith.index_cast %add3A_237 : i32 to index
        %swap3A_274 = arith.constant 32 : index
        %swap3A_275 = tpu.vector_load %arg11[%swap3A_273, %swap3A_274] {strides = array<i32>} : memref<80x64xf32, #tpu.memory_space<vmem>>, vector<16xf32>,
        tpu.vector_store %arg11[%swap3A_273, %swap3A_274], %mul3A_272 {strides = array<i32>} : memref<80x64xf32, #tpu.memory_space<vmem>>, vector<16xf32>,
        %mul3A_276 = arith.mulf %bitcast3A_271, %broadcast_in_dim3A_233 : vector<16xf32>
        %swap3A_277 = arith.index_cast %add3A_237 : i32 to index
        %swap3A_278 = arith.constant 48 : index
        %swap3A_279 = tpu.vector_load %arg11[%swap3A_277, %swap3A_278] {strides = array<i32>} : memref<80x64xf32, #tpu.memory_space<vmem>>, vector<16xf32>,
        tpu.vector_store %arg11[%swap3A_277, %swap3A_278], %mul3A_276 {strides = array<i32>} : memref<80x64xf32, #tpu.memory_space<vmem>>, vector<16xf32>,
        %slice3A_280 = vector.extract_strided_slice %get3A_90 {offsets = [4], sizes = [1], strides = [1]} : vector<16xf32> to vector<1xf32>
        %squeeze3A_281 = vector.extract %slice3A_280[0] : f32 from vector<1xf32>
        %broadcast_in_dim3A_282 = vector.broadcast %squeeze3A_281 : f32 to vector<16xf32>
        %mul3A_283 = arith.constant 16 : i32
        %mul3A_284 = arith.muli %scan3A_83, %mul3A_283 : i32
        %add3A_285 = arith.constant 4 : i32
        %add3A_286 = arith.addi %mul3A_284, %add3A_285 : i32
        %get3A_287 = arith.index_cast %rem3A_55 : i32 to index
        %get3A_288 = arith.index_cast %add3A_286 : i32 to index
        %get3A_289 = arith.constant 0 : index
        %get3A_290 = tpu.vector_load %arg10[%get3A_287, %get3A_288, %get3A_289] {strides = array<i32>} : memref<2x80x64xbf16, #tpu.memory_space<vmem>>, vector<32xbf16>,
        %bitcast3A_291 = vector.bitcast %get3A_290 : vector<32xbf16> to vector<16xi32>
        %shift_left3A_292 = arith.constant 16 : i32
        %shift_left3A_293 = vector.broadcast %shift_left3A_292 : i32 to vector<16xi32>
        %shift_left3A_294 = arith.shli %bitcast3A_291, %shift_left3A_293 : vector<16xi32>
        %bitcast3A_295 = vector.bitcast %shift_left3A_294 : vector<16xi32> to vector<16xf32>
        %and3A_296 = arith.constant -65536 : i32
        %and3A_297 = vector.broadcast %and3A_296 : i32 to vector<16xi32>
        %and3A_298 = arith.andi %bitcast3A_291, %and3A_297 : vector<16xi32>
        %bitcast3A_299 = vector.bitcast %and3A_298 : vector<16xi32> to vector<16xf32>
        %mul3A_300 = arith.mulf %bitcast3A_295, %broadcast_in_dim3A_282 : vector<16xf32>
        %swap3A_301 = arith.index_cast %add3A_286 : i32 to index
        %swap3A_302 = arith.constant 0 : index
        %swap3A_303 = tpu.vector_load %arg11[%swap3A_301, %swap3A_302] {strides = array<i32>} : memref<80x64xf32, #tpu.memory_space<vmem>>, vector<16xf32>,
        tpu.vector_store %arg11[%swap3A_301, %swap3A_302], %mul3A_300 {strides = array<i32>} : memref<80x64xf32, #tpu.memory_space<vmem>>, vector<16xf32>,
        %mul3A_304 = arith.mulf %bitcast3A_299, %broadcast_in_dim3A_282 : vector<16xf32>
        %swap3A_305 = arith.index_cast %add3A_286 : i32 to index
        %swap3A_306 = arith.constant 16 : index
        %swap3A_307 = tpu.vector_load %arg11[%swap3A_305, %swap3A_306] {strides = array<i32>} : memref<80x64xf32, #tpu.memory_space<vmem>>, vector<16xf32>,
        tpu.vector_store %arg11[%swap3A_305, %swap3A_306], %mul3A_304 {strides = array<i32>} : memref<80x64xf32, #tpu.memory_space<vmem>>, vector<16xf32>,
        %get3A_308 = arith.index_cast %rem3A_55 : i32 to index
        %get3A_309 = arith.index_cast %add3A_286 : i32 to index
        %get3A_310 = arith.constant 32 : index
        %get3A_311 = tpu.vector_load %arg10[%get3A_308, %get3A_309, %get3A_310] {strides = array<i32>} : memref<2x80x64xbf16, #tpu.memory_space<vmem>>, vector<32xbf16>,
        %bitcast3A_312 = vector.bitcast %get3A_311 : vector<32xbf16> to vector<16xi32>
        %shift_left3A_313 = arith.constant 16 : i32
        %shift_left3A_314 = vector.broadcast %shift_left3A_313 : i32 to vector<16xi32>
        %shift_left3A_315 = arith.shli %bitcast3A_312, %shift_left3A_314 : vector<16xi32>
        %bitcast3A_316 = vector.bitcast %shift_left3A_315 : vector<16xi32> to vector<16xf32>
        %and3A_317 = arith.constant -65536 : i32
        %and3A_318 = vector.broadcast %and3A_317 : i32 to vector<16xi32>
        %and3A_319 = arith.andi %bitcast3A_312, %and3A_318 : vector<16xi32>
        %bitcast3A_320 = vector.bitcast %and3A_319 : vector<16xi32> to vector<16xf32>
        %mul3A_321 = arith.mulf %bitcast3A_316, %broadcast_in_dim3A_282 : vector<16xf32>
        %swap3A_322 = arith.index_cast %add3A_286 : i32 to index
        %swap3A_323 = arith.constant 32 : index
        %swap3A_324 = tpu.vector_load %arg11[%swap3A_322, %swap3A_323] {strides = array<i32>} : memref<80x64xf32, #tpu.memory_space<vmem>>, vector<16xf32>,
        tpu.vector_store %arg11[%swap3A_322, %swap3A_323], %mul3A_321 {strides = array<i32>} : memref<80x64xf32, #tpu.memory_space<vmem>>, vector<16xf32>,
        %mul3A_325 = arith.mulf %bitcast3A_320, %broadcast_in_dim3A_282 : vector<16xf32>
        %swap3A_326 = arith.index_cast %add3A_286 : i32 to index
        %swap3A_327 = arith.constant 48 : index
        %swap3A_328 = tpu.vector_load %arg11[%swap3A_326, %swap3A_327] {strides = array<i32>} : memref<80x64xf32, #tpu.memory_space<vmem>>, vector<16xf32>,
        tpu.vector_store %arg11[%swap3A_326, %swap3A_327], %mul3A_325 {strides = array<i32>} : memref<80x64xf32, #tpu.memory_space<vmem>>, vector<16xf32>,
        %slice3A_329 = vector.extract_strided_slice %get3A_90 {offsets = [5], sizes = [1], strides = [1]} : vector<16xf32> to vector<1xf32>
        %squeeze3A_330 = vector.extract %slice3A_329[0] : f32 from vector<1xf32>
        %broadcast_in_dim3A_331 = vector.broadcast %squeeze3A_330 : f32 to vector<16xf32>
        %mul3A_332 = arith.constant 16 : i32
        %mul3A_333 = arith.muli %scan3A_83, %mul3A_332 : i32
        %add3A_334 = arith.constant 5 : i32
        %add3A_335 = arith.addi %mul3A_333, %add3A_334 : i32
        %get3A_336 = arith.index_cast %rem3A_55 : i32 to index
        %get3A_337 = arith.index_cast %add3A_335 : i32 to index
        %get3A_338 = arith.constant 0 : index
        %get3A_339 = tpu.vector_load %arg10[%get3A_336, %get3A_337, %get3A_338] {strides = array<i32>} : memref<2x80x64xbf16, #tpu.memory_space<vmem>>, vector<32xbf16>,
        %bitcast3A_340 = vector.bitcast %get3A_339 : vector<32xbf16> to vector<16xi32>
        %shift_left3A_341 = arith.constant 16 : i32
        %shift_left3A_342 = vector.broadcast %shift_left3A_341 : i32 to vector<16xi32>
        %shift_left3A_343 = arith.shli %bitcast3A_340, %shift_left3A_342 : vector<16xi32>
        %bitcast3A_344 = vector.bitcast %shift_left3A_343 : vector<16xi32> to vector<16xf32>
        %and3A_345 = arith.constant -65536 : i32
        %and3A_346 = vector.broadcast %and3A_345 : i32 to vector<16xi32>
        %and3A_347 = arith.andi %bitcast3A_340, %and3A_346 : vector<16xi32>
        %bitcast3A_348 = vector.bitcast %and3A_347 : vector<16xi32> to vector<16xf32>
        %mul3A_349 = arith.mulf %bitcast3A_344, %broadcast_in_dim3A_331 : vector<16xf32>
        %swap3A_350 = arith.index_cast %add3A_335 : i32 to index
        %swap3A_351 = arith.constant 0 : index
        %swap3A_352 = tpu.vector_load %arg11[%swap3A_350, %swap3A_351] {strides = array<i32>} : memref<80x64xf32, #tpu.memory_space<vmem>>, vector<16xf32>,
        tpu.vector_store %arg11[%swap3A_350, %swap3A_351], %mul3A_349 {strides = array<i32>} : memref<80x64xf32, #tpu.memory_space<vmem>>, vector<16xf32>,
        %mul3A_353 = arith.mulf %bitcast3A_348, %broadcast_in_dim3A_331 : vector<16xf32>
        %swap3A_354 = arith.index_cast %add3A_335 : i32 to index
        %swap3A_355 = arith.constant 16 : index
        %swap3A_356 = tpu.vector_load %arg11[%swap3A_354, %swap3A_355] {strides = array<i32>} : memref<80x64xf32, #tpu.memory_space<vmem>>, vector<16xf32>,
        tpu.vector_store %arg11[%swap3A_354, %swap3A_355], %mul3A_353 {strides = array<i32>} : memref<80x64xf32, #tpu.memory_space<vmem>>, vector<16xf32>,
        %get3A_357 = arith.index_cast %rem3A_55 : i32 to index
        %get3A_358 = arith.index_cast %add3A_335 : i32 to index
        %get3A_359 = arith.constant 32 : index
        %get3A_360 = tpu.vector_load %arg10[%get3A_357, %get3A_358, %get3A_359] {strides = array<i32>} : memref<2x80x64xbf16, #tpu.memory_space<vmem>>, vector<32xbf16>,
        %bitcast3A_361 = vector.bitcast %get3A_360 : vector<32xbf16> to vector<16xi32>
        %shift_left3A_362 = arith.constant 16 : i32
        %shift_left3A_363 = vector.broadcast %shift_left3A_362 : i32 to vector<16xi32>
        %shift_left3A_364 = arith.shli %bitcast3A_361, %shift_left3A_363 : vector<16xi32>
        %bitcast3A_365 = vector.bitcast %shift_left3A_364 : vector<16xi32> to vector<16xf32>
        %and3A_366 = arith.constant -65536 : i32
        %and3A_367 = vector.broadcast %and3A_366 : i32 to vector<16xi32>
        %and3A_368 = arith.andi %bitcast3A_361, %and3A_367 : vector<16xi32>
        %bitcast3A_369 = vector.bitcast %and3A_368 : vector<16xi32> to vector<16xf32>
        %mul3A_370 = arith.mulf %bitcast3A_365, %broadcast_in_dim3A_331 : vector<16xf32>
        %swap3A_371 = arith.index_cast %add3A_335 : i32 to index
        %swap3A_372 = arith.constant 32 : index
        %swap3A_373 = tpu.vector_load %arg11[%swap3A_371, %swap3A_372] {strides = array<i32>} : memref<80x64xf32, #tpu.memory_space<vmem>>, vector<16xf32>,
        tpu.vector_store %arg11[%swap3A_371, %swap3A_372], %mul3A_370 {strides = array<i32>} : memref<80x64xf32, #tpu.memory_space<vmem>>, vector<16xf32>,
        %mul3A_374 = arith.mulf %bitcast3A_369, %broadcast_in_dim3A_331 : vector<16xf32>
        %swap3A_375 = arith.index_cast %add3A_335 : i32 to index
        %swap3A_376 = arith.constant 48 : index
        %swap3A_377 = tpu.vector_load %arg11[%swap3A_375, %swap3A_376] {strides = array<i32>} : memref<80x64xf32, #tpu.memory_space<vmem>>, vector<16xf32>,
        tpu.vector_store %arg11[%swap3A_375, %swap3A_376], %mul3A_374 {strides = array<i32>} : memref<80x64xf32, #tpu.memory_space<vmem>>, vector<16xf32>,
        %slice3A_378 = vector.extract_strided_slice %get3A_90 {offsets = [6], sizes = [1], strides = [1]} : vector<16xf32> to vector<1xf32>
        %squeeze3A_379 = vector.extract %slice3A_378[0] : f32 from vector<1xf32>
        %broadcast_in_dim3A_380 = vector.broadcast %squeeze3A_379 : f32 to vector<16xf32>
        %mul3A_381 = arith.constant 16 : i32
        %mul3A_382 = arith.muli %scan3A_83, %mul3A_381 : i32
        %add3A_383 = arith.constant 6 : i32
        %add3A_384 = arith.addi %mul3A_382, %add3A_383 : i32
        %get3A_385 = arith.index_cast %rem3A_55 : i32 to index
        %get3A_386 = arith.index_cast %add3A_384 : i32 to index
        %get3A_387 = arith.constant 0 : index
        %get3A_388 = tpu.vector_load %arg10[%get3A_385, %get3A_386, %get3A_387] {strides = array<i32>} : memref<2x80x64xbf16, #tpu.memory_space<vmem>>, vector<32xbf16>,
        %bitcast3A_389 = vector.bitcast %get3A_388 : vector<32xbf16> to vector<16xi32>
        %shift_left3A_390 = arith.constant 16 : i32
        %shift_left3A_391 = vector.broadcast %shift_left3A_390 : i32 to vector<16xi32>
        %shift_left3A_392 = arith.shli %bitcast3A_389, %shift_left3A_391 : vector<16xi32>
        %bitcast3A_393 = vector.bitcast %shift_left3A_392 : vector<16xi32> to vector<16xf32>
        %and3A_394 = arith.constant -65536 : i32
        %and3A_395 = vector.broadcast %and3A_394 : i32 to vector<16xi32>
        %and3A_396 = arith.andi %bitcast3A_389, %and3A_395 : vector<16xi32>
        %bitcast3A_397 = vector.bitcast %and3A_396 : vector<16xi32> to vector<16xf32>
        %mul3A_398 = arith.mulf %bitcast3A_393, %broadcast_in_dim3A_380 : vector<16xf32>
        %swap3A_399 = arith.index_cast %add3A_384 : i32 to index
        %swap3A_400 = arith.constant 0 : index
        %swap3A_401 = tpu.vector_load %arg11[%swap3A_399, %swap3A_400] {strides = array<i32>} : memref<80x64xf32, #tpu.memory_space<vmem>>, vector<16xf32>,
        tpu.vector_store %arg11[%swap3A_399, %swap3A_400], %mul3A_398 {strides = array<i32>} : memref<80x64xf32, #tpu.memory_space<vmem>>, vector<16xf32>,
        %mul3A_402 = arith.mulf %bitcast3A_397, %broadcast_in_dim3A_380 : vector<16xf32>
        %swap3A_403 = arith.index_cast %add3A_384 : i32 to index
        %swap3A_404 = arith.constant 16 : index
        %swap3A_405 = tpu.vector_load %arg11[%swap3A_403, %swap3A_404] {strides = array<i32>} : memref<80x64xf32, #tpu.memory_space<vmem>>, vector<16xf32>,
        tpu.vector_store %arg11[%swap3A_403, %swap3A_404], %mul3A_402 {strides = array<i32>} : memref<80x64xf32, #tpu.memory_space<vmem>>, vector<16xf32>,
        %get3A_406 = arith.index_cast %rem3A_55 : i32 to index
        %get3A_407 = arith.index_cast %add3A_384 : i32 to index
        %get3A_408 = arith.constant 32 : index
        %get3A_409 = tpu.vector_load %arg10[%get3A_406, %get3A_407, %get3A_408] {strides = array<i32>} : memref<2x80x64xbf16, #tpu.memory_space<vmem>>, vector<32xbf16>,
        %bitcast3A_410 = vector.bitcast %get3A_409 : vector<32xbf16> to vector<16xi32>
        %shift_left3A_411 = arith.constant 16 : i32
        %shift_left3A_412 = vector.broadcast %shift_left3A_411 : i32 to vector<16xi32>
        %shift_left3A_413 = arith.shli %bitcast3A_410, %shift_left3A_412 : vector<16xi32>
        %bitcast3A_414 = vector.bitcast %shift_left3A_413 : vector<16xi32> to vector<16xf32>
        %and3A_415 = arith.constant -65536 : i32
        %and3A_416 = vector.broadcast %and3A_415 : i32 to vector<16xi32>
        %and3A_417 = arith.andi %bitcast3A_410, %and3A_416 : vector<16xi32>
        %bitcast3A_418 = vector.bitcast %and3A_417 : vector<16xi32> to vector<16xf32>
        %mul3A_419 = arith.mulf %bitcast3A_414, %broadcast_in_dim3A_380 : vector<16xf32>
        %swap3A_420 = arith.index_cast %add3A_384 : i32 to index
        %swap3A_421 = arith.constant 32 : index
        %swap3A_422 = tpu.vector_load %arg11[%swap3A_420, %swap3A_421] {strides = array<i32>} : memref<80x64xf32, #tpu.memory_space<vmem>>, vector<16xf32>,
        tpu.vector_store %arg11[%swap3A_420, %swap3A_421], %mul3A_419 {strides = array<i32>} : memref<80x64xf32, #tpu.memory_space<vmem>>, vector<16xf32>,
        %mul3A_423 = arith.mulf %bitcast3A_418, %broadcast_in_dim3A_380 : vector<16xf32>
        %swap3A_424 = arith.index_cast %add3A_384 : i32 to index
        %swap3A_425 = arith.constant 48 : index
        %swap3A_426 = tpu.vector_load %arg11[%swap3A_424, %swap3A_425] {strides = array<i32>} : memref<80x64xf32, #tpu.memory_space<vmem>>, vector<16xf32>,
        tpu.vector_store %arg11[%swap3A_424, %swap3A_425], %mul3A_423 {strides = array<i32>} : memref<80x64xf32, #tpu.memory_space<vmem>>, vector<16xf32>,
        %slice3A_427 = vector.extract_strided_slice %get3A_90 {offsets = [7], sizes = [1], strides = [1]} : vector<16xf32> to vector<1xf32>
        %squeeze3A_428 = vector.extract %slice3A_427[0] : f32 from vector<1xf32>
        %broadcast_in_dim3A_429 = vector.broadcast %squeeze3A_428 : f32 to vector<16xf32>
        %mul3A_430 = arith.constant 16 : i32
        %mul3A_431 = arith.muli %scan3A_83, %mul3A_430 : i32
        %add3A_432 = arith.constant 7 : i32
        %add3A_433 = arith.addi %mul3A_431, %add3A_432 : i32
        %get3A_434 = arith.index_cast %rem3A_55 : i32 to index
        %get3A_435 = arith.index_cast %add3A_433 : i32 to index
        %get3A_436 = arith.constant 0 : index
        %get3A_437 = tpu.vector_load %arg10[%get3A_434, %get3A_435, %get3A_436] {strides = array<i32>} : memref<2x80x64xbf16, #tpu.memory_space<vmem>>, vector<32xbf16>,
        %bitcast3A_438 = vector.bitcast %get3A_437 : vector<32xbf16> to vector<16xi32>
        %shift_left3A_439 = arith.constant 16 : i32
        %shift_left3A_440 = vector.broadcast %shift_left3A_439 : i32 to vector<16xi32>
        %shift_left3A_441 = arith.shli %bitcast3A_438, %shift_left3A_440 : vector<16xi32>
        %bitcast3A_442 = vector.bitcast %shift_left3A_441 : vector<16xi32> to vector<16xf32>
        %and3A_443 = arith.constant -65536 : i32
        %and3A_444 = vector.broadcast %and3A_443 : i32 to vector<16xi32>
        %and3A_445 = arith.andi %bitcast3A_438, %and3A_444 : vector<16xi32>
        %bitcast3A_446 = vector.bitcast %and3A_445 : vector<16xi32> to vector<16xf32>
        %mul3A_447 = arith.mulf %bitcast3A_442, %broadcast_in_dim3A_429 : vector<16xf32>
        %swap3A_448 = arith.index_cast %add3A_433 : i32 to index
        %swap3A_449 = arith.constant 0 : index
        %swap3A_450 = tpu.vector_load %arg11[%swap3A_448, %swap3A_449] {strides = array<i32>} : memref<80x64xf32, #tpu.memory_space<vmem>>, vector<16xf32>,
        tpu.vector_store %arg11[%swap3A_448, %swap3A_449], %mul3A_447 {strides = array<i32>} : memref<80x64xf32, #tpu.memory_space<vmem>>, vector<16xf32>,
        %mul3A_451 = arith.mulf %bitcast3A_446, %broadcast_in_dim3A_429 : vector<16xf32>
        %swap3A_452 = arith.index_cast %add3A_433 : i32 to index
        %swap3A_453 = arith.constant 16 : index
        %swap3A_454 = tpu.vector_load %arg11[%swap3A_452, %swap3A_453] {strides = array<i32>} : memref<80x64xf32, #tpu.memory_space<vmem>>, vector<16xf32>,
        tpu.vector_store %arg11[%swap3A_452, %swap3A_453], %mul3A_451 {strides = array<i32>} : memref<80x64xf32, #tpu.memory_space<vmem>>, vector<16xf32>,
        %get3A_455 = arith.index_cast %rem3A_55 : i32 to index
        %get3A_456 = arith.index_cast %add3A_433 : i32 to index
        %get3A_457 = arith.constant 32 : index
        %get3A_458 = tpu.vector_load %arg10[%get3A_455, %get3A_456, %get3A_457] {strides = array<i32>} : memref<2x80x64xbf16, #tpu.memory_space<vmem>>, vector<32xbf16>,
        %bitcast3A_459 = vector.bitcast %get3A_458 : vector<32xbf16> to vector<16xi32>
        %shift_left3A_460 = arith.constant 16 : i32
        %shift_left3A_461 = vector.broadcast %shift_left3A_460 : i32 to vector<16xi32>
        %shift_left3A_462 = arith.shli %bitcast3A_459, %shift_left3A_461 : vector<16xi32>
        %bitcast3A_463 = vector.bitcast %shift_left3A_462 : vector<16xi32> to vector<16xf32>
        %and3A_464 = arith.constant -65536 : i32
        %and3A_465 = vector.broadcast %and3A_464 : i32 to vector<16xi32>
        %and3A_466 = arith.andi %bitcast3A_459, %and3A_465 : vector<16xi32>
        %bitcast3A_467 = vector.bitcast %and3A_466 : vector<16xi32> to vector<16xf32>
        %mul3A_468 = arith.mulf %bitcast3A_463, %broadcast_in_dim3A_429 : vector<16xf32>
        %swap3A_469 = arith.index_cast %add3A_433 : i32 to index
        %swap3A_470 = arith.constant 32 : index
        %swap3A_471 = tpu.vector_load %arg11[%swap3A_469, %swap3A_470] {strides = array<i32>} : memref<80x64xf32, #tpu.memory_space<vmem>>, vector<16xf32>,
        tpu.vector_store %arg11[%swap3A_469, %swap3A_470], %mul3A_468 {strides = array<i32>} : memref<80x64xf32, #tpu.memory_space<vmem>>, vector<16xf32>,
        %mul3A_472 = arith.mulf %bitcast3A_467, %broadcast_in_dim3A_429 : vector<16xf32>
        %swap3A_473 = arith.index_cast %add3A_433 : i32 to index
        %swap3A_474 = arith.constant 48 : index
        %swap3A_475 = tpu.vector_load %arg11[%swap3A_473, %swap3A_474] {strides = array<i32>} : memref<80x64xf32, #tpu.memory_space<vmem>>, vector<16xf32>,
        tpu.vector_store %arg11[%swap3A_473, %swap3A_474], %mul3A_472 {strides = array<i32>} : memref<80x64xf32, #tpu.memory_space<vmem>>, vector<16xf32>,
        %slice3A_476 = vector.extract_strided_slice %get3A_90 {offsets = [8], sizes = [1], strides = [1]} : vector<16xf32> to vector<1xf32>
        %squeeze3A_477 = vector.extract %slice3A_476[0] : f32 from vector<1xf32>
        %broadcast_in_dim3A_478 = vector.broadcast %squeeze3A_477 : f32 to vector<16xf32>
        %mul3A_479 = arith.constant 16 : i32
        %mul3A_480 = arith.muli %scan3A_83, %mul3A_479 : i32
        %add3A_481 = arith.constant 8 : i32
        %add3A_482 = arith.addi %mul3A_480, %add3A_481 : i32
        %get3A_483 = arith.index_cast %rem3A_55 : i32 to index
        %get3A_484 = arith.index_cast %add3A_482 : i32 to index
        %get3A_485 = arith.constant 0 : index
        %get3A_486 = tpu.vector_load %arg10[%get3A_483, %get3A_484, %get3A_485] {strides = array<i32>} : memref<2x80x64xbf16, #tpu.memory_space<vmem>>, vector<32xbf16>,
        %bitcast3A_487 = vector.bitcast %get3A_486 : vector<32xbf16> to vector<16xi32>
        %shift_left3A_488 = arith.constant 16 : i32
        %shift_left3A_489 = vector.broadcast %shift_left3A_488 : i32 to vector<16xi32>
        %shift_left3A_490 = arith.shli %bitcast3A_487, %shift_left3A_489 : vector<16xi32>
        %bitcast3A_491 = vector.bitcast %shift_left3A_490 : vector<16xi32> to vector<16xf32>
        %and3A_492 = arith.constant -65536 : i32
        %and3A_493 = vector.broadcast %and3A_492 : i32 to vector<16xi32>
        %and3A_494 = arith.andi %bitcast3A_487, %and3A_493 : vector<16xi32>
        %bitcast3A_495 = vector.bitcast %and3A_494 : vector<16xi32> to vector<16xf32>
        %mul3A_496 = arith.mulf %bitcast3A_491, %broadcast_in_dim3A_478 : vector<16xf32>
        %swap3A_497 = arith.index_cast %add3A_482 : i32 to index
        %swap3A_498 = arith.constant 0 : index
        %swap3A_499 = tpu.vector_load %arg11[%swap3A_497, %swap3A_498] {strides = array<i32>} : memref<80x64xf32, #tpu.memory_space<vmem>>, vector<16xf32>,
        tpu.vector_store %arg11[%swap3A_497, %swap3A_498], %mul3A_496 {strides = array<i32>} : memref<80x64xf32, #tpu.memory_space<vmem>>, vector<16xf32>,
        %mul3A_500 = arith.mulf %bitcast3A_495, %broadcast_in_dim3A_478 : vector<16xf32>
        %swap3A_501 = arith.index_cast %add3A_482 : i32 to index
        %swap3A_502 = arith.constant 16 : index
        %swap3A_503 = tpu.vector_load %arg11[%swap3A_501, %swap3A_502] {strides = array<i32>} : memref<80x64xf32, #tpu.memory_space<vmem>>, vector<16xf32>,
        tpu.vector_store %arg11[%swap3A_501, %swap3A_502], %mul3A_500 {strides = array<i32>} : memref<80x64xf32, #tpu.memory_space<vmem>>, vector<16xf32>,
        %get3A_504 = arith.index_cast %rem3A_55 : i32 to index
        %get3A_505 = arith.index_cast %add3A_482 : i32 to index
        %get3A_506 = arith.constant 32 : index
        %get3A_507 = tpu.vector_load %arg10[%get3A_504, %get3A_505, %get3A_506] {strides = array<i32>} : memref<2x80x64xbf16, #tpu.memory_space<vmem>>, vector<32xbf16>,
        %bitcast3A_508 = vector.bitcast %get3A_507 : vector<32xbf16> to vector<16xi32>
        %shift_left3A_509 = arith.constant 16 : i32
        %shift_left3A_510 = vector.broadcast %shift_left3A_509 : i32 to vector<16xi32>
        %shift_left3A_511 = arith.shli %bitcast3A_508, %shift_left3A_510 : vector<16xi32>
        %bitcast3A_512 = vector.bitcast %shift_left3A_511 : vector<16xi32> to vector<16xf32>
        %and3A_513 = arith.constant -65536 : i32
        %and3A_514 = vector.broadcast %and3A_513 : i32 to vector<16xi32>
        %and3A_515 = arith.andi %bitcast3A_508, %and3A_514 : vector<16xi32>
        %bitcast3A_516 = vector.bitcast %and3A_515 : vector<16xi32> to vector<16xf32>
        %mul3A_517 = arith.mulf %bitcast3A_512, %broadcast_in_dim3A_478 : vector<16xf32>
        %swap3A_518 = arith.index_cast %add3A_482 : i32 to index
        %swap3A_519 = arith.constant 32 : index
        %swap3A_520 = tpu.vector_load %arg11[%swap3A_518, %swap3A_519] {strides = array<i32>} : memref<80x64xf32, #tpu.memory_space<vmem>>, vector<16xf32>,
        tpu.vector_store %arg11[%swap3A_518, %swap3A_519], %mul3A_517 {strides = array<i32>} : memref<80x64xf32, #tpu.memory_space<vmem>>, vector<16xf32>,
        %mul3A_521 = arith.mulf %bitcast3A_516, %broadcast_in_dim3A_478 : vector<16xf32>
        %swap3A_522 = arith.index_cast %add3A_482 : i32 to index
        %swap3A_523 = arith.constant 48 : index
        %swap3A_524 = tpu.vector_load %arg11[%swap3A_522, %swap3A_523] {strides = array<i32>} : memref<80x64xf32, #tpu.memory_space<vmem>>, vector<16xf32>,
        tpu.vector_store %arg11[%swap3A_522, %swap3A_523], %mul3A_521 {strides = array<i32>} : memref<80x64xf32, #tpu.memory_space<vmem>>, vector<16xf32>,
        %slice3A_525 = vector.extract_strided_slice %get3A_90 {offsets = [9], sizes = [1], strides = [1]} : vector<16xf32> to vector<1xf32>
        %squeeze3A_526 = vector.extract %slice3A_525[0] : f32 from vector<1xf32>
        %broadcast_in_dim3A_527 = vector.broadcast %squeeze3A_526 : f32 to vector<16xf32>
        %mul3A_528 = arith.constant 16 : i32
        %mul3A_529 = arith.muli %scan3A_83, %mul3A_528 : i32
        %add3A_530 = arith.constant 9 : i32
        %add3A_531 = arith.addi %mul3A_529, %add3A_530 : i32
        %get3A_532 = arith.index_cast %rem3A_55 : i32 to index
        %get3A_533 = arith.index_cast %add3A_531 : i32 to index
        %get3A_534 = arith.constant 0 : index
        %get3A_535 = tpu.vector_load %arg10[%get3A_532, %get3A_533, %get3A_534] {strides = array<i32>} : memref<2x80x64xbf16, #tpu.memory_space<vmem>>, vector<32xbf16>,
        %bitcast3A_536 = vector.bitcast %get3A_535 : vector<32xbf16> to vector<16xi32>
        %shift_left3A_537 = arith.constant 16 : i32
        %shift_left3A_538 = vector.broadcast %shift_left3A_537 : i32 to vector<16xi32>
        %shift_left3A_539 = arith.shli %bitcast3A_536, %shift_left3A_538 : vector<16xi32>
        %bitcast3A_540 = vector.bitcast %shift_left3A_539 : vector<16xi32> to vector<16xf32>
        %and3A_541 = arith.constant -65536 : i32
        %and3A_542 = vector.broadcast %and3A_541 : i32 to vector<16xi32>
        %and3A_543 = arith.andi %bitcast3A_536, %and3A_542 : vector<16xi32>
        %bitcast3A_544 = vector.bitcast %and3A_543 : vector<16xi32> to vector<16xf32>
        %mul3A_545 = arith.mulf %bitcast3A_540, %broadcast_in_dim3A_527 : vector<16xf32>
        %swap3A_546 = arith.index_cast %add3A_531 : i32 to index
        %swap3A_547 = arith.constant 0 : index
        %swap3A_548 = tpu.vector_load %arg11[%swap3A_546, %swap3A_547] {strides = array<i32>} : memref<80x64xf32, #tpu.memory_space<vmem>>, vector<16xf32>,
        tpu.vector_store %arg11[%swap3A_546, %swap3A_547], %mul3A_545 {strides = array<i32>} : memref<80x64xf32, #tpu.memory_space<vmem>>, vector<16xf32>,
        %mul3A_549 = arith.mulf %bitcast3A_544, %broadcast_in_dim3A_527 : vector<16xf32>
        %swap3A_550 = arith.index_cast %add3A_531 : i32 to index
        %swap3A_551 = arith.constant 16 : index
        %swap3A_552 = tpu.vector_load %arg11[%swap3A_550, %swap3A_551] {strides = array<i32>} : memref<80x64xf32, #tpu.memory_space<vmem>>, vector<16xf32>,
        tpu.vector_store %arg11[%swap3A_550, %swap3A_551], %mul3A_549 {strides = array<i32>} : memref<80x64xf32, #tpu.memory_space<vmem>>, vector<16xf32>,
        %get3A_553 = arith.index_cast %rem3A_55 : i32 to index
        %get3A_554 = arith.index_cast %add3A_531 : i32 to index
        %get3A_555 = arith.constant 32 : index
        %get3A_556 = tpu.vector_load %arg10[%get3A_553, %get3A_554, %get3A_555] {strides = array<i32>} : memref<2x80x64xbf16, #tpu.memory_space<vmem>>, vector<32xbf16>,
        %bitcast3A_557 = vector.bitcast %get3A_556 : vector<32xbf16> to vector<16xi32>
        %shift_left3A_558 = arith.constant 16 : i32
        %shift_left3A_559 = vector.broadcast %shift_left3A_558 : i32 to vector<16xi32>
        %shift_left3A_560 = arith.shli %bitcast3A_557, %shift_left3A_559 : vector<16xi32>
        %bitcast3A_561 = vector.bitcast %shift_left3A_560 : vector<16xi32> to vector<16xf32>
        %and3A_562 = arith.constant -65536 : i32
        %and3A_563 = vector.broadcast %and3A_562 : i32 to vector<16xi32>
        %and3A_564 = arith.andi %bitcast3A_557, %and3A_563 : vector<16xi32>
        %bitcast3A_565 = vector.bitcast %and3A_564 : vector<16xi32> to vector<16xf32>
        %mul3A_566 = arith.mulf %bitcast3A_561, %broadcast_in_dim3A_527 : vector<16xf32>
        %swap3A_567 = arith.index_cast %add3A_531 : i32 to index
        %swap3A_568 = arith.constant 32 : index
        %swap3A_569 = tpu.vector_load %arg11[%swap3A_567, %swap3A_568] {strides = array<i32>} : memref<80x64xf32, #tpu.memory_space<vmem>>, vector<16xf32>,
        tpu.vector_store %arg11[%swap3A_567, %swap3A_568], %mul3A_566 {strides = array<i32>} : memref<80x64xf32, #tpu.memory_space<vmem>>, vector<16xf32>,
        %mul3A_570 = arith.mulf %bitcast3A_565, %broadcast_in_dim3A_527 : vector<16xf32>
        %swap3A_571 = arith.index_cast %add3A_531 : i32 to index
        %swap3A_572 = arith.constant 48 : index
        %swap3A_573 = tpu.vector_load %arg11[%swap3A_571, %swap3A_572] {strides = array<i32>} : memref<80x64xf32, #tpu.memory_space<vmem>>, vector<16xf32>,
        tpu.vector_store %arg11[%swap3A_571, %swap3A_572], %mul3A_570 {strides = array<i32>} : memref<80x64xf32, #tpu.memory_space<vmem>>, vector<16xf32>,
        %slice3A_574 = vector.extract_strided_slice %get3A_90 {offsets = [10], sizes = [1], strides = [1]} : vector<16xf32> to vector<1xf32>
        %squeeze3A_575 = vector.extract %slice3A_574[0] : f32 from vector<1xf32>
        %broadcast_in_dim3A_576 = vector.broadcast %squeeze3A_575 : f32 to vector<16xf32>
        %mul3A_577 = arith.constant 16 : i32
        %mul3A_578 = arith.muli %scan3A_83, %mul3A_577 : i32
        %add3A_579 = arith.constant 10 : i32
        %add3A_580 = arith.addi %mul3A_578, %add3A_579 : i32
        %get3A_581 = arith.index_cast %rem3A_55 : i32 to index
        %get3A_582 = arith.index_cast %add3A_580 : i32 to index
        %get3A_583 = arith.constant 0 : index
        %get3A_584 = tpu.vector_load %arg10[%get3A_581, %get3A_582, %get3A_583] {strides = array<i32>} : memref<2x80x64xbf16, #tpu.memory_space<vmem>>, vector<32xbf16>,
        %bitcast3A_585 = vector.bitcast %get3A_584 : vector<32xbf16> to vector<16xi32>
        %shift_left3A_586 = arith.constant 16 : i32
        %shift_left3A_587 = vector.broadcast %shift_left3A_586 : i32 to vector<16xi32>
        %shift_left3A_588 = arith.shli %bitcast3A_585, %shift_left3A_587 : vector<16xi32>
        %bitcast3A_589 = vector.bitcast %shift_left3A_588 : vector<16xi32> to vector<16xf32>
        %and3A_590 = arith.constant -65536 : i32
        %and3A_591 = vector.broadcast %and3A_590 : i32 to vector<16xi32>
        %and3A_592 = arith.andi %bitcast3A_585, %and3A_591 : vector<16xi32>
        %bitcast3A_593 = vector.bitcast %and3A_592 : vector<16xi32> to vector<16xf32>
        %mul3A_594 = arith.mulf %bitcast3A_589, %broadcast_in_dim3A_576 : vector<16xf32>
        %swap3A_595 = arith.index_cast %add3A_580 : i32 to index
        %swap3A_596 = arith.constant 0 : index
        %swap3A_597 = tpu.vector_load %arg11[%swap3A_595, %swap3A_596] {strides = array<i32>} : memref<80x64xf32, #tpu.memory_space<vmem>>, vector<16xf32>,
        tpu.vector_store %arg11[%swap3A_595, %swap3A_596], %mul3A_594 {strides = array<i32>} : memref<80x64xf32, #tpu.memory_space<vmem>>, vector<16xf32>,
        %mul3A_598 = arith.mulf %bitcast3A_593, %broadcast_in_dim3A_576 : vector<16xf32>
        %swap3A_599 = arith.index_cast %add3A_580 : i32 to index
        %swap3A_600 = arith.constant 16 : index
        %swap3A_601 = tpu.vector_load %arg11[%swap3A_599, %swap3A_600] {strides = array<i32>} : memref<80x64xf32, #tpu.memory_space<vmem>>, vector<16xf32>,
        tpu.vector_store %arg11[%swap3A_599, %swap3A_600], %mul3A_598 {strides = array<i32>} : memref<80x64xf32, #tpu.memory_space<vmem>>, vector<16xf32>,
        %get3A_602 = arith.index_cast %rem3A_55 : i32 to index
        %get3A_603 = arith.index_cast %add3A_580 : i32 to index
        %get3A_604 = arith.constant 32 : index
        %get3A_605 = tpu.vector_load %arg10[%get3A_602, %get3A_603, %get3A_604] {strides = array<i32>} : memref<2x80x64xbf16, #tpu.memory_space<vmem>>, vector<32xbf16>,
        %bitcast3A_606 = vector.bitcast %get3A_605 : vector<32xbf16> to vector<16xi32>
        %shift_left3A_607 = arith.constant 16 : i32
        %shift_left3A_608 = vector.broadcast %shift_left3A_607 : i32 to vector<16xi32>
        %shift_left3A_609 = arith.shli %bitcast3A_606, %shift_left3A_608 : vector<16xi32>
        %bitcast3A_610 = vector.bitcast %shift_left3A_609 : vector<16xi32> to vector<16xf32>
        %and3A_611 = arith.constant -65536 : i32
        %and3A_612 = vector.broadcast %and3A_611 : i32 to vector<16xi32>
        %and3A_613 = arith.andi %bitcast3A_606, %and3A_612 : vector<16xi32>
        %bitcast3A_614 = vector.bitcast %and3A_613 : vector<16xi32> to vector<16xf32>
        %mul3A_615 = arith.mulf %bitcast3A_610, %broadcast_in_dim3A_576 : vector<16xf32>
        %swap3A_616 = arith.index_cast %add3A_580 : i32 to index
        %swap3A_617 = arith.constant 32 : index
        %swap3A_618 = tpu.vector_load %arg11[%swap3A_616, %swap3A_617] {strides = array<i32>} : memref<80x64xf32, #tpu.memory_space<vmem>>, vector<16xf32>,
        tpu.vector_store %arg11[%swap3A_616, %swap3A_617], %mul3A_615 {strides = array<i32>} : memref<80x64xf32, #tpu.memory_space<vmem>>, vector<16xf32>,
        %mul3A_619 = arith.mulf %bitcast3A_614, %broadcast_in_dim3A_576 : vector<16xf32>
        %swap3A_620 = arith.index_cast %add3A_580 : i32 to index
        %swap3A_621 = arith.constant 48 : index
        %swap3A_622 = tpu.vector_load %arg11[%swap3A_620, %swap3A_621] {strides = array<i32>} : memref<80x64xf32, #tpu.memory_space<vmem>>, vector<16xf32>,
        tpu.vector_store %arg11[%swap3A_620, %swap3A_621], %mul3A_619 {strides = array<i32>} : memref<80x64xf32, #tpu.memory_space<vmem>>, vector<16xf32>,
        %slice3A_623 = vector.extract_strided_slice %get3A_90 {offsets = [11], sizes = [1], strides = [1]} : vector<16xf32> to vector<1xf32>
        %squeeze3A_624 = vector.extract %slice3A_623[0] : f32 from vector<1xf32>
        %broadcast_in_dim3A_625 = vector.broadcast %squeeze3A_624 : f32 to vector<16xf32>
        %mul3A_626 = arith.constant 16 : i32
        %mul3A_627 = arith.muli %scan3A_83, %mul3A_626 : i32
        %add3A_628 = arith.constant 11 : i32
        %add3A_629 = arith.addi %mul3A_627, %add3A_628 : i32
        %get3A_630 = arith.index_cast %rem3A_55 : i32 to index
        %get3A_631 = arith.index_cast %add3A_629 : i32 to index
        %get3A_632 = arith.constant 0 : index
        %get3A_633 = tpu.vector_load %arg10[%get3A_630, %get3A_631, %get3A_632] {strides = array<i32>} : memref<2x80x64xbf16, #tpu.memory_space<vmem>>, vector<32xbf16>,
        %bitcast3A_634 = vector.bitcast %get3A_633 : vector<32xbf16> to vector<16xi32>
        %shift_left3A_635 = arith.constant 16 : i32
        %shift_left3A_636 = vector.broadcast %shift_left3A_635 : i32 to vector<16xi32>
        %shift_left3A_637 = arith.shli %bitcast3A_634, %shift_left3A_636 : vector<16xi32>
        %bitcast3A_638 = vector.bitcast %shift_left3A_637 : vector<16xi32> to vector<16xf32>
        %and3A_639 = arith.constant -65536 : i32
        %and3A_640 = vector.broadcast %and3A_639 : i32 to vector<16xi32>
        %and3A_641 = arith.andi %bitcast3A_634, %and3A_640 : vector<16xi32>
        %bitcast3A_642 = vector.bitcast %and3A_641 : vector<16xi32> to vector<16xf32>
        %mul3A_643 = arith.mulf %bitcast3A_638, %broadcast_in_dim3A_625 : vector<16xf32>
        %swap3A_644 = arith.index_cast %add3A_629 : i32 to index
        %swap3A_645 = arith.constant 0 : index
        %swap3A_646 = tpu.vector_load %arg11[%swap3A_644, %swap3A_645] {strides = array<i32>} : memref<80x64xf32, #tpu.memory_space<vmem>>, vector<16xf32>,
        tpu.vector_store %arg11[%swap3A_644, %swap3A_645], %mul3A_643 {strides = array<i32>} : memref<80x64xf32, #tpu.memory_space<vmem>>, vector<16xf32>,
        %mul3A_647 = arith.mulf %bitcast3A_642, %broadcast_in_dim3A_625 : vector<16xf32>
        %swap3A_648 = arith.index_cast %add3A_629 : i32 to index
        %swap3A_649 = arith.constant 16 : index
        %swap3A_650 = tpu.vector_load %arg11[%swap3A_648, %swap3A_649] {strides = array<i32>} : memref<80x64xf32, #tpu.memory_space<vmem>>, vector<16xf32>,
        tpu.vector_store %arg11[%swap3A_648, %swap3A_649], %mul3A_647 {strides = array<i32>} : memref<80x64xf32, #tpu.memory_space<vmem>>, vector<16xf32>,
        %get3A_651 = arith.index_cast %rem3A_55 : i32 to index
        %get3A_652 = arith.index_cast %add3A_629 : i32 to index
        %get3A_653 = arith.constant 32 : index
        %get3A_654 = tpu.vector_load %arg10[%get3A_651, %get3A_652, %get3A_653] {strides = array<i32>} : memref<2x80x64xbf16, #tpu.memory_space<vmem>>, vector<32xbf16>,
        %bitcast3A_655 = vector.bitcast %get3A_654 : vector<32xbf16> to vector<16xi32>
        %shift_left3A_656 = arith.constant 16 : i32
        %shift_left3A_657 = vector.broadcast %shift_left3A_656 : i32 to vector<16xi32>
        %shift_left3A_658 = arith.shli %bitcast3A_655, %shift_left3A_657 : vector<16xi32>
        %bitcast3A_659 = vector.bitcast %shift_left3A_658 : vector<16xi32> to vector<16xf32>
        %and3A_660 = arith.constant -65536 : i32
        %and3A_661 = vector.broadcast %and3A_660 : i32 to vector<16xi32>
        %and3A_662 = arith.andi %bitcast3A_655, %and3A_661 : vector<16xi32>
        %bitcast3A_663 = vector.bitcast %and3A_662 : vector<16xi32> to vector<16xf32>
        %mul3A_664 = arith.mulf %bitcast3A_659, %broadcast_in_dim3A_625 : vector<16xf32>
        %swap3A_665 = arith.index_cast %add3A_629 : i32 to index
        %swap3A_666 = arith.constant 32 : index
        %swap3A_667 = tpu.vector_load %arg11[%swap3A_665, %swap3A_666] {strides = array<i32>} : memref<80x64xf32, #tpu.memory_space<vmem>>, vector<16xf32>,
        tpu.vector_store %arg11[%swap3A_665, %swap3A_666], %mul3A_664 {strides = array<i32>} : memref<80x64xf32, #tpu.memory_space<vmem>>, vector<16xf32>,
        %mul3A_668 = arith.mulf %bitcast3A_663, %broadcast_in_dim3A_625 : vector<16xf32>
        %swap3A_669 = arith.index_cast %add3A_629 : i32 to index
        %swap3A_670 = arith.constant 48 : index
        %swap3A_671 = tpu.vector_load %arg11[%swap3A_669, %swap3A_670] {strides = array<i32>} : memref<80x64xf32, #tpu.memory_space<vmem>>, vector<16xf32>,
        tpu.vector_store %arg11[%swap3A_669, %swap3A_670], %mul3A_668 {strides = array<i32>} : memref<80x64xf32, #tpu.memory_space<vmem>>, vector<16xf32>,
        %slice3A_672 = vector.extract_strided_slice %get3A_90 {offsets = [12], sizes = [1], strides = [1]} : vector<16xf32> to vector<1xf32>
        %squeeze3A_673 = vector.extract %slice3A_672[0] : f32 from vector<1xf32>
        %broadcast_in_dim3A_674 = vector.broadcast %squeeze3A_673 : f32 to vector<16xf32>
        %mul3A_675 = arith.constant 16 : i32
        %mul3A_676 = arith.muli %scan3A_83, %mul3A_675 : i32
        %add3A_677 = arith.constant 12 : i32
        %add3A_678 = arith.addi %mul3A_676, %add3A_677 : i32
        %get3A_679 = arith.index_cast %rem3A_55 : i32 to index
        %get3A_680 = arith.index_cast %add3A_678 : i32 to index
        %get3A_681 = arith.constant 0 : index
        %get3A_682 = tpu.vector_load %arg10[%get3A_679, %get3A_680, %get3A_681] {strides = array<i32>} : memref<2x80x64xbf16, #tpu.memory_space<vmem>>, vector<32xbf16>,
        %bitcast3A_683 = vector.bitcast %get3A_682 : vector<32xbf16> to vector<16xi32>
        %shift_left3A_684 = arith.constant 16 : i32
        %shift_left3A_685 = vector.broadcast %shift_left3A_684 : i32 to vector<16xi32>
        %shift_left3A_686 = arith.shli %bitcast3A_683, %shift_left3A_685 : vector<16xi32>
        %bitcast3A_687 = vector.bitcast %shift_left3A_686 : vector<16xi32> to vector<16xf32>
        %and3A_688 = arith.constant -65536 : i32
        %and3A_689 = vector.broadcast %and3A_688 : i32 to vector<16xi32>
        %and3A_690 = arith.andi %bitcast3A_683, %and3A_689 : vector<16xi32>
        %bitcast3A_691 = vector.bitcast %and3A_690 : vector<16xi32> to vector<16xf32>
        %mul3A_692 = arith.mulf %bitcast3A_687, %broadcast_in_dim3A_674 : vector<16xf32>
        %swap3A_693 = arith.index_cast %add3A_678 : i32 to index
        %swap3A_694 = arith.constant 0 : index
        %swap3A_695 = tpu.vector_load %arg11[%swap3A_693, %swap3A_694] {strides = array<i32>} : memref<80x64xf32, #tpu.memory_space<vmem>>, vector<16xf32>,
        tpu.vector_store %arg11[%swap3A_693, %swap3A_694], %mul3A_692 {strides = array<i32>} : memref<80x64xf32, #tpu.memory_space<vmem>>, vector<16xf32>,
        %mul3A_696 = arith.mulf %bitcast3A_691, %broadcast_in_dim3A_674 : vector<16xf32>
        %swap3A_697 = arith.index_cast %add3A_678 : i32 to index
        %swap3A_698 = arith.constant 16 : index
        %swap3A_699 = tpu.vector_load %arg11[%swap3A_697, %swap3A_698] {strides = array<i32>} : memref<80x64xf32, #tpu.memory_space<vmem>>, vector<16xf32>,
        tpu.vector_store %arg11[%swap3A_697, %swap3A_698], %mul3A_696 {strides = array<i32>} : memref<80x64xf32, #tpu.memory_space<vmem>>, vector<16xf32>,
        %get3A_700 = arith.index_cast %rem3A_55 : i32 to index
        %get3A_701 = arith.index_cast %add3A_678 : i32 to index
        %get3A_702 = arith.constant 32 : index
        %get3A_703 = tpu.vector_load %arg10[%get3A_700, %get3A_701, %get3A_702] {strides = array<i32>} : memref<2x80x64xbf16, #tpu.memory_space<vmem>>, vector<32xbf16>,
        %bitcast3A_704 = vector.bitcast %get3A_703 : vector<32xbf16> to vector<16xi32>
        %shift_left3A_705 = arith.constant 16 : i32
        %shift_left3A_706 = vector.broadcast %shift_left3A_705 : i32 to vector<16xi32>
        %shift_left3A_707 = arith.shli %bitcast3A_704, %shift_left3A_706 : vector<16xi32>
        %bitcast3A_708 = vector.bitcast %shift_left3A_707 : vector<16xi32> to vector<16xf32>
        %and3A_709 = arith.constant -65536 : i32
        %and3A_710 = vector.broadcast %and3A_709 : i32 to vector<16xi32>
        %and3A_711 = arith.andi %bitcast3A_704, %and3A_710 : vector<16xi32>
        %bitcast3A_712 = vector.bitcast %and3A_711 : vector<16xi32> to vector<16xf32>
        %mul3A_713 = arith.mulf %bitcast3A_708, %broadcast_in_dim3A_674 : vector<16xf32>
        %swap3A_714 = arith.index_cast %add3A_678 : i32 to index
        %swap3A_715 = arith.constant 32 : index
        %swap3A_716 = tpu.vector_load %arg11[%swap3A_714, %swap3A_715] {strides = array<i32>} : memref<80x64xf32, #tpu.memory_space<vmem>>, vector<16xf32>,
        tpu.vector_store %arg11[%swap3A_714, %swap3A_715], %mul3A_713 {strides = array<i32>} : memref<80x64xf32, #tpu.memory_space<vmem>>, vector<16xf32>,
        %mul3A_717 = arith.mulf %bitcast3A_712, %broadcast_in_dim3A_674 : vector<16xf32>
        %swap3A_718 = arith.index_cast %add3A_678 : i32 to index
        %swap3A_719 = arith.constant 48 : index
        %swap3A_720 = tpu.vector_load %arg11[%swap3A_718, %swap3A_719] {strides = array<i32>} : memref<80x64xf32, #tpu.memory_space<vmem>>, vector<16xf32>,
        tpu.vector_store %arg11[%swap3A_718, %swap3A_719], %mul3A_717 {strides = array<i32>} : memref<80x64xf32, #tpu.memory_space<vmem>>, vector<16xf32>,
        %slice3A_721 = vector.extract_strided_slice %get3A_90 {offsets = [13], sizes = [1], strides = [1]} : vector<16xf32> to vector<1xf32>
        %squeeze3A_722 = vector.extract %slice3A_721[0] : f32 from vector<1xf32>
        %broadcast_in_dim3A_723 = vector.broadcast %squeeze3A_722 : f32 to vector<16xf32>
        %mul3A_724 = arith.constant 16 : i32
        %mul3A_725 = arith.muli %scan3A_83, %mul3A_724 : i32
        %add3A_726 = arith.constant 13 : i32
        %add3A_727 = arith.addi %mul3A_725, %add3A_726 : i32
        %get3A_728 = arith.index_cast %rem3A_55 : i32 to index
        %get3A_729 = arith.index_cast %add3A_727 : i32 to index
        %get3A_730 = arith.constant 0 : index
        %get3A_731 = tpu.vector_load %arg10[%get3A_728, %get3A_729, %get3A_730] {strides = array<i32>} : memref<2x80x64xbf16, #tpu.memory_space<vmem>>, vector<32xbf16>,
        %bitcast3A_732 = vector.bitcast %get3A_731 : vector<32xbf16> to vector<16xi32>
        %shift_left3A_733 = arith.constant 16 : i32
        %shift_left3A_734 = vector.broadcast %shift_left3A_733 : i32 to vector<16xi32>
        %shift_left3A_735 = arith.shli %bitcast3A_732, %shift_left3A_734 : vector<16xi32>
        %bitcast3A_736 = vector.bitcast %shift_left3A_735 : vector<16xi32> to vector<16xf32>
        %and3A_737 = arith.constant -65536 : i32
        %and3A_738 = vector.broadcast %and3A_737 : i32 to vector<16xi32>
        %and3A_739 = arith.andi %bitcast3A_732, %and3A_738 : vector<16xi32>
        %bitcast3A_740 = vector.bitcast %and3A_739 : vector<16xi32> to vector<16xf32>
        %mul3A_741 = arith.mulf %bitcast3A_736, %broadcast_in_dim3A_723 : vector<16xf32>
        %swap3A_742 = arith.index_cast %add3A_727 : i32 to index
        %swap3A_743 = arith.constant 0 : index
        %swap3A_744 = tpu.vector_load %arg11[%swap3A_742, %swap3A_743] {strides = array<i32>} : memref<80x64xf32, #tpu.memory_space<vmem>>, vector<16xf32>,
        tpu.vector_store %arg11[%swap3A_742, %swap3A_743], %mul3A_741 {strides = array<i32>} : memref<80x64xf32, #tpu.memory_space<vmem>>, vector<16xf32>,
        %mul3A_745 = arith.mulf %bitcast3A_740, %broadcast_in_dim3A_723 : vector<16xf32>
        %swap3A_746 = arith.index_cast %add3A_727 : i32 to index
        %swap3A_747 = arith.constant 16 : index
        %swap3A_748 = tpu.vector_load %arg11[%swap3A_746, %swap3A_747] {strides = array<i32>} : memref<80x64xf32, #tpu.memory_space<vmem>>, vector<16xf32>,
        tpu.vector_store %arg11[%swap3A_746, %swap3A_747], %mul3A_745 {strides = array<i32>} : memref<80x64xf32, #tpu.memory_space<vmem>>, vector<16xf32>,
        %get3A_749 = arith.index_cast %rem3A_55 : i32 to index
        %get3A_750 = arith.index_cast %add3A_727 : i32 to index
        %get3A_751 = arith.constant 32 : index
        %get3A_752 = tpu.vector_load %arg10[%get3A_749, %get3A_750, %get3A_751] {strides = array<i32>} : memref<2x80x64xbf16, #tpu.memory_space<vmem>>, vector<32xbf16>,
        %bitcast3A_753 = vector.bitcast %get3A_752 : vector<32xbf16> to vector<16xi32>
        %shift_left3A_754 = arith.constant 16 : i32
        %shift_left3A_755 = vector.broadcast %shift_left3A_754 : i32 to vector<16xi32>
        %shift_left3A_756 = arith.shli %bitcast3A_753, %shift_left3A_755 : vector<16xi32>
        %bitcast3A_757 = vector.bitcast %shift_left3A_756 : vector<16xi32> to vector<16xf32>
        %and3A_758 = arith.constant -65536 : i32
        %and3A_759 = vector.broadcast %and3A_758 : i32 to vector<16xi32>
        %and3A_760 = arith.andi %bitcast3A_753, %and3A_759 : vector<16xi32>
        %bitcast3A_761 = vector.bitcast %and3A_760 : vector<16xi32> to vector<16xf32>
        %mul3A_762 = arith.mulf %bitcast3A_757, %broadcast_in_dim3A_723 : vector<16xf32>
        %swap3A_763 = arith.index_cast %add3A_727 : i32 to index
        %swap3A_764 = arith.constant 32 : index
        %swap3A_765 = tpu.vector_load %arg11[%swap3A_763, %swap3A_764] {strides = array<i32>} : memref<80x64xf32, #tpu.memory_space<vmem>>, vector<16xf32>,
        tpu.vector_store %arg11[%swap3A_763, %swap3A_764], %mul3A_762 {strides = array<i32>} : memref<80x64xf32, #tpu.memory_space<vmem>>, vector<16xf32>,
        %mul3A_766 = arith.mulf %bitcast3A_761, %broadcast_in_dim3A_723 : vector<16xf32>
        %swap3A_767 = arith.index_cast %add3A_727 : i32 to index
        %swap3A_768 = arith.constant 48 : index
        %swap3A_769 = tpu.vector_load %arg11[%swap3A_767, %swap3A_768] {strides = array<i32>} : memref<80x64xf32, #tpu.memory_space<vmem>>, vector<16xf32>,
        tpu.vector_store %arg11[%swap3A_767, %swap3A_768], %mul3A_766 {strides = array<i32>} : memref<80x64xf32, #tpu.memory_space<vmem>>, vector<16xf32>,
        %slice3A_770 = vector.extract_strided_slice %get3A_90 {offsets = [14], sizes = [1], strides = [1]} : vector<16xf32> to vector<1xf32>
        %squeeze3A_771 = vector.extract %slice3A_770[0] : f32 from vector<1xf32>
        %broadcast_in_dim3A_772 = vector.broadcast %squeeze3A_771 : f32 to vector<16xf32>
        %mul3A_773 = arith.constant 16 : i32
        %mul3A_774 = arith.muli %scan3A_83, %mul3A_773 : i32
        %add3A_775 = arith.constant 14 : i32
        %add3A_776 = arith.addi %mul3A_774, %add3A_775 : i32
        %get3A_777 = arith.index_cast %rem3A_55 : i32 to index
        %get3A_778 = arith.index_cast %add3A_776 : i32 to index
        %get3A_779 = arith.constant 0 : index
        %get3A_780 = tpu.vector_load %arg10[%get3A_777, %get3A_778, %get3A_779] {strides = array<i32>} : memref<2x80x64xbf16, #tpu.memory_space<vmem>>, vector<32xbf16>,
        %bitcast3A_781 = vector.bitcast %get3A_780 : vector<32xbf16> to vector<16xi32>
        %shift_left3A_782 = arith.constant 16 : i32
        %shift_left3A_783 = vector.broadcast %shift_left3A_782 : i32 to vector<16xi32>
        %shift_left3A_784 = arith.shli %bitcast3A_781, %shift_left3A_783 : vector<16xi32>
        %bitcast3A_785 = vector.bitcast %shift_left3A_784 : vector<16xi32> to vector<16xf32>
        %and3A_786 = arith.constant -65536 : i32
        %and3A_787 = vector.broadcast %and3A_786 : i32 to vector<16xi32>
        %and3A_788 = arith.andi %bitcast3A_781, %and3A_787 : vector<16xi32>
        %bitcast3A_789 = vector.bitcast %and3A_788 : vector<16xi32> to vector<16xf32>
        %mul3A_790 = arith.mulf %bitcast3A_785, %broadcast_in_dim3A_772 : vector<16xf32>
        %swap3A_791 = arith.index_cast %add3A_776 : i32 to index
        %swap3A_792 = arith.constant 0 : index
        %swap3A_793 = tpu.vector_load %arg11[%swap3A_791, %swap3A_792] {strides = array<i32>} : memref<80x64xf32, #tpu.memory_space<vmem>>, vector<16xf32>,
        tpu.vector_store %arg11[%swap3A_791, %swap3A_792], %mul3A_790 {strides = array<i32>} : memref<80x64xf32, #tpu.memory_space<vmem>>, vector<16xf32>,
        %mul3A_794 = arith.mulf %bitcast3A_789, %broadcast_in_dim3A_772 : vector<16xf32>
        %swap3A_795 = arith.index_cast %add3A_776 : i32 to index
        %swap3A_796 = arith.constant 16 : index
        %swap3A_797 = tpu.vector_load %arg11[%swap3A_795, %swap3A_796] {strides = array<i32>} : memref<80x64xf32, #tpu.memory_space<vmem>>, vector<16xf32>,
        tpu.vector_store %arg11[%swap3A_795, %swap3A_796], %mul3A_794 {strides = array<i32>} : memref<80x64xf32, #tpu.memory_space<vmem>>, vector<16xf32>,
        %get3A_798 = arith.index_cast %rem3A_55 : i32 to index
        %get3A_799 = arith.index_cast %add3A_776 : i32 to index
        %get3A_800 = arith.constant 32 : index
        %get3A_801 = tpu.vector_load %arg10[%get3A_798, %get3A_799, %get3A_800] {strides = array<i32>} : memref<2x80x64xbf16, #tpu.memory_space<vmem>>, vector<32xbf16>,
        %bitcast3A_802 = vector.bitcast %get3A_801 : vector<32xbf16> to vector<16xi32>
        %shift_left3A_803 = arith.constant 16 : i32
        %shift_left3A_804 = vector.broadcast %shift_left3A_803 : i32 to vector<16xi32>
        %shift_left3A_805 = arith.shli %bitcast3A_802, %shift_left3A_804 : vector<16xi32>
        %bitcast3A_806 = vector.bitcast %shift_left3A_805 : vector<16xi32> to vector<16xf32>
        %and3A_807 = arith.constant -65536 : i32
        %and3A_808 = vector.broadcast %and3A_807 : i32 to vector<16xi32>
        %and3A_809 = arith.andi %bitcast3A_802, %and3A_808 : vector<16xi32>
        %bitcast3A_810 = vector.bitcast %and3A_809 : vector<16xi32> to vector<16xf32>
        %mul3A_811 = arith.mulf %bitcast3A_806, %broadcast_in_dim3A_772 : vector<16xf32>
        %swap3A_812 = arith.index_cast %add3A_776 : i32 to index
        %swap3A_813 = arith.constant 32 : index
        %swap3A_814 = tpu.vector_load %arg11[%swap3A_812, %swap3A_813] {strides = array<i32>} : memref<80x64xf32, #tpu.memory_space<vmem>>, vector<16xf32>,
        tpu.vector_store %arg11[%swap3A_812, %swap3A_813], %mul3A_811 {strides = array<i32>} : memref<80x64xf32, #tpu.memory_space<vmem>>, vector<16xf32>,
        %mul3A_815 = arith.mulf %bitcast3A_810, %broadcast_in_dim3A_772 : vector<16xf32>
        %swap3A_816 = arith.index_cast %add3A_776 : i32 to index
        %swap3A_817 = arith.constant 48 : index
        %swap3A_818 = tpu.vector_load %arg11[%swap3A_816, %swap3A_817] {strides = array<i32>} : memref<80x64xf32, #tpu.memory_space<vmem>>, vector<16xf32>,
        tpu.vector_store %arg11[%swap3A_816, %swap3A_817], %mul3A_815 {strides = array<i32>} : memref<80x64xf32, #tpu.memory_space<vmem>>, vector<16xf32>,
        %slice3A_819 = vector.extract_strided_slice %get3A_90 {offsets = [15], sizes = [1], strides = [1]} : vector<16xf32> to vector<1xf32>
        %squeeze3A_820 = vector.extract %slice3A_819[0] : f32 from vector<1xf32>
        %broadcast_in_dim3A_821 = vector.broadcast %squeeze3A_820 : f32 to vector<16xf32>
        %mul3A_822 = arith.constant 16 : i32
        %mul3A_823 = arith.muli %scan3A_83, %mul3A_822 : i32
        %add3A_824 = arith.constant 15 : i32
        %add3A_825 = arith.addi %mul3A_823, %add3A_824 : i32
        %get3A_826 = arith.index_cast %rem3A_55 : i32 to index
        %get3A_827 = arith.index_cast %add3A_825 : i32 to index
        %get3A_828 = arith.constant 0 : index
        %get3A_829 = tpu.vector_load %arg10[%get3A_826, %get3A_827, %get3A_828] {strides = array<i32>} : memref<2x80x64xbf16, #tpu.memory_space<vmem>>, vector<32xbf16>,
        %bitcast3A_830 = vector.bitcast %get3A_829 : vector<32xbf16> to vector<16xi32>
        %shift_left3A_831 = arith.constant 16 : i32
        %shift_left3A_832 = vector.broadcast %shift_left3A_831 : i32 to vector<16xi32>
        %shift_left3A_833 = arith.shli %bitcast3A_830, %shift_left3A_832 : vector<16xi32>
        %bitcast3A_834 = vector.bitcast %shift_left3A_833 : vector<16xi32> to vector<16xf32>
        %and3A_835 = arith.constant -65536 : i32
        %and3A_836 = vector.broadcast %and3A_835 : i32 to vector<16xi32>
        %and3A_837 = arith.andi %bitcast3A_830, %and3A_836 : vector<16xi32>
        %bitcast3A_838 = vector.bitcast %and3A_837 : vector<16xi32> to vector<16xf32>
        %mul3A_839 = arith.mulf %bitcast3A_834, %broadcast_in_dim3A_821 : vector<16xf32>
        %swap3A_840 = arith.index_cast %add3A_825 : i32 to index
        %swap3A_841 = arith.constant 0 : index
        %swap3A_842 = tpu.vector_load %arg11[%swap3A_840, %swap3A_841] {strides = array<i32>} : memref<80x64xf32, #tpu.memory_space<vmem>>, vector<16xf32>,
        tpu.vector_store %arg11[%swap3A_840, %swap3A_841], %mul3A_839 {strides = array<i32>} : memref<80x64xf32, #tpu.memory_space<vmem>>, vector<16xf32>,
        %mul3A_843 = arith.mulf %bitcast3A_838, %broadcast_in_dim3A_821 : vector<16xf32>
        %swap3A_844 = arith.index_cast %add3A_825 : i32 to index
        %swap3A_845 = arith.constant 16 : index
        %swap3A_846 = tpu.vector_load %arg11[%swap3A_844, %swap3A_845] {strides = array<i32>} : memref<80x64xf32, #tpu.memory_space<vmem>>, vector<16xf32>,
        tpu.vector_store %arg11[%swap3A_844, %swap3A_845], %mul3A_843 {strides = array<i32>} : memref<80x64xf32, #tpu.memory_space<vmem>>, vector<16xf32>,
        %get3A_847 = arith.index_cast %rem3A_55 : i32 to index
        %get3A_848 = arith.index_cast %add3A_825 : i32 to index
        %get3A_849 = arith.constant 32 : index
        %get3A_850 = tpu.vector_load %arg10[%get3A_847, %get3A_848, %get3A_849] {strides = array<i32>} : memref<2x80x64xbf16, #tpu.memory_space<vmem>>, vector<32xbf16>,
        %bitcast3A_851 = vector.bitcast %get3A_850 : vector<32xbf16> to vector<16xi32>
        %shift_left3A_852 = arith.constant 16 : i32
        %shift_left3A_853 = vector.broadcast %shift_left3A_852 : i32 to vector<16xi32>
        %shift_left3A_854 = arith.shli %bitcast3A_851, %shift_left3A_853 : vector<16xi32>
        %bitcast3A_855 = vector.bitcast %shift_left3A_854 : vector<16xi32> to vector<16xf32>
        %and3A_856 = arith.constant -65536 : i32
        %and3A_857 = vector.broadcast %and3A_856 : i32 to vector<16xi32>
        %and3A_858 = arith.andi %bitcast3A_851, %and3A_857 : vector<16xi32>
        %bitcast3A_859 = vector.bitcast %and3A_858 : vector<16xi32> to vector<16xf32>
        %mul3A_860 = arith.mulf %bitcast3A_855, %broadcast_in_dim3A_821 : vector<16xf32>
        %swap3A_861 = arith.index_cast %add3A_825 : i32 to index
        %swap3A_862 = arith.constant 32 : index
        %swap3A_863 = tpu.vector_load %arg11[%swap3A_861, %swap3A_862] {strides = array<i32>} : memref<80x64xf32, #tpu.memory_space<vmem>>, vector<16xf32>,
        tpu.vector_store %arg11[%swap3A_861, %swap3A_862], %mul3A_860 {strides = array<i32>} : memref<80x64xf32, #tpu.memory_space<vmem>>, vector<16xf32>,
        %mul3A_864 = arith.mulf %bitcast3A_859, %broadcast_in_dim3A_821 : vector<16xf32>
        %swap3A_865 = arith.index_cast %add3A_825 : i32 to index
        %swap3A_866 = arith.constant 48 : index
        %swap3A_867 = tpu.vector_load %arg11[%swap3A_865, %swap3A_866] {strides = array<i32>} : memref<80x64xf32, #tpu.memory_space<vmem>>, vector<16xf32>,
        tpu.vector_store %arg11[%swap3A_865, %swap3A_866], %mul3A_864 {strides = array<i32>} : memref<80x64xf32, #tpu.memory_space<vmem>>, vector<16xf32>,
        %scan3A_868 = arith.constant 0 : i32
        scf.yield %scan3A_868 : i32
      }
      %scan3A_81 = arith.constant 5 : i32
      "tpu.region"() ({
        %run_scoped3A = tpu.sem_alloc : memref<!tpu.dma_semaphore, #tpu.memory_space<semaphore_mem>>
        %dma_start3A_83 = arith.constant 0 : i32
        %dma_start3A_84 = tpu.memref_slice %arg8[%scan3A_52, %dma_start3A_83] : memref<250x80xi32, #tpu.memory_space<vmem>> -> memref<1x80xi32, #tpu.memory_space<vmem>>
        %dma_start3A_85 = tpu.memref_squeeze %dma_start3A_84 : memref<1x80xi32, #tpu.memory_space<vmem>> -> memref<80xi32, #tpu.memory_space<vmem>>
        %dma_start3A_86 = arith.constant 0 : i32
        %dma_start3A_87 = arith.constant 0 : i32
        %dma_start3A_88 = tpu.memref_slice %arg13[%dma_start3A_86, %dma_start3A_87] : memref<10240x64xf32, #tpu.memory_space<vmem_shared>> -> memref<10240x64xf32, #tpu.memory_space<vmem_shared>>
        tpu.enqueue_indirect_dma source(%arg11 : memref<80x64xf32, #tpu.memory_space<vmem>>) target(%dma_start3A_88 : memref<10240x64xf32, #tpu.memory_space<vmem_shared>>) offsets(%dma_start3A_85 : memref<80xi32, #tpu.memory_space<vmem>>) semaphore(%run_scoped3A : memref<!tpu.dma_semaphore, #tpu.memory_space<semaphore_mem>>) {add = true}
        %dma_wait3A_89 = arith.constant 0 : i32
        %dma_wait3A_90 = tpu.memref_slice %arg8[%scan3A_52, %dma_wait3A_89] : memref<250x80xi32, #tpu.memory_space<vmem>> -> memref<1x80xi32, #tpu.memory_space<vmem>>
        %dma_wait3A_91 = tpu.memref_squeeze %dma_wait3A_90 : memref<1x80xi32, #tpu.memory_space<vmem>> -> memref<80xi32, #tpu.memory_space<vmem>>
        %dma_wait3A_92 = arith.constant 0 : i32
        %dma_wait3A_93 = arith.constant 0 : i32
        %dma_wait3A_94 = tpu.memref_slice %arg13[%dma_wait3A_92, %dma_wait3A_93] : memref<10240x64xf32, #tpu.memory_space<vmem_shared>> -> memref<10240x64xf32, #tpu.memory_space<vmem_shared>>
        tpu.wait_indirect_dma semaphore(%run_scoped3A : memref<!tpu.dma_semaphore, #tpu.memory_space<semaphore_mem>>) src(%arg11 : memref<80x64xf32, #tpu.memory_space<vmem>>) dst(%dma_wait3A_94 : memref<10240x64xf32, #tpu.memory_space<vmem_shared>>)
        tpu.yield
      }) : () -> ()
      %scan3A_82 = arith.constant 0 : i32
      scf.yield %scan3A_82 : i32
    }
    %scan3A_40 = arith.constant 250 : i32
    %barrier3A_41 = arith.constant 0 : index
    tpu.barrier barrier_id(%barrier3A_41)
    %add3A_42 = arith.constant 0 : i32
    %add3A_43 = arith.addi %mul3A_6, %add3A_42 : i32
    "tpu.region"() ({
      %run_scoped3A = tpu.sem_alloc : memref<!tpu.dma_semaphore, #tpu.memory_space<semaphore_mem>>
      %dma_start3A_52 = arith.constant 0 : i32
      %dma_start3A_53 = tpu.memref_slice %arg6[%arg0, %add3A_43, %dma_start3A_52] : memref<2x10240x64xf32, #tpu.memory_space<hbm>> -> memref<1x128x64xf32, #tpu.memory_space<hbm>>
      %dma_start3A_54 = tpu.memref_squeeze %dma_start3A_53 : memref<1x128x64xf32, #tpu.memory_space<hbm>> -> memref<128x64xf32, #tpu.memory_space<hbm>>
      %dma_start3A_55 = arith.constant 0 : i32
      %dma_start3A_56 = tpu.memref_slice %arg13[%add3A_43, %dma_start3A_55] : memref<10240x64xf32, #tpu.memory_space<vmem_shared>> -> memref<128x64xf32, #tpu.memory_space<vmem_shared>>
      tpu.enqueue_dma source(%dma_start3A_56 : memref<128x64xf32, #tpu.memory_space<vmem_shared>>) target(%dma_start3A_54 : memref<128x64xf32, #tpu.memory_space<hbm>>) target_semaphore(%run_scoped3A : memref<!tpu.dma_semaphore, #tpu.memory_space<semaphore_mem>>)
      %dma_wait3A = arith.constant 0 : i32
      %dma_wait3A_57 = tpu.memref_slice %arg6[%arg0, %add3A_43, %dma_wait3A] : memref<2x10240x64xf32, #tpu.memory_space<hbm>> -> memref<1x128x64xf32, #tpu.memory_space<hbm>>
      %dma_wait3A_58 = tpu.memref_squeeze %dma_wait3A_57 : memref<1x128x64xf32, #tpu.memory_space<hbm>> -> memref<128x64xf32, #tpu.memory_space<hbm>>
      %dma_wait3A_59 = arith.constant 0 : i32
      %dma_wait3A_60 = tpu.memref_slice %arg13[%add3A_43, %dma_wait3A_59] : memref<10240x64xf32, #tpu.memory_space<vmem_shared>> -> memref<128x64xf32, #tpu.memory_space<vmem_shared>>
      tpu.wait_dma2 semaphore(%run_scoped3A : memref<!tpu.dma_semaphore, #tpu.memory_space<semaphore_mem>>) src(%dma_wait3A_60 : memref<128x64xf32, #tpu.memory_space<vmem_shared>>) dst(%dma_wait3A_58 : memref<128x64xf32, #tpu.memory_space<hbm>>)
      tpu.yield
    }) : () -> ()
    %add3A_44 = arith.constant 128 : i32
    %add3A_45 = arith.addi %mul3A_6, %add3A_44 : i32
    "tpu.region"() ({
      %run_scoped3A = tpu.sem_alloc : memref<!tpu.dma_semaphore, #tpu.memory_space<semaphore_mem>>
      %dma_start3A_52 = arith.constant 0 : i32
      %dma_start3A_53 = tpu.memref_slice %arg6[%arg0, %add3A_45, %dma_start3A_52] : memref<2x10240x64xf32, #tpu.memory_space<hbm>> -> memref<1x128x64xf32, #tpu.memory_space<hbm>>
      %dma_start3A_54 = tpu.memref_squeeze %dma_start3A_53 : memref<1x128x64xf32, #tpu.memory_space<hbm>> -> memref<128x64xf32, #tpu.memory_space<hbm>>
      %dma_start3A_55 = arith.constant 0 : i32
      %dma_start3A_56 = tpu.memref_slice %arg13[%add3A_45, %dma_start3A_55] : memref<10240x64xf32, #tpu.memory_space<vmem_shared>> -> memref<128x64xf32, #tpu.memory_space<vmem_shared>>
      tpu.enqueue_dma source(%dma_start3A_56 : memref<128x64xf32, #tpu.memory_space<vmem_shared>>) target(%dma_start3A_54 : memref<128x64xf32, #tpu.memory_space<hbm>>) target_semaphore(%run_scoped3A : memref<!tpu.dma_semaphore, #tpu.memory_space<semaphore_mem>>)
      %dma_wait3A = arith.constant 0 : i32
      %dma_wait3A_57 = tpu.memref_slice %arg6[%arg0, %add3A_45, %dma_wait3A] : memref<2x10240x64xf32, #tpu.memory_space<hbm>> -> memref<1x128x64xf32, #tpu.memory_space<hbm>>
      %dma_wait3A_58 = tpu.memref_squeeze %dma_wait3A_57 : memref<1x128x64xf32, #tpu.memory_space<hbm>> -> memref<128x64xf32, #tpu.memory_space<hbm>>
      %dma_wait3A_59 = arith.constant 0 : i32
      %dma_wait3A_60 = tpu.memref_slice %arg13[%add3A_45, %dma_wait3A_59] : memref<10240x64xf32, #tpu.memory_space<vmem_shared>> -> memref<128x64xf32, #tpu.memory_space<vmem_shared>>
      tpu.wait_dma2 semaphore(%run_scoped3A : memref<!tpu.dma_semaphore, #tpu.memory_space<semaphore_mem>>) src(%dma_wait3A_60 : memref<128x64xf32, #tpu.memory_space<vmem_shared>>) dst(%dma_wait3A_58 : memref<128x64xf32, #tpu.memory_space<hbm>>)
      tpu.yield
    }) : () -> ()
    %add3A_46 = arith.constant 256 : i32
    %add3A_47 = arith.addi %mul3A_6, %add3A_46 : i32
    "tpu.region"() ({
      %run_scoped3A = tpu.sem_alloc : memref<!tpu.dma_semaphore, #tpu.memory_space<semaphore_mem>>
      %dma_start3A_52 = arith.constant 0 : i32
      %dma_start3A_53 = tpu.memref_slice %arg6[%arg0, %add3A_47, %dma_start3A_52] : memref<2x10240x64xf32, #tpu.memory_space<hbm>> -> memref<1x128x64xf32, #tpu.memory_space<hbm>>
      %dma_start3A_54 = tpu.memref_squeeze %dma_start3A_53 : memref<1x128x64xf32, #tpu.memory_space<hbm>> -> memref<128x64xf32, #tpu.memory_space<hbm>>
      %dma_start3A_55 = arith.constant 0 : i32
      %dma_start3A_56 = tpu.memref_slice %arg13[%add3A_47, %dma_start3A_55] : memref<10240x64xf32, #tpu.memory_space<vmem_shared>> -> memref<128x64xf32, #tpu.memory_space<vmem_shared>>
      tpu.enqueue_dma source(%dma_start3A_56 : memref<128x64xf32, #tpu.memory_space<vmem_shared>>) target(%dma_start3A_54 : memref<128x64xf32, #tpu.memory_space<hbm>>) target_semaphore(%run_scoped3A : memref<!tpu.dma_semaphore, #tpu.memory_space<semaphore_mem>>)
      %dma_wait3A = arith.constant 0 : i32
      %dma_wait3A_57 = tpu.memref_slice %arg6[%arg0, %add3A_47, %dma_wait3A] : memref<2x10240x64xf32, #tpu.memory_space<hbm>> -> memref<1x128x64xf32, #tpu.memory_space<hbm>>
      %dma_wait3A_58 = tpu.memref_squeeze %dma_wait3A_57 : memref<1x128x64xf32, #tpu.memory_space<hbm>> -> memref<128x64xf32, #tpu.memory_space<hbm>>
      %dma_wait3A_59 = arith.constant 0 : i32
      %dma_wait3A_60 = tpu.memref_slice %arg13[%add3A_47, %dma_wait3A_59] : memref<10240x64xf32, #tpu.memory_space<vmem_shared>> -> memref<128x64xf32, #tpu.memory_space<vmem_shared>>
      tpu.wait_dma2 semaphore(%run_scoped3A : memref<!tpu.dma_semaphore, #tpu.memory_space<semaphore_mem>>) src(%dma_wait3A_60 : memref<128x64xf32, #tpu.memory_space<vmem_shared>>) dst(%dma_wait3A_58 : memref<128x64xf32, #tpu.memory_space<hbm>>)
      tpu.yield
    }) : () -> ()
    %add3A_48 = arith.constant 384 : i32
    %add3A_49 = arith.addi %mul3A_6, %add3A_48 : i32
    "tpu.region"() ({
      %run_scoped3A = tpu.sem_alloc : memref<!tpu.dma_semaphore, #tpu.memory_space<semaphore_mem>>
      %dma_start3A_52 = arith.constant 0 : i32
      %dma_start3A_53 = tpu.memref_slice %arg6[%arg0, %add3A_49, %dma_start3A_52] : memref<2x10240x64xf32, #tpu.memory_space<hbm>> -> memref<1x128x64xf32, #tpu.memory_space<hbm>>
      %dma_start3A_54 = tpu.memref_squeeze %dma_start3A_53 : memref<1x128x64xf32, #tpu.memory_space<hbm>> -> memref<128x64xf32, #tpu.memory_space<hbm>>
      %dma_start3A_55 = arith.constant 0 : i32
      %dma_start3A_56 = tpu.memref_slice %arg13[%add3A_49, %dma_start3A_55] : memref<10240x64xf32, #tpu.memory_space<vmem_shared>> -> memref<128x64xf32, #tpu.memory_space<vmem_shared>>
      tpu.enqueue_dma source(%dma_start3A_56 : memref<128x64xf32, #tpu.memory_space<vmem_shared>>) target(%dma_start3A_54 : memref<128x64xf32, #tpu.memory_space<hbm>>) target_semaphore(%run_scoped3A : memref<!tpu.dma_semaphore, #tpu.memory_space<semaphore_mem>>)
      %dma_wait3A = arith.constant 0 : i32
      %dma_wait3A_57 = tpu.memref_slice %arg6[%arg0, %add3A_49, %dma_wait3A] : memref<2x10240x64xf32, #tpu.memory_space<hbm>> -> memref<1x128x64xf32, #tpu.memory_space<hbm>>
      %dma_wait3A_58 = tpu.memref_squeeze %dma_wait3A_57 : memref<1x128x64xf32, #tpu.memory_space<hbm>> -> memref<128x64xf32, #tpu.memory_space<hbm>>
      %dma_wait3A_59 = arith.constant 0 : i32
      %dma_wait3A_60 = tpu.memref_slice %arg13[%add3A_49, %dma_wait3A_59] : memref<10240x64xf32, #tpu.memory_space<vmem_shared>> -> memref<128x64xf32, #tpu.memory_space<vmem_shared>>
      tpu.wait_dma2 semaphore(%run_scoped3A : memref<!tpu.dma_semaphore, #tpu.memory_space<semaphore_mem>>) src(%dma_wait3A_60 : memref<128x64xf32, #tpu.memory_space<vmem_shared>>) dst(%dma_wait3A_58 : memref<128x64xf32, #tpu.memory_space<hbm>>)
      tpu.yield
    }) : () -> ()
    %add3A_50 = arith.constant 512 : i32
    %add3A_51 = arith.addi %mul3A_6, %add3A_50 : i32
    "tpu.region"() ({
      %run_scoped3A = tpu.sem_alloc : memref<!tpu.dma_semaphore, #tpu.memory_space<semaphore_mem>>
      %dma_start3A_52 = arith.constant 0 : i32
      %dma_start3A_53 = tpu.memref_slice %arg6[%arg0, %add3A_51, %dma_start3A_52] : memref<2x10240x64xf32, #tpu.memory_space<hbm>> -> memref<1x128x64xf32, #tpu.memory_space<hbm>>
      %dma_start3A_54 = tpu.memref_squeeze %dma_start3A_53 : memref<1x128x64xf32, #tpu.memory_space<hbm>> -> memref<128x64xf32, #tpu.memory_space<hbm>>
      %dma_start3A_55 = arith.constant 0 : i32
      %dma_start3A_56 = tpu.memref_slice %arg13[%add3A_51, %dma_start3A_55] : memref<10240x64xf32, #tpu.memory_space<vmem_shared>> -> memref<128x64xf32, #tpu.memory_space<vmem_shared>>
      tpu.enqueue_dma source(%dma_start3A_56 : memref<128x64xf32, #tpu.memory_space<vmem_shared>>) target(%dma_start3A_54 : memref<128x64xf32, #tpu.memory_space<hbm>>) target_semaphore(%run_scoped3A : memref<!tpu.dma_semaphore, #tpu.memory_space<semaphore_mem>>)
      %dma_wait3A = arith.constant 0 : i32
      %dma_wait3A_57 = tpu.memref_slice %arg6[%arg0, %add3A_51, %dma_wait3A] : memref<2x10240x64xf32, #tpu.memory_space<hbm>> -> memref<1x128x64xf32, #tpu.memory_space<hbm>>
      %dma_wait3A_58 = tpu.memref_squeeze %dma_wait3A_57 : memref<1x128x64xf32, #tpu.memory_space<hbm>> -> memref<128x64xf32, #tpu.memory_space<hbm>>
      %dma_wait3A_59 = arith.constant 0 : i32
      %dma_wait3A_60 = tpu.memref_slice %arg13[%add3A_51, %dma_wait3A_59] : memref<10240x64xf32, #tpu.memory_space<vmem_shared>> -> memref<128x64xf32, #tpu.memory_space<vmem_shared>>
      tpu.wait_dma2 semaphore(%run_scoped3A : memref<!tpu.dma_semaphore, #tpu.memory_space<semaphore_mem>>) src(%dma_wait3A_60 : memref<128x64xf32, #tpu.memory_space<vmem_shared>>) dst(%dma_wait3A_58 : memref<128x64xf32, #tpu.memory_space<hbm>>)
      tpu.yield
    }) : () -> ()
    return
  }
}

module attributes {stable_mosaic.version = 14 : i64} {
  func.func @_mm1_body(%arg0: i32, %arg1: memref<1000x128xf32, #tpu.memory_space<vmem>>, %arg2: memref<1000x1xf32, #tpu.memory_space<vmem>>, %arg3: memref<128x128xf32, #tpu.memory_space<vmem>>, %arg4: memref<2x1000x64xbf16, #tpu.memory_space<vmem>>) attributes {dimension_semantics = [#tpu.dimension_semantics<arbitrary>], iteration_bounds = array<i64: 10>, scalar_prefetch = 0 : i64, scratch_operands = 0 : i64, tpu.core_type = #tpu.core_type<tc>, window_params = [{transform_indices = @transform_0, window_bounds = array<i64: 1000, 128>}, {transform_indices = @transform_1, window_bounds = array<i64: 1000, 1>}, {pipeline_mode = #tpu.pipeline_mode<synchronous>, transform_indices = @transform_2, window_bounds = array<i64: 128, 128>}, {transform_indices = @transform_3, window_bounds = array<i64: 2, 1000, 64>}]} {
    %get3A = arith.constant 0 : index
    %get3A_0 = arith.constant 0 : index
    %get3A_1 = vector.load %arg1[%get3A, %get3A_0] : memref<1000x128xf32, #tpu.memory_space<vmem>>, vector<1000x128xf32>
    %get3A_2 = arith.constant 0 : index
    %get3A_3 = arith.constant 0 : index
    %get3A_4 = vector.load %arg2[%get3A_2, %get3A_3] : memref<1000x1xf32, #tpu.memory_space<vmem>>, vector<1000x1xf32>
    %mul3A = vector.broadcast %get3A_4 : vector<1000x1xf32> to vector<1000x128xf32>
    %mul3A_5 = arith.mulf %get3A_1, %mul3A : vector<1000x128xf32>
    %get3A_6 = arith.constant 0 : index
    %get3A_7 = arith.constant 0 : index
    %get3A_8 = vector.load %arg3[%get3A_6, %get3A_7] : memref<128x128xf32, #tpu.memory_space<vmem>>, vector<128x128xf32>
    %dot_general3A = arith.constant dense<0.000000e+00> : vector<1000x128xf32>
    %dot_general3A_9 = tpu.matmul %mul3A_5, %get3A_8, %dot_general3A {dimension_numbers = #tpu.dot_dimension_numbers<[1], [0], [0], [1], [0, 0, 1, 1], [], []>, transpose_lhs_hint = false} : vector<1000x128xf32>, vector<128x128xf32>, vector<1000x128xf32> -> vector<1000x128xf32>
    %convert_element_type3A = arith.truncf %dot_general3A_9 : vector<1000x128xf32> to vector<1000x128xbf16>
    %slice3A = vector.extract_strided_slice %convert_element_type3A {offsets = [0, 0], sizes = [1000, 64], strides = [1, 1]} : vector<1000x128xbf16> to vector<1000x64xbf16>
    %swap3A = arith.constant 0 : index
    %swap3A_10 = arith.constant 0 : index
    %swap3A_11 = arith.constant 0 : index
    %swap3A_12 = vector.load %arg4[%swap3A, %swap3A_10, %swap3A_11] : memref<2x1000x64xbf16, #tpu.memory_space<vmem>>, vector<1x1000x64xbf16>
    %swap3A_13 = vector.shape_cast %swap3A_12 : vector<1x1000x64xbf16> to vector<1000x64xbf16>
    %swap3A_14 = vector.shape_cast %slice3A : vector<1000x64xbf16> to vector<1x1000x64xbf16>
    tpu.vector_store %arg4[%swap3A, %swap3A_10, %swap3A_11], %swap3A_14 {strides = array<i32>} : memref<2x1000x64xbf16, #tpu.memory_space<vmem>>, vector<1x1000x64xbf16>,
    %slice3A_15 = vector.extract_strided_slice %convert_element_type3A {offsets = [0, 64], sizes = [1000, 64], strides = [1, 1]} : vector<1000x128xbf16> to vector<1000x64xbf16>
    %swap3A_16 = arith.constant 1 : index
    %swap3A_17 = arith.constant 0 : index
    %swap3A_18 = arith.constant 0 : index
    %swap3A_19 = vector.load %arg4[%swap3A_16, %swap3A_17, %swap3A_18] : memref<2x1000x64xbf16, #tpu.memory_space<vmem>>, vector<1x1000x64xbf16>
    %swap3A_20 = vector.shape_cast %swap3A_19 : vector<1x1000x64xbf16> to vector<1000x64xbf16>
    %swap3A_21 = vector.shape_cast %slice3A_15 : vector<1000x64xbf16> to vector<1x1000x64xbf16>
    tpu.vector_store %arg4[%swap3A_16, %swap3A_17, %swap3A_18], %swap3A_21 {strides = array<i32>} : memref<2x1000x64xbf16, #tpu.memory_space<vmem>>, vector<1x1000x64xbf16>,
    return
  }
  func.func @transform_0(%arg0: i32) -> (i32, i32) {
    %c0_i32 = arith.constant 0 : i32
    %c0_i32_0 = arith.constant 0 : i32
    return %arg0, %c0_i32 : i32, i32
  }
  func.func @transform_1(%arg0: i32) -> (i32, i32) {
    %c0_i32 = arith.constant 0 : i32
    %c0_i32_0 = arith.constant 0 : i32
    return %arg0, %c0_i32 : i32, i32
  }
  func.func @transform_2(%arg0: i32) -> (i32, i32) {
    %c0_i32 = arith.constant 0 : i32
    %c0_i32_0 = arith.constant 0 : i32
    %c0_i32_1 = arith.constant 0 : i32
    return %c0_i32, %c0_i32_0 : i32, i32
  }
  func.func @transform_3(%arg0: i32) -> (i32, i32, i32) {
    %c0_i32 = arith.constant 0 : i32
    %c0_i32_0 = arith.constant 0 : i32
    %c0_i32_1 = arith.constant 0 : i32
    return %c0_i32, %arg0, %c0_i32_0 : i32, i32, i32
  }
}

module attributes {stable_mosaic.version = 14 : i64} {
  func.func @_mm2_body(%arg0: i32, %arg1: memref<2x1000x64xf32, #tpu.memory_space<vmem>>, %arg2: memref<1000x1xf32, #tpu.memory_space<vmem>>, %arg3: memref<1000x1xf32, #tpu.memory_space<vmem>>, %arg4: memref<128x128xf32, #tpu.memory_space<vmem>>, %arg5: memref<2x1000x64xbf16, #tpu.memory_space<vmem>>) attributes {dimension_semantics = [#tpu.dimension_semantics<arbitrary>], iteration_bounds = array<i64: 10>, scalar_prefetch = 0 : i64, scratch_operands = 0 : i64, tpu.core_type = #tpu.core_type<tc>, window_params = [{transform_indices = @transform_0, window_bounds = array<i64: 2, 1000, 64>}, {transform_indices = @transform_1, window_bounds = array<i64: 1000, 1>}, {transform_indices = @transform_2, window_bounds = array<i64: 1000, 1>}, {pipeline_mode = #tpu.pipeline_mode<synchronous>, transform_indices = @transform_3, window_bounds = array<i64: 128, 128>}, {transform_indices = @transform_4, window_bounds = array<i64: 2, 1000, 64>}]} {
    %get3A = arith.constant 0 : index
    %get3A_0 = arith.constant 0 : index
    %get3A_1 = arith.constant 0 : index
    %get3A_2 = vector.load %arg1[%get3A, %get3A_0, %get3A_1] : memref<2x1000x64xf32, #tpu.memory_space<vmem>>, vector<1x1000x64xf32>
    %get3A_3 = vector.shape_cast %get3A_2 : vector<1x1000x64xf32> to vector<1000x64xf32>
    %get3A_4 = arith.constant 1 : index
    %get3A_5 = arith.constant 0 : index
    %get3A_6 = arith.constant 0 : index
    %get3A_7 = vector.load %arg1[%get3A_4, %get3A_5, %get3A_6] : memref<2x1000x64xf32, #tpu.memory_space<vmem>>, vector<1x1000x64xf32>
    %get3A_8 = vector.shape_cast %get3A_7 : vector<1x1000x64xf32> to vector<1000x64xf32>
    %concatenate3A = tpu.concatenate %get3A_3, %get3A_8 in 1 : vector<1000x64xf32>, vector<1000x64xf32> -> vector<1000x128xf32>
    %get3A_9 = arith.constant 0 : index
    %get3A_10 = arith.constant 0 : index
    %get3A_11 = vector.load %arg3[%get3A_9, %get3A_10] : memref<1000x1xf32, #tpu.memory_space<vmem>>, vector<1000x1xf32>
    %mul3A = vector.broadcast %get3A_11 : vector<1000x1xf32> to vector<1000x128xf32>
    %mul3A_12 = arith.mulf %concatenate3A, %mul3A : vector<1000x128xf32>
    %gt3A = arith.constant 0.000000e+00 : f32
    %gt3A_13 = vector.broadcast %gt3A : f32 to vector<1000x128xf32>
    %gt3A_14 = arith.cmpf ogt, %mul3A_12, %gt3A_13 : vector<1000x128xf32>
    %mul3A_15 = arith.constant 0.00999999977 : f32
    %mul3A_16 = vector.broadcast %mul3A_15 : f32 to vector<1000x128xf32>
    %mul3A_17 = arith.mulf %mul3A_16, %mul3A_12 : vector<1000x128xf32>
    %select_n3A = arith.select %gt3A_14, %mul3A_12, %mul3A_17 : vector<1000x128xi1>, vector<1000x128xf32>
    %get3A_18 = arith.constant 0 : index
    %get3A_19 = arith.constant 0 : index
    %get3A_20 = vector.load %arg2[%get3A_18, %get3A_19] : memref<1000x1xf32, #tpu.memory_space<vmem>>, vector<1000x1xf32>
    %mul3A_21 = vector.broadcast %get3A_20 : vector<1000x1xf32> to vector<1000x128xf32>
    %mul3A_22 = arith.mulf %select_n3A, %mul3A_21 : vector<1000x128xf32>
    %get3A_23 = arith.constant 0 : index
    %get3A_24 = arith.constant 0 : index
    %get3A_25 = vector.load %arg4[%get3A_23, %get3A_24] : memref<128x128xf32, #tpu.memory_space<vmem>>, vector<128x128xf32>
    %dot_general3A = arith.constant dense<0.000000e+00> : vector<1000x128xf32>
    %dot_general3A_26 = tpu.matmul %mul3A_22, %get3A_25, %dot_general3A {dimension_numbers = #tpu.dot_dimension_numbers<[1], [0], [0], [1], [0, 0, 1, 1], [], []>, transpose_lhs_hint = false} : vector<1000x128xf32>, vector<128x128xf32>, vector<1000x128xf32> -> vector<1000x128xf32>
    %convert_element_type3A = arith.truncf %dot_general3A_26 : vector<1000x128xf32> to vector<1000x128xbf16>
    %slice3A = vector.extract_strided_slice %convert_element_type3A {offsets = [0, 0], sizes = [1000, 64], strides = [1, 1]} : vector<1000x128xbf16> to vector<1000x64xbf16>
    %swap3A = arith.constant 0 : index
    %swap3A_27 = arith.constant 0 : index
    %swap3A_28 = arith.constant 0 : index
    %swap3A_29 = vector.load %arg5[%swap3A, %swap3A_27, %swap3A_28] : memref<2x1000x64xbf16, #tpu.memory_space<vmem>>, vector<1x1000x64xbf16>
    %swap3A_30 = vector.shape_cast %swap3A_29 : vector<1x1000x64xbf16> to vector<1000x64xbf16>
    %swap3A_31 = vector.shape_cast %slice3A : vector<1000x64xbf16> to vector<1x1000x64xbf16>
    tpu.vector_store %arg5[%swap3A, %swap3A_27, %swap3A_28], %swap3A_31 {strides = array<i32>} : memref<2x1000x64xbf16, #tpu.memory_space<vmem>>, vector<1x1000x64xbf16>,
    %slice3A_32 = vector.extract_strided_slice %convert_element_type3A {offsets = [0, 64], sizes = [1000, 64], strides = [1, 1]} : vector<1000x128xbf16> to vector<1000x64xbf16>
    %swap3A_33 = arith.constant 1 : index
    %swap3A_34 = arith.constant 0 : index
    %swap3A_35 = arith.constant 0 : index
    %swap3A_36 = vector.load %arg5[%swap3A_33, %swap3A_34, %swap3A_35] : memref<2x1000x64xbf16, #tpu.memory_space<vmem>>, vector<1x1000x64xbf16>
    %swap3A_37 = vector.shape_cast %swap3A_36 : vector<1x1000x64xbf16> to vector<1000x64xbf16>
    %swap3A_38 = vector.shape_cast %slice3A_32 : vector<1000x64xbf16> to vector<1x1000x64xbf16>
    tpu.vector_store %arg5[%swap3A_33, %swap3A_34, %swap3A_35], %swap3A_38 {strides = array<i32>} : memref<2x1000x64xbf16, #tpu.memory_space<vmem>>, vector<1x1000x64xbf16>,
    return
  }
  func.func @transform_0(%arg0: i32) -> (i32, i32, i32) {
    %c0_i32 = arith.constant 0 : i32
    %c0_i32_0 = arith.constant 0 : i32
    %c0_i32_1 = arith.constant 0 : i32
    return %c0_i32, %arg0, %c0_i32_0 : i32, i32, i32
  }
  func.func @transform_1(%arg0: i32) -> (i32, i32) {
    %c0_i32 = arith.constant 0 : i32
    %c0_i32_0 = arith.constant 0 : i32
    return %arg0, %c0_i32 : i32, i32
  }
  func.func @transform_2(%arg0: i32) -> (i32, i32) {
    %c0_i32 = arith.constant 0 : i32
    %c0_i32_0 = arith.constant 0 : i32
    return %arg0, %c0_i32 : i32, i32
  }
  func.func @transform_3(%arg0: i32) -> (i32, i32) {
    %c0_i32 = arith.constant 0 : i32
    %c0_i32_0 = arith.constant 0 : i32
    %c0_i32_1 = arith.constant 0 : i32
    return %c0_i32, %c0_i32_0 : i32, i32
  }
  func.func @transform_4(%arg0: i32) -> (i32, i32, i32) {
    %c0_i32 = arith.constant 0 : i32
    %c0_i32_0 = arith.constant 0 : i32
    %c0_i32_1 = arith.constant 0 : i32
    return %c0_i32, %arg0, %c0_i32_0 : i32, i32, i32
  }
}

module attributes {stable_mosaic.version = 14 : i64} {
  func.func @_fin_body(%arg0: i32, %arg1: memref<2x1000x64xf32, #tpu.memory_space<vmem>>, %arg2: memref<1000x1xf32, #tpu.memory_space<vmem>>, %arg3: memref<1x128xf32, #tpu.memory_space<vmem>>) attributes {dimension_semantics = [#tpu.dimension_semantics<arbitrary>], iteration_bounds = array<i64: 10>, scalar_prefetch = 0 : i64, scratch_operands = 0 : i64, tpu.core_type = #tpu.core_type<tc>, window_params = [{transform_indices = @transform_0, window_bounds = array<i64: 2, 1000, 64>}, {transform_indices = @transform_1, window_bounds = array<i64: 1000, 1>}, {pipeline_mode = #tpu.pipeline_mode<synchronous>, transform_indices = @transform_2, window_bounds = array<i64: 1, 128>}]} {
    %get3A = arith.constant 0 : index
    %get3A_0 = arith.constant 0 : index
    %get3A_1 = arith.constant 0 : index
    %get3A_2 = vector.load %arg1[%get3A, %get3A_0, %get3A_1] : memref<2x1000x64xf32, #tpu.memory_space<vmem>>, vector<1x1000x64xf32>
    %get3A_3 = vector.shape_cast %get3A_2 : vector<1x1000x64xf32> to vector<1000x64xf32>
    %get3A_4 = arith.constant 1 : index
    %get3A_5 = arith.constant 0 : index
    %get3A_6 = arith.constant 0 : index
    %get3A_7 = vector.load %arg1[%get3A_4, %get3A_5, %get3A_6] : memref<2x1000x64xf32, #tpu.memory_space<vmem>>, vector<1x1000x64xf32>
    %get3A_8 = vector.shape_cast %get3A_7 : vector<1x1000x64xf32> to vector<1000x64xf32>
    %concatenate3A = tpu.concatenate %get3A_3, %get3A_8 in 1 : vector<1000x64xf32>, vector<1000x64xf32> -> vector<1000x128xf32>
    %get3A_9 = arith.constant 0 : index
    %get3A_10 = arith.constant 0 : index
    %get3A_11 = vector.load %arg2[%get3A_9, %get3A_10] : memref<1000x1xf32, #tpu.memory_space<vmem>>, vector<1000x1xf32>
    %mul3A = vector.broadcast %get3A_11 : vector<1000x1xf32> to vector<1000x128xf32>
    %mul3A_12 = arith.mulf %concatenate3A, %mul3A : vector<1000x128xf32>
    %gt3A = arith.constant 0.000000e+00 : f32
    %gt3A_13 = vector.broadcast %gt3A : f32 to vector<1000x128xf32>
    %gt3A_14 = arith.cmpf ogt, %mul3A_12, %gt3A_13 : vector<1000x128xf32>
    %mul3A_15 = arith.constant 0.00999999977 : f32
    %mul3A_16 = vector.broadcast %mul3A_15 : f32 to vector<1000x128xf32>
    %mul3A_17 = arith.mulf %mul3A_16, %mul3A_12 : vector<1000x128xf32>
    %select_n3A = arith.select %gt3A_14, %mul3A_12, %mul3A_17 : vector<1000x128xi1>, vector<1000x128xf32>
    %reduce_sum3A = arith.constant dense<0.000000e+00> : vector<128xf32>
    %reduce_sum3A_18 = vector.multi_reduction <add>, %select_n3A, %reduce_sum3A [0] : vector<1000x128xf32> to vector<128xf32>
    %broadcast_in_dim3A = vector.shape_cast %reduce_sum3A_18 : vector<128xf32> to vector<1x128xf32>
    %mul3A_19 = arith.constant 9.99999974E-5 : f32
    %mul3A_20 = vector.broadcast %mul3A_19 : f32 to vector<1x128xf32>
    %mul3A_21 = arith.mulf %broadcast_in_dim3A, %mul3A_20 : vector<1x128xf32>
    %eq3A = arith.constant 0 : i32
    %eq3A_22 = arith.cmpi eq, %arg0, %eq3A : i32
    %convert_element_type3A = arith.extui %eq3A_22 : i1 to i32
    %cond3A = arith.constant 0 : i32
    %cond3A_23 = arith.cmpi ne, %convert_element_type3A, %cond3A : i32
    scf.if %cond3A_23 {
      %broadcast_in_dim3A_29 = arith.constant 0.000000e+00 : f32
      %broadcast_in_dim3A_30 = vector.broadcast %broadcast_in_dim3A_29 : f32 to vector<1x128xf32>
      %swap3A_31 = arith.constant 0 : index
      %swap3A_32 = arith.constant 0 : index
      %swap3A_33 = vector.load %arg3[%swap3A_31, %swap3A_32] : memref<1x128xf32, #tpu.memory_space<vmem>>, vector<1x128xf32>
      tpu.vector_store %arg3[%swap3A_31, %swap3A_32], %broadcast_in_dim3A_30 {strides = array<i32>} : memref<1x128xf32, #tpu.memory_space<vmem>>, vector<1x128xf32>,
    } else {
    }
    %get3A_24 = arith.constant 0 : index
    %get3A_25 = arith.constant 0 : index
    %get3A_26 = vector.load %arg3[%get3A_24, %get3A_25] : memref<1x128xf32, #tpu.memory_space<vmem>>, vector<1x128xf32>
    %add3A = arith.addf %get3A_26, %mul3A_21 : vector<1x128xf32>
    %swap3A = arith.constant 0 : index
    %swap3A_27 = arith.constant 0 : index
    %swap3A_28 = vector.load %arg3[%swap3A, %swap3A_27] : memref<1x128xf32, #tpu.memory_space<vmem>>, vector<1x128xf32>
    tpu.vector_store %arg3[%swap3A, %swap3A_27], %add3A {strides = array<i32>} : memref<1x128xf32, #tpu.memory_space<vmem>>, vector<1x128xf32>,
    return
  }
  func.func @transform_0(%arg0: i32) -> (i32, i32, i32) {
    %c0_i32 = arith.constant 0 : i32
    %c0_i32_0 = arith.constant 0 : i32
    %c0_i32_1 = arith.constant 0 : i32
    return %c0_i32, %arg0, %c0_i32_0 : i32, i32, i32
  }
  func.func @transform_1(%arg0: i32) -> (i32, i32) {
    %c0_i32 = arith.constant 0 : i32
    %c0_i32_0 = arith.constant 0 : i32
    return %arg0, %c0_i32 : i32, i32
  }
  func.func @transform_2(%arg0: i32) -> (i32, i32) {
    %c0_i32 = arith.constant 0 : i32
    %c0_i32_0 = arith.constant 0 : i32
    %c0_i32_1 = arith.constant 0 : i32
    return %c0_i32, %c0_i32_0 : i32, i32
  }
}

</mosaic_0001>

<sc_bundles>
// kernel: kernel.11.cloned.1.call-start
scs
__scs_entry_jumppad:
0x0: {  	(pc) =	sbr.rel $0x88, $3  }
0x1: {  	(tag) =	ssettag $0x0;
	lr =	simm.s32 $0x1  }
0x2: {  	[smem:$0x3F9C] =	sst lr;
	_ =	strace $0xD0000000  }
0x3: {  	_ = 	snop  }
0x4: {  	_ = 	snop  }
0x5: {  	_ = 	snop  }
0x6: {  	_ = 	snop  }
0x7: {  	_ = 	snop  }
__scs_overlays_trampoline_lowered:
0x8: {  	[smem:$0x3FAB] =	sst s0  }
0x9: {  	[smem:$0x3FAC] =	sst s1  }
0xa: {  	[smem:$0x3FAD] =	sst s2  }
0xb: {  	[smem:$0x3FAE] =	sst s3  }
0xc: {  	[smem:$0x3FAF] =	sst s4  }
0xd: {  	[smem:$0x3FB0] =	sst s5  }
0xe: {  	[smem:$0x3FB1] =	sst s6  }
0xf: {  	[smem:$0x3FB2] =	sst s7  }
0x10: {  	[smem:$0x3FB3] =	sst s8  }
0x11: {  	[smem:$0x3FB4] =	sst s9;
	s0 =	simm.s32 @!p0 $0x0  }
0x12: {  	s1 =	sld [smem:$0x3F9A];
	s0 =	simm.s32 @p0 $0x1  }
0x13: {  	[smem:$0x3FB5] =	sst s0;
	s0 =	simm.s32 @!p1 $0x0  }
0x14: {  	s2 =	sld [smem:$0x3F99];
	s0 =	simm.s32 @p1 $0x1  }
0x15: {  	[smem:$0x3FB6] =	sst s0;
	s0 =	simm.s32 @!p2 $0x0  }
0x16: {  	s3 =	sld [smem:$0x3FDB];
	s0 =	simm.s32 @p2 $0x1  }
0x17: {  	s4 =	simm.s32 $0x1BF5;
	[smem:$0x3FB8] =	sst s0  }
0x18: {  	s0 =	sld [smem:$0x3F9B];
	_ =	swait.ge [sflag:s4], $0x0  }
0x19: {  	s7 =	sld [smem:$0x3F9C]  }
0x1a: {  	s8 =	sadd.s32 $0xFFFFE003, lr  }
0x1b: {  	s9 =	sadd.s32 $0xFFFFFEF7, lr;
	s5 =	simm.s32 $0xFFFFFFFF;
	p2 =	slt.u32 s8, $0xFFFFF086  }
0x1c: {  	p1 =	slt.u32 s9, $0xF7A;
	s5 =	simm.s32 @!p2 $0x0  }
0x1d: {  	s5 =	simm.s32 @p1 $0x1;
	p0 =	seq.s32 s7, s2  }
0x1e: {  	s7 =	smul.u32 @!p0 $0xF7A, s2;
	p2 =	seq.s32 @!p0 s5, $0x0  }
0x1f: {  	s9 =	smul.u32 $0xF7A, s1;
	s8 =	simm.s32 @!p0 $0x1BF5;
	p2 =	por !p2, p0  }
0x20: {  	[sflag:s8] =	ssyncset.s32 @!p0 $0xFFFFF086;
	s6 =	sadd.s32 @!p0 s3, s7;
	s7 =	simm.s32 @!p0 $0x108  }
0x21: {  	s3 =	sadd.s32 s3, s9;
	s6 =	sadd.s32 @!p0 $0x88, s6;
	s7 =	simm.s32 @p2 $0x1082  }
0x22: {  	[simem:s7], [sflag:s8] =	dma.local @!p0 [hbm:s6], $0xF7A  }
0x23: {  	s9 =	sor.u32 $0xD0000000, s2;
	s6 =	simm.s32 $0x108;
	_ =	swait.ge @!p0 [sflag:s8], $0x0  }
0x24: {  	s3 =	sadd.s32 $0x88, s3;
	s6 =	simm.s32 @!p1 $0x1082;
	[sflag:s4] =	ssyncset.s32 $0xFFFFF086  }
0x25: {  	[simem:s6], [sflag:s4] =	dma.local [hbm:s3], $0xF7A  }
0x26: {  	[smem:$0x3F9C] =	sst s1;
	(tag) =	ssettag s2;
	_ =	strace s9  }
0x27: {  	s1 =	sld [smem:$0x3FAC]  }
0x28: {  	s2 =	sld [smem:$0x3FAD]  }
0x29: {  	s4 =	sld [smem:$0x3FAF]  }
0x2a: {  	p0 =	seq.s32 s5, $0x0;
	s5 =	sld [smem:$0x3FB0]  }
0x2b: {  	s6 =	sld [smem:$0x3FB1]  }
0x2c: {  	s7 =	sld [smem:$0x3FB2]  }
0x2d: {  	s3 =	simm.s32 $0x108;
	s8 =	sld [smem:$0x3FB3]  }
0x2e: {  	s3 =	simm.s32 @!p0 $0x1082;
	s9 =	sld [smem:$0x3FB4]  }
0x2f: {  	lr =	sadd.s32 s0, s3;
	s0 =	sld [smem:$0x3FAB]  }
0x30: {  	s3 =	sld [smem:$0x3FAE]  }
0x31: {  	[smem:$0x3FB7] =	sst s10  }
0x32: {  	s10 =	sld [smem:$0x3FB5];
	_ =	sdelay $0x3  }
0x33: {  	p0 =	seq.s32 s10, $0x1;
	s10 =	sld [smem:$0x3FB7];
	_ =	sdelay $0x3  }
0x34: {  	[smem:$0x3FB7] =	sst s10  }
0x35: {  	s10 =	sld [smem:$0x3FB6];
	_ =	sdelay $0x3  }
0x36: {  	p1 =	seq.s32 s10, $0x1;
	s10 =	sld [smem:$0x3FB7];
	_ =	sdelay $0x3  }
0x37: {  	[smem:$0x3FB7] =	sst s10  }
0x38: {  	s10 =	sld [smem:$0x3FB8]  }
0x39: {  	_ = 	snop;
	(pc) =	sbr.ind lr, $3  }
0x3a: {  	_ = 	snop  }
0x3b: {  	_ = 	snop  }
0x3c: {  	p2 =	seq.s32 s10, $0x1;
	s10 =	sld [smem:$0x3FB7]  }
0x3d: {  	_ =	shalt  }
0x3e: {  	_ =	shalt  }
0x3f: {  	_ =	shalt  }
0x40: {  	_ =	shalt  }
0x41: {  	_ =	shalt  }
0x42: {  	_ =	shalt  }
0x43: {  	_ =	shalt  }
0x44: {  	_ =	shalt  }
0x45: {  	_ =	shalt  }
0x46: {  	_ =	shalt  }
0x47: {  	_ =	shalt  }
0x48: {  	_ =	shalt  }
0x49: {  	_ =	shalt  }
0x4a: {  	_ =	shalt  }
0x4b: {  	_ =	shalt  }
0x4c: {  	_ =	shalt  }
0x4d: {  	_ =	shalt  }
0x4e: {  	_ =	shalt  }
0x4f: {  	_ =	shalt  }
0x50: {  	_ =	shalt  }
0x51: {  	_ =	shalt  }
0x52: {  	_ =	shalt  }
0x53: {  	_ =	shalt  }
0x54: {  	_ =	shalt  }
0x55: {  	_ =	shalt  }
0x56: {  	_ =	shalt  }
0x57: {  	_ =	shalt  }
0x58: {  	_ =	shalt  }
0x59: {  	_ =	shalt  }
0x5a: {  	_ =	shalt  }
0x5b: {  	_ =	shalt  }
0x5c: {  	_ =	shalt  }
0x5d: {  	_ =	shalt  }
0x5e: {  	_ =	shalt  }
0x5f: {  	_ =	shalt  }
0x60: {  	_ =	shalt  }
0x61: {  	_ =	shalt  }
0x62: {  	_ =	shalt  }
0x63: {  	_ =	shalt  }
0x64: {  	_ =	shalt  }
0x65: {  	_ =	shalt  }
0x66: {  	_ =	shalt  }
0x67: {  	_ =	shalt  }
0x68: {  	_ =	shalt  }
0x69: {  	_ =	shalt  }
0x6a: {  	_ =	shalt  }
0x6b: {  	_ =	shalt  }
0x6c: {  	_ =	shalt  }
0x6d: {  	_ =	shalt  }
0x6e: {  	_ =	shalt  }
0x6f: {  	_ =	shalt  }
0x70: {  	_ =	shalt  }
0x71: {  	_ =	shalt  }
0x72: {  	_ =	shalt  }
0x73: {  	_ =	shalt  }
0x74: {  	_ =	shalt  }
0x75: {  	_ =	shalt  }
0x76: {  	_ =	shalt  }
0x77: {  	_ =	shalt  }
0x78: {  	_ =	shalt  }
0x79: {  	_ =	shalt  }
0x7a: {  	_ =	shalt  }
0x7b: {  	_ =	shalt  }
0x7c: {  	_ =	shalt  }
0x7d: {  	_ =	shalt  }
0x7e: {  	_ =	shalt  }
0x7f: {  	_ =	shalt  }
0x80: {  	_ =	shalt  }
0x81: {  	_ =	shalt  }
0x82: {  	_ =	shalt  }
0x83: {  	_ =	shalt  }
0x84: {  	_ =	shalt  }
0x85: {  	_ =	shalt  }
0x86: {  	_ =	shalt  }
0x87: {  	_ =	shalt  }
.Lfunc_end0:
.L_simem_size_0:
called_computation.1_lowered:
.L_overlay_start_0:
0x88: {  	s2 =	sld [smem:$0x3FD9]  }
0x89: {  	s3 =	sld [smem:$0x3FFE];
	_ =	sdelay $0x1  }
0x8a: {  	s1 =	srdreg.scid  }
0x8b: {  	s0 =	sand.u32 $0x1, s1  }
0x8c: {  	s17 =	sshll.u32 s0, $0xA;
	s2 =	sadd.s32 s3, s2  }
0x8d: {  	s2 =	sadd.s32 s2, s17  }
0x8e: {  	[smem:$0x3FC3] =	sst s2  }
0x8f: {  	_ = 	snop  }
0x90: {  	s2 =	sld [smem:$0x3FC7];
	(tm) =	ssettm $0x1  }
0x91: {  	s18 =	sld [smem:$0x3FFB];
	_ =	sdelay $0x3  }
0x92: {  	_ =	strace s18  }
0x93: {  	s3 =	sld [smem:$0x3FFC];
	_ =	sdelay $0x3  }
0x94: {  	_ =	strace s3  }
0x95: {  	s3 =	sld [smem:$0x3FFD];
	_ =	sdelay $0x3  }
0x96: {  	_ =	strace s3  }
0x97: {  	_ =	strace $0x8FFFFFFF  }
0x98: {  	s19 =	sld [smem:$0x3FDB];
	_ =	sdelay $0x1  }
0x99: {  	s4 =	simm.s32 $_scs_section_size  }
0x9a: {  	s5 =	simm.s32 $_size__tile_overlayer_lowered;
	s6 =	simm.s32 $_tile_overlayer_lowered  }
0x9b: {  	s22 =	simm.s32 $0x1BFF;
	s21 =	sshll.u32 s6, $0x1;
	s3 =	sadd.s32 s4, s19  }
0x9c: {  	s7 =	simm.s32 $0x0;
	s20 =	sshll.u32 s5, $0x1;
	s5 =	sadd.s32 s21, s3  }
0x9d: {  	[timem:s7], [sflag:s22] =	dma.local [hbm:s5], s20  }
0x9e: {  	_ =	swait.ge [sflag:s22], s20  }
0x9f: {  	s4 =	ssub.s32 $0x0, s20;
	[sflag:s22] =	ssyncset.done $0x0  }
0xa0: {  	[sflag:s22] =	ssyncadd.s32 s4;
	_ =	sdelay $0x1  }
0xa1: {  	s23 =	simm.s32 $0x1B8B  }
0xa2: {  	_ =	swait.ge [sflag:s23], $0x1  }
0xa3: {  	[sflag:s23] =	ssyncset.done $0x0  }
0xa4: {  	s25 =	simm.s32 $0x1B8E;
	s24 =	sld [smem:$0x3FFE];
	[sflag:s23] =	ssyncadd.s32 $0xFFFFFFFF  }
0xa5: {  	s26 =	simm.s32 $execute0_lowered;
	[smem:$0x3FD2] =	sst s25  }
0xa6: {  	s5 =	sshll.u32 s26, $0x1;
	_ =	strace $0x80000049;
	[dreg:$0x1] =	wrdreg $0xFFFFFFFF  }
0xa7: {  	s28 =	simm.s32 $_size_execute0_lowered;
	s3 =	sadd.s32 s3, s5;
	[dreg:$0x0] =	wrdreg $0x0  }
0xa8: {  	s5 =	sshll.u32 s28, $0x1;
	[dreg:$0x2] =	wrdreg s3  }
0xa9: {  	[dreg:$0x3] =	wrdreg s5  }
0xaa: {  	[dreg:$0x4] =	wrdreg $0xC0  }
0xab: {  	_ =	task [dreg:s7], $0x5FFFF  }
0xac: {  	[dreg:$0x1] =	wrdreg $0xFFFFFFFF  }
0xad: {  	[dreg:$0x0] =	wrdreg $0x60  }
0xae: {  	[dreg:$0x2] =	wrdreg s24  }
0xaf: {  	[dreg:$0x3] =	wrdreg s2  }
0xb0: {  	[dreg:$0x4] =	wrdreg $0x132600  }
0xb1: {  	[dreg:$0x5] =	wrdreg $0x9  }
0xb2: {  	_ =	task.clear_ibuf [dreg:s7], $0x6FFFF;
	_ =	strace $0x90000049  }
0xb3: {  	s29 =	simm.s32 $0x9;
	_ =	strace $0x8000004B  }
0xb4: {  	_ =	swait.ge [sflag:s29], $0x1  }
0xb5: {  	[sflag:s29] =	ssyncadd.s32 $0xFFFFFFFF  }
0xb6: {  	_ =	strace $0x9000004B  }
0xb7: {  	_ =	sfence  }
0xb8: {  	s30 =	sld [smem:$0x0];
	_ =	sdelay $0x2  }
0xb9: {  	s31 =	sshll.u32 s1, $0xD;
	s1 =	sshrl.u32 s1, $0x2  }
0xba: {  	s3 =	sand.u32 $0x4000, s31;
	s1 =	sadd.s32 s1, s30  }
0xbb: {  	s0 =	sor.u32 s3, s0;
	s1 =	sshll.u32 s1, $0x11  }
0xbc: {  	s0 =	sor.u32 s1, s0  }
0xbd: {  	s0 =	sadd.s32 $0x8F2B, s0  }
0xbe: {  	[sflag:s0] =	ssyncadd.remote.s32 $0x1  }
0xbf: {  	_ =	sfence.sel $0xFFFF  }
0xc0: {  	[dreg:$0x0] =	wrdreg $0xFFFFFFFF;
	(pc) =	sbr.abs _section_cstart, $3  }
0xc1: {  	[dreg:$0x1] =	wrdreg $0xFFFFFFFF  }
0xc2: {  	_ =	task.clear_ibuf [dreg:s7], $0x2FFFF;
	_ =	strace $0x9FFFFFFF  }
0xc3: {  	(tm) =	ssettm $0x7FFFFFFF  }
tec
execute0_lowered:
.L_overlay_start_1:
0x0: {  	(tag) =	ssettag $0x1  }
0x1: {  	s0 =	rddreg [dreg:$0x0]  }
0x2: {  	s1 =	rddreg [dreg:$0x1]  }
0x3: {  	s2 =	rddreg [dreg:$0x2];
	s9 =	stileid.u32  }
0x4: {  	s4 =	srdreg.scid;
	s3 =	simm.s32 $0x0;
	s21 =	simm.s32 $0x9C40  }
0x5: {  	s22 =	simm.s32 $0x11260;
	s23 =	simm.s32 $0x50;
	s6 =	smul.u32 $0x9C4, s9  }
0x6: {  	s8 =	sand.u32 $0x1, s4;
	[smem:$0x7FF] =	sst s3;
	s11 =	smul.u32 $0xA000, s9  }
0x7: {  	s24 =	simm.s32 $0xEA60;
	s4 =	smul.u32 $0x9C40, s8;
	_ =	strace $0x8000004A  }
0x8: {  	s25 =	ssub.s32 $0x2, s8;
	s17 =	smul.u32 $0xA0000, s8;
	s5 =	sadd.s32 s6, s0  }
0x9: {  	s7 =	sshrl.u32 s25, $0x1;
	s6 =	sadd.s32 s1, s6;
	s26 =	sadd.s32 $0x2000, s11  }
0xa: {  	s15 =	sadd.s32 $0x4000, s11;
	s16 =	sadd.s32 $0x6000, s11;
	s19 =	sadd.s32 $0x8000, s11  }
0xb: {  	s12 =	sadd.s32 s4, s0;
	s0 =	sadd.s32 $0x3C200, s0;
	s18 =	ssub.s32 s25, s7  }
0xc: {  	s4 =	sadd.s32 $0xAA00, s5;
	s5 =	sadd.s32 $0xC00, s5;
	s7 =	sadd.s32 s11, s2  }
0xd: {  	s8 =	sadd.s32 s26, s2;
	s9 =	sadd.s32 s15, s2;
	s10 =	sadd.s32 s16, s2  }
0xe: {  	s13 =	sadd.s32 s11, s17;
	s1 =	sadd.s32 s17, s26;
	s11 =	sadd.s32 s19, s2  }
0xf: {  	s28 =	sadd.s32 s17, s15;
	s29 =	sadd.s32 s17, s16;
	s30 =	sadd.s32 s17, s19  }
0x10: {  	s25 =	simm.s32 $0xFE60;
	s26 =	simm.s32 $0x0;
	s13 =	sshrl.u32 s13, $0x3  }
0x11: {  	s1 =	sshrl.u32 s1, $0x3;
	s12 =	sadd.s32 $0x28800, s12;
	s31 =	sshrl.u32 s29, $0x3  }
0x12: {  	s19 =	sshrl.u32 s30, $0x3;
	s18 =	smax.u32 s18, $0x1;
	s13 =	sadd.s32 s0, s13  }
0x13: {  	s14 =	sadd.s32 s0, s1;
	s1 =	sshrl.u32 s28, $0x3;
	s16 =	sadd.s32 s0, s31  }
0x14: {  	v0 =	vimm.f32 $0.0e+00;
	s17 =	sadd.s32 s0, s19;
	s19 =	simm.s32 $0x3;
	s15 =	sadd.s32 s0, s1  }
.LBB2_1:
0x15: {  	[tilespmem:s3], [sflag:$0x3] =	stream.linear.gather [hbm4b:s4+s3], $0x4E20, $0x38;
	[tilespmem:$0x1D260] =	vst v63  }
0x16: {  	_ =	swait.ge [sflag:s19], $0x4E20  }
0x17: {  	[sflag:s19] =	ssyncset.done $0x0  }
0x18: {  	s0 =	simm.s32 $0x4E20;
	[sflag:s19] =	ssyncadd.s32 $0xFFFFB1E0  }
0x19: {  	[tilespmem:s0], [sflag:$0x3] =	stream.linear.gather [hbm4b:s5+s3], $0x4E20, $0x38;
	[tilespmem:$0x1D260] =	vst v63  }
0x1a: {  	_ =	swait.ge [sflag:s19], $0x4E20  }
0x1b: {  	[sflag:s19] =	ssyncset.done $0x0  }
0x1c: {  	[sflag:s19] =	ssyncadd.s32 $0xFFFFB1E0  }
0x1d: {  	[tilespmem:s21], [sflag:$0x3] =	stream.linear.gather [hbm4b:s6+s3], $0x4E20, $0x38;
	[tilespmem:$0x1D260] =	vst v63  }
0x1e: {  	_ =	swait.ge [sflag:s19], $0x4E20  }
0x1f: {  	[sflag:s19] =	ssyncset.done $0x0  }
0x20: {  	s1 =	simm.s32 $0x100;
	s0 =	simm.s32 $0x0;
	[sflag:s19] =	ssyncadd.s32 $0xFFFFB1E0  }
.LBB2_2:
0x21: {  	p0 =	sne.s32 s1, $0x7F00;
	[tilespmem:s0+$0x11290] =	vst v0;
	s28 =	smov.u32 s1;
	s1 =	sadd.s32 $0x100, s1  }
.Ltmp0:
0x22: {  	[tilespmem:s0+$0x11280] =	vst v0;
	(pc) =	sbr.rel @p0 .LBB2_2-.Ltmp0, $3  }
0x23: {  	[tilespmem:s0+$0x11260] =	vst v0  }
0x24: {  	[tilespmem:s0+$0x11270] =	vst v0;
	_ =	sdelay $0x1  }
0x25: {  	s0 =	sshra.s32 s28, $0x2  }
0x26: {  	[tilespmem:s0+$0x11290] =	vst v0  }
0x27: {  	[tilespmem:s0+$0x11280] =	vst v0  }
0x28: {  	[tilespmem:s0+$0x11260] =	vst v0  }
0x29: {  	[tilespmem:s0+$0x11270] =	vst v0  }
0x2a: {  	[spmem:s7] =	stream.linear.scatter [tilespmem:s22], [sflag:$0x3], $0x2000, $0x38;
	[tilespmem:$0x1D260] =	vst v63  }
0x2b: {  	_ =	swait.ge [sflag:s19], $0x2000  }
0x2c: {  	[sflag:s19] =	ssyncset.done $0x0  }
0x2d: {  	[sflag:s19] =	ssyncadd.s32 $0xFFFFE000  }
0x2e: {  	[spmem:s8] =	stream.linear.scatter [tilespmem:s22], [sflag:$0x3], $0x2000, $0x38;
	[tilespmem:$0x1D260] =	vst v63  }
0x2f: {  	_ =	swait.ge [sflag:s19], $0x2000  }
0x30: {  	[sflag:s19] =	ssyncset.done $0x0  }
0x31: {  	[sflag:s19] =	ssyncadd.s32 $0xFFFFE000  }
0x32: {  	[spmem:s9] =	stream.linear.scatter [tilespmem:s22], [sflag:$0x3], $0x2000, $0x38;
	[tilespmem:$0x1D260] =	vst v63  }
0x33: {  	_ =	swait.ge [sflag:s19], $0x2000  }
0x34: {  	[sflag:s19] =	ssyncset.done $0x0  }
0x35: {  	[sflag:s19] =	ssyncadd.s32 $0xFFFFE000  }
0x36: {  	[spmem:s10] =	stream.linear.scatter [tilespmem:s22], [sflag:$0x3], $0x2000, $0x38;
	[tilespmem:$0x1D260] =	vst v63  }
0x37: {  	_ =	swait.ge [sflag:s19], $0x2000  }
0x38: {  	[sflag:s19] =	ssyncset.done $0x0  }
0x39: {  	[sflag:s19] =	ssyncadd.s32 $0xFFFFE000  }
0x3a: {  	[spmem:s11] =	stream.linear.scatter [tilespmem:s22], [sflag:$0x3], $0x2000, $0x38;
	[tilespmem:$0x1D260] =	vst v63  }
0x3b: {  	_ =	swait.ge [sflag:s19], $0x2000  }
0x3c: {  	[sflag:s19] =	ssyncset.done $0x0  }
0x3d: {  	s28 =	simm.s32 $0x0;
	[sflag:s19] =	ssyncadd.s32 $0xFFFFE000  }
0x3e: {  	s29 =	simm.s32 $0x9C40;
	p0 =	por $0x0, $0x0;
	[bflag:$0x0] =	sbarrier.arrive $0xFFFF  }
0x3f: {  	[tilespmem:s24], [sflag:$0x1] =	stream.indirect.gather [hbm4b:s12+s23], $0x20, s28, s23, $0xb8;
	[tilespmem:$0x1D260] =	vst v63  }
.LBB2_4:
0x40: {  	s1 =	simm.s32 $0x1  }
0x41: {  	p1 =	seq.s32 s28, $0xF9;
	s1 =	simm.s32 @!p0 $0x0  }
0x42: {  	s30 =	sand.u32 $0x1, s28;
	s0 =	sadd.s32 @!p1 $0x1, s28;
	s1 =	smul.u32 $0x2800, s1  }
0x43: {  	s30 =	sadd.s32 $0x1, s30;
	s31 =	sand.u32 @!p1 $0x1, s0;
	s0 =	smul.u32 @!p1 $0x140, s0  }
0x44: {  	_ =	swait.ge [sflag:s30], $0xA00;
	s20 =	smul.u32 @!p1 $0x2800, s31  }
0x45: {  	[sflag:s30] =	ssyncset.done $0x0;
	s1 =	sshrl.u32 s1, $0x2  }
0x46: {  	[sflag:s30] =	ssyncadd.s32 $0xFFFFF600;
	s0 =	sshra.s32 @!p1 s0, $0x2;
	s20 =	sshrl.u32 @!p1 s20, $0x2  }
0x47: {  	v1 =	vmov s29;
	s30 =	sadd.s32 @!p1 $0x1, s31;
	s31 =	simm.s32 @!p1 $0x50;
	s20 =	sadd.s32 @!p1 $0xEA60, s20  }
0x48: {  	[tilespmem:s20], [sflag:s30] =	stream.indirect.gather @!p1 [hbm4b:s12+s31], $0x20, s0, s31, $0xb8;
	[tilespmem:$0x1D260] =	vst v63  }
0x49: {  	s31 =	sadd.s32 $0xEB60, s1  }
0x4a: {  	s30 =	smul.u32 $0x140, s28;
	s0 =	simm.s32 $0x10060;
	s1 =	simm.s32 $0x0  }
.LBB2_5:
0x4b: {  	s20 =	sshra.s32 s1, $0x2  }
0x4c: {  	v2 =	vld.idx.msk [tilespmem:v1+s20+$0x0 ss:$0x1], $0xffff  }
0x4d: {  	v3 =	vld [tilespmem:s31+$0xFFFFFF00];
	_ =	sdelay $0x3  }
0x4e: {  	v4 =	vbroadcast v2, $0x0  }
0x4f: {  	v5 =	vshll.u32 v3, $0x10  }
0x50: {  	v3 =	vand.u32 $0xFFFF0000, v3;
	v5 =	vmul.f32 v5, v4  }
0x51: {  	v3 =	vmul.f32 v3, v4  }
0x52: {  	[tilespmem:s0+$0xFFFFFE00] =	vst v5  }
0x53: {  	[tilespmem:s0+$0xFFFFFE10] =	vst v3  }
0x54: {  	v3 =	vld [tilespmem:s31+$0xFFFFFF10];
	_ =	sdelay $0x4  }
0x55: {  	v19 =	vshll.u32 v3, $0x10  }
0x56: {  	v3 =	vand.u32 $0xFFFF0000, v3;
	v5 =	vmul.f32 v19, v4  }
0x57: {  	v3 =	vmul.f32 v3, v4  }
0x58: {  	[tilespmem:s0+$0xFFFFFE20] =	vst v5  }
0x59: {  	[tilespmem:s0+$0xFFFFFE30] =	vst v3  }
0x5a: {  	v3 =	vld [tilespmem:s31+$0xFFFFFF20];
	_ =	sdelay $0x3  }
0x5b: {  	v20 =	vbroadcast v2, $0x1  }
0x5c: {  	v21 =	vshll.u32 v3, $0x10  }
0x5d: {  	v3 =	vand.u32 $0xFFFF0000, v3;
	v5 =	vmul.f32 v21, v20  }
0x5e: {  	v3 =	vmul.f32 v3, v20  }
0x5f: {  	[tilespmem:s0+$0xFFFFFE40] =	vst v5  }
0x60: {  	[tilespmem:s0+$0xFFFFFE50] =	vst v3  }
0x61: {  	v3 =	vld [tilespmem:s31+$0xFFFFFF30];
	_ =	sdelay $0x4  }
0x62: {  	v22 =	vshll.u32 v3, $0x10  }
0x63: {  	v3 =	vand.u32 $0xFFFF0000, v3;
	v5 =	vmul.f32 v22, v20  }
0x64: {  	v3 =	vmul.f32 v3, v20  }
0x65: {  	[tilespmem:s0+$0xFFFFFE60] =	vst v5  }
0x66: {  	[tilespmem:s0+$0xFFFFFE70] =	vst v3  }
0x67: {  	v3 =	vld [tilespmem:s31+$0xFFFFFF40];
	_ =	sdelay $0x3  }
0x68: {  	v23 =	vbroadcast v2, $0x2  }
0x69: {  	v24 =	vshll.u32 v3, $0x10  }
0x6a: {  	v3 =	vand.u32 $0xFFFF0000, v3;
	v5 =	vmul.f32 v24, v23  }
0x6b: {  	v3 =	vmul.f32 v3, v23  }
0x6c: {  	[tilespmem:s0+$0xFFFFFE80] =	vst v5  }
0x6d: {  	[tilespmem:s0+$0xFFFFFE90] =	vst v3  }
0x6e: {  	v3 =	vld [tilespmem:s31+$0xFFFFFF50];
	_ =	sdelay $0x4  }
0x6f: {  	v25 =	vshll.u32 v3, $0x10  }
0x70: {  	v3 =	vand.u32 $0xFFFF0000, v3;
	v5 =	vmul.f32 v25, v23  }
0x71: {  	v3 =	vmul.f32 v3, v23  }
0x72: {  	[tilespmem:s0+$0xFFFFFEA0] =	vst v5  }
0x73: {  	[tilespmem:s0+$0xFFFFFEB0] =	vst v3  }
0x74: {  	v3 =	vld [tilespmem:s31+$0xFFFFFF60];
	_ =	sdelay $0x3  }
0x75: {  	v26 =	vbroadcast v2, $0x3  }
0x76: {  	v27 =	vshll.u32 v3, $0x10  }
0x77: {  	v3 =	vand.u32 $0xFFFF0000, v3;
	v5 =	vmul.f32 v27, v26  }
0x78: {  	v3 =	vmul.f32 v3, v26  }
0x79: {  	[tilespmem:s0+$0xFFFFFEC0] =	vst v5  }
0x7a: {  	[tilespmem:s0+$0xFFFFFED0] =	vst v3  }
0x7b: {  	v3 =	vld [tilespmem:s31+$0xFFFFFF70];
	_ =	sdelay $0x4  }
0x7c: {  	v28 =	vshll.u32 v3, $0x10  }
0x7d: {  	v3 =	vand.u32 $0xFFFF0000, v3;
	v5 =	vmul.f32 v28, v26  }
0x7e: {  	v3 =	vmul.f32 v3, v26  }
0x7f: {  	[tilespmem:s0+$0xFFFFFEE0] =	vst v5  }
0x80: {  	[tilespmem:s0+$0xFFFFFEF0] =	vst v3  }
0x81: {  	v3 =	vld [tilespmem:s31+$0xFFFFFF80];
	_ =	sdelay $0x3  }
0x82: {  	v29 =	vbroadcast v2, $0x4  }
0x83: {  	v30 =	vshll.u32 v3, $0x10  }
0x84: {  	v3 =	vand.u32 $0xFFFF0000, v3;
	v5 =	vmul.f32 v30, v29  }
0x85: {  	v3 =	vmul.f32 v3, v29  }
0x86: {  	[tilespmem:s0+$0xFFFFFF00] =	vst v5  }
0x87: {  	[tilespmem:s0+$0xFFFFFF10] =	vst v3  }
0x88: {  	v3 =	vld [tilespmem:s31+$0xFFFFFF90];
	_ =	sdelay $0x4  }
0x89: {  	v31 =	vshll.u32 v3, $0x10  }
0x8a: {  	v3 =	vand.u32 $0xFFFF0000, v3;
	v5 =	vmul.f32 v31, v29  }
0x8b: {  	v3 =	vmul.f32 v3, v29  }
0x8c: {  	[tilespmem:s0+$0xFFFFFF20] =	vst v5  }
0x8d: {  	[tilespmem:s0+$0xFFFFFF30] =	vst v3  }
0x8e: {  	v3 =	vld [tilespmem:s31+$0xFFFFFFA0];
	_ =	sdelay $0x3  }
0x8f: {  	v32 =	vbroadcast v2, $0x5  }
0x90: {  	v33 =	vshll.u32 v3, $0x10  }
0x91: {  	v3 =	vand.u32 $0xFFFF0000, v3;
	v5 =	vmul.f32 v33, v32  }
0x92: {  	v3 =	vmul.f32 v3, v32  }
0x93: {  	[tilespmem:s0+$0xFFFFFF40] =	vst v5  }
0x94: {  	[tilespmem:s0+$0xFFFFFF50] =	vst v3  }
0x95: {  	v3 =	vld [tilespmem:s31+$0xFFFFFFB0];
	_ =	sdelay $0x4  }
0x96: {  	v34 =	vshll.u32 v3, $0x10  }
0x97: {  	v3 =	vand.u32 $0xFFFF0000, v3;
	v5 =	vmul.f32 v34, v32  }
0x98: {  	v3 =	vmul.f32 v3, v32  }
0x99: {  	[tilespmem:s0+$0xFFFFFF60] =	vst v5  }
0x9a: {  	[tilespmem:s0+$0xFFFFFF70] =	vst v3  }
0x9b: {  	v3 =	vld [tilespmem:s31+$0xFFFFFFC0];
	_ =	sdelay $0x3  }
0x9c: {  	v35 =	vbroadcast v2, $0x6  }
0x9d: {  	v36 =	vshll.u32 v3, $0x10  }
0x9e: {  	v3 =	vand.u32 $0xFFFF0000, v3;
	v5 =	vmul.f32 v36, v35  }
0x9f: {  	v3 =	vmul.f32 v3, v35  }
0xa0: {  	[tilespmem:s0+$0xFFFFFF80] =	vst v5  }
0xa1: {  	[tilespmem:s0+$0xFFFFFF90] =	vst v3  }
0xa2: {  	v3 =	vld [tilespmem:s31+$0xFFFFFFD0];
	_ =	sdelay $0x4  }
0xa3: {  	v37 =	vshll.u32 v3, $0x10  }
0xa4: {  	v3 =	vand.u32 $0xFFFF0000, v3;
	v5 =	vmul.f32 v37, v35  }
0xa5: {  	v3 =	vmul.f32 v3, v35  }
0xa6: {  	[tilespmem:s0+$0xFFFFFFA0] =	vst v5  }
0xa7: {  	[tilespmem:s0+$0xFFFFFFB0] =	vst v3  }
0xa8: {  	v3 =	vld [tilespmem:s31+$0xFFFFFFE0];
	_ =	sdelay $0x3  }
0xa9: {  	v38 =	vbroadcast v2, $0x7  }
0xaa: {  	v39 =	vshll.u32 v3, $0x10  }
0xab: {  	v3 =	vand.u32 $0xFFFF0000, v3;
	v5 =	vmul.f32 v39, v38  }
0xac: {  	v3 =	vmul.f32 v3, v38  }
0xad: {  	[tilespmem:s0+$0xFFFFFFC0] =	vst v5  }
0xae: {  	[tilespmem:s0+$0xFFFFFFD0] =	vst v3  }
0xaf: {  	v3 =	vld [tilespmem:s31+$0xFFFFFFF0];
	_ =	sdelay $0x4  }
0xb0: {  	v40 =	vshll.u32 v3, $0x10  }
0xb1: {  	v3 =	vand.u32 $0xFFFF0000, v3;
	v5 =	vmul.f32 v40, v38  }
0xb2: {  	v3 =	vmul.f32 v3, v38  }
0xb3: {  	[tilespmem:s0+$0xFFFFFFE0] =	vst v5  }
0xb4: {  	[tilespmem:s0+$0xFFFFFFF0] =	vst v3  }
0xb5: {  	v3 =	vld [tilespmem:s31+$0x0];
	_ =	sdelay $0x3  }
0xb6: {  	v41 =	vbroadcast v2, $0x8  }
0xb7: {  	v42 =	vshll.u32 v3, $0x10  }
0xb8: {  	v3 =	vand.u32 $0xFFFF0000, v3;
	v5 =	vmul.f32 v42, v41  }
0xb9: {  	v3 =	vmul.f32 v3, v41  }
0xba: {  	[tilespmem:s0+$0x0] =	vst v5  }
0xbb: {  	[tilespmem:s0+$0x10] =	vst v3  }
0xbc: {  	v3 =	vld [tilespmem:s31+$0x10];
	_ =	sdelay $0x4  }
0xbd: {  	v43 =	vshll.u32 v3, $0x10  }
0xbe: {  	v3 =	vand.u32 $0xFFFF0000, v3;
	v5 =	vmul.f32 v43, v41  }
0xbf: {  	v3 =	vmul.f32 v3, v41  }
0xc0: {  	[tilespmem:s0+$0x20] =	vst v5  }
0xc1: {  	[tilespmem:s0+$0x30] =	vst v3  }
0xc2: {  	v3 =	vld [tilespmem:s31+$0x20];
	_ =	sdelay $0x3  }
0xc3: {  	v44 =	vbroadcast v2, $0x9  }
0xc4: {  	v45 =	vshll.u32 v3, $0x10  }
0xc5: {  	v3 =	vand.u32 $0xFFFF0000, v3;
	v5 =	vmul.f32 v45, v44  }
0xc6: {  	v3 =	vmul.f32 v3, v44  }
0xc7: {  	[tilespmem:s0+$0x40] =	vst v5  }
0xc8: {  	[tilespmem:s0+$0x50] =	vst v3  }
0xc9: {  	v3 =	vld [tilespmem:s31+$0x30];
	_ =	sdelay $0x4  }
0xca: {  	v46 =	vshll.u32 v3, $0x10  }
0xcb: {  	v3 =	vand.u32 $0xFFFF0000, v3;
	v5 =	vmul.f32 v46, v44  }
0xcc: {  	v3 =	vmul.f32 v3, v44  }
0xcd: {  	[tilespmem:s0+$0x60] =	vst v5  }
0xce: {  	[tilespmem:s0+$0x70] =	vst v3  }
0xcf: {  	v3 =	vld [tilespmem:s31+$0x40];
	_ =	sdelay $0x3  }
0xd0: {  	v47 =	vbroadcast v2, $0xA  }
0xd1: {  	v48 =	vshll.u32 v3, $0x10  }
0xd2: {  	v3 =	vand.u32 $0xFFFF0000, v3;
	v5 =	vmul.f32 v48, v47  }
0xd3: {  	v3 =	vmul.f32 v3, v47  }
0xd4: {  	[tilespmem:s0+$0x80] =	vst v5  }
0xd5: {  	[tilespmem:s0+$0x90] =	vst v3  }
0xd6: {  	v3 =	vld [tilespmem:s31+$0x50];
	_ =	sdelay $0x4  }
0xd7: {  	v49 =	vshll.u32 v3, $0x10  }
0xd8: {  	v3 =	vand.u32 $0xFFFF0000, v3;
	v5 =	vmul.f32 v49, v47  }
0xd9: {  	v3 =	vmul.f32 v3, v47  }
0xda: {  	[tilespmem:s0+$0xA0] =	vst v5  }
0xdb: {  	[tilespmem:s0+$0xB0] =	vst v3  }
0xdc: {  	v3 =	vld [tilespmem:s31+$0x60];
	_ =	sdelay $0x3  }
0xdd: {  	v50 =	vbroadcast v2, $0xB  }
0xde: {  	v51 =	vshll.u32 v3, $0x10  }
0xdf: {  	v3 =	vand.u32 $0xFFFF0000, v3;
	v5 =	vmul.f32 v51, v50  }
0xe0: {  	v3 =	vmul.f32 v3, v50  }
0xe1: {  	[tilespmem:s0+$0xC0] =	vst v5  }
0xe2: {  	[tilespmem:s0+$0xD0] =	vst v3  }
0xe3: {  	v3 =	vld [tilespmem:s31+$0x70];
	_ =	sdelay $0x4  }
0xe4: {  	v52 =	vshll.u32 v3, $0x10  }
0xe5: {  	v3 =	vand.u32 $0xFFFF0000, v3;
	v5 =	vmul.f32 v52, v50  }
0xe6: {  	v3 =	vmul.f32 v3, v50  }
0xe7: {  	[tilespmem:s0+$0xE0] =	vst v5  }
0xe8: {  	[tilespmem:s0+$0xF0] =	vst v3  }
0xe9: {  	v3 =	vld [tilespmem:s31+$0x80];
	_ =	sdelay $0x3  }
0xea: {  	v53 =	vbroadcast v2, $0xC  }
0xeb: {  	v54 =	vshll.u32 v3, $0x10  }
0xec: {  	v3 =	vand.u32 $0xFFFF0000, v3;
	v5 =	vmul.f32 v54, v53  }
0xed: {  	v3 =	vmul.f32 v3, v53  }
0xee: {  	[tilespmem:s0+$0x100] =	vst v5  }
0xef: {  	[tilespmem:s0+$0x110] =	vst v3  }
0xf0: {  	v3 =	vld [tilespmem:s31+$0x90];
	_ =	sdelay $0x4  }
0xf1: {  	v55 =	vshll.u32 v3, $0x10  }
0xf2: {  	v3 =	vand.u32 $0xFFFF0000, v3;
	v5 =	vmul.f32 v55, v53  }
0xf3: {  	v3 =	vmul.f32 v3, v53  }
0xf4: {  	[tilespmem:s0+$0x120] =	vst v5  }
0xf5: {  	[tilespmem:s0+$0x130] =	vst v3  }
0xf6: {  	v3 =	vld [tilespmem:s31+$0xA0];
	_ =	sdelay $0x3  }
0xf7: {  	v56 =	vbroadcast v2, $0xD  }
0xf8: {  	v57 =	vshll.u32 v3, $0x10  }
0xf9: {  	v3 =	vand.u32 $0xFFFF0000, v3;
	v5 =	vmul.f32 v57, v56  }
0xfa: {  	v3 =	vmul.f32 v3, v56  }
0xfb: {  	[tilespmem:s0+$0x140] =	vst v5  }
0xfc: {  	[tilespmem:s0+$0x150] =	vst v3  }
0xfd: {  	v3 =	vld [tilespmem:s31+$0xB0];
	_ =	sdelay $0x4  }
0xfe: {  	v58 =	vshll.u32 v3, $0x10  }
0xff: {  	v3 =	vand.u32 $0xFFFF0000, v3;
	v5 =	vmul.f32 v58, v56  }
0x100: {  	v3 =	vmul.f32 v3, v56  }
0x101: {  	[tilespmem:s0+$0x160] =	vst v5  }
0x102: {  	[tilespmem:s0+$0x170] =	vst v3  }
0x103: {  	v3 =	vld [tilespmem:s31+$0xC0];
	_ =	sdelay $0x3  }
0x104: {  	v59 =	vbroadcast v2, $0xE  }
0x105: {  	v60 =	vshll.u32 v3, $0x10  }
0x106: {  	v3 =	vand.u32 $0xFFFF0000, v3;
	v5 =	vmul.f32 v60, v59  }
0x107: {  	v3 =	vmul.f32 v3, v59  }
0x108: {  	[tilespmem:s0+$0x180] =	vst v5  }
0x109: {  	[tilespmem:s0+$0x190] =	vst v3  }
0x10a: {  	v3 =	vld [tilespmem:s31+$0xD0];
	_ =	sdelay $0x4  }
0x10b: {  	v61 =	vshll.u32 v3, $0x10  }
0x10c: {  	v3 =	vand.u32 $0xFFFF0000, v3;
	v5 =	vmul.f32 v61, v59  }
0x10d: {  	v3 =	vmul.f32 v3, v59  }
0x10e: {  	[tilespmem:s0+$0x1A0] =	vst v5  }
0x10f: {  	[tilespmem:s0+$0x1B0] =	vst v3  }
0x110: {  	v3 =	vld [tilespmem:s31+$0xE0];
	_ =	sdelay $0x3  }
0x111: {  	v2 =	vbroadcast v2, $0xF  }
0x112: {  	v62 =	vshll.u32 v3, $0x10  }
0x113: {  	v3 =	vand.u32 $0xFFFF0000, v3;
	v4 =	vmul.f32 v62, v2  }
0x114: {  	v3 =	vmul.f32 v3, v2  }
0x115: {  	[tilespmem:s0+$0x1C0] =	vst v4  }
0x116: {  	[tilespmem:s0+$0x1D0] =	vst v3  }
0x117: {  	v3 =	vld [tilespmem:s31+$0xF0];
	_ =	sdelay $0x3  }
0x118: {  	p1 =	sne.s32 s1, $0x100  }
.Ltmp1:
0x119: {  	v63 =	vshll.u32 v3, $0x10;
	(pc) =	sbr.rel @p1 .LBB2_5-.Ltmp1, $4  }
0x11a: {  	v3 =	vand.u32 $0xFFFF0000, v3;
	v4 =	vmul.f32 v63, v2  }
0x11b: {  	v2 =	vmul.f32 v3, v2  }
0x11c: {  	[tilespmem:s0+$0x1E0] =	vst v4  }
0x11d: {  	s1 =	sadd.s32 $0x40, s1;
	s31 =	sadd.s32 $0x200, s31;
	[tilespmem:s0+$0x1F0] =	vst v2;
	s0 =	sadd.s32 $0x400, s0  }
0x11e: {  	s28 =	sadd.s32 $0x1, s28  }
0x11f: {  	s0 =	sshra.s32 s30, $0x2;
	p1 =	sne.s32 s28, $0xFA  }
.Ltmp2:
0x120: {  	s0 =	sadd.s32 $0x4E20, s0;
	(pc) =	sbr.rel @p1 .LBB2_4-.Ltmp2, $4  }
0x121: {  	[spmem:s2] =	stream.indirect.scatter.add.f32 [tilespmem:s25], [sflag:$0x3], $0x40, s0, s23, $0xb8;
	[tilespmem:$0x1D260] =	vst v63  }
0x122: {  	_ =	swait.ge [sflag:s19], $0x1400  }
0x123: {  	[sflag:s19] =	ssyncset.done $0x0  }
0x124: {  	s29 =	sadd.s32 $0x50, s29;
	p0 =	por !p0, !p0;
	[sflag:s19] =	ssyncadd.s32 $0xFFFFEC00  }
0x125: {  	s0 =	stileid.u32  }
0x126: {  	s0 =	sshll.u32 s0, $0x6  }
0x127: {  	[bflag:$0x0] =	sbarrier.arrive $0xFFFF;
	s1 =	sshrl.u32 s7, $0x3;
	s0 =	sor.u32 $0x1C03, s0  }
0x128: {  	[hbm:s13], [sflag:s0] =	dma.local [spmem:s1], $0x400  }
0x129: {  	_ =	swait.ge [sflag:s19], $0x400  }
0x12a: {  	[sflag:s19] =	ssyncset.done $0x0  }
0x12b: {  	s28 =	sshrl.u32 s8, $0x3;
	[sflag:s19] =	ssyncadd.s32 $0xFFFFFC00  }
0x12c: {  	[hbm:s14], [sflag:s0] =	dma.local [spmem:s28], $0x400  }
0x12d: {  	_ =	swait.ge [sflag:s19], $0x400  }
0x12e: {  	[sflag:s19] =	ssyncset.done $0x0  }
0x12f: {  	s29 =	sshrl.u32 s9, $0x3;
	[sflag:s19] =	ssyncadd.s32 $0xFFFFFC00  }
0x130: {  	[hbm:s15], [sflag:s0] =	dma.local [spmem:s29], $0x400  }
0x131: {  	_ =	swait.ge [sflag:s19], $0x400  }
0x132: {  	[sflag:s19] =	ssyncset.done $0x0  }
0x133: {  	s30 =	sshrl.u32 s10, $0x3;
	[sflag:s19] =	ssyncadd.s32 $0xFFFFFC00  }
0x134: {  	[hbm:s16], [sflag:s0] =	dma.local [spmem:s30], $0x400  }
0x135: {  	s26 =	sadd.s32 $0x1, s26;
	_ =	swait.ge [sflag:s19], $0x400  }
0x136: {  	p0 =	sne.s32 s26, s18;
	[sflag:s19] =	ssyncset.done $0x0  }
.Ltmp3:
0x137: {  	s31 =	sshrl.u32 s11, $0x3;
	[sflag:s19] =	ssyncadd.s32 $0xFFFFFC00;
	(pc) =	sbr.rel @p0 .LBB2_1-.Ltmp3, $4  }
0x138: {  	[hbm:s17], [sflag:s0] =	dma.local [spmem:s31], $0x400  }
0x139: {  	_ =	swait.ge [sflag:s19], $0x400  }
0x13a: {  	[sflag:s19] =	ssyncset.done $0x0  }
0x13b: {  	[sflag:s19] =	ssyncadd.s32 $0xFFFFFC00  }
0x13c: {  	_ =	sfence.sel $0x180000  }
0x13d: {  	[bflag:$0x0] =	sbarrier.arrive $0xFFFF  }
0x13e: {  	_ =	strace $0x9000004A  }
0x13f: {  	s0 =	stileid.u32;
	[bflag:$0x2] =	sbarrier.arrive $0xFFFF  }
0x140: {  	p0 =	sne.s32 s0, $0x0;
	s0 =	rddreg [dreg:$0x3]  }
0x141: {  	s0 =	sadd.s32 @!p0 $0x100000, s0  }
0x142: {  	[sflag:s0] =	ssyncadd.tile.s32 @!p0 $0x1;
	_ =	shalt  }
.Lfunc_end2:
_tile_overlayer_lowered:
.L_overlay_start_2:
0x143: {  	(tag) =	ssettag $0x2  }
0x144: {  	s0 =	rddreg [dreg:$0x0];
	s2 =	stileid.u32  }
0x145: {  	s1 =	rddreg [dreg:$0x1];
	p0 =	sne.s32 s2, $0x0  }
0x146: {  	s3 =	rddreg [dreg:$0x2];
	[bflag:$0x3] =	sbarrier.arrive $0xFFFF;
	s2 =	simm.s32 @!p0 $0x1C03  }
0x147: {  	[timem:s3], [sflag:s2] =	dma.local @!p0 [hbm:s0], s1  }
0x148: {  	s0 =	simm.s32 @!p0 $0x3  }
0x149: {  	_ =	swait.ge @!p0 [sflag:s0], s1  }
0x14a: {  	s1 =	ssub.s32 @!p0 $0x0, s1;
	[sflag:s0] =	ssyncset.done @!p0 $0x0  }
0x14b: {  	[sflag:s0] =	ssyncadd.s32 @!p0 s1  }
0x14c: {  	[bflag:$0x3] =	sbarrier.arrive $0xFFFF  }
0x14d: {  	_ =	shalt  }

// kernel: kernel.14.cloned.1.call-start
scs
__scs_entry_jumppad:
0x0: {  	(pc) =	sbr.rel $0x88, $3  }
0x1: {  	(tag) =	ssettag $0x0;
	lr =	simm.s32 $0x1  }
0x2: {  	[smem:$0x3F9C] =	sst lr;
	_ =	strace $0xD0000000  }
0x3: {  	_ = 	snop  }
0x4: {  	_ = 	snop  }
0x5: {  	_ = 	snop  }
0x6: {  	_ = 	snop  }
0x7: {  	_ = 	snop  }
__scs_overlays_trampoline_lowered:
0x8: {  	[smem:$0x3FAB] =	sst s0  }
0x9: {  	[smem:$0x3FAC] =	sst s1  }
0xa: {  	[smem:$0x3FAD] =	sst s2  }
0xb: {  	[smem:$0x3FAE] =	sst s3  }
0xc: {  	[smem:$0x3FAF] =	sst s4  }
0xd: {  	[smem:$0x3FB0] =	sst s5  }
0xe: {  	[smem:$0x3FB1] =	sst s6  }
0xf: {  	[smem:$0x3FB2] =	sst s7  }
0x10: {  	[smem:$0x3FB3] =	sst s8  }
0x11: {  	[smem:$0x3FB4] =	sst s9;
	s0 =	simm.s32 @!p0 $0x0  }
0x12: {  	s1 =	sld [smem:$0x3F9A];
	s0 =	simm.s32 @p0 $0x1  }
0x13: {  	[smem:$0x3FB5] =	sst s0;
	s0 =	simm.s32 @!p1 $0x0  }
0x14: {  	s2 =	sld [smem:$0x3F99];
	s0 =	simm.s32 @p1 $0x1  }
0x15: {  	[smem:$0x3FB6] =	sst s0;
	s0 =	simm.s32 @!p2 $0x0  }
0x16: {  	s3 =	sld [smem:$0x3FDB];
	s0 =	simm.s32 @p2 $0x1  }
0x17: {  	s4 =	simm.s32 $0x1BF5;
	[smem:$0x3FB8] =	sst s0  }
0x18: {  	s0 =	sld [smem:$0x3F9B];
	_ =	swait.ge [sflag:s4], $0x0  }
0x19: {  	s7 =	sld [smem:$0x3F9C]  }
0x1a: {  	s8 =	sadd.s32 $0xFFFFE003, lr  }
0x1b: {  	s9 =	sadd.s32 $0xFFFFFEF7, lr;
	s5 =	simm.s32 $0xFFFFFFFF;
	p2 =	slt.u32 s8, $0xFFFFF086  }
0x1c: {  	p1 =	slt.u32 s9, $0xF7A;
	s5 =	simm.s32 @!p2 $0x0  }
0x1d: {  	s5 =	simm.s32 @p1 $0x1;
	p0 =	seq.s32 s7, s2  }
0x1e: {  	s7 =	smul.u32 @!p0 $0xF7A, s2;
	p2 =	seq.s32 @!p0 s5, $0x0  }
0x1f: {  	s9 =	smul.u32 $0xF7A, s1;
	s8 =	simm.s32 @!p0 $0x1BF5;
	p2 =	por !p2, p0  }
0x20: {  	[sflag:s8] =	ssyncset.s32 @!p0 $0xFFFFF086;
	s6 =	sadd.s32 @!p0 s3, s7;
	s7 =	simm.s32 @!p0 $0x108  }
0x21: {  	s3 =	sadd.s32 s3, s9;
	s6 =	sadd.s32 @!p0 $0x88, s6;
	s7 =	simm.s32 @p2 $0x1082  }
0x22: {  	[simem:s7], [sflag:s8] =	dma.local @!p0 [hbm:s6], $0xF7A  }
0x23: {  	s9 =	sor.u32 $0xD0000000, s2;
	s6 =	simm.s32 $0x108;
	_ =	swait.ge @!p0 [sflag:s8], $0x0  }
0x24: {  	s3 =	sadd.s32 $0x88, s3;
	s6 =	simm.s32 @!p1 $0x1082;
	[sflag:s4] =	ssyncset.s32 $0xFFFFF086  }
0x25: {  	[simem:s6], [sflag:s4] =	dma.local [hbm:s3], $0xF7A  }
0x26: {  	[smem:$0x3F9C] =	sst s1;
	(tag) =	ssettag s2;
	_ =	strace s9  }
0x27: {  	s1 =	sld [smem:$0x3FAC]  }
0x28: {  	s2 =	sld [smem:$0x3FAD]  }
0x29: {  	s4 =	sld [smem:$0x3FAF]  }
0x2a: {  	p0 =	seq.s32 s5, $0x0;
	s5 =	sld [smem:$0x3FB0]  }
0x2b: {  	s6 =	sld [smem:$0x3FB1]  }
0x2c: {  	s7 =	sld [smem:$0x3FB2]  }
0x2d: {  	s3 =	simm.s32 $0x108;
	s8 =	sld [smem:$0x3FB3]  }
0x2e: {  	s3 =	simm.s32 @!p0 $0x1082;
	s9 =	sld [smem:$0x3FB4]  }
0x2f: {  	lr =	sadd.s32 s0, s3;
	s0 =	sld [smem:$0x3FAB]  }
0x30: {  	s3 =	sld [smem:$0x3FAE]  }
0x31: {  	[smem:$0x3FB7] =	sst s10  }
0x32: {  	s10 =	sld [smem:$0x3FB5];
	_ =	sdelay $0x3  }
0x33: {  	p0 =	seq.s32 s10, $0x1;
	s10 =	sld [smem:$0x3FB7];
	_ =	sdelay $0x3  }
0x34: {  	[smem:$0x3FB7] =	sst s10  }
0x35: {  	s10 =	sld [smem:$0x3FB6];
	_ =	sdelay $0x3  }
0x36: {  	p1 =	seq.s32 s10, $0x1;
	s10 =	sld [smem:$0x3FB7];
	_ =	sdelay $0x3  }
0x37: {  	[smem:$0x3FB7] =	sst s10  }
0x38: {  	s10 =	sld [smem:$0x3FB8]  }
0x39: {  	_ = 	snop;
	(pc) =	sbr.ind lr, $3  }
0x3a: {  	_ = 	snop  }
0x3b: {  	_ = 	snop  }
0x3c: {  	p2 =	seq.s32 s10, $0x1;
	s10 =	sld [smem:$0x3FB7]  }
0x3d: {  	_ =	shalt  }
0x3e: {  	_ =	shalt  }
0x3f: {  	_ =	shalt  }
0x40: {  	_ =	shalt  }
0x41: {  	_ =	shalt  }
0x42: {  	_ =	shalt  }
0x43: {  	_ =	shalt  }
0x44: {  	_ =	shalt  }
0x45: {  	_ =	shalt  }
0x46: {  	_ =	shalt  }
0x47: {  	_ =	shalt  }
0x48: {  	_ =	shalt  }
0x49: {  	_ =	shalt  }
0x4a: {  	_ =	shalt  }
0x4b: {  	_ =	shalt  }
0x4c: {  	_ =	shalt  }
0x4d: {  	_ =	shalt  }
0x4e: {  	_ =	shalt  }
0x4f: {  	_ =	shalt  }
0x50: {  	_ =	shalt  }
0x51: {  	_ =	shalt  }
0x52: {  	_ =	shalt  }
0x53: {  	_ =	shalt  }
0x54: {  	_ =	shalt  }
0x55: {  	_ =	shalt  }
0x56: {  	_ =	shalt  }
0x57: {  	_ =	shalt  }
0x58: {  	_ =	shalt  }
0x59: {  	_ =	shalt  }
0x5a: {  	_ =	shalt  }
0x5b: {  	_ =	shalt  }
0x5c: {  	_ =	shalt  }
0x5d: {  	_ =	shalt  }
0x5e: {  	_ =	shalt  }
0x5f: {  	_ =	shalt  }
0x60: {  	_ =	shalt  }
0x61: {  	_ =	shalt  }
0x62: {  	_ =	shalt  }
0x63: {  	_ =	shalt  }
0x64: {  	_ =	shalt  }
0x65: {  	_ =	shalt  }
0x66: {  	_ =	shalt  }
0x67: {  	_ =	shalt  }
0x68: {  	_ =	shalt  }
0x69: {  	_ =	shalt  }
0x6a: {  	_ =	shalt  }
0x6b: {  	_ =	shalt  }
0x6c: {  	_ =	shalt  }
0x6d: {  	_ =	shalt  }
0x6e: {  	_ =	shalt  }
0x6f: {  	_ =	shalt  }
0x70: {  	_ =	shalt  }
0x71: {  	_ =	shalt  }
0x72: {  	_ =	shalt  }
0x73: {  	_ =	shalt  }
0x74: {  	_ =	shalt  }
0x75: {  	_ =	shalt  }
0x76: {  	_ =	shalt  }
0x77: {  	_ =	shalt  }
0x78: {  	_ =	shalt  }
0x79: {  	_ =	shalt  }
0x7a: {  	_ =	shalt  }
0x7b: {  	_ =	shalt  }
0x7c: {  	_ =	shalt  }
0x7d: {  	_ =	shalt  }
0x7e: {  	_ =	shalt  }
0x7f: {  	_ =	shalt  }
0x80: {  	_ =	shalt  }
0x81: {  	_ =	shalt  }
0x82: {  	_ =	shalt  }
0x83: {  	_ =	shalt  }
0x84: {  	_ =	shalt  }
0x85: {  	_ =	shalt  }
0x86: {  	_ =	shalt  }
0x87: {  	_ =	shalt  }
.Lfunc_end0:
.L_simem_size_0:
called_computation.2_lowered:
.L_overlay_start_0:
0x88: {  	s2 =	sld [smem:$0x3FD9]  }
0x89: {  	s3 =	sld [smem:$0x3FFE];
	_ =	sdelay $0x1  }
0x8a: {  	s1 =	srdreg.scid  }
0x8b: {  	s0 =	sand.u32 $0x1, s1  }
0x8c: {  	s17 =	sshll.u32 s0, $0xA;
	s2 =	sadd.s32 s3, s2  }
0x8d: {  	s2 =	sadd.s32 s2, s17  }
0x8e: {  	[smem:$0x3FC3] =	sst s2  }
0x8f: {  	_ = 	snop  }
0x90: {  	s2 =	sld [smem:$0x3FC7];
	(tm) =	ssettm $0x1  }
0x91: {  	s18 =	sld [smem:$0x3FFB];
	_ =	sdelay $0x3  }
0x92: {  	_ =	strace s18  }
0x93: {  	s3 =	sld [smem:$0x3FFC];
	_ =	sdelay $0x3  }
0x94: {  	_ =	strace s3  }
0x95: {  	s3 =	sld [smem:$0x3FFD];
	_ =	sdelay $0x3  }
0x96: {  	_ =	strace s3  }
0x97: {  	_ =	strace $0x8FFFFFFF  }
0x98: {  	s19 =	sld [smem:$0x3FDB];
	_ =	sdelay $0x1  }
0x99: {  	s4 =	simm.s32 $_scs_section_size  }
0x9a: {  	s5 =	simm.s32 $_size__tile_overlayer_lowered;
	s6 =	simm.s32 $_tile_overlayer_lowered  }
0x9b: {  	s22 =	simm.s32 $0x1BFF;
	s21 =	sshll.u32 s6, $0x1;
	s3 =	sadd.s32 s4, s19  }
0x9c: {  	s7 =	simm.s32 $0x0;
	s20 =	sshll.u32 s5, $0x1;
	s5 =	sadd.s32 s21, s3  }
0x9d: {  	[timem:s7], [sflag:s22] =	dma.local [hbm:s5], s20  }
0x9e: {  	_ =	swait.ge [sflag:s22], s20  }
0x9f: {  	s4 =	ssub.s32 $0x0, s20;
	[sflag:s22] =	ssyncset.done $0x0  }
0xa0: {  	[sflag:s22] =	ssyncadd.s32 s4;
	_ =	sdelay $0x1  }
0xa1: {  	s23 =	simm.s32 $0x1B8B  }
0xa2: {  	_ =	swait.ge [sflag:s23], $0x1  }
0xa3: {  	[sflag:s23] =	ssyncset.done $0x0  }
0xa4: {  	s25 =	simm.s32 $0x1B8E;
	s24 =	sld [smem:$0x3FFE];
	[sflag:s23] =	ssyncadd.s32 $0xFFFFFFFF  }
0xa5: {  	s26 =	simm.s32 $execute0_lowered;
	[smem:$0x3FD2] =	sst s25  }
0xa6: {  	s5 =	sshll.u32 s26, $0x1;
	_ =	strace $0x8000004C;
	[dreg:$0x1] =	wrdreg $0xFFFFFFFF  }
0xa7: {  	s28 =	simm.s32 $_size_execute0_lowered;
	s3 =	sadd.s32 s3, s5;
	[dreg:$0x0] =	wrdreg $0x0  }
0xa8: {  	s5 =	sshll.u32 s28, $0x1;
	[dreg:$0x2] =	wrdreg s3  }
0xa9: {  	[dreg:$0x3] =	wrdreg s5  }
0xaa: {  	[dreg:$0x4] =	wrdreg $0xC0  }
0xab: {  	_ =	task [dreg:s7], $0x5FFFF  }
0xac: {  	[dreg:$0x1] =	wrdreg $0xFFFFFFFF  }
0xad: {  	[dreg:$0x0] =	wrdreg $0x60  }
0xae: {  	[dreg:$0x2] =	wrdreg s24  }
0xaf: {  	[dreg:$0x3] =	wrdreg s2  }
0xb0: {  	[dreg:$0x4] =	wrdreg $0x132600  }
0xb1: {  	[dreg:$0x5] =	wrdreg $0x9  }
0xb2: {  	_ =	task.clear_ibuf [dreg:s7], $0x6FFFF;
	_ =	strace $0x9000004C  }
0xb3: {  	s29 =	simm.s32 $0x9;
	_ =	strace $0x8000004E  }
0xb4: {  	_ =	swait.ge [sflag:s29], $0x1  }
0xb5: {  	[sflag:s29] =	ssyncadd.s32 $0xFFFFFFFF  }
0xb6: {  	_ =	strace $0x9000004E  }
0xb7: {  	_ =	sfence  }
0xb8: {  	s30 =	sld [smem:$0x0];
	_ =	sdelay $0x2  }
0xb9: {  	s31 =	sshll.u32 s1, $0xD;
	s1 =	sshrl.u32 s1, $0x2  }
0xba: {  	s3 =	sand.u32 $0x4000, s31;
	s1 =	sadd.s32 s1, s30  }
0xbb: {  	s0 =	sor.u32 s3, s0;
	s1 =	sshll.u32 s1, $0x11  }
0xbc: {  	s0 =	sor.u32 s1, s0  }
0xbd: {  	s0 =	sadd.s32 $0x8F2B, s0  }
0xbe: {  	[sflag:s0] =	ssyncadd.remote.s32 $0x1  }
0xbf: {  	_ =	sfence.sel $0xFFFF  }
0xc0: {  	[dreg:$0x0] =	wrdreg $0xFFFFFFFF;
	(pc) =	sbr.abs _section_cstart, $3  }
0xc1: {  	[dreg:$0x1] =	wrdreg $0xFFFFFFFF  }
0xc2: {  	_ =	task.clear_ibuf [dreg:s7], $0x2FFFF;
	_ =	strace $0x9FFFFFFF  }
0xc3: {  	(tm) =	ssettm $0x7FFFFFFF  }
tec
execute0_lowered:
.L_overlay_start_1:
0x0: {  	(tag) =	ssettag $0x1  }
0x1: {  	s0 =	rddreg [dreg:$0x0]  }
0x2: {  	s1 =	rddreg [dreg:$0x1]  }
0x3: {  	s2 =	rddreg [dreg:$0x2];
	s9 =	stileid.u32  }
0x4: {  	s4 =	srdreg.scid;
	s3 =	simm.s32 $0x0;
	s21 =	simm.s32 $0x9C40  }
0x5: {  	s22 =	simm.s32 $0x11260;
	s23 =	simm.s32 $0x50;
	s6 =	smul.u32 $0x9C4, s9  }
0x6: {  	s8 =	sand.u32 $0x1, s4;
	[smem:$0x7FF] =	sst s3;
	s11 =	smul.u32 $0xA000, s9  }
0x7: {  	s24 =	simm.s32 $0xEA60;
	s4 =	smul.u32 $0x9C40, s8;
	_ =	strace $0x8000004D  }
0x8: {  	s25 =	ssub.s32 $0x2, s8;
	s17 =	smul.u32 $0xA0000, s8;
	s5 =	sadd.s32 s6, s0  }
0x9: {  	s7 =	sshrl.u32 s25, $0x1;
	s6 =	sadd.s32 s1, s6;
	s26 =	sadd.s32 $0x2000, s11  }
0xa: {  	s15 =	sadd.s32 $0x4000, s11;
	s16 =	sadd.s32 $0x6000, s11;
	s19 =	sadd.s32 $0x8000, s11  }
0xb: {  	s12 =	sadd.s32 s4, s0;
	s0 =	sadd.s32 $0x28200, s0;
	s18 =	ssub.s32 s25, s7  }
0xc: {  	s4 =	sadd.s32 $0xAA00, s5;
	s5 =	sadd.s32 $0xC00, s5;
	s7 =	sadd.s32 s11, s2  }
0xd: {  	s8 =	sadd.s32 s26, s2;
	s9 =	sadd.s32 s15, s2;
	s10 =	sadd.s32 s16, s2  }
0xe: {  	s13 =	sadd.s32 s11, s17;
	s1 =	sadd.s32 s17, s26;
	s11 =	sadd.s32 s19, s2  }
0xf: {  	s28 =	sadd.s32 s17, s15;
	s29 =	sadd.s32 s17, s16;
	s30 =	sadd.s32 s17, s19  }
0x10: {  	s25 =	simm.s32 $0xFE60;
	s26 =	simm.s32 $0x0;
	s13 =	sshrl.u32 s13, $0x3  }
0x11: {  	s1 =	sshrl.u32 s1, $0x3;
	s12 =	sadd.s32 $0x14800, s12;
	s31 =	sshrl.u32 s29, $0x3  }
0x12: {  	s19 =	sshrl.u32 s30, $0x3;
	s18 =	smax.u32 s18, $0x1;
	s13 =	sadd.s32 s0, s13  }
0x13: {  	s14 =	sadd.s32 s0, s1;
	s1 =	sshrl.u32 s28, $0x3;
	s16 =	sadd.s32 s0, s31  }
0x14: {  	v0 =	vimm.f32 $0.0e+00;
	s17 =	sadd.s32 s0, s19;
	s19 =	simm.s32 $0x3;
	s15 =	sadd.s32 s0, s1  }
.LBB2_1:
0x15: {  	[tilespmem:s3], [sflag:$0x3] =	stream.linear.gather [hbm4b:s4+s3], $0x4E20, $0x38;
	[tilespmem:$0x1D260] =	vst v63  }
0x16: {  	_ =	swait.ge [sflag:s19], $0x4E20  }
0x17: {  	[sflag:s19] =	ssyncset.done $0x0  }
0x18: {  	s0 =	simm.s32 $0x4E20;
	[sflag:s19] =	ssyncadd.s32 $0xFFFFB1E0  }
0x19: {  	[tilespmem:s0], [sflag:$0x3] =	stream.linear.gather [hbm4b:s5+s3], $0x4E20, $0x38;
	[tilespmem:$0x1D260] =	vst v63  }
0x1a: {  	_ =	swait.ge [sflag:s19], $0x4E20  }
0x1b: {  	[sflag:s19] =	ssyncset.done $0x0  }
0x1c: {  	[sflag:s19] =	ssyncadd.s32 $0xFFFFB1E0  }
0x1d: {  	[tilespmem:s21], [sflag:$0x3] =	stream.linear.gather [hbm4b:s6+s3], $0x4E20, $0x38;
	[tilespmem:$0x1D260] =	vst v63  }
0x1e: {  	_ =	swait.ge [sflag:s19], $0x4E20  }
0x1f: {  	[sflag:s19] =	ssyncset.done $0x0  }
0x20: {  	s1 =	simm.s32 $0x100;
	s0 =	simm.s32 $0x0;
	[sflag:s19] =	ssyncadd.s32 $0xFFFFB1E0  }
.LBB2_2:
0x21: {  	p0 =	sne.s32 s1, $0x7F00;
	[tilespmem:s0+$0x11290] =	vst v0;
	s28 =	smov.u32 s1;
	s1 =	sadd.s32 $0x100, s1  }
.Ltmp0:
0x22: {  	[tilespmem:s0+$0x11280] =	vst v0;
	(pc) =	sbr.rel @p0 .LBB2_2-.Ltmp0, $3  }
0x23: {  	[tilespmem:s0+$0x11260] =	vst v0  }
0x24: {  	[tilespmem:s0+$0x11270] =	vst v0;
	_ =	sdelay $0x1  }
0x25: {  	s0 =	sshra.s32 s28, $0x2  }
0x26: {  	[tilespmem:s0+$0x11290] =	vst v0  }
0x27: {  	[tilespmem:s0+$0x11280] =	vst v0  }
0x28: {  	[tilespmem:s0+$0x11260] =	vst v0  }
0x29: {  	[tilespmem:s0+$0x11270] =	vst v0  }
0x2a: {  	[spmem:s7] =	stream.linear.scatter [tilespmem:s22], [sflag:$0x3], $0x2000, $0x38;
	[tilespmem:$0x1D260] =	vst v63  }
0x2b: {  	_ =	swait.ge [sflag:s19], $0x2000  }
0x2c: {  	[sflag:s19] =	ssyncset.done $0x0  }
0x2d: {  	[sflag:s19] =	ssyncadd.s32 $0xFFFFE000  }
0x2e: {  	[spmem:s8] =	stream.linear.scatter [tilespmem:s22], [sflag:$0x3], $0x2000, $0x38;
	[tilespmem:$0x1D260] =	vst v63  }
0x2f: {  	_ =	swait.ge [sflag:s19], $0x2000  }
0x30: {  	[sflag:s19] =	ssyncset.done $0x0  }
0x31: {  	[sflag:s19] =	ssyncadd.s32 $0xFFFFE000  }
0x32: {  	[spmem:s9] =	stream.linear.scatter [tilespmem:s22], [sflag:$0x3], $0x2000, $0x38;
	[tilespmem:$0x1D260] =	vst v63  }
0x33: {  	_ =	swait.ge [sflag:s19], $0x2000  }
0x34: {  	[sflag:s19] =	ssyncset.done $0x0  }
0x35: {  	[sflag:s19] =	ssyncadd.s32 $0xFFFFE000  }
0x36: {  	[spmem:s10] =	stream.linear.scatter [tilespmem:s22], [sflag:$0x3], $0x2000, $0x38;
	[tilespmem:$0x1D260] =	vst v63  }
0x37: {  	_ =	swait.ge [sflag:s19], $0x2000  }
0x38: {  	[sflag:s19] =	ssyncset.done $0x0  }
0x39: {  	[sflag:s19] =	ssyncadd.s32 $0xFFFFE000  }
0x3a: {  	[spmem:s11] =	stream.linear.scatter [tilespmem:s22], [sflag:$0x3], $0x2000, $0x38;
	[tilespmem:$0x1D260] =	vst v63  }
0x3b: {  	_ =	swait.ge [sflag:s19], $0x2000  }
0x3c: {  	[sflag:s19] =	ssyncset.done $0x0  }
0x3d: {  	s28 =	simm.s32 $0x0;
	[sflag:s19] =	ssyncadd.s32 $0xFFFFE000  }
0x3e: {  	s29 =	simm.s32 $0x9C40;
	p0 =	por $0x0, $0x0;
	[bflag:$0x0] =	sbarrier.arrive $0xFFFF  }
0x3f: {  	[tilespmem:s24], [sflag:$0x1] =	stream.indirect.gather [hbm4b:s12+s23], $0x20, s28, s23, $0xb8;
	[tilespmem:$0x1D260] =	vst v63  }
.LBB2_4:
0x40: {  	s1 =	simm.s32 $0x1  }
0x41: {  	p1 =	seq.s32 s28, $0xF9;
	s1 =	simm.s32 @!p0 $0x0  }
0x42: {  	s30 =	sand.u32 $0x1, s28;
	s0 =	sadd.s32 @!p1 $0x1, s28;
	s1 =	smul.u32 $0x2800, s1  }
0x43: {  	s30 =	sadd.s32 $0x1, s30;
	s31 =	sand.u32 @!p1 $0x1, s0;
	s0 =	smul.u32 @!p1 $0x140, s0  }
0x44: {  	_ =	swait.ge [sflag:s30], $0xA00;
	s20 =	smul.u32 @!p1 $0x2800, s31  }
0x45: {  	[sflag:s30] =	ssyncset.done $0x0;
	s1 =	sshrl.u32 s1, $0x2  }
0x46: {  	[sflag:s30] =	ssyncadd.s32 $0xFFFFF600;
	s0 =	sshra.s32 @!p1 s0, $0x2;
	s20 =	sshrl.u32 @!p1 s20, $0x2  }
0x47: {  	v1 =	vmov s29;
	s30 =	sadd.s32 @!p1 $0x1, s31;
	s31 =	simm.s32 @!p1 $0x50;
	s20 =	sadd.s32 @!p1 $0xEA60, s20  }
0x48: {  	[tilespmem:s20], [sflag:s30] =	stream.indirect.gather @!p1 [hbm4b:s12+s31], $0x20, s0, s31, $0xb8;
	[tilespmem:$0x1D260] =	vst v63  }
0x49: {  	s31 =	sadd.s32 $0xEB60, s1  }
0x4a: {  	s30 =	smul.u32 $0x140, s28;
	s0 =	simm.s32 $0x10060;
	s1 =	simm.s32 $0x0  }
.LBB2_5:
0x4b: {  	s20 =	sshra.s32 s1, $0x2  }
0x4c: {  	v2 =	vld.idx.msk [tilespmem:v1+s20+$0x0 ss:$0x1], $0xffff  }
0x4d: {  	v3 =	vld [tilespmem:s31+$0xFFFFFF00];
	_ =	sdelay $0x3  }
0x4e: {  	v4 =	vbroadcast v2, $0x0  }
0x4f: {  	v5 =	vshll.u32 v3, $0x10  }
0x50: {  	v3 =	vand.u32 $0xFFFF0000, v3;
	v5 =	vmul.f32 v5, v4  }
0x51: {  	v3 =	vmul.f32 v3, v4  }
0x52: {  	[tilespmem:s0+$0xFFFFFE00] =	vst v5  }
0x53: {  	[tilespmem:s0+$0xFFFFFE10] =	vst v3  }
0x54: {  	v3 =	vld [tilespmem:s31+$0xFFFFFF10];
	_ =	sdelay $0x4  }
0x55: {  	v19 =	vshll.u32 v3, $0x10  }
0x56: {  	v3 =	vand.u32 $0xFFFF0000, v3;
	v5 =	vmul.f32 v19, v4  }
0x57: {  	v3 =	vmul.f32 v3, v4  }
0x58: {  	[tilespmem:s0+$0xFFFFFE20] =	vst v5  }
0x59: {  	[tilespmem:s0+$0xFFFFFE30] =	vst v3  }
0x5a: {  	v3 =	vld [tilespmem:s31+$0xFFFFFF20];
	_ =	sdelay $0x3  }
0x5b: {  	v20 =	vbroadcast v2, $0x1  }
0x5c: {  	v21 =	vshll.u32 v3, $0x10  }
0x5d: {  	v3 =	vand.u32 $0xFFFF0000, v3;
	v5 =	vmul.f32 v21, v20  }
0x5e: {  	v3 =	vmul.f32 v3, v20  }
0x5f: {  	[tilespmem:s0+$0xFFFFFE40] =	vst v5  }
0x60: {  	[tilespmem:s0+$0xFFFFFE50] =	vst v3  }
0x61: {  	v3 =	vld [tilespmem:s31+$0xFFFFFF30];
	_ =	sdelay $0x4  }
0x62: {  	v22 =	vshll.u32 v3, $0x10  }
0x63: {  	v3 =	vand.u32 $0xFFFF0000, v3;
	v5 =	vmul.f32 v22, v20  }
0x64: {  	v3 =	vmul.f32 v3, v20  }
0x65: {  	[tilespmem:s0+$0xFFFFFE60] =	vst v5  }
0x66: {  	[tilespmem:s0+$0xFFFFFE70] =	vst v3  }
0x67: {  	v3 =	vld [tilespmem:s31+$0xFFFFFF40];
	_ =	sdelay $0x3  }
0x68: {  	v23 =	vbroadcast v2, $0x2  }
0x69: {  	v24 =	vshll.u32 v3, $0x10  }
0x6a: {  	v3 =	vand.u32 $0xFFFF0000, v3;
	v5 =	vmul.f32 v24, v23  }
0x6b: {  	v3 =	vmul.f32 v3, v23  }
0x6c: {  	[tilespmem:s0+$0xFFFFFE80] =	vst v5  }
0x6d: {  	[tilespmem:s0+$0xFFFFFE90] =	vst v3  }
0x6e: {  	v3 =	vld [tilespmem:s31+$0xFFFFFF50];
	_ =	sdelay $0x4  }
0x6f: {  	v25 =	vshll.u32 v3, $0x10  }
0x70: {  	v3 =	vand.u32 $0xFFFF0000, v3;
	v5 =	vmul.f32 v25, v23  }
0x71: {  	v3 =	vmul.f32 v3, v23  }
0x72: {  	[tilespmem:s0+$0xFFFFFEA0] =	vst v5  }
0x73: {  	[tilespmem:s0+$0xFFFFFEB0] =	vst v3  }
0x74: {  	v3 =	vld [tilespmem:s31+$0xFFFFFF60];
	_ =	sdelay $0x3  }
0x75: {  	v26 =	vbroadcast v2, $0x3  }
0x76: {  	v27 =	vshll.u32 v3, $0x10  }
0x77: {  	v3 =	vand.u32 $0xFFFF0000, v3;
	v5 =	vmul.f32 v27, v26  }
0x78: {  	v3 =	vmul.f32 v3, v26  }
0x79: {  	[tilespmem:s0+$0xFFFFFEC0] =	vst v5  }
0x7a: {  	[tilespmem:s0+$0xFFFFFED0] =	vst v3  }
0x7b: {  	v3 =	vld [tilespmem:s31+$0xFFFFFF70];
	_ =	sdelay $0x4  }
0x7c: {  	v28 =	vshll.u32 v3, $0x10  }
0x7d: {  	v3 =	vand.u32 $0xFFFF0000, v3;
	v5 =	vmul.f32 v28, v26  }
0x7e: {  	v3 =	vmul.f32 v3, v26  }
0x7f: {  	[tilespmem:s0+$0xFFFFFEE0] =	vst v5  }
0x80: {  	[tilespmem:s0+$0xFFFFFEF0] =	vst v3  }
0x81: {  	v3 =	vld [tilespmem:s31+$0xFFFFFF80];
	_ =	sdelay $0x3  }
0x82: {  	v29 =	vbroadcast v2, $0x4  }
0x83: {  	v30 =	vshll.u32 v3, $0x10  }
0x84: {  	v3 =	vand.u32 $0xFFFF0000, v3;
	v5 =	vmul.f32 v30, v29  }
0x85: {  	v3 =	vmul.f32 v3, v29  }
0x86: {  	[tilespmem:s0+$0xFFFFFF00] =	vst v5  }
0x87: {  	[tilespmem:s0+$0xFFFFFF10] =	vst v3  }
0x88: {  	v3 =	vld [tilespmem:s31+$0xFFFFFF90];
	_ =	sdelay $0x4  }
0x89: {  	v31 =	vshll.u32 v3, $0x10  }
0x8a: {  	v3 =	vand.u32 $0xFFFF0000, v3;
	v5 =	vmul.f32 v31, v29  }
0x8b: {  	v3 =	vmul.f32 v3, v29  }
0x8c: {  	[tilespmem:s0+$0xFFFFFF20] =	vst v5  }
0x8d: {  	[tilespmem:s0+$0xFFFFFF30] =	vst v3  }
0x8e: {  	v3 =	vld [tilespmem:s31+$0xFFFFFFA0];
	_ =	sdelay $0x3  }
0x8f: {  	v32 =	vbroadcast v2, $0x5  }
0x90: {  	v33 =	vshll.u32 v3, $0x10  }
0x91: {  	v3 =	vand.u32 $0xFFFF0000, v3;
	v5 =	vmul.f32 v33, v32  }
0x92: {  	v3 =	vmul.f32 v3, v32  }
0x93: {  	[tilespmem:s0+$0xFFFFFF40] =	vst v5  }
0x94: {  	[tilespmem:s0+$0xFFFFFF50] =	vst v3  }
0x95: {  	v3 =	vld [tilespmem:s31+$0xFFFFFFB0];
	_ =	sdelay $0x4  }
0x96: {  	v34 =	vshll.u32 v3, $0x10  }
0x97: {  	v3 =	vand.u32 $0xFFFF0000, v3;
	v5 =	vmul.f32 v34, v32  }
0x98: {  	v3 =	vmul.f32 v3, v32  }
0x99: {  	[tilespmem:s0+$0xFFFFFF60] =	vst v5  }
0x9a: {  	[tilespmem:s0+$0xFFFFFF70] =	vst v3  }
0x9b: {  	v3 =	vld [tilespmem:s31+$0xFFFFFFC0];
	_ =	sdelay $0x3  }
0x9c: {  	v35 =	vbroadcast v2, $0x6  }
0x9d: {  	v36 =	vshll.u32 v3, $0x10  }
0x9e: {  	v3 =	vand.u32 $0xFFFF0000, v3;
	v5 =	vmul.f32 v36, v35  }
0x9f: {  	v3 =	vmul.f32 v3, v35  }
0xa0: {  	[tilespmem:s0+$0xFFFFFF80] =	vst v5  }
0xa1: {  	[tilespmem:s0+$0xFFFFFF90] =	vst v3  }
0xa2: {  	v3 =	vld [tilespmem:s31+$0xFFFFFFD0];
	_ =	sdelay $0x4  }
0xa3: {  	v37 =	vshll.u32 v3, $0x10  }
0xa4: {  	v3 =	vand.u32 $0xFFFF0000, v3;
	v5 =	vmul.f32 v37, v35  }
0xa5: {  	v3 =	vmul.f32 v3, v35  }
0xa6: {  	[tilespmem:s0+$0xFFFFFFA0] =	vst v5  }
0xa7: {  	[tilespmem:s0+$0xFFFFFFB0] =	vst v3  }
0xa8: {  	v3 =	vld [tilespmem:s31+$0xFFFFFFE0];
	_ =	sdelay $0x3  }
0xa9: {  	v38 =	vbroadcast v2, $0x7  }
0xaa: {  	v39 =	vshll.u32 v3, $0x10  }
0xab: {  	v3 =	vand.u32 $0xFFFF0000, v3;
	v5 =	vmul.f32 v39, v38  }
0xac: {  	v3 =	vmul.f32 v3, v38  }
0xad: {  	[tilespmem:s0+$0xFFFFFFC0] =	vst v5  }
0xae: {  	[tilespmem:s0+$0xFFFFFFD0] =	vst v3  }
0xaf: {  	v3 =	vld [tilespmem:s31+$0xFFFFFFF0];
	_ =	sdelay $0x4  }
0xb0: {  	v40 =	vshll.u32 v3, $0x10  }
0xb1: {  	v3 =	vand.u32 $0xFFFF0000, v3;
	v5 =	vmul.f32 v40, v38  }
0xb2: {  	v3 =	vmul.f32 v3, v38  }
0xb3: {  	[tilespmem:s0+$0xFFFFFFE0] =	vst v5  }
0xb4: {  	[tilespmem:s0+$0xFFFFFFF0] =	vst v3  }
0xb5: {  	v3 =	vld [tilespmem:s31+$0x0];
	_ =	sdelay $0x3  }
0xb6: {  	v41 =	vbroadcast v2, $0x8  }
0xb7: {  	v42 =	vshll.u32 v3, $0x10  }
0xb8: {  	v3 =	vand.u32 $0xFFFF0000, v3;
	v5 =	vmul.f32 v42, v41  }
0xb9: {  	v3 =	vmul.f32 v3, v41  }
0xba: {  	[tilespmem:s0+$0x0] =	vst v5  }
0xbb: {  	[tilespmem:s0+$0x10] =	vst v3  }
0xbc: {  	v3 =	vld [tilespmem:s31+$0x10];
	_ =	sdelay $0x4  }
0xbd: {  	v43 =	vshll.u32 v3, $0x10  }
0xbe: {  	v3 =	vand.u32 $0xFFFF0000, v3;
	v5 =	vmul.f32 v43, v41  }
0xbf: {  	v3 =	vmul.f32 v3, v41  }
0xc0: {  	[tilespmem:s0+$0x20] =	vst v5  }
0xc1: {  	[tilespmem:s0+$0x30] =	vst v3  }
0xc2: {  	v3 =	vld [tilespmem:s31+$0x20];
	_ =	sdelay $0x3  }
0xc3: {  	v44 =	vbroadcast v2, $0x9  }
0xc4: {  	v45 =	vshll.u32 v3, $0x10  }
0xc5: {  	v3 =	vand.u32 $0xFFFF0000, v3;
	v5 =	vmul.f32 v45, v44  }
0xc6: {  	v3 =	vmul.f32 v3, v44  }
0xc7: {  	[tilespmem:s0+$0x40] =	vst v5  }
0xc8: {  	[tilespmem:s0+$0x50] =	vst v3  }
0xc9: {  	v3 =	vld [tilespmem:s31+$0x30];
	_ =	sdelay $0x4  }
0xca: {  	v46 =	vshll.u32 v3, $0x10  }
0xcb: {  	v3 =	vand.u32 $0xFFFF0000, v3;
	v5 =	vmul.f32 v46, v44  }
0xcc: {  	v3 =	vmul.f32 v3, v44  }
0xcd: {  	[tilespmem:s0+$0x60] =	vst v5  }
0xce: {  	[tilespmem:s0+$0x70] =	vst v3  }
0xcf: {  	v3 =	vld [tilespmem:s31+$0x40];
	_ =	sdelay $0x3  }
0xd0: {  	v47 =	vbroadcast v2, $0xA  }
0xd1: {  	v48 =	vshll.u32 v3, $0x10  }
0xd2: {  	v3 =	vand.u32 $0xFFFF0000, v3;
	v5 =	vmul.f32 v48, v47  }
0xd3: {  	v3 =	vmul.f32 v3, v47  }
0xd4: {  	[tilespmem:s0+$0x80] =	vst v5  }
0xd5: {  	[tilespmem:s0+$0x90] =	vst v3  }
0xd6: {  	v3 =	vld [tilespmem:s31+$0x50];
	_ =	sdelay $0x4  }
0xd7: {  	v49 =	vshll.u32 v3, $0x10  }
0xd8: {  	v3 =	vand.u32 $0xFFFF0000, v3;
	v5 =	vmul.f32 v49, v47  }
0xd9: {  	v3 =	vmul.f32 v3, v47  }
0xda: {  	[tilespmem:s0+$0xA0] =	vst v5  }
0xdb: {  	[tilespmem:s0+$0xB0] =	vst v3  }
0xdc: {  	v3 =	vld [tilespmem:s31+$0x60];
	_ =	sdelay $0x3  }
0xdd: {  	v50 =	vbroadcast v2, $0xB  }
0xde: {  	v51 =	vshll.u32 v3, $0x10  }
0xdf: {  	v3 =	vand.u32 $0xFFFF0000, v3;
	v5 =	vmul.f32 v51, v50  }
0xe0: {  	v3 =	vmul.f32 v3, v50  }
0xe1: {  	[tilespmem:s0+$0xC0] =	vst v5  }
0xe2: {  	[tilespmem:s0+$0xD0] =	vst v3  }
0xe3: {  	v3 =	vld [tilespmem:s31+$0x70];
	_ =	sdelay $0x4  }
0xe4: {  	v52 =	vshll.u32 v3, $0x10  }
0xe5: {  	v3 =	vand.u32 $0xFFFF0000, v3;
	v5 =	vmul.f32 v52, v50  }
0xe6: {  	v3 =	vmul.f32 v3, v50  }
0xe7: {  	[tilespmem:s0+$0xE0] =	vst v5  }
0xe8: {  	[tilespmem:s0+$0xF0] =	vst v3  }
0xe9: {  	v3 =	vld [tilespmem:s31+$0x80];
	_ =	sdelay $0x3  }
0xea: {  	v53 =	vbroadcast v2, $0xC  }
0xeb: {  	v54 =	vshll.u32 v3, $0x10  }
0xec: {  	v3 =	vand.u32 $0xFFFF0000, v3;
	v5 =	vmul.f32 v54, v53  }
0xed: {  	v3 =	vmul.f32 v3, v53  }
0xee: {  	[tilespmem:s0+$0x100] =	vst v5  }
0xef: {  	[tilespmem:s0+$0x110] =	vst v3  }
0xf0: {  	v3 =	vld [tilespmem:s31+$0x90];
	_ =	sdelay $0x4  }
0xf1: {  	v55 =	vshll.u32 v3, $0x10  }
0xf2: {  	v3 =	vand.u32 $0xFFFF0000, v3;
	v5 =	vmul.f32 v55, v53  }
0xf3: {  	v3 =	vmul.f32 v3, v53  }
0xf4: {  	[tilespmem:s0+$0x120] =	vst v5  }
0xf5: {  	[tilespmem:s0+$0x130] =	vst v3  }
0xf6: {  	v3 =	vld [tilespmem:s31+$0xA0];
	_ =	sdelay $0x3  }
0xf7: {  	v56 =	vbroadcast v2, $0xD  }
0xf8: {  	v57 =	vshll.u32 v3, $0x10  }
0xf9: {  	v3 =	vand.u32 $0xFFFF0000, v3;
	v5 =	vmul.f32 v57, v56  }
0xfa: {  	v3 =	vmul.f32 v3, v56  }
0xfb: {  	[tilespmem:s0+$0x140] =	vst v5  }
0xfc: {  	[tilespmem:s0+$0x150] =	vst v3  }
0xfd: {  	v3 =	vld [tilespmem:s31+$0xB0];
	_ =	sdelay $0x4  }
0xfe: {  	v58 =	vshll.u32 v3, $0x10  }
0xff: {  	v3 =	vand.u32 $0xFFFF0000, v3;
	v5 =	vmul.f32 v58, v56  }
0x100: {  	v3 =	vmul.f32 v3, v56  }
0x101: {  	[tilespmem:s0+$0x160] =	vst v5  }
0x102: {  	[tilespmem:s0+$0x170] =	vst v3  }
0x103: {  	v3 =	vld [tilespmem:s31+$0xC0];
	_ =	sdelay $0x3  }
0x104: {  	v59 =	vbroadcast v2, $0xE  }
0x105: {  	v60 =	vshll.u32 v3, $0x10  }
0x106: {  	v3 =	vand.u32 $0xFFFF0000, v3;
	v5 =	vmul.f32 v60, v59  }
0x107: {  	v3 =	vmul.f32 v3, v59  }
0x108: {  	[tilespmem:s0+$0x180] =	vst v5  }
0x109: {  	[tilespmem:s0+$0x190] =	vst v3  }
0x10a: {  	v3 =	vld [tilespmem:s31+$0xD0];
	_ =	sdelay $0x4  }
0x10b: {  	v61 =	vshll.u32 v3, $0x10  }
0x10c: {  	v3 =	vand.u32 $0xFFFF0000, v3;
	v5 =	vmul.f32 v61, v59  }
0x10d: {  	v3 =	vmul.f32 v3, v59  }
0x10e: {  	[tilespmem:s0+$0x1A0] =	vst v5  }
0x10f: {  	[tilespmem:s0+$0x1B0] =	vst v3  }
0x110: {  	v3 =	vld [tilespmem:s31+$0xE0];
	_ =	sdelay $0x3  }
0x111: {  	v2 =	vbroadcast v2, $0xF  }
0x112: {  	v62 =	vshll.u32 v3, $0x10  }
0x113: {  	v3 =	vand.u32 $0xFFFF0000, v3;
	v4 =	vmul.f32 v62, v2  }
0x114: {  	v3 =	vmul.f32 v3, v2  }
0x115: {  	[tilespmem:s0+$0x1C0] =	vst v4  }
0x116: {  	[tilespmem:s0+$0x1D0] =	vst v3  }
0x117: {  	v3 =	vld [tilespmem:s31+$0xF0];
	_ =	sdelay $0x3  }
0x118: {  	p1 =	sne.s32 s1, $0x100  }
.Ltmp1:
0x119: {  	v63 =	vshll.u32 v3, $0x10;
	(pc) =	sbr.rel @p1 .LBB2_5-.Ltmp1, $4  }
0x11a: {  	v3 =	vand.u32 $0xFFFF0000, v3;
	v4 =	vmul.f32 v63, v2  }
0x11b: {  	v2 =	vmul.f32 v3, v2  }
0x11c: {  	[tilespmem:s0+$0x1E0] =	vst v4  }
0x11d: {  	s1 =	sadd.s32 $0x40, s1;
	s31 =	sadd.s32 $0x200, s31;
	[tilespmem:s0+$0x1F0] =	vst v2;
	s0 =	sadd.s32 $0x400, s0  }
0x11e: {  	s28 =	sadd.s32 $0x1, s28  }
0x11f: {  	s0 =	sshra.s32 s30, $0x2;
	p1 =	sne.s32 s28, $0xFA  }
.Ltmp2:
0x120: {  	s0 =	sadd.s32 $0x4E20, s0;
	(pc) =	sbr.rel @p1 .LBB2_4-.Ltmp2, $4  }
0x121: {  	[spmem:s2] =	stream.indirect.scatter.add.f32 [tilespmem:s25], [sflag:$0x3], $0x40, s0, s23, $0xb8;
	[tilespmem:$0x1D260] =	vst v63  }
0x122: {  	_ =	swait.ge [sflag:s19], $0x1400  }
0x123: {  	[sflag:s19] =	ssyncset.done $0x0  }
0x124: {  	s29 =	sadd.s32 $0x50, s29;
	p0 =	por !p0, !p0;
	[sflag:s19] =	ssyncadd.s32 $0xFFFFEC00  }
0x125: {  	s0 =	stileid.u32  }
0x126: {  	s0 =	sshll.u32 s0, $0x6  }
0x127: {  	[bflag:$0x0] =	sbarrier.arrive $0xFFFF;
	s1 =	sshrl.u32 s7, $0x3;
	s0 =	sor.u32 $0x1C03, s0  }
0x128: {  	[hbm:s13], [sflag:s0] =	dma.local [spmem:s1], $0x400  }
0x129: {  	_ =	swait.ge [sflag:s19], $0x400  }
0x12a: {  	[sflag:s19] =	ssyncset.done $0x0  }
0x12b: {  	s28 =	sshrl.u32 s8, $0x3;
	[sflag:s19] =	ssyncadd.s32 $0xFFFFFC00  }
0x12c: {  	[hbm:s14], [sflag:s0] =	dma.local [spmem:s28], $0x400  }
0x12d: {  	_ =	swait.ge [sflag:s19], $0x400  }
0x12e: {  	[sflag:s19] =	ssyncset.done $0x0  }
0x12f: {  	s29 =	sshrl.u32 s9, $0x3;
	[sflag:s19] =	ssyncadd.s32 $0xFFFFFC00  }
0x130: {  	[hbm:s15], [sflag:s0] =	dma.local [spmem:s29], $0x400  }
0x131: {  	_ =	swait.ge [sflag:s19], $0x400  }
0x132: {  	[sflag:s19] =	ssyncset.done $0x0  }
0x133: {  	s30 =	sshrl.u32 s10, $0x3;
	[sflag:s19] =	ssyncadd.s32 $0xFFFFFC00  }
0x134: {  	[hbm:s16], [sflag:s0] =	dma.local [spmem:s30], $0x400  }
0x135: {  	s26 =	sadd.s32 $0x1, s26;
	_ =	swait.ge [sflag:s19], $0x400  }
0x136: {  	p0 =	sne.s32 s26, s18;
	[sflag:s19] =	ssyncset.done $0x0  }
.Ltmp3:
0x137: {  	s31 =	sshrl.u32 s11, $0x3;
	[sflag:s19] =	ssyncadd.s32 $0xFFFFFC00;
	(pc) =	sbr.rel @p0 .LBB2_1-.Ltmp3, $4  }
0x138: {  	[hbm:s17], [sflag:s0] =	dma.local [spmem:s31], $0x400  }
0x139: {  	_ =	swait.ge [sflag:s19], $0x400  }
0x13a: {  	[sflag:s19] =	ssyncset.done $0x0  }
0x13b: {  	[sflag:s19] =	ssyncadd.s32 $0xFFFFFC00  }
0x13c: {  	_ =	sfence.sel $0x180000  }
0x13d: {  	[bflag:$0x0] =	sbarrier.arrive $0xFFFF  }
0x13e: {  	_ =	strace $0x9000004D  }
0x13f: {  	s0 =	stileid.u32;
	[bflag:$0x2] =	sbarrier.arrive $0xFFFF  }
0x140: {  	p0 =	sne.s32 s0, $0x0;
	s0 =	rddreg [dreg:$0x3]  }
0x141: {  	s0 =	sadd.s32 @!p0 $0x100000, s0  }
0x142: {  	[sflag:s0] =	ssyncadd.tile.s32 @!p0 $0x1;
	_ =	shalt  }
.Lfunc_end2:
_tile_overlayer_lowered:
.L_overlay_start_2:
0x143: {  	(tag) =	ssettag $0x2  }
0x144: {  	s0 =	rddreg [dreg:$0x0];
	s2 =	stileid.u32  }
0x145: {  	s1 =	rddreg [dreg:$0x1];
	p0 =	sne.s32 s2, $0x0  }
0x146: {  	s3 =	rddreg [dreg:$0x2];
	[bflag:$0x3] =	sbarrier.arrive $0xFFFF;
	s2 =	simm.s32 @!p0 $0x1C03  }
0x147: {  	[timem:s3], [sflag:s2] =	dma.local @!p0 [hbm:s0], s1  }
0x148: {  	s0 =	simm.s32 @!p0 $0x3  }
0x149: {  	_ =	swait.ge @!p0 [sflag:s0], s1  }
0x14a: {  	s1 =	ssub.s32 @!p0 $0x0, s1;
	[sflag:s0] =	ssyncset.done @!p0 $0x0  }
0x14b: {  	[sflag:s0] =	ssyncadd.s32 @!p0 s1  }
0x14c: {  	[bflag:$0x3] =	sbarrier.arrive $0xFFFF  }
0x14d: {  	_ =	shalt  }

// kernel: kernel.8.cloned.1.call-start
scs
__scs_entry_jumppad:
0x0: {  	(pc) =	sbr.rel $0x88, $3  }
0x1: {  	(tag) =	ssettag $0x0;
	lr =	simm.s32 $0x1  }
0x2: {  	[smem:$0x3F9C] =	sst lr;
	_ =	strace $0xD0000000  }
0x3: {  	_ = 	snop  }
0x4: {  	_ = 	snop  }
0x5: {  	_ = 	snop  }
0x6: {  	_ = 	snop  }
0x7: {  	_ = 	snop  }
__scs_overlays_trampoline_lowered:
0x8: {  	[smem:$0x3FAB] =	sst s0  }
0x9: {  	[smem:$0x3FAC] =	sst s1  }
0xa: {  	[smem:$0x3FAD] =	sst s2  }
0xb: {  	[smem:$0x3FAE] =	sst s3  }
0xc: {  	[smem:$0x3FAF] =	sst s4  }
0xd: {  	[smem:$0x3FB0] =	sst s5  }
0xe: {  	[smem:$0x3FB1] =	sst s6  }
0xf: {  	[smem:$0x3FB2] =	sst s7  }
0x10: {  	[smem:$0x3FB3] =	sst s8  }
0x11: {  	[smem:$0x3FB4] =	sst s9;
	s0 =	simm.s32 @!p0 $0x0  }
0x12: {  	s1 =	sld [smem:$0x3F9A];
	s0 =	simm.s32 @p0 $0x1  }
0x13: {  	[smem:$0x3FB5] =	sst s0;
	s0 =	simm.s32 @!p1 $0x0  }
0x14: {  	s2 =	sld [smem:$0x3F99];
	s0 =	simm.s32 @p1 $0x1  }
0x15: {  	[smem:$0x3FB6] =	sst s0;
	s0 =	simm.s32 @!p2 $0x0  }
0x16: {  	s3 =	sld [smem:$0x3FDB];
	s0 =	simm.s32 @p2 $0x1  }
0x17: {  	s4 =	simm.s32 $0x1BF5;
	[smem:$0x3FB8] =	sst s0  }
0x18: {  	s0 =	sld [smem:$0x3F9B];
	_ =	swait.ge [sflag:s4], $0x0  }
0x19: {  	s7 =	sld [smem:$0x3F9C]  }
0x1a: {  	s8 =	sadd.s32 $0xFFFFE003, lr  }
0x1b: {  	s9 =	sadd.s32 $0xFFFFFEF7, lr;
	s5 =	simm.s32 $0xFFFFFFFF;
	p2 =	slt.u32 s8, $0xFFFFF086  }
0x1c: {  	p1 =	slt.u32 s9, $0xF7A;
	s5 =	simm.s32 @!p2 $0x0  }
0x1d: {  	s5 =	simm.s32 @p1 $0x1;
	p0 =	seq.s32 s7, s2  }
0x1e: {  	s7 =	smul.u32 @!p0 $0xF7A, s2;
	p2 =	seq.s32 @!p0 s5, $0x0  }
0x1f: {  	s9 =	smul.u32 $0xF7A, s1;
	s8 =	simm.s32 @!p0 $0x1BF5;
	p2 =	por !p2, p0  }
0x20: {  	[sflag:s8] =	ssyncset.s32 @!p0 $0xFFFFF086;
	s6 =	sadd.s32 @!p0 s3, s7;
	s7 =	simm.s32 @!p0 $0x108  }
0x21: {  	s3 =	sadd.s32 s3, s9;
	s6 =	sadd.s32 @!p0 $0x88, s6;
	s7 =	simm.s32 @p2 $0x1082  }
0x22: {  	[simem:s7], [sflag:s8] =	dma.local @!p0 [hbm:s6], $0xF7A  }
0x23: {  	s9 =	sor.u32 $0xD0000000, s2;
	s6 =	simm.s32 $0x108;
	_ =	swait.ge @!p0 [sflag:s8], $0x0  }
0x24: {  	s3 =	sadd.s32 $0x88, s3;
	s6 =	simm.s32 @!p1 $0x1082;
	[sflag:s4] =	ssyncset.s32 $0xFFFFF086  }
0x25: {  	[simem:s6], [sflag:s4] =	dma.local [hbm:s3], $0xF7A  }
0x26: {  	[smem:$0x3F9C] =	sst s1;
	(tag) =	ssettag s2;
	_ =	strace s9  }
0x27: {  	s1 =	sld [smem:$0x3FAC]  }
0x28: {  	s2 =	sld [smem:$0x3FAD]  }
0x29: {  	s4 =	sld [smem:$0x3FAF]  }
0x2a: {  	p0 =	seq.s32 s5, $0x0;
	s5 =	sld [smem:$0x3FB0]  }
0x2b: {  	s6 =	sld [smem:$0x3FB1]  }
0x2c: {  	s7 =	sld [smem:$0x3FB2]  }
0x2d: {  	s3 =	simm.s32 $0x108;
	s8 =	sld [smem:$0x3FB3]  }
0x2e: {  	s3 =	simm.s32 @!p0 $0x1082;
	s9 =	sld [smem:$0x3FB4]  }
0x2f: {  	lr =	sadd.s32 s0, s3;
	s0 =	sld [smem:$0x3FAB]  }
0x30: {  	s3 =	sld [smem:$0x3FAE]  }
0x31: {  	[smem:$0x3FB7] =	sst s10  }
0x32: {  	s10 =	sld [smem:$0x3FB5];
	_ =	sdelay $0x3  }
0x33: {  	p0 =	seq.s32 s10, $0x1;
	s10 =	sld [smem:$0x3FB7];
	_ =	sdelay $0x3  }
0x34: {  	[smem:$0x3FB7] =	sst s10  }
0x35: {  	s10 =	sld [smem:$0x3FB6];
	_ =	sdelay $0x3  }
0x36: {  	p1 =	seq.s32 s10, $0x1;
	s10 =	sld [smem:$0x3FB7];
	_ =	sdelay $0x3  }
0x37: {  	[smem:$0x3FB7] =	sst s10  }
0x38: {  	s10 =	sld [smem:$0x3FB8]  }
0x39: {  	_ = 	snop;
	(pc) =	sbr.ind lr, $3  }
0x3a: {  	_ = 	snop  }
0x3b: {  	_ = 	snop  }
0x3c: {  	p2 =	seq.s32 s10, $0x1;
	s10 =	sld [smem:$0x3FB7]  }
0x3d: {  	_ =	shalt  }
0x3e: {  	_ =	shalt  }
0x3f: {  	_ =	shalt  }
0x40: {  	_ =	shalt  }
0x41: {  	_ =	shalt  }
0x42: {  	_ =	shalt  }
0x43: {  	_ =	shalt  }
0x44: {  	_ =	shalt  }
0x45: {  	_ =	shalt  }
0x46: {  	_ =	shalt  }
0x47: {  	_ =	shalt  }
0x48: {  	_ =	shalt  }
0x49: {  	_ =	shalt  }
0x4a: {  	_ =	shalt  }
0x4b: {  	_ =	shalt  }
0x4c: {  	_ =	shalt  }
0x4d: {  	_ =	shalt  }
0x4e: {  	_ =	shalt  }
0x4f: {  	_ =	shalt  }
0x50: {  	_ =	shalt  }
0x51: {  	_ =	shalt  }
0x52: {  	_ =	shalt  }
0x53: {  	_ =	shalt  }
0x54: {  	_ =	shalt  }
0x55: {  	_ =	shalt  }
0x56: {  	_ =	shalt  }
0x57: {  	_ =	shalt  }
0x58: {  	_ =	shalt  }
0x59: {  	_ =	shalt  }
0x5a: {  	_ =	shalt  }
0x5b: {  	_ =	shalt  }
0x5c: {  	_ =	shalt  }
0x5d: {  	_ =	shalt  }
0x5e: {  	_ =	shalt  }
0x5f: {  	_ =	shalt  }
0x60: {  	_ =	shalt  }
0x61: {  	_ =	shalt  }
0x62: {  	_ =	shalt  }
0x63: {  	_ =	shalt  }
0x64: {  	_ =	shalt  }
0x65: {  	_ =	shalt  }
0x66: {  	_ =	shalt  }
0x67: {  	_ =	shalt  }
0x68: {  	_ =	shalt  }
0x69: {  	_ =	shalt  }
0x6a: {  	_ =	shalt  }
0x6b: {  	_ =	shalt  }
0x6c: {  	_ =	shalt  }
0x6d: {  	_ =	shalt  }
0x6e: {  	_ =	shalt  }
0x6f: {  	_ =	shalt  }
0x70: {  	_ =	shalt  }
0x71: {  	_ =	shalt  }
0x72: {  	_ =	shalt  }
0x73: {  	_ =	shalt  }
0x74: {  	_ =	shalt  }
0x75: {  	_ =	shalt  }
0x76: {  	_ =	shalt  }
0x77: {  	_ =	shalt  }
0x78: {  	_ =	shalt  }
0x79: {  	_ =	shalt  }
0x7a: {  	_ =	shalt  }
0x7b: {  	_ =	shalt  }
0x7c: {  	_ =	shalt  }
0x7d: {  	_ =	shalt  }
0x7e: {  	_ =	shalt  }
0x7f: {  	_ =	shalt  }
0x80: {  	_ =	shalt  }
0x81: {  	_ =	shalt  }
0x82: {  	_ =	shalt  }
0x83: {  	_ =	shalt  }
0x84: {  	_ =	shalt  }
0x85: {  	_ =	shalt  }
0x86: {  	_ =	shalt  }
0x87: {  	_ =	shalt  }
.Lfunc_end0:
.L_simem_size_0:
called_computation_lowered:
.L_overlay_start_0:
0x88: {  	s2 =	sld [smem:$0x3FD9]  }
0x89: {  	s3 =	sld [smem:$0x3FFE];
	_ =	sdelay $0x1  }
0x8a: {  	s1 =	srdreg.scid  }
0x8b: {  	s0 =	sand.u32 $0x1, s1  }
0x8c: {  	s16 =	sshll.u32 s0, $0xA;
	s2 =	sadd.s32 s3, s2  }
0x8d: {  	s2 =	sadd.s32 s2, s16  }
0x8e: {  	[smem:$0x3FC3] =	sst s2  }
0x8f: {  	_ = 	snop  }
0x90: {  	(tm) =	ssettm $0x1  }
0x91: {  	s17 =	sld [smem:$0x3FFB];
	_ =	sdelay $0x3  }
0x92: {  	_ =	strace s17  }
0x93: {  	s2 =	sld [smem:$0x3FFC];
	_ =	sdelay $0x3  }
0x94: {  	_ =	strace s2  }
0x95: {  	s2 =	sld [smem:$0x3FFD];
	_ =	sdelay $0x3  }
0x96: {  	_ =	strace s2  }
0x97: {  	_ =	strace $0x8FFFFFFF  }
0x98: {  	s18 =	sld [smem:$0x3FDB];
	_ =	sdelay $0x1  }
0x99: {  	s19 =	simm.s32 $_scs_section_size  }
0x9a: {  	s4 =	simm.s32 $_size__tile_overlayer_lowered;
	s5 =	simm.s32 $_tile_overlayer_lowered  }
0x9b: {  	s22 =	simm.s32 $0x1BFF;
	s21 =	sshll.u32 s5, $0x1;
	s2 =	sadd.s32 s19, s18  }
0x9c: {  	s6 =	simm.s32 $0x0;
	s20 =	sshll.u32 s4, $0x1;
	s4 =	sadd.s32 s21, s2  }
0x9d: {  	[timem:s6], [sflag:s22] =	dma.local [hbm:s4], s20  }
0x9e: {  	_ =	swait.ge [sflag:s22], s20  }
0x9f: {  	s3 =	ssub.s32 $0x0, s20;
	[sflag:s22] =	ssyncset.done $0x0  }
0xa0: {  	[sflag:s22] =	ssyncadd.s32 s3;
	_ =	sdelay $0x1  }
0xa1: {  	s23 =	simm.s32 $0x1B8B  }
0xa2: {  	_ =	swait.ge [sflag:s23], $0x1  }
0xa3: {  	[sflag:s23] =	ssyncset.done $0x0  }
0xa4: {  	s25 =	simm.s32 $0x1B8E;
	s24 =	sld [smem:$0x3FFE];
	[sflag:s23] =	ssyncadd.s32 $0xFFFFFFFF  }
0xa5: {  	s26 =	simm.s32 $execute0_lowered;
	[smem:$0x3FD2] =	sst s25  }
0xa6: {  	s4 =	sshll.u32 s26, $0x1;
	_ =	strace $0x80000046;
	[dreg:$0x1] =	wrdreg $0xFFFFFFFF  }
0xa7: {  	s28 =	simm.s32 $_size_execute0_lowered;
	s2 =	sadd.s32 s2, s4;
	[dreg:$0x0] =	wrdreg $0x0  }
0xa8: {  	s4 =	sshll.u32 s28, $0x1;
	[dreg:$0x2] =	wrdreg s2  }
0xa9: {  	[dreg:$0x3] =	wrdreg s4  }
0xaa: {  	[dreg:$0x4] =	wrdreg $0xC0  }
0xab: {  	_ =	task [dreg:s6], $0x5FFFF  }
0xac: {  	[dreg:$0x1] =	wrdreg $0xFFFFFFFF  }
0xad: {  	[dreg:$0x0] =	wrdreg $0x60  }
0xae: {  	[dreg:$0x2] =	wrdreg s24  }
0xaf: {  	[dreg:$0x3] =	wrdreg $0x9  }
0xb0: {  	_ =	task.clear_ibuf [dreg:s6], $0x4FFFF;
	_ =	strace $0x90000046  }
0xb1: {  	s29 =	simm.s32 $0x9;
	_ =	strace $0x80000048  }
0xb2: {  	_ =	swait.ge [sflag:s29], $0x1  }
0xb3: {  	[sflag:s29] =	ssyncadd.s32 $0xFFFFFFFF  }
0xb4: {  	_ =	strace $0x90000048  }
0xb5: {  	_ =	sfence  }
0xb6: {  	s30 =	sld [smem:$0x0];
	_ =	sdelay $0x2  }
0xb7: {  	s31 =	sshll.u32 s1, $0xD;
	s1 =	sshrl.u32 s1, $0x2  }
0xb8: {  	s3 =	sand.u32 $0x4000, s31;
	s1 =	sadd.s32 s1, s30  }
0xb9: {  	s0 =	sor.u32 s3, s0;
	s1 =	sshll.u32 s1, $0x11  }
0xba: {  	s0 =	sor.u32 s1, s0  }
0xbb: {  	s0 =	sadd.s32 $0x8F2B, s0  }
0xbc: {  	[sflag:s0] =	ssyncadd.remote.s32 $0x1  }
0xbd: {  	_ =	sfence.sel $0xFFFF  }
0xbe: {  	[dreg:$0x0] =	wrdreg $0xFFFFFFFF;
	(pc) =	sbr.abs _section_cstart, $3  }
0xbf: {  	[dreg:$0x1] =	wrdreg $0xFFFFFFFF  }
0xc0: {  	_ =	task.clear_ibuf [dreg:s6], $0x2FFFF;
	_ =	strace $0x9FFFFFFF  }
0xc1: {  	(tm) =	ssettm $0x7FFFFFFF  }
tec
execute0_lowered:
.L_overlay_start_1:
0x0: {  	(tag) =	ssettag $0x1  }
0x1: {  	s0 =	srdreg.scid  }
0x2: {  	s4 =	rddreg [dreg:$0x0];
	s2 =	simm.s32 $0x0;
	s8 =	simm.s32 $0x1  }
0x3: {  	s9 =	simm.s32 $0x2780;
	s10 =	simm.s32 $0x4F00;
	s3 =	sand.u32 $0x1, s0  }
0x4: {  	s11 =	simm.s32 $0x7700;
	s0 =	stileid.u32;
	s1 =	sshll.u32 s3, $0x4  }
0x5: {  	s12 =	simm.s32 $0x80;
	s13 =	simm.s32 $0x400;
	s5 =	sor.u32 s0, s1  }
0x6: {  	s14 =	simm.s32 $0x0;
	[smem:$0x7FF] =	sst s2;
	s6 =	sshrl.u32 s5, $0x3  }
0x7: {  	s7 =	sshll.u32 s0, $0x7;
	s3 =	ssub.s32 $0x2, s3;
	s6 =	smul.u32 $0x14000, s6  }
0x8: {  	s1 =	rddreg [dreg:$0x1];
	s7 =	sand.u32 $0x380, s7;
	s5 =	smul.u32 $0x4E2, s5  }
0x9: {  	_ =	strace $0x80000047;
	s31 =	sshrl.u32 s3, $0x1;
	s6 =	sor.u32 s7, s6  }
0xa: {  	s5 =	sadd.s32 s5, s4;
	s7 =	ssub.s32 s3, s31;
	s6 =	sshrl.u32 s6, $0x3  }
0xb: {  	s3 =	sadd.s32 $0xAA00, s5;
	s7 =	smax.u32 s7, $0x1;
	s6 =	sadd.s32 s6, s4  }
0xc: {  	v0 =	vimm.f32 $0.0e+00;
	s4 =	sadd.s32 $0xC00, s5;
	s5 =	sadd.s32 $0x14800, s6;
	s6 =	sadd.s32 $0x1E800, s6  }
.LBB2_1:
0xd: {  	[tilespmem:s2], [sflag:$0x1] =	stream.linear.gather [hbm4b:s3+s2], $0x2710, $0x38;
	[tilespmem:$0x9F00] =	vst v63  }
0xe: {  	_ =	swait.ge [sflag:s8], $0x2710  }
0xf: {  	[sflag:s8] =	ssyncset.done $0x0  }
0x10: {  	[sflag:s8] =	ssyncadd.s32 $0xFFFFD8F0  }
0x11: {  	[tilespmem:s9], [sflag:$0x1] =	stream.linear.gather [hbm4b:s4+s2], $0x2710, $0x38;
	[tilespmem:$0x9F00] =	vst v63  }
0x12: {  	_ =	swait.ge [sflag:s8], $0x2710  }
0x13: {  	[sflag:s8] =	ssyncset.done $0x0  }
0x14: {  	s15 =	simm.s32 $0x0;
	[sflag:s8] =	ssyncadd.s32 $0xFFFFD8F0  }
.LBB2_2:
0x15: {  	p0 =	sne.s32 s15, $0x9FC0  }
.Ltmp0:
0x16: {  	_ = 	snop;
	(pc) =	sbr.rel @p0 .LBB2_2-.Ltmp0, $4  }
0x17: {  	_ = 	snop  }
0x18: {  	s16 =	sshra.s32 s15, $0x2  }
0x19: {  	[tilespmem:s16+$0x4F00] =	vst v0  }
0x1a: {  	s15 =	sadd.s32 $0x40, s15;
	[tilespmem:s16+$0x7700] =	vst v0  }
0x1b: {  	s16 =	simm.s32 $0x0;
	s15 =	simm.s32 $0x40  }
.LBB2_4:
0x1c: {  	p0 =	sne.s32 s15, $0x9C00;
	v1 =	vld [tilespmem:s16+$0x0];
	_ =	sdelay $0x4  }
0x1d: {  	(xrf1) =	vunique.msk.u32 $0xffff, v1;
	_ =	sdelay $0xd  }
0x1e: {  	_, v2, vm0 =	vpop (xrf1);
	_ =	sdelay $0x3  }
0x1f: {  	v2 =	vcvt.s32.f32 v2;
	_ =	sdelay $0x1  }
0x20: {  	[tilespmem:v1+s10+$0x0] =	vst.idx.add.f32.msk vm0, v2  }
0x21: {  	v1 =	vld [tilespmem:s16+$0x2780];
	_ =	sdelay $0x4  }
0x22: {  	(xrf1) =	vunique.msk.u32 $0xffff, v1;
	_ =	sdelay $0xd  }
0x23: {  	_, v2, vm0 =	vpop (xrf1);
	_ =	sdelay $0x1  }
.Ltmp1:
0x24: {  	(pc) =	sbr.rel @p0 .LBB2_4-.Ltmp1, $3  }
0x25: {  	_ = 	snop  }
0x26: {  	v2 =	vcvt.s32.f32 v2;
	_ =	sdelay $0x1  }
0x27: {  	s16 =	sshra.s32 s15, $0x2;
	s15 =	sadd.s32 $0x40, s15;
	[tilespmem:v1+s11+$0x0] =	vst.idx.add.f32.msk vm0, v2  }
0x28: {  	v1 =	vld [tilespmem:s16+$0x0];
	_ =	sdelay $0x4  }
0x29: {  	(xrf1) =	vunique.msk.u32 $0xffff, v1;
	_ =	sdelay $0xd  }
0x2a: {  	_, v2, vm0 =	vpop (xrf1);
	_ =	sdelay $0x3  }
0x2b: {  	v2 =	vcvt.s32.f32 v2;
	_ =	sdelay $0x1  }
0x2c: {  	[tilespmem:v1+s10+$0x0] =	vst.idx.add.f32.msk vm0, v2  }
0x2d: {  	v1 =	vld [tilespmem:s16+$0x2780];
	_ =	sdelay $0x4  }
0x2e: {  	(xrf1) =	vunique.msk.u32 $0xffff, v1;
	_ =	sdelay $0xd  }
0x2f: {  	_, v2, vm0 =	vpop (xrf1);
	_ =	sdelay $0x3  }
0x30: {  	v2 =	vcvt.s32.f32 v2;
	_ =	sdelay $0x1  }
0x31: {  	[tilespmem:v1+s11+$0x0] =	vst.idx.add.f32.msk vm0, v2  }
0x32: {  	[hbm4b:s5+s12] =	stream.strided.scatter [tilespmem:s10], [sflag:$0x1], $0x2800, s13, s12, $0x38;
	[tilespmem:$0x9F00] =	vst v63  }
0x33: {  	s14 =	sadd.s32 $0x1, s14;
	_ =	swait.ge [sflag:s8], $0x2800  }
0x34: {  	p0 =	sne.s32 s14, s7;
	[sflag:s8] =	ssyncset.done $0x0  }
.Ltmp2:
0x35: {  	[sflag:s8] =	ssyncadd.s32 $0xFFFFD800;
	(pc) =	sbr.rel @p0 .LBB2_1-.Ltmp2, $4  }
0x36: {  	[hbm4b:s6+s12] =	stream.strided.scatter [tilespmem:s11], [sflag:$0x1], $0x2800, s13, s12, $0x38;
	[tilespmem:$0x9F00] =	vst v63  }
0x37: {  	_ =	swait.ge [sflag:s8], $0x2800  }
0x38: {  	[sflag:s8] =	ssyncset.done $0x0  }
0x39: {  	[sflag:s8] =	ssyncadd.s32 $0xFFFFD800  }
0x3a: {  	_ =	sfence.sel $0x180000  }
0x3b: {  	[bflag:$0x0] =	sbarrier.arrive $0xFFFF  }
0x3c: {  	p0 =	sne.s32 s0, $0x0;
	_ =	strace $0x90000047  }
0x3d: {  	s0 =	sadd.s32 @!p0 $0x100000, s1;
	[bflag:$0x2] =	sbarrier.arrive $0xFFFF  }
0x3e: {  	[sflag:s0] =	ssyncadd.tile.s32 @!p0 $0x1;
	_ =	shalt  }
.Lfunc_end2:
_tile_overlayer_lowered:
.L_overlay_start_2:
0x3f: {  	(tag) =	ssettag $0x2  }
0x40: {  	s0 =	rddreg [dreg:$0x0];
	s2 =	stileid.u32  }
0x41: {  	s1 =	rddreg [dreg:$0x1];
	p0 =	sne.s32 s2, $0x0  }
0x42: {  	s3 =	rddreg [dreg:$0x2];
	[bflag:$0x3] =	sbarrier.arrive $0xFFFF;
	s2 =	simm.s32 @!p0 $0x1C01  }
0x43: {  	[timem:s3], [sflag:s2] =	dma.local @!p0 [hbm:s0], s1  }
0x44: {  	s0 =	simm.s32 @!p0 $0x1  }
0x45: {  	_ =	swait.ge @!p0 [sflag:s0], s1  }
0x46: {  	s1 =	ssub.s32 @!p0 $0x0, s1;
	[sflag:s0] =	ssyncset.done @!p0 $0x0  }
0x47: {  	[sflag:s0] =	ssyncadd.s32 @!p0 s1  }
0x48: {  	[bflag:$0x3] =	sbarrier.arrive $0xFFFF  }
0x49: {  	_ =	shalt  }

</sc_bundles>
